<compile_context>
chip_gen: v7x
topology: tpu7x:2x2x1
jax: 0.10.2.dev20260603
libtpu: 0.0.44.dev20260713+nightly
codegen_flags: <defaults>
</compile_context>

<pallas_src>
import functools

import numpy as np
import jax
import jax.numpy as jnp
from jax import lax
from jax.experimental import pallas as pl
from jax.experimental.pallas import tpu as pltpu
from jax.experimental.pallas import tpu_sc as plsc

_B = 16384
_D = 64
_NBR = 5
_K = _NBR + 1
_NC, _NS, _L = 2, 16, 16
_NW = _NC * _NS
_BPW = _B // _NW
_C = 16
_NCH = _BPW // _C
_DJ = _D // _L
_G = _C * _NBR // _L

def _sc_body(df_t, pos_t, neg_t, it_t,
             g1v_h, g1i_h, g2v_h, g2i_h, w2_h, g3v_h, g3i_h, w3_h, it_h,
             out_h,
             ndf_v, npos_v, nneg_v, tdf_v, tpos_v, tneg_v, tit_v, w2_v, w3_v,
             fdf_v, fpos_v, fneg_v,
             rdf_v, rpos_v, rneg_v, rit_v, obuf_v, wsm_v,
             sem_df, sem_pos, sem_neg, sem_it):
    wid = lax.axis_index("s") * _NC + lax.axis_index("c")
    base0 = pl.multiple_of(wid * _BPW, _BPW)
    sl_w = pl.ds(base0, _BPW)

    for n in range(_NBR):
        sl_src = pl.ds(n * _B + base0, _BPW)
        sl_dst = pl.ds(n * _BPW, _BPW)
        pltpu.sync_copy(g1v_h.at[sl_src], ndf_v.at[sl_dst])
        pltpu.sync_copy(g2v_h.at[sl_src], npos_v.at[sl_dst])
        pltpu.sync_copy(g3v_h.at[sl_src], nneg_v.at[sl_dst])
        pltpu.sync_copy(w2_h.at[sl_src], w2_v.at[sl_dst])
        pltpu.sync_copy(w3_h.at[sl_src], w3_v.at[sl_dst])
    pltpu.sync_copy(g1i_h.at[sl_w], tdf_v)
    pltpu.sync_copy(g2i_h.at[sl_w], tpos_v)
    pltpu.sync_copy(g3i_h.at[sl_w], tneg_v)
    pltpu.sync_copy(it_h.at[sl_w], tit_v)

    def chunk(c, carry):
        base = base0 + c * _C
        sl_c = pl.ds(c * _C, _C)
        for n in range(_NBR):
            src = pl.ds(n * _BPW + c * _C, _L)
            dst = pl.ds(n * _C, _L)
            fdf_v[dst] = ndf_v[src]
            fpos_v[dst] = npos_v[src]
            fneg_v[dst] = nneg_v[src]
        tsl = pl.ds(_NBR * _C, _L)
        fdf_v[tsl] = tdf_v[sl_c]
        fpos_v[tsl] = tpos_v[sl_c]
        fneg_v[tsl] = tneg_v[sl_c]
        cp_df = pltpu.async_copy(df_t.at[fdf_v], rdf_v, sem_df)
        cp_pos = pltpu.async_copy(pos_t.at[fpos_v], rpos_v, sem_pos)
        cp_neg = pltpu.async_copy(neg_t.at[fneg_v], rneg_v, sem_neg)
        cp_it = pltpu.async_copy(it_t.at[tit_v.at[sl_c]], rit_v, sem_it)
        cp_df.wait()
        cp_pos.wait()
        cp_neg.wait()
        cp_it.wait()

        wv2 = [w2_v[pl.ds(n * _BPW + c * _C, _L)] for n in range(_NBR)]
        wv3 = [w3_v[pl.ds(n * _BPW + c * _C, _L)] for n in range(_NBR)]
        for b in range(_C):
            for n in range(_NBR):
                wsm_v[b * 2 * _NBR + n] = wv2[n][b]
                wsm_v[b * 2 * _NBR + _NBR + n] = wv3[n][b]

        def row(b, carry2):
            wbase = b * 2 * _NBR
            for j in range(_DJ):
                sl = pl.ds(j * _L, _L)
                e = rdf_v[b, sl]
                s = e
                q = e * e
                for n in range(1, _NBR):
                    e = rdf_v[n * _C + b, sl]
                    s = s + e
                    q = q + e * e
                obuf_v[b, sl] = s * s - q + rdf_v[_NBR * _C + b, sl]
                accp = rpos_v[_NBR * _C + b, sl]
                accn = rneg_v[_NBR * _C + b, sl]
                for n in range(_NBR):
                    accp = accp + wsm_v[wbase + n] * rpos_v[n * _C + b, sl]
                    accn = accn + wsm_v[wbase + _NBR + n] * rneg_v[n * _C + b, sl]
                obuf_v[b, pl.ds(_D + j * _L, _L)] = accp
                obuf_v[b, pl.ds(2 * _D + j * _L, _L)] = accn
                obuf_v[b, pl.ds(3 * _D + j * _L, _L)] = rit_v[b, sl]
            return carry2

        lax.fori_loop(0, _C, row, 0, unroll=2)
        pltpu.sync_copy(obuf_v, out_h.at[pl.ds(base, _C)])
        return carry

    lax.fori_loop(0, _NCH, chunk, 0)


_sc_gather = functools.partial(
    pl.kernel,
    out_type=jax.ShapeDtypeStruct((_B, 4 * _D), jnp.float32),
    mesh=plsc.VectorSubcoreMesh(core_axis_name="c", subcore_axis_name="s",
                                num_cores=_NC, num_subcores=_NS),
    compiler_params=pltpu.CompilerParams(use_tc_tiling_on_sc=False),
    scratch_types=[
        pltpu.VMEM((_BPW * _NBR,), jnp.int32),
        pltpu.VMEM((_BPW * _NBR,), jnp.int32),
        pltpu.VMEM((_BPW * _NBR,), jnp.int32),
        pltpu.VMEM((_BPW,), jnp.int32),
        pltpu.VMEM((_BPW,), jnp.int32),
        pltpu.VMEM((_BPW,), jnp.int32),
        pltpu.VMEM((_BPW,), jnp.int32),
        pltpu.VMEM((_BPW * _NBR,), jnp.float32),
        pltpu.VMEM((_BPW * _NBR,), jnp.float32),
        pltpu.VMEM((_C * _K,), jnp.int32),
        pltpu.VMEM((_C * _K,), jnp.int32),
        pltpu.VMEM((_C * _K,), jnp.int32),
        pltpu.VMEM((_C * _K, _D), jnp.float32),
        pltpu.VMEM((_C * _K, _D), jnp.float32),
        pltpu.VMEM((_C * _K, _D), jnp.float32),
        pltpu.VMEM((_C, _D), jnp.float32),
        pltpu.VMEM((_C, 4 * _D), jnp.float32),
        pltpu.SMEM((_C * 2 * _NBR,), jnp.float32),
        pltpu.SemaphoreType.DMA,
        pltpu.SemaphoreType.DMA,
        pltpu.SemaphoreType.DMA,
        pltpu.SemaphoreType.DMA,
    ],
)(_sc_body)


def _mlp_body(x_ref, wq, bq, wk1, bk1, wv1, bv1, wk2, bk2, wv2, bv2,
              wf1, bf1, wf2r, bf2, wf3, bf3, wf4r, bf4,
              wfc1, bfc1, wfc2, bfc2, wfc3r, bfc3, out_ref):
    dot = lambda a, w: lax.dot_general(a.astype(jnp.bfloat16), w,
                                       (((1,), (0,)), ((), ())),
                                       preferred_element_type=jnp.float32)
    x = x_ref[:]
    udf = x[:, 0:_D]
    upos = x[:, _D:2 * _D]
    uneg = x[:, 2 * _D:3 * _D]
    uit = x[:, 3 * _D:4 * _D]
    q = dot(udf, wq[:]) + bq[:]
    k1 = dot(upos, wk1[:]) + bk1[:]
    v1 = dot(upos, wv1[:]) + bv1[:]
    k2 = dot(uneg, wk2[:]) + bk2[:]
    v2 = dot(uneg, wv2[:]) + bv2[:]
    h1 = jnp.maximum(dot(k1 * q, wf1[:]) + bf1[:], 0.0)
    s1 = jax.nn.sigmoid(jnp.sum(h1 * wf2r[:], axis=1, keepdims=True) + bf2[:])
    h2 = jnp.maximum(dot(k2 * q, wf3[:]) + bf3[:], 0.0)
    s2 = jax.nn.sigmoid(jnp.sum(h2 * wf4r[:], axis=1, keepdims=True) + bf4[:])
    users = s1 * v1 + s2 * v2
    a = jnp.maximum(dot(users, wfc1[0:_D, :]) + dot(uit, wfc1[_D:2 * _D, :])
                    + bfc1[:], 0.0)
    a = jnp.maximum(dot(a, wfc2[:]) + bfc2[:], 0.0)
    o = jnp.sum(a * wfc3r[:], axis=1) + bfc3[0, 0]
    out_ref[:] = jax.nn.sigmoid(o)


_BM = 512


def _mlp(x, weights):
    n_blocks = _B // _BM
    full = lambda shp: pl.BlockSpec(shp, lambda i: (0,) * len(shp))
    in_specs = [pl.BlockSpec((_BM, 4 * _D), lambda i: (i, 0))]
    in_specs += [full(w.shape) for w in weights]
    return pl.pallas_call(
        _mlp_body,
        grid=(n_blocks,),
        in_specs=in_specs,
        out_specs=pl.BlockSpec((_BM,), lambda i: (i,)),
        out_shape=jax.ShapeDtypeStruct((_B,), jnp.float32),
    )(x, *weights)


def kernel(u, i, adj_G1_index, adj_G1_values, adj_G2_index, adj_G2_values,
           weights_G2, adj_G3_index, adj_G3_values, weights_G3, params):
    p = params
    i32 = jnp.int32
    f32 = jnp.float32
    bf = jnp.bfloat16

    fl = lambda a, t: a.T.astype(t).reshape(-1)
    x = _sc_gather(p["users_df"], p["users_pos"], p["users_neg"], p["items"],
                   fl(adj_G1_values, i32), adj_G1_index.astype(i32),
                   fl(adj_G2_values, i32), adj_G2_index.astype(i32),
                   fl(weights_G2, f32),
                   fl(adj_G3_values, i32), adj_G3_index.astype(i32),
                   fl(weights_G3, f32), i.astype(i32))

    r2 = lambda b: b.reshape(1, -1)
    wb = lambda m: m.astype(bf)
    weights = [
        wb(p["query_W"]), r2(p["query_b"]),
        wb(p["key1_W"]), r2(p["key1_b"]), wb(p["value1_W"]), r2(p["value1_b"]),
        wb(p["key2_W"]), r2(p["key2_b"]), wb(p["value2_W"]), r2(p["value2_b"]),
        wb(p["f1_W"]), r2(p["f1_b"]), p["f2_W"].reshape(1, -1), r2(p["f2_b"]),
        wb(p["f3_W"]), r2(p["f3_b"]), p["f4_W"].reshape(1, -1), r2(p["f4_b"]),
        wb(p["fc1_W"]), r2(p["fc1_b"]), wb(p["fc2_W"]), r2(p["fc2_b"]),
        p["fc3_W"].reshape(1, -1), r2(p["fc3_b"]),
    ]
    return _mlp(x, weights)

# --- scband reference (transcript-rebuilt; emitter-appended) ---
"""Pipeline reference for scband-gafm-14937896255494 (READ-ONLY COPY).

The authoritative reference and input builder live on the scoring server;
editing this copy changes nothing except your own understanding.
"""

import jax, jax.numpy as jnp
import numpy as np

B = 16384
DIM = 64
N_ENT = 200000
N_USERS = 100000
N_ITEMS = 100000
NBR = 5


def _lin_init(k, din, dout):
    k1, k2 = jax.random.split(k)
    W = jax.random.normal(k1, (din, dout), jnp.float32) * 0.05
    b = jax.random.normal(k2, (dout,), jnp.float32) * 0.05
    return W, b


def setup_inputs(seed: int = 0) -> dict:
    key = jax.random.key(seed)
    ks = jax.random.split(key, 32)
    inp = {}
    inp["u"] = jax.random.randint(ks[0], (B,), 0, N_USERS)
    inp["i"] = jax.random.randint(ks[1], (B,), 0, N_ITEMS)
    inp["adj_G1_index"] = jax.random.randint(ks[2], (B,), 0, N_ENT)
    inp["adj_G1_values"] = jax.random.randint(ks[3], (B, NBR), 0, N_ENT)
    inp["adj_G2_index"] = jax.random.randint(ks[4], (B,), 0, N_USERS)
    inp["adj_G2_values"] = jax.random.randint(ks[5], (B, NBR), 0, N_USERS)
    inp["weights_G2"] = jax.random.uniform(ks[6], (B, NBR), jnp.float32)
    inp["adj_G3_index"] = jax.random.randint(ks[7], (B,), 0, N_USERS)
    inp["adj_G3_values"] = jax.random.randint(ks[8], (B, NBR), 0, N_USERS)
    inp["weights_G3"] = jax.random.uniform(ks[9], (B, NBR), jnp.float32)
    params = {}
    params["items"] = jax.random.normal(ks[10], (N_ITEMS, DIM), jnp.float32) * 0.05
    params["users_df"] = jax.random.normal(ks[11], (N_ENT, DIM), jnp.float32) * 0.05
    params["users_pos"] = jax.random.normal(ks[12], (N_USERS, DIM), jnp.float32) * 0.05
    params["users_neg"] = jax.random.normal(ks[13], (N_USERS, DIM), jnp.float32) * 0.05
    layers = [("query", DIM, DIM), ("key1", DIM, DIM), ("value1", DIM, DIM),
              ("key2", DIM, DIM), ("value2", DIM, DIM), ("f1", DIM, 100),
              ("f2", 100, 1), ("f3", DIM, 100), ("f4", 100, 1),
              ("fc1", 2 * DIM, 1024), ("fc2", 1024, 512), ("fc3", 512, 1)]
    for idx, (name, din, dout) in enumerate(layers):
        W, b = _lin_init(ks[14 + idx], din, dout)
        params[name + "_W"] = W
        params[name + "_b"] = b
    inp["params"] = params
    return inp


def _fm(e):
    # FMaggregator: (sum over neighbors)^2 - sum of squares
    s = jnp.sum(e, axis=1)
    return s * s - jnp.sum(e * e, axis=1)


def _forward(params, weights_G2, weights_G3, u, i, g1i, g1v, g2i, g2v, g3i, g3v):
    lin = lambda x, n: x @ params[n + "_W"] + params[n + "_b"]
    items = params["items"][i]
    # gnnForward (1-hop): FM aggregation of neighbor embeddings + target emb
    users_df = _fm(params["users_df"][g1v]) + params["users_df"][g1i]
    # gnnForwardpositive (1-hop): edge-weighted sum of neighbor embeddings + target
    users_positive = jnp.sum(weights_G2[:, :, None] * params["users_pos"][g2v], axis=1) + params["users_pos"][g2i]
    # gnnForwardnegative (1-hop)
    users_negative = jnp.sum(weights_G3[:, :, None] * params["users_neg"][g3v], axis=1) + params["users_neg"][g3i]
    # attentionPositive_Negative
    Q = lin(users_df, "query")
    k1 = lin(users_positive, "key1")
    v1 = lin(users_positive, "value1")
    k2 = lin(users_negative, "key2")
    v2 = lin(users_negative, "value2")
    s1 = jax.nn.sigmoid(lin(jax.nn.relu(lin(k1 * Q, "f1")), "f2"))
    s2 = jax.nn.sigmoid(lin(jax.nn.relu(lin(k2 * Q, "f3")), "f4"))
    users = s1 * v1 + s2 * v2
    uv = jnp.concatenate([users, items], axis=1)
    uv = jax.nn.relu(lin(uv, "fc1"))
    uv = jax.nn.relu(lin(uv, "fc2"))
    # F.dropout treated as identity (inference / deterministic reference)
    uv = lin(uv, "fc3")
    return jax.nn.sigmoid(jnp.squeeze(uv, axis=1))


def reference(u, i, adj_G1_index, adj_G1_values, adj_G2_index, adj_G2_values, weights_G2, adj_G3_index, adj_G3_values, weights_G3, params):
    return _forward(params, weights_G2, weights_G3, u, i,
                    adj_G1_index, adj_G1_values,
                    adj_G2_index, adj_G2_values,
                    adj_G3_index, adj_G3_values)

if __name__ == "__main__":
    import jax
    _d = setup_inputs()
    print(jax.jit(kernel)(*tuple(_d.values())))

</pallas_src>

<mosaic_0001>
#map = affine_map<(d0, d1) -> (0, 0)>
#map1 = affine_map<(d0, d1) -> (0)>
module attributes {stable_mosaic.version = 14 : i64} {
  func.func @_sc_body(%arg0: i32, %arg1: i32, %arg2: memref<200000x64xf32, #tpu.memory_space<hbm>>, %arg3: memref<100000x64xf32, #tpu.memory_space<hbm>>, %arg4: memref<100000x64xf32, #tpu.memory_space<hbm>>, %arg5: memref<100000x64xf32, #tpu.memory_space<hbm>>, %arg6: memref<81920xi32, #tpu.memory_space<hbm>>, %arg7: memref<16384xi32, #tpu.memory_space<hbm>>, %arg8: memref<81920xi32, #tpu.memory_space<hbm>>, %arg9: memref<16384xi32, #tpu.memory_space<hbm>>, %arg10: memref<81920xf32, #tpu.memory_space<hbm>>, %arg11: memref<81920xi32, #tpu.memory_space<hbm>>, %arg12: memref<16384xi32, #tpu.memory_space<hbm>>, %arg13: memref<81920xf32, #tpu.memory_space<hbm>>, %arg14: memref<16384xi32, #tpu.memory_space<hbm>>, %arg15: memref<16384x256xf32, #tpu.memory_space<hbm>>, %arg16: memref<2560xi32, #tpu.memory_space<vmem>>, %arg17: memref<2560xi32, #tpu.memory_space<vmem>>, %arg18: memref<2560xi32, #tpu.memory_space<vmem>>, %arg19: memref<512xi32, #tpu.memory_space<vmem>>, %arg20: memref<512xi32, #tpu.memory_space<vmem>>, %arg21: memref<512xi32, #tpu.memory_space<vmem>>, %arg22: memref<512xi32, #tpu.memory_space<vmem>>, %arg23: memref<2560xf32, #tpu.memory_space<vmem>>, %arg24: memref<2560xf32, #tpu.memory_space<vmem>>, %arg25: memref<96xi32, #tpu.memory_space<vmem>>, %arg26: memref<96xi32, #tpu.memory_space<vmem>>, %arg27: memref<96xi32, #tpu.memory_space<vmem>>, %arg28: memref<96x64xf32, #tpu.memory_space<vmem>>, %arg29: memref<96x64xf32, #tpu.memory_space<vmem>>, %arg30: memref<96x64xf32, #tpu.memory_space<vmem>>, %arg31: memref<16x64xf32, #tpu.memory_space<vmem>>, %arg32: memref<16x256xf32, #tpu.memory_space<vmem>>, %arg33: memref<160xf32, #tpu.memory_space<smem>>, %arg34: memref<!tpu.dma_semaphore, #tpu.memory_space<semaphore_mem>>, %arg35: memref<!tpu.dma_semaphore, #tpu.memory_space<semaphore_mem>>, %arg36: memref<!tpu.dma_semaphore, #tpu.memory_space<semaphore_mem>>, %arg37: memref<!tpu.dma_semaphore, #tpu.memory_space<semaphore_mem>>) attributes {dimension_semantics = [#tpu.dimension_semantics<core_parallel>, #tpu.dimension_semantics<subcore_parallel>], iteration_bounds = array<i64: 2, 16>, scalar_prefetch = 0 : i64, scratch_operands = 22 : i64, tpu.core_type = #tpu.core_type<sc_vector_subcore>, window_params = [{transform_indices = #map}, {transform_indices = #map}, {transform_indices = #map}, {transform_indices = #map}, {transform_indices = #map1}, {transform_indices = #map1}, {transform_indices = #map1}, {transform_indices = #map1}, {transform_indices = #map1}, {transform_indices = #map1}, {transform_indices = #map1}, {transform_indices = #map1}, {transform_indices = #map1}, {transform_indices = #map}]} {
    %mul3A = arith.constant 2 : i32
    %mul3A_0 = arith.muli %arg1, %mul3A : i32
    %add3A = arith.addi %mul3A_0, %arg0 : i32
    %mul3A_1 = arith.constant 512 : i32
    %mul3A_2 = arith.muli %add3A, %mul3A_1 : i32
    %multiple_of3A = tpu.assume_multiple %mul3A_2, 512 : i32
    %add3A_3 = arith.constant 0 : i32
    %add3A_4 = arith.addi %add3A_3, %multiple_of3A : i32
    "tpu.region"() ({
      %run_scoped3A = tpu.sem_alloc : memref<!tpu.dma_semaphore, #tpu.memory_space<semaphore_mem>>
      %dma_start3A = arith.constant 0 : i32
      %dma_start3A_18 = tpu.memref_slice %arg16[%dma_start3A] : memref<2560xi32, #tpu.memory_space<vmem>> -> memref<512xi32, #tpu.memory_space<vmem>>
      %dma_start3A_19 = tpu.memref_slice %arg6[%add3A_4] : memref<81920xi32, #tpu.memory_space<hbm>> -> memref<512xi32, #tpu.memory_space<hbm>>
      %dma_start3A_20 = arith.constant 0 : i32
      %dma_start3A_21 = tpu.memref_slice %arg16[%dma_start3A_20] : memref<2560xi32, #tpu.memory_space<vmem>> -> memref<512xi32, #tpu.memory_space<vmem>>
      %dma_start3A_22 = tpu.memref_slice %arg6[%add3A_4] : memref<81920xi32, #tpu.memory_space<hbm>> -> memref<512xi32, #tpu.memory_space<hbm>>
      tpu.enqueue_dma source(%dma_start3A_22 : memref<512xi32, #tpu.memory_space<hbm>>) target(%dma_start3A_21 : memref<512xi32, #tpu.memory_space<vmem>>) target_semaphore(%run_scoped3A : memref<!tpu.dma_semaphore, #tpu.memory_space<semaphore_mem>>)
      %dma_wait3A = arith.constant 0 : i32
      %dma_wait3A_23 = tpu.memref_slice %arg16[%dma_wait3A] : memref<2560xi32, #tpu.memory_space<vmem>> -> memref<512xi32, #tpu.memory_space<vmem>>
      %dma_wait3A_24 = tpu.memref_slice %arg6[%add3A_4] : memref<81920xi32, #tpu.memory_space<hbm>> -> memref<512xi32, #tpu.memory_space<hbm>>
      %dma_wait3A_25 = arith.constant 0 : i32
      %dma_wait3A_26 = tpu.memref_slice %arg16[%dma_wait3A_25] : memref<2560xi32, #tpu.memory_space<vmem>> -> memref<512xi32, #tpu.memory_space<vmem>>
      %dma_wait3A_27 = tpu.memref_slice %arg6[%add3A_4] : memref<81920xi32, #tpu.memory_space<hbm>> -> memref<512xi32, #tpu.memory_space<hbm>>
      tpu.wait_dma2 semaphore(%run_scoped3A : memref<!tpu.dma_semaphore, #tpu.memory_space<semaphore_mem>>) src(%dma_wait3A_27 : memref<512xi32, #tpu.memory_space<hbm>>) dst(%dma_wait3A_26 : memref<512xi32, #tpu.memory_space<vmem>>)
      tpu.yield
    }) : () -> ()
    "tpu.region"() ({
      %run_scoped3A = tpu.sem_alloc : memref<!tpu.dma_semaphore, #tpu.memory_space<semaphore_mem>>
      %dma_start3A = arith.constant 0 : i32
      %dma_start3A_18 = tpu.memref_slice %arg17[%dma_start3A] : memref<2560xi32, #tpu.memory_space<vmem>> -> memref<512xi32, #tpu.memory_space<vmem>>
      %dma_start3A_19 = tpu.memref_slice %arg8[%add3A_4] : memref<81920xi32, #tpu.memory_space<hbm>> -> memref<512xi32, #tpu.memory_space<hbm>>
      %dma_start3A_20 = arith.constant 0 : i32
      %dma_start3A_21 = tpu.memref_slice %arg17[%dma_start3A_20] : memref<2560xi32, #tpu.memory_space<vmem>> -> memref<512xi32, #tpu.memory_space<vmem>>
      %dma_start3A_22 = tpu.memref_slice %arg8[%add3A_4] : memref<81920xi32, #tpu.memory_space<hbm>> -> memref<512xi32, #tpu.memory_space<hbm>>
      tpu.enqueue_dma source(%dma_start3A_22 : memref<512xi32, #tpu.memory_space<hbm>>) target(%dma_start3A_21 : memref<512xi32, #tpu.memory_space<vmem>>) target_semaphore(%run_scoped3A : memref<!tpu.dma_semaphore, #tpu.memory_space<semaphore_mem>>)
      %dma_wait3A = arith.constant 0 : i32
      %dma_wait3A_23 = tpu.memref_slice %arg17[%dma_wait3A] : memref<2560xi32, #tpu.memory_space<vmem>> -> memref<512xi32, #tpu.memory_space<vmem>>
      %dma_wait3A_24 = tpu.memref_slice %arg8[%add3A_4] : memref<81920xi32, #tpu.memory_space<hbm>> -> memref<512xi32, #tpu.memory_space<hbm>>
      %dma_wait3A_25 = arith.constant 0 : i32
      %dma_wait3A_26 = tpu.memref_slice %arg17[%dma_wait3A_25] : memref<2560xi32, #tpu.memory_space<vmem>> -> memref<512xi32, #tpu.memory_space<vmem>>
      %dma_wait3A_27 = tpu.memref_slice %arg8[%add3A_4] : memref<81920xi32, #tpu.memory_space<hbm>> -> memref<512xi32, #tpu.memory_space<hbm>>
      tpu.wait_dma2 semaphore(%run_scoped3A : memref<!tpu.dma_semaphore, #tpu.memory_space<semaphore_mem>>) src(%dma_wait3A_27 : memref<512xi32, #tpu.memory_space<hbm>>) dst(%dma_wait3A_26 : memref<512xi32, #tpu.memory_space<vmem>>)
      tpu.yield
    }) : () -> ()
    "tpu.region"() ({
      %run_scoped3A = tpu.sem_alloc : memref<!tpu.dma_semaphore, #tpu.memory_space<semaphore_mem>>
      %dma_start3A = arith.constant 0 : i32
      %dma_start3A_18 = tpu.memref_slice %arg18[%dma_start3A] : memref<2560xi32, #tpu.memory_space<vmem>> -> memref<512xi32, #tpu.memory_space<vmem>>
      %dma_start3A_19 = tpu.memref_slice %arg11[%add3A_4] : memref<81920xi32, #tpu.memory_space<hbm>> -> memref<512xi32, #tpu.memory_space<hbm>>
      %dma_start3A_20 = arith.constant 0 : i32
      %dma_start3A_21 = tpu.memref_slice %arg18[%dma_start3A_20] : memref<2560xi32, #tpu.memory_space<vmem>> -> memref<512xi32, #tpu.memory_space<vmem>>
      %dma_start3A_22 = tpu.memref_slice %arg11[%add3A_4] : memref<81920xi32, #tpu.memory_space<hbm>> -> memref<512xi32, #tpu.memory_space<hbm>>
      tpu.enqueue_dma source(%dma_start3A_22 : memref<512xi32, #tpu.memory_space<hbm>>) target(%dma_start3A_21 : memref<512xi32, #tpu.memory_space<vmem>>) target_semaphore(%run_scoped3A : memref<!tpu.dma_semaphore, #tpu.memory_space<semaphore_mem>>)
      %dma_wait3A = arith.constant 0 : i32
      %dma_wait3A_23 = tpu.memref_slice %arg18[%dma_wait3A] : memref<2560xi32, #tpu.memory_space<vmem>> -> memref<512xi32, #tpu.memory_space<vmem>>
      %dma_wait3A_24 = tpu.memref_slice %arg11[%add3A_4] : memref<81920xi32, #tpu.memory_space<hbm>> -> memref<512xi32, #tpu.memory_space<hbm>>
      %dma_wait3A_25 = arith.constant 0 : i32
      %dma_wait3A_26 = tpu.memref_slice %arg18[%dma_wait3A_25] : memref<2560xi32, #tpu.memory_space<vmem>> -> memref<512xi32, #tpu.memory_space<vmem>>
      %dma_wait3A_27 = tpu.memref_slice %arg11[%add3A_4] : memref<81920xi32, #tpu.memory_space<hbm>> -> memref<512xi32, #tpu.memory_space<hbm>>
      tpu.wait_dma2 semaphore(%run_scoped3A : memref<!tpu.dma_semaphore, #tpu.memory_space<semaphore_mem>>) src(%dma_wait3A_27 : memref<512xi32, #tpu.memory_space<hbm>>) dst(%dma_wait3A_26 : memref<512xi32, #tpu.memory_space<vmem>>)
      tpu.yield
    }) : () -> ()
    "tpu.region"() ({
      %run_scoped3A = tpu.sem_alloc : memref<!tpu.dma_semaphore, #tpu.memory_space<semaphore_mem>>
      %dma_start3A = arith.constant 0 : i32
      %dma_start3A_18 = tpu.memref_slice %arg23[%dma_start3A] : memref<2560xf32, #tpu.memory_space<vmem>> -> memref<512xf32, #tpu.memory_space<vmem>>
      %dma_start3A_19 = tpu.memref_slice %arg10[%add3A_4] : memref<81920xf32, #tpu.memory_space<hbm>> -> memref<512xf32, #tpu.memory_space<hbm>>
      %dma_start3A_20 = arith.constant 0 : i32
      %dma_start3A_21 = tpu.memref_slice %arg23[%dma_start3A_20] : memref<2560xf32, #tpu.memory_space<vmem>> -> memref<512xf32, #tpu.memory_space<vmem>>
      %dma_start3A_22 = tpu.memref_slice %arg10[%add3A_4] : memref<81920xf32, #tpu.memory_space<hbm>> -> memref<512xf32, #tpu.memory_space<hbm>>
      tpu.enqueue_dma source(%dma_start3A_22 : memref<512xf32, #tpu.memory_space<hbm>>) target(%dma_start3A_21 : memref<512xf32, #tpu.memory_space<vmem>>) target_semaphore(%run_scoped3A : memref<!tpu.dma_semaphore, #tpu.memory_space<semaphore_mem>>)
      %dma_wait3A = arith.constant 0 : i32
      %dma_wait3A_23 = tpu.memref_slice %arg23[%dma_wait3A] : memref<2560xf32, #tpu.memory_space<vmem>> -> memref<512xf32, #tpu.memory_space<vmem>>
      %dma_wait3A_24 = tpu.memref_slice %arg10[%add3A_4] : memref<81920xf32, #tpu.memory_space<hbm>> -> memref<512xf32, #tpu.memory_space<hbm>>
      %dma_wait3A_25 = arith.constant 0 : i32
      %dma_wait3A_26 = tpu.memref_slice %arg23[%dma_wait3A_25] : memref<2560xf32, #tpu.memory_space<vmem>> -> memref<512xf32, #tpu.memory_space<vmem>>
      %dma_wait3A_27 = tpu.memref_slice %arg10[%add3A_4] : memref<81920xf32, #tpu.memory_space<hbm>> -> memref<512xf32, #tpu.memory_space<hbm>>
      tpu.wait_dma2 semaphore(%run_scoped3A : memref<!tpu.dma_semaphore, #tpu.memory_space<semaphore_mem>>) src(%dma_wait3A_27 : memref<512xf32, #tpu.memory_space<hbm>>) dst(%dma_wait3A_26 : memref<512xf32, #tpu.memory_space<vmem>>)
      tpu.yield
    }) : () -> ()
    "tpu.region"() ({
      %run_scoped3A = tpu.sem_alloc : memref<!tpu.dma_semaphore, #tpu.memory_space<semaphore_mem>>
      %dma_start3A = arith.constant 0 : i32
      %dma_start3A_18 = tpu.memref_slice %arg24[%dma_start3A] : memref<2560xf32, #tpu.memory_space<vmem>> -> memref<512xf32, #tpu.memory_space<vmem>>
      %dma_start3A_19 = tpu.memref_slice %arg13[%add3A_4] : memref<81920xf32, #tpu.memory_space<hbm>> -> memref<512xf32, #tpu.memory_space<hbm>>
      %dma_start3A_20 = arith.constant 0 : i32
      %dma_start3A_21 = tpu.memref_slice %arg24[%dma_start3A_20] : memref<2560xf32, #tpu.memory_space<vmem>> -> memref<512xf32, #tpu.memory_space<vmem>>
      %dma_start3A_22 = tpu.memref_slice %arg13[%add3A_4] : memref<81920xf32, #tpu.memory_space<hbm>> -> memref<512xf32, #tpu.memory_space<hbm>>
      tpu.enqueue_dma source(%dma_start3A_22 : memref<512xf32, #tpu.memory_space<hbm>>) target(%dma_start3A_21 : memref<512xf32, #tpu.memory_space<vmem>>) target_semaphore(%run_scoped3A : memref<!tpu.dma_semaphore, #tpu.memory_space<semaphore_mem>>)
      %dma_wait3A = arith.constant 0 : i32
      %dma_wait3A_23 = tpu.memref_slice %arg24[%dma_wait3A] : memref<2560xf32, #tpu.memory_space<vmem>> -> memref<512xf32, #tpu.memory_space<vmem>>
      %dma_wait3A_24 = tpu.memref_slice %arg13[%add3A_4] : memref<81920xf32, #tpu.memory_space<hbm>> -> memref<512xf32, #tpu.memory_space<hbm>>
      %dma_wait3A_25 = arith.constant 0 : i32
      %dma_wait3A_26 = tpu.memref_slice %arg24[%dma_wait3A_25] : memref<2560xf32, #tpu.memory_space<vmem>> -> memref<512xf32, #tpu.memory_space<vmem>>
      %dma_wait3A_27 = tpu.memref_slice %arg13[%add3A_4] : memref<81920xf32, #tpu.memory_space<hbm>> -> memref<512xf32, #tpu.memory_space<hbm>>
      tpu.wait_dma2 semaphore(%run_scoped3A : memref<!tpu.dma_semaphore, #tpu.memory_space<semaphore_mem>>) src(%dma_wait3A_27 : memref<512xf32, #tpu.memory_space<hbm>>) dst(%dma_wait3A_26 : memref<512xf32, #tpu.memory_space<vmem>>)
      tpu.yield
    }) : () -> ()
    %add3A_5 = arith.constant 16384 : i32
    %add3A_6 = arith.addi %add3A_5, %multiple_of3A : i32
    "tpu.region"() ({
      %run_scoped3A = tpu.sem_alloc : memref<!tpu.dma_semaphore, #tpu.memory_space<semaphore_mem>>
      %dma_start3A = arith.constant 512 : i32
      %dma_start3A_18 = tpu.memref_slice %arg16[%dma_start3A] : memref<2560xi32, #tpu.memory_space<vmem>> -> memref<512xi32, #tpu.memory_space<vmem>>
      %dma_start3A_19 = tpu.memref_slice %arg6[%add3A_6] : memref<81920xi32, #tpu.memory_space<hbm>> -> memref<512xi32, #tpu.memory_space<hbm>>
      %dma_start3A_20 = arith.constant 512 : i32
      %dma_start3A_21 = tpu.memref_slice %arg16[%dma_start3A_20] : memref<2560xi32, #tpu.memory_space<vmem>> -> memref<512xi32, #tpu.memory_space<vmem>>
      %dma_start3A_22 = tpu.memref_slice %arg6[%add3A_6] : memref<81920xi32, #tpu.memory_space<hbm>> -> memref<512xi32, #tpu.memory_space<hbm>>
      tpu.enqueue_dma source(%dma_start3A_22 : memref<512xi32, #tpu.memory_space<hbm>>) target(%dma_start3A_21 : memref<512xi32, #tpu.memory_space<vmem>>) target_semaphore(%run_scoped3A : memref<!tpu.dma_semaphore, #tpu.memory_space<semaphore_mem>>)
      %dma_wait3A = arith.constant 512 : i32
      %dma_wait3A_23 = tpu.memref_slice %arg16[%dma_wait3A] : memref<2560xi32, #tpu.memory_space<vmem>> -> memref<512xi32, #tpu.memory_space<vmem>>
      %dma_wait3A_24 = tpu.memref_slice %arg6[%add3A_6] : memref<81920xi32, #tpu.memory_space<hbm>> -> memref<512xi32, #tpu.memory_space<hbm>>
      %dma_wait3A_25 = arith.constant 512 : i32
      %dma_wait3A_26 = tpu.memref_slice %arg16[%dma_wait3A_25] : memref<2560xi32, #tpu.memory_space<vmem>> -> memref<512xi32, #tpu.memory_space<vmem>>
      %dma_wait3A_27 = tpu.memref_slice %arg6[%add3A_6] : memref<81920xi32, #tpu.memory_space<hbm>> -> memref<512xi32, #tpu.memory_space<hbm>>
      tpu.wait_dma2 semaphore(%run_scoped3A : memref<!tpu.dma_semaphore, #tpu.memory_space<semaphore_mem>>) src(%dma_wait3A_27 : memref<512xi32, #tpu.memory_space<hbm>>) dst(%dma_wait3A_26 : memref<512xi32, #tpu.memory_space<vmem>>)
      tpu.yield
    }) : () -> ()
    "tpu.region"() ({
      %run_scoped3A = tpu.sem_alloc : memref<!tpu.dma_semaphore, #tpu.memory_space<semaphore_mem>>
      %dma_start3A = arith.constant 512 : i32
      %dma_start3A_18 = tpu.memref_slice %arg17[%dma_start3A] : memref<2560xi32, #tpu.memory_space<vmem>> -> memref<512xi32, #tpu.memory_space<vmem>>
      %dma_start3A_19 = tpu.memref_slice %arg8[%add3A_6] : memref<81920xi32, #tpu.memory_space<hbm>> -> memref<512xi32, #tpu.memory_space<hbm>>
      %dma_start3A_20 = arith.constant 512 : i32
      %dma_start3A_21 = tpu.memref_slice %arg17[%dma_start3A_20] : memref<2560xi32, #tpu.memory_space<vmem>> -> memref<512xi32, #tpu.memory_space<vmem>>
      %dma_start3A_22 = tpu.memref_slice %arg8[%add3A_6] : memref<81920xi32, #tpu.memory_space<hbm>> -> memref<512xi32, #tpu.memory_space<hbm>>
      tpu.enqueue_dma source(%dma_start3A_22 : memref<512xi32, #tpu.memory_space<hbm>>) target(%dma_start3A_21 : memref<512xi32, #tpu.memory_space<vmem>>) target_semaphore(%run_scoped3A : memref<!tpu.dma_semaphore, #tpu.memory_space<semaphore_mem>>)
      %dma_wait3A = arith.constant 512 : i32
      %dma_wait3A_23 = tpu.memref_slice %arg17[%dma_wait3A] : memref<2560xi32, #tpu.memory_space<vmem>> -> memref<512xi32, #tpu.memory_space<vmem>>
      %dma_wait3A_24 = tpu.memref_slice %arg8[%add3A_6] : memref<81920xi32, #tpu.memory_space<hbm>> -> memref<512xi32, #tpu.memory_space<hbm>>
      %dma_wait3A_25 = arith.constant 512 : i32
      %dma_wait3A_26 = tpu.memref_slice %arg17[%dma_wait3A_25] : memref<2560xi32, #tpu.memory_space<vmem>> -> memref<512xi32, #tpu.memory_space<vmem>>
      %dma_wait3A_27 = tpu.memref_slice %arg8[%add3A_6] : memref<81920xi32, #tpu.memory_space<hbm>> -> memref<512xi32, #tpu.memory_space<hbm>>
      tpu.wait_dma2 semaphore(%run_scoped3A : memref<!tpu.dma_semaphore, #tpu.memory_space<semaphore_mem>>) src(%dma_wait3A_27 : memref<512xi32, #tpu.memory_space<hbm>>) dst(%dma_wait3A_26 : memref<512xi32, #tpu.memory_space<vmem>>)
      tpu.yield
    }) : () -> ()
    "tpu.region"() ({
      %run_scoped3A = tpu.sem_alloc : memref<!tpu.dma_semaphore, #tpu.memory_space<semaphore_mem>>
      %dma_start3A = arith.constant 512 : i32
      %dma_start3A_18 = tpu.memref_slice %arg18[%dma_start3A] : memref<2560xi32, #tpu.memory_space<vmem>> -> memref<512xi32, #tpu.memory_space<vmem>>
      %dma_start3A_19 = tpu.memref_slice %arg11[%add3A_6] : memref<81920xi32, #tpu.memory_space<hbm>> -> memref<512xi32, #tpu.memory_space<hbm>>
      %dma_start3A_20 = arith.constant 512 : i32
      %dma_start3A_21 = tpu.memref_slice %arg18[%dma_start3A_20] : memref<2560xi32, #tpu.memory_space<vmem>> -> memref<512xi32, #tpu.memory_space<vmem>>
      %dma_start3A_22 = tpu.memref_slice %arg11[%add3A_6] : memref<81920xi32, #tpu.memory_space<hbm>> -> memref<512xi32, #tpu.memory_space<hbm>>
      tpu.enqueue_dma source(%dma_start3A_22 : memref<512xi32, #tpu.memory_space<hbm>>) target(%dma_start3A_21 : memref<512xi32, #tpu.memory_space<vmem>>) target_semaphore(%run_scoped3A : memref<!tpu.dma_semaphore, #tpu.memory_space<semaphore_mem>>)
      %dma_wait3A = arith.constant 512 : i32
      %dma_wait3A_23 = tpu.memref_slice %arg18[%dma_wait3A] : memref<2560xi32, #tpu.memory_space<vmem>> -> memref<512xi32, #tpu.memory_space<vmem>>
      %dma_wait3A_24 = tpu.memref_slice %arg11[%add3A_6] : memref<81920xi32, #tpu.memory_space<hbm>> -> memref<512xi32, #tpu.memory_space<hbm>>
      %dma_wait3A_25 = arith.constant 512 : i32
      %dma_wait3A_26 = tpu.memref_slice %arg18[%dma_wait3A_25] : memref<2560xi32, #tpu.memory_space<vmem>> -> memref<512xi32, #tpu.memory_space<vmem>>
      %dma_wait3A_27 = tpu.memref_slice %arg11[%add3A_6] : memref<81920xi32, #tpu.memory_space<hbm>> -> memref<512xi32, #tpu.memory_space<hbm>>
      tpu.wait_dma2 semaphore(%run_scoped3A : memref<!tpu.dma_semaphore, #tpu.memory_space<semaphore_mem>>) src(%dma_wait3A_27 : memref<512xi32, #tpu.memory_space<hbm>>) dst(%dma_wait3A_26 : memref<512xi32, #tpu.memory_space<vmem>>)
      tpu.yield
    }) : () -> ()
    "tpu.region"() ({
      %run_scoped3A = tpu.sem_alloc : memref<!tpu.dma_semaphore, #tpu.memory_space<semaphore_mem>>
      %dma_start3A = arith.constant 512 : i32
      %dma_start3A_18 = tpu.memref_slice %arg23[%dma_start3A] : memref<2560xf32, #tpu.memory_space<vmem>> -> memref<512xf32, #tpu.memory_space<vmem>>
      %dma_start3A_19 = tpu.memref_slice %arg10[%add3A_6] : memref<81920xf32, #tpu.memory_space<hbm>> -> memref<512xf32, #tpu.memory_space<hbm>>
      %dma_start3A_20 = arith.constant 512 : i32
      %dma_start3A_21 = tpu.memref_slice %arg23[%dma_start3A_20] : memref<2560xf32, #tpu.memory_space<vmem>> -> memref<512xf32, #tpu.memory_space<vmem>>
      %dma_start3A_22 = tpu.memref_slice %arg10[%add3A_6] : memref<81920xf32, #tpu.memory_space<hbm>> -> memref<512xf32, #tpu.memory_space<hbm>>
      tpu.enqueue_dma source(%dma_start3A_22 : memref<512xf32, #tpu.memory_space<hbm>>) target(%dma_start3A_21 : memref<512xf32, #tpu.memory_space<vmem>>) target_semaphore(%run_scoped3A : memref<!tpu.dma_semaphore, #tpu.memory_space<semaphore_mem>>)
      %dma_wait3A = arith.constant 512 : i32
      %dma_wait3A_23 = tpu.memref_slice %arg23[%dma_wait3A] : memref<2560xf32, #tpu.memory_space<vmem>> -> memref<512xf32, #tpu.memory_space<vmem>>
      %dma_wait3A_24 = tpu.memref_slice %arg10[%add3A_6] : memref<81920xf32, #tpu.memory_space<hbm>> -> memref<512xf32, #tpu.memory_space<hbm>>
      %dma_wait3A_25 = arith.constant 512 : i32
      %dma_wait3A_26 = tpu.memref_slice %arg23[%dma_wait3A_25] : memref<2560xf32, #tpu.memory_space<vmem>> -> memref<512xf32, #tpu.memory_space<vmem>>
      %dma_wait3A_27 = tpu.memref_slice %arg10[%add3A_6] : memref<81920xf32, #tpu.memory_space<hbm>> -> memref<512xf32, #tpu.memory_space<hbm>>
      tpu.wait_dma2 semaphore(%run_scoped3A : memref<!tpu.dma_semaphore, #tpu.memory_space<semaphore_mem>>) src(%dma_wait3A_27 : memref<512xf32, #tpu.memory_space<hbm>>) dst(%dma_wait3A_26 : memref<512xf32, #tpu.memory_space<vmem>>)
      tpu.yield
    }) : () -> ()
    "tpu.region"() ({
      %run_scoped3A = tpu.sem_alloc : memref<!tpu.dma_semaphore, #tpu.memory_space<semaphore_mem>>
      %dma_start3A = arith.constant 512 : i32
      %dma_start3A_18 = tpu.memref_slice %arg24[%dma_start3A] : memref<2560xf32, #tpu.memory_space<vmem>> -> memref<512xf32, #tpu.memory_space<vmem>>
      %dma_start3A_19 = tpu.memref_slice %arg13[%add3A_6] : memref<81920xf32, #tpu.memory_space<hbm>> -> memref<512xf32, #tpu.memory_space<hbm>>
      %dma_start3A_20 = arith.constant 512 : i32
      %dma_start3A_21 = tpu.memref_slice %arg24[%dma_start3A_20] : memref<2560xf32, #tpu.memory_space<vmem>> -> memref<512xf32, #tpu.memory_space<vmem>>
      %dma_start3A_22 = tpu.memref_slice %arg13[%add3A_6] : memref<81920xf32, #tpu.memory_space<hbm>> -> memref<512xf32, #tpu.memory_space<hbm>>
      tpu.enqueue_dma source(%dma_start3A_22 : memref<512xf32, #tpu.memory_space<hbm>>) target(%dma_start3A_21 : memref<512xf32, #tpu.memory_space<vmem>>) target_semaphore(%run_scoped3A : memref<!tpu.dma_semaphore, #tpu.memory_space<semaphore_mem>>)
      %dma_wait3A = arith.constant 512 : i32
      %dma_wait3A_23 = tpu.memref_slice %arg24[%dma_wait3A] : memref<2560xf32, #tpu.memory_space<vmem>> -> memref<512xf32, #tpu.memory_space<vmem>>
      %dma_wait3A_24 = tpu.memref_slice %arg13[%add3A_6] : memref<81920xf32, #tpu.memory_space<hbm>> -> memref<512xf32, #tpu.memory_space<hbm>>
      %dma_wait3A_25 = arith.constant 512 : i32
      %dma_wait3A_26 = tpu.memref_slice %arg24[%dma_wait3A_25] : memref<2560xf32, #tpu.memory_space<vmem>> -> memref<512xf32, #tpu.memory_space<vmem>>
      %dma_wait3A_27 = tpu.memref_slice %arg13[%add3A_6] : memref<81920xf32, #tpu.memory_space<hbm>> -> memref<512xf32, #tpu.memory_space<hbm>>
      tpu.wait_dma2 semaphore(%run_scoped3A : memref<!tpu.dma_semaphore, #tpu.memory_space<semaphore_mem>>) src(%dma_wait3A_27 : memref<512xf32, #tpu.memory_space<hbm>>) dst(%dma_wait3A_26 : memref<512xf32, #tpu.memory_space<vmem>>)
      tpu.yield
    }) : () -> ()
    %add3A_7 = arith.constant 32768 : i32
    %add3A_8 = arith.addi %add3A_7, %multiple_of3A : i32
    "tpu.region"() ({
      %run_scoped3A = tpu.sem_alloc : memref<!tpu.dma_semaphore, #tpu.memory_space<semaphore_mem>>
      %dma_start3A = arith.constant 1024 : i32
      %dma_start3A_18 = tpu.memref_slice %arg16[%dma_start3A] : memref<2560xi32, #tpu.memory_space<vmem>> -> memref<512xi32, #tpu.memory_space<vmem>>
      %dma_start3A_19 = tpu.memref_slice %arg6[%add3A_8] : memref<81920xi32, #tpu.memory_space<hbm>> -> memref<512xi32, #tpu.memory_space<hbm>>
      %dma_start3A_20 = arith.constant 1024 : i32
      %dma_start3A_21 = tpu.memref_slice %arg16[%dma_start3A_20] : memref<2560xi32, #tpu.memory_space<vmem>> -> memref<512xi32, #tpu.memory_space<vmem>>
      %dma_start3A_22 = tpu.memref_slice %arg6[%add3A_8] : memref<81920xi32, #tpu.memory_space<hbm>> -> memref<512xi32, #tpu.memory_space<hbm>>
      tpu.enqueue_dma source(%dma_start3A_22 : memref<512xi32, #tpu.memory_space<hbm>>) target(%dma_start3A_21 : memref<512xi32, #tpu.memory_space<vmem>>) target_semaphore(%run_scoped3A : memref<!tpu.dma_semaphore, #tpu.memory_space<semaphore_mem>>)
      %dma_wait3A = arith.constant 1024 : i32
      %dma_wait3A_23 = tpu.memref_slice %arg16[%dma_wait3A] : memref<2560xi32, #tpu.memory_space<vmem>> -> memref<512xi32, #tpu.memory_space<vmem>>
      %dma_wait3A_24 = tpu.memref_slice %arg6[%add3A_8] : memref<81920xi32, #tpu.memory_space<hbm>> -> memref<512xi32, #tpu.memory_space<hbm>>
      %dma_wait3A_25 = arith.constant 1024 : i32
      %dma_wait3A_26 = tpu.memref_slice %arg16[%dma_wait3A_25] : memref<2560xi32, #tpu.memory_space<vmem>> -> memref<512xi32, #tpu.memory_space<vmem>>
      %dma_wait3A_27 = tpu.memref_slice %arg6[%add3A_8] : memref<81920xi32, #tpu.memory_space<hbm>> -> memref<512xi32, #tpu.memory_space<hbm>>
      tpu.wait_dma2 semaphore(%run_scoped3A : memref<!tpu.dma_semaphore, #tpu.memory_space<semaphore_mem>>) src(%dma_wait3A_27 : memref<512xi32, #tpu.memory_space<hbm>>) dst(%dma_wait3A_26 : memref<512xi32, #tpu.memory_space<vmem>>)
      tpu.yield
    }) : () -> ()
    "tpu.region"() ({
      %run_scoped3A = tpu.sem_alloc : memref<!tpu.dma_semaphore, #tpu.memory_space<semaphore_mem>>
      %dma_start3A = arith.constant 1024 : i32
      %dma_start3A_18 = tpu.memref_slice %arg17[%dma_start3A] : memref<2560xi32, #tpu.memory_space<vmem>> -> memref<512xi32, #tpu.memory_space<vmem>>
      %dma_start3A_19 = tpu.memref_slice %arg8[%add3A_8] : memref<81920xi32, #tpu.memory_space<hbm>> -> memref<512xi32, #tpu.memory_space<hbm>>
      %dma_start3A_20 = arith.constant 1024 : i32
      %dma_start3A_21 = tpu.memref_slice %arg17[%dma_start3A_20] : memref<2560xi32, #tpu.memory_space<vmem>> -> memref<512xi32, #tpu.memory_space<vmem>>
      %dma_start3A_22 = tpu.memref_slice %arg8[%add3A_8] : memref<81920xi32, #tpu.memory_space<hbm>> -> memref<512xi32, #tpu.memory_space<hbm>>
      tpu.enqueue_dma source(%dma_start3A_22 : memref<512xi32, #tpu.memory_space<hbm>>) target(%dma_start3A_21 : memref<512xi32, #tpu.memory_space<vmem>>) target_semaphore(%run_scoped3A : memref<!tpu.dma_semaphore, #tpu.memory_space<semaphore_mem>>)
      %dma_wait3A = arith.constant 1024 : i32
      %dma_wait3A_23 = tpu.memref_slice %arg17[%dma_wait3A] : memref<2560xi32, #tpu.memory_space<vmem>> -> memref<512xi32, #tpu.memory_space<vmem>>
      %dma_wait3A_24 = tpu.memref_slice %arg8[%add3A_8] : memref<81920xi32, #tpu.memory_space<hbm>> -> memref<512xi32, #tpu.memory_space<hbm>>
      %dma_wait3A_25 = arith.constant 1024 : i32
      %dma_wait3A_26 = tpu.memref_slice %arg17[%dma_wait3A_25] : memref<2560xi32, #tpu.memory_space<vmem>> -> memref<512xi32, #tpu.memory_space<vmem>>
      %dma_wait3A_27 = tpu.memref_slice %arg8[%add3A_8] : memref<81920xi32, #tpu.memory_space<hbm>> -> memref<512xi32, #tpu.memory_space<hbm>>
      tpu.wait_dma2 semaphore(%run_scoped3A : memref<!tpu.dma_semaphore, #tpu.memory_space<semaphore_mem>>) src(%dma_wait3A_27 : memref<512xi32, #tpu.memory_space<hbm>>) dst(%dma_wait3A_26 : memref<512xi32, #tpu.memory_space<vmem>>)
      tpu.yield
    }) : () -> ()
    "tpu.region"() ({
      %run_scoped3A = tpu.sem_alloc : memref<!tpu.dma_semaphore, #tpu.memory_space<semaphore_mem>>
      %dma_start3A = arith.constant 1024 : i32
      %dma_start3A_18 = tpu.memref_slice %arg18[%dma_start3A] : memref<2560xi32, #tpu.memory_space<vmem>> -> memref<512xi32, #tpu.memory_space<vmem>>
      %dma_start3A_19 = tpu.memref_slice %arg11[%add3A_8] : memref<81920xi32, #tpu.memory_space<hbm>> -> memref<512xi32, #tpu.memory_space<hbm>>
      %dma_start3A_20 = arith.constant 1024 : i32
      %dma_start3A_21 = tpu.memref_slice %arg18[%dma_start3A_20] : memref<2560xi32, #tpu.memory_space<vmem>> -> memref<512xi32, #tpu.memory_space<vmem>>
      %dma_start3A_22 = tpu.memref_slice %arg11[%add3A_8] : memref<81920xi32, #tpu.memory_space<hbm>> -> memref<512xi32, #tpu.memory_space<hbm>>
      tpu.enqueue_dma source(%dma_start3A_22 : memref<512xi32, #tpu.memory_space<hbm>>) target(%dma_start3A_21 : memref<512xi32, #tpu.memory_space<vmem>>) target_semaphore(%run_scoped3A : memref<!tpu.dma_semaphore, #tpu.memory_space<semaphore_mem>>)
      %dma_wait3A = arith.constant 1024 : i32
      %dma_wait3A_23 = tpu.memref_slice %arg18[%dma_wait3A] : memref<2560xi32, #tpu.memory_space<vmem>> -> memref<512xi32, #tpu.memory_space<vmem>>
      %dma_wait3A_24 = tpu.memref_slice %arg11[%add3A_8] : memref<81920xi32, #tpu.memory_space<hbm>> -> memref<512xi32, #tpu.memory_space<hbm>>
      %dma_wait3A_25 = arith.constant 1024 : i32
      %dma_wait3A_26 = tpu.memref_slice %arg18[%dma_wait3A_25] : memref<2560xi32, #tpu.memory_space<vmem>> -> memref<512xi32, #tpu.memory_space<vmem>>
      %dma_wait3A_27 = tpu.memref_slice %arg11[%add3A_8] : memref<81920xi32, #tpu.memory_space<hbm>> -> memref<512xi32, #tpu.memory_space<hbm>>
      tpu.wait_dma2 semaphore(%run_scoped3A : memref<!tpu.dma_semaphore, #tpu.memory_space<semaphore_mem>>) src(%dma_wait3A_27 : memref<512xi32, #tpu.memory_space<hbm>>) dst(%dma_wait3A_26 : memref<512xi32, #tpu.memory_space<vmem>>)
      tpu.yield
    }) : () -> ()
    "tpu.region"() ({
      %run_scoped3A = tpu.sem_alloc : memref<!tpu.dma_semaphore, #tpu.memory_space<semaphore_mem>>
      %dma_start3A = arith.constant 1024 : i32
      %dma_start3A_18 = tpu.memref_slice %arg23[%dma_start3A] : memref<2560xf32, #tpu.memory_space<vmem>> -> memref<512xf32, #tpu.memory_space<vmem>>
      %dma_start3A_19 = tpu.memref_slice %arg10[%add3A_8] : memref<81920xf32, #tpu.memory_space<hbm>> -> memref<512xf32, #tpu.memory_space<hbm>>
      %dma_start3A_20 = arith.constant 1024 : i32
      %dma_start3A_21 = tpu.memref_slice %arg23[%dma_start3A_20] : memref<2560xf32, #tpu.memory_space<vmem>> -> memref<512xf32, #tpu.memory_space<vmem>>
      %dma_start3A_22 = tpu.memref_slice %arg10[%add3A_8] : memref<81920xf32, #tpu.memory_space<hbm>> -> memref<512xf32, #tpu.memory_space<hbm>>
      tpu.enqueue_dma source(%dma_start3A_22 : memref<512xf32, #tpu.memory_space<hbm>>) target(%dma_start3A_21 : memref<512xf32, #tpu.memory_space<vmem>>) target_semaphore(%run_scoped3A : memref<!tpu.dma_semaphore, #tpu.memory_space<semaphore_mem>>)
      %dma_wait3A = arith.constant 1024 : i32
      %dma_wait3A_23 = tpu.memref_slice %arg23[%dma_wait3A] : memref<2560xf32, #tpu.memory_space<vmem>> -> memref<512xf32, #tpu.memory_space<vmem>>
      %dma_wait3A_24 = tpu.memref_slice %arg10[%add3A_8] : memref<81920xf32, #tpu.memory_space<hbm>> -> memref<512xf32, #tpu.memory_space<hbm>>
      %dma_wait3A_25 = arith.constant 1024 : i32
      %dma_wait3A_26 = tpu.memref_slice %arg23[%dma_wait3A_25] : memref<2560xf32, #tpu.memory_space<vmem>> -> memref<512xf32, #tpu.memory_space<vmem>>
      %dma_wait3A_27 = tpu.memref_slice %arg10[%add3A_8] : memref<81920xf32, #tpu.memory_space<hbm>> -> memref<512xf32, #tpu.memory_space<hbm>>
      tpu.wait_dma2 semaphore(%run_scoped3A : memref<!tpu.dma_semaphore, #tpu.memory_space<semaphore_mem>>) src(%dma_wait3A_27 : memref<512xf32, #tpu.memory_space<hbm>>) dst(%dma_wait3A_26 : memref<512xf32, #tpu.memory_space<vmem>>)
      tpu.yield
    }) : () -> ()
    "tpu.region"() ({
      %run_scoped3A = tpu.sem_alloc : memref<!tpu.dma_semaphore, #tpu.memory_space<semaphore_mem>>
      %dma_start3A = arith.constant 1024 : i32
      %dma_start3A_18 = tpu.memref_slice %arg24[%dma_start3A] : memref<2560xf32, #tpu.memory_space<vmem>> -> memref<512xf32, #tpu.memory_space<vmem>>
      %dma_start3A_19 = tpu.memref_slice %arg13[%add3A_8] : memref<81920xf32, #tpu.memory_space<hbm>> -> memref<512xf32, #tpu.memory_space<hbm>>
      %dma_start3A_20 = arith.constant 1024 : i32
      %dma_start3A_21 = tpu.memref_slice %arg24[%dma_start3A_20] : memref<2560xf32, #tpu.memory_space<vmem>> -> memref<512xf32, #tpu.memory_space<vmem>>
      %dma_start3A_22 = tpu.memref_slice %arg13[%add3A_8] : memref<81920xf32, #tpu.memory_space<hbm>> -> memref<512xf32, #tpu.memory_space<hbm>>
      tpu.enqueue_dma source(%dma_start3A_22 : memref<512xf32, #tpu.memory_space<hbm>>) target(%dma_start3A_21 : memref<512xf32, #tpu.memory_space<vmem>>) target_semaphore(%run_scoped3A : memref<!tpu.dma_semaphore, #tpu.memory_space<semaphore_mem>>)
      %dma_wait3A = arith.constant 1024 : i32
      %dma_wait3A_23 = tpu.memref_slice %arg24[%dma_wait3A] : memref<2560xf32, #tpu.memory_space<vmem>> -> memref<512xf32, #tpu.memory_space<vmem>>
      %dma_wait3A_24 = tpu.memref_slice %arg13[%add3A_8] : memref<81920xf32, #tpu.memory_space<hbm>> -> memref<512xf32, #tpu.memory_space<hbm>>
      %dma_wait3A_25 = arith.constant 1024 : i32
      %dma_wait3A_26 = tpu.memref_slice %arg24[%dma_wait3A_25] : memref<2560xf32, #tpu.memory_space<vmem>> -> memref<512xf32, #tpu.memory_space<vmem>>
      %dma_wait3A_27 = tpu.memref_slice %arg13[%add3A_8] : memref<81920xf32, #tpu.memory_space<hbm>> -> memref<512xf32, #tpu.memory_space<hbm>>
      tpu.wait_dma2 semaphore(%run_scoped3A : memref<!tpu.dma_semaphore, #tpu.memory_space<semaphore_mem>>) src(%dma_wait3A_27 : memref<512xf32, #tpu.memory_space<hbm>>) dst(%dma_wait3A_26 : memref<512xf32, #tpu.memory_space<vmem>>)
      tpu.yield
    }) : () -> ()
    %add3A_9 = arith.constant 49152 : i32
    %add3A_10 = arith.addi %add3A_9, %multiple_of3A : i32
    "tpu.region"() ({
      %run_scoped3A = tpu.sem_alloc : memref<!tpu.dma_semaphore, #tpu.memory_space<semaphore_mem>>
      %dma_start3A = arith.constant 1536 : i32
      %dma_start3A_18 = tpu.memref_slice %arg16[%dma_start3A] : memref<2560xi32, #tpu.memory_space<vmem>> -> memref<512xi32, #tpu.memory_space<vmem>>
      %dma_start3A_19 = tpu.memref_slice %arg6[%add3A_10] : memref<81920xi32, #tpu.memory_space<hbm>> -> memref<512xi32, #tpu.memory_space<hbm>>
      %dma_start3A_20 = arith.constant 1536 : i32
      %dma_start3A_21 = tpu.memref_slice %arg16[%dma_start3A_20] : memref<2560xi32, #tpu.memory_space<vmem>> -> memref<512xi32, #tpu.memory_space<vmem>>
      %dma_start3A_22 = tpu.memref_slice %arg6[%add3A_10] : memref<81920xi32, #tpu.memory_space<hbm>> -> memref<512xi32, #tpu.memory_space<hbm>>
      tpu.enqueue_dma source(%dma_start3A_22 : memref<512xi32, #tpu.memory_space<hbm>>) target(%dma_start3A_21 : memref<512xi32, #tpu.memory_space<vmem>>) target_semaphore(%run_scoped3A : memref<!tpu.dma_semaphore, #tpu.memory_space<semaphore_mem>>)
      %dma_wait3A = arith.constant 1536 : i32
      %dma_wait3A_23 = tpu.memref_slice %arg16[%dma_wait3A] : memref<2560xi32, #tpu.memory_space<vmem>> -> memref<512xi32, #tpu.memory_space<vmem>>
      %dma_wait3A_24 = tpu.memref_slice %arg6[%add3A_10] : memref<81920xi32, #tpu.memory_space<hbm>> -> memref<512xi32, #tpu.memory_space<hbm>>
      %dma_wait3A_25 = arith.constant 1536 : i32
      %dma_wait3A_26 = tpu.memref_slice %arg16[%dma_wait3A_25] : memref<2560xi32, #tpu.memory_space<vmem>> -> memref<512xi32, #tpu.memory_space<vmem>>
      %dma_wait3A_27 = tpu.memref_slice %arg6[%add3A_10] : memref<81920xi32, #tpu.memory_space<hbm>> -> memref<512xi32, #tpu.memory_space<hbm>>
      tpu.wait_dma2 semaphore(%run_scoped3A : memref<!tpu.dma_semaphore, #tpu.memory_space<semaphore_mem>>) src(%dma_wait3A_27 : memref<512xi32, #tpu.memory_space<hbm>>) dst(%dma_wait3A_26 : memref<512xi32, #tpu.memory_space<vmem>>)
      tpu.yield
    }) : () -> ()
    "tpu.region"() ({
      %run_scoped3A = tpu.sem_alloc : memref<!tpu.dma_semaphore, #tpu.memory_space<semaphore_mem>>
      %dma_start3A = arith.constant 1536 : i32
      %dma_start3A_18 = tpu.memref_slice %arg17[%dma_start3A] : memref<2560xi32, #tpu.memory_space<vmem>> -> memref<512xi32, #tpu.memory_space<vmem>>
      %dma_start3A_19 = tpu.memref_slice %arg8[%add3A_10] : memref<81920xi32, #tpu.memory_space<hbm>> -> memref<512xi32, #tpu.memory_space<hbm>>
      %dma_start3A_20 = arith.constant 1536 : i32
      %dma_start3A_21 = tpu.memref_slice %arg17[%dma_start3A_20] : memref<2560xi32, #tpu.memory_space<vmem>> -> memref<512xi32, #tpu.memory_space<vmem>>
      %dma_start3A_22 = tpu.memref_slice %arg8[%add3A_10] : memref<81920xi32, #tpu.memory_space<hbm>> -> memref<512xi32, #tpu.memory_space<hbm>>
      tpu.enqueue_dma source(%dma_start3A_22 : memref<512xi32, #tpu.memory_space<hbm>>) target(%dma_start3A_21 : memref<512xi32, #tpu.memory_space<vmem>>) target_semaphore(%run_scoped3A : memref<!tpu.dma_semaphore, #tpu.memory_space<semaphore_mem>>)
      %dma_wait3A = arith.constant 1536 : i32
      %dma_wait3A_23 = tpu.memref_slice %arg17[%dma_wait3A] : memref<2560xi32, #tpu.memory_space<vmem>> -> memref<512xi32, #tpu.memory_space<vmem>>
      %dma_wait3A_24 = tpu.memref_slice %arg8[%add3A_10] : memref<81920xi32, #tpu.memory_space<hbm>> -> memref<512xi32, #tpu.memory_space<hbm>>
      %dma_wait3A_25 = arith.constant 1536 : i32
      %dma_wait3A_26 = tpu.memref_slice %arg17[%dma_wait3A_25] : memref<2560xi32, #tpu.memory_space<vmem>> -> memref<512xi32, #tpu.memory_space<vmem>>
      %dma_wait3A_27 = tpu.memref_slice %arg8[%add3A_10] : memref<81920xi32, #tpu.memory_space<hbm>> -> memref<512xi32, #tpu.memory_space<hbm>>
      tpu.wait_dma2 semaphore(%run_scoped3A : memref<!tpu.dma_semaphore, #tpu.memory_space<semaphore_mem>>) src(%dma_wait3A_27 : memref<512xi32, #tpu.memory_space<hbm>>) dst(%dma_wait3A_26 : memref<512xi32, #tpu.memory_space<vmem>>)
      tpu.yield
    }) : () -> ()
    "tpu.region"() ({
      %run_scoped3A = tpu.sem_alloc : memref<!tpu.dma_semaphore, #tpu.memory_space<semaphore_mem>>
      %dma_start3A = arith.constant 1536 : i32
      %dma_start3A_18 = tpu.memref_slice %arg18[%dma_start3A] : memref<2560xi32, #tpu.memory_space<vmem>> -> memref<512xi32, #tpu.memory_space<vmem>>
      %dma_start3A_19 = tpu.memref_slice %arg11[%add3A_10] : memref<81920xi32, #tpu.memory_space<hbm>> -> memref<512xi32, #tpu.memory_space<hbm>>
      %dma_start3A_20 = arith.constant 1536 : i32
      %dma_start3A_21 = tpu.memref_slice %arg18[%dma_start3A_20] : memref<2560xi32, #tpu.memory_space<vmem>> -> memref<512xi32, #tpu.memory_space<vmem>>
      %dma_start3A_22 = tpu.memref_slice %arg11[%add3A_10] : memref<81920xi32, #tpu.memory_space<hbm>> -> memref<512xi32, #tpu.memory_space<hbm>>
      tpu.enqueue_dma source(%dma_start3A_22 : memref<512xi32, #tpu.memory_space<hbm>>) target(%dma_start3A_21 : memref<512xi32, #tpu.memory_space<vmem>>) target_semaphore(%run_scoped3A : memref<!tpu.dma_semaphore, #tpu.memory_space<semaphore_mem>>)
      %dma_wait3A = arith.constant 1536 : i32
      %dma_wait3A_23 = tpu.memref_slice %arg18[%dma_wait3A] : memref<2560xi32, #tpu.memory_space<vmem>> -> memref<512xi32, #tpu.memory_space<vmem>>
      %dma_wait3A_24 = tpu.memref_slice %arg11[%add3A_10] : memref<81920xi32, #tpu.memory_space<hbm>> -> memref<512xi32, #tpu.memory_space<hbm>>
      %dma_wait3A_25 = arith.constant 1536 : i32
      %dma_wait3A_26 = tpu.memref_slice %arg18[%dma_wait3A_25] : memref<2560xi32, #tpu.memory_space<vmem>> -> memref<512xi32, #tpu.memory_space<vmem>>
      %dma_wait3A_27 = tpu.memref_slice %arg11[%add3A_10] : memref<81920xi32, #tpu.memory_space<hbm>> -> memref<512xi32, #tpu.memory_space<hbm>>
      tpu.wait_dma2 semaphore(%run_scoped3A : memref<!tpu.dma_semaphore, #tpu.memory_space<semaphore_mem>>) src(%dma_wait3A_27 : memref<512xi32, #tpu.memory_space<hbm>>) dst(%dma_wait3A_26 : memref<512xi32, #tpu.memory_space<vmem>>)
      tpu.yield
    }) : () -> ()
    "tpu.region"() ({
      %run_scoped3A = tpu.sem_alloc : memref<!tpu.dma_semaphore, #tpu.memory_space<semaphore_mem>>
      %dma_start3A = arith.constant 1536 : i32
      %dma_start3A_18 = tpu.memref_slice %arg23[%dma_start3A] : memref<2560xf32, #tpu.memory_space<vmem>> -> memref<512xf32, #tpu.memory_space<vmem>>
      %dma_start3A_19 = tpu.memref_slice %arg10[%add3A_10] : memref<81920xf32, #tpu.memory_space<hbm>> -> memref<512xf32, #tpu.memory_space<hbm>>
      %dma_start3A_20 = arith.constant 1536 : i32
      %dma_start3A_21 = tpu.memref_slice %arg23[%dma_start3A_20] : memref<2560xf32, #tpu.memory_space<vmem>> -> memref<512xf32, #tpu.memory_space<vmem>>
      %dma_start3A_22 = tpu.memref_slice %arg10[%add3A_10] : memref<81920xf32, #tpu.memory_space<hbm>> -> memref<512xf32, #tpu.memory_space<hbm>>
      tpu.enqueue_dma source(%dma_start3A_22 : memref<512xf32, #tpu.memory_space<hbm>>) target(%dma_start3A_21 : memref<512xf32, #tpu.memory_space<vmem>>) target_semaphore(%run_scoped3A : memref<!tpu.dma_semaphore, #tpu.memory_space<semaphore_mem>>)
      %dma_wait3A = arith.constant 1536 : i32
      %dma_wait3A_23 = tpu.memref_slice %arg23[%dma_wait3A] : memref<2560xf32, #tpu.memory_space<vmem>> -> memref<512xf32, #tpu.memory_space<vmem>>
      %dma_wait3A_24 = tpu.memref_slice %arg10[%add3A_10] : memref<81920xf32, #tpu.memory_space<hbm>> -> memref<512xf32, #tpu.memory_space<hbm>>
      %dma_wait3A_25 = arith.constant 1536 : i32
      %dma_wait3A_26 = tpu.memref_slice %arg23[%dma_wait3A_25] : memref<2560xf32, #tpu.memory_space<vmem>> -> memref<512xf32, #tpu.memory_space<vmem>>
      %dma_wait3A_27 = tpu.memref_slice %arg10[%add3A_10] : memref<81920xf32, #tpu.memory_space<hbm>> -> memref<512xf32, #tpu.memory_space<hbm>>
      tpu.wait_dma2 semaphore(%run_scoped3A : memref<!tpu.dma_semaphore, #tpu.memory_space<semaphore_mem>>) src(%dma_wait3A_27 : memref<512xf32, #tpu.memory_space<hbm>>) dst(%dma_wait3A_26 : memref<512xf32, #tpu.memory_space<vmem>>)
      tpu.yield
    }) : () -> ()
    "tpu.region"() ({
      %run_scoped3A = tpu.sem_alloc : memref<!tpu.dma_semaphore, #tpu.memory_space<semaphore_mem>>
      %dma_start3A = arith.constant 1536 : i32
      %dma_start3A_18 = tpu.memref_slice %arg24[%dma_start3A] : memref<2560xf32, #tpu.memory_space<vmem>> -> memref<512xf32, #tpu.memory_space<vmem>>
      %dma_start3A_19 = tpu.memref_slice %arg13[%add3A_10] : memref<81920xf32, #tpu.memory_space<hbm>> -> memref<512xf32, #tpu.memory_space<hbm>>
      %dma_start3A_20 = arith.constant 1536 : i32
      %dma_start3A_21 = tpu.memref_slice %arg24[%dma_start3A_20] : memref<2560xf32, #tpu.memory_space<vmem>> -> memref<512xf32, #tpu.memory_space<vmem>>
      %dma_start3A_22 = tpu.memref_slice %arg13[%add3A_10] : memref<81920xf32, #tpu.memory_space<hbm>> -> memref<512xf32, #tpu.memory_space<hbm>>
      tpu.enqueue_dma source(%dma_start3A_22 : memref<512xf32, #tpu.memory_space<hbm>>) target(%dma_start3A_21 : memref<512xf32, #tpu.memory_space<vmem>>) target_semaphore(%run_scoped3A : memref<!tpu.dma_semaphore, #tpu.memory_space<semaphore_mem>>)
      %dma_wait3A = arith.constant 1536 : i32
      %dma_wait3A_23 = tpu.memref_slice %arg24[%dma_wait3A] : memref<2560xf32, #tpu.memory_space<vmem>> -> memref<512xf32, #tpu.memory_space<vmem>>
      %dma_wait3A_24 = tpu.memref_slice %arg13[%add3A_10] : memref<81920xf32, #tpu.memory_space<hbm>> -> memref<512xf32, #tpu.memory_space<hbm>>
      %dma_wait3A_25 = arith.constant 1536 : i32
      %dma_wait3A_26 = tpu.memref_slice %arg24[%dma_wait3A_25] : memref<2560xf32, #tpu.memory_space<vmem>> -> memref<512xf32, #tpu.memory_space<vmem>>
      %dma_wait3A_27 = tpu.memref_slice %arg13[%add3A_10] : memref<81920xf32, #tpu.memory_space<hbm>> -> memref<512xf32, #tpu.memory_space<hbm>>
      tpu.wait_dma2 semaphore(%run_scoped3A : memref<!tpu.dma_semaphore, #tpu.memory_space<semaphore_mem>>) src(%dma_wait3A_27 : memref<512xf32, #tpu.memory_space<hbm>>) dst(%dma_wait3A_26 : memref<512xf32, #tpu.memory_space<vmem>>)
      tpu.yield
    }) : () -> ()
    %add3A_11 = arith.constant 65536 : i32
    %add3A_12 = arith.addi %add3A_11, %multiple_of3A : i32
    "tpu.region"() ({
      %run_scoped3A = tpu.sem_alloc : memref<!tpu.dma_semaphore, #tpu.memory_space<semaphore_mem>>
      %dma_start3A = arith.constant 2048 : i32
      %dma_start3A_18 = tpu.memref_slice %arg16[%dma_start3A] : memref<2560xi32, #tpu.memory_space<vmem>> -> memref<512xi32, #tpu.memory_space<vmem>>
      %dma_start3A_19 = tpu.memref_slice %arg6[%add3A_12] : memref<81920xi32, #tpu.memory_space<hbm>> -> memref<512xi32, #tpu.memory_space<hbm>>
      %dma_start3A_20 = arith.constant 2048 : i32
      %dma_start3A_21 = tpu.memref_slice %arg16[%dma_start3A_20] : memref<2560xi32, #tpu.memory_space<vmem>> -> memref<512xi32, #tpu.memory_space<vmem>>
      %dma_start3A_22 = tpu.memref_slice %arg6[%add3A_12] : memref<81920xi32, #tpu.memory_space<hbm>> -> memref<512xi32, #tpu.memory_space<hbm>>
      tpu.enqueue_dma source(%dma_start3A_22 : memref<512xi32, #tpu.memory_space<hbm>>) target(%dma_start3A_21 : memref<512xi32, #tpu.memory_space<vmem>>) target_semaphore(%run_scoped3A : memref<!tpu.dma_semaphore, #tpu.memory_space<semaphore_mem>>)
      %dma_wait3A = arith.constant 2048 : i32
      %dma_wait3A_23 = tpu.memref_slice %arg16[%dma_wait3A] : memref<2560xi32, #tpu.memory_space<vmem>> -> memref<512xi32, #tpu.memory_space<vmem>>
      %dma_wait3A_24 = tpu.memref_slice %arg6[%add3A_12] : memref<81920xi32, #tpu.memory_space<hbm>> -> memref<512xi32, #tpu.memory_space<hbm>>
      %dma_wait3A_25 = arith.constant 2048 : i32
      %dma_wait3A_26 = tpu.memref_slice %arg16[%dma_wait3A_25] : memref<2560xi32, #tpu.memory_space<vmem>> -> memref<512xi32, #tpu.memory_space<vmem>>
      %dma_wait3A_27 = tpu.memref_slice %arg6[%add3A_12] : memref<81920xi32, #tpu.memory_space<hbm>> -> memref<512xi32, #tpu.memory_space<hbm>>
      tpu.wait_dma2 semaphore(%run_scoped3A : memref<!tpu.dma_semaphore, #tpu.memory_space<semaphore_mem>>) src(%dma_wait3A_27 : memref<512xi32, #tpu.memory_space<hbm>>) dst(%dma_wait3A_26 : memref<512xi32, #tpu.memory_space<vmem>>)
      tpu.yield
    }) : () -> ()
    "tpu.region"() ({
      %run_scoped3A = tpu.sem_alloc : memref<!tpu.dma_semaphore, #tpu.memory_space<semaphore_mem>>
      %dma_start3A = arith.constant 2048 : i32
      %dma_start3A_18 = tpu.memref_slice %arg17[%dma_start3A] : memref<2560xi32, #tpu.memory_space<vmem>> -> memref<512xi32, #tpu.memory_space<vmem>>
      %dma_start3A_19 = tpu.memref_slice %arg8[%add3A_12] : memref<81920xi32, #tpu.memory_space<hbm>> -> memref<512xi32, #tpu.memory_space<hbm>>
      %dma_start3A_20 = arith.constant 2048 : i32
      %dma_start3A_21 = tpu.memref_slice %arg17[%dma_start3A_20] : memref<2560xi32, #tpu.memory_space<vmem>> -> memref<512xi32, #tpu.memory_space<vmem>>
      %dma_start3A_22 = tpu.memref_slice %arg8[%add3A_12] : memref<81920xi32, #tpu.memory_space<hbm>> -> memref<512xi32, #tpu.memory_space<hbm>>
      tpu.enqueue_dma source(%dma_start3A_22 : memref<512xi32, #tpu.memory_space<hbm>>) target(%dma_start3A_21 : memref<512xi32, #tpu.memory_space<vmem>>) target_semaphore(%run_scoped3A : memref<!tpu.dma_semaphore, #tpu.memory_space<semaphore_mem>>)
      %dma_wait3A = arith.constant 2048 : i32
      %dma_wait3A_23 = tpu.memref_slice %arg17[%dma_wait3A] : memref<2560xi32, #tpu.memory_space<vmem>> -> memref<512xi32, #tpu.memory_space<vmem>>
      %dma_wait3A_24 = tpu.memref_slice %arg8[%add3A_12] : memref<81920xi32, #tpu.memory_space<hbm>> -> memref<512xi32, #tpu.memory_space<hbm>>
      %dma_wait3A_25 = arith.constant 2048 : i32
      %dma_wait3A_26 = tpu.memref_slice %arg17[%dma_wait3A_25] : memref<2560xi32, #tpu.memory_space<vmem>> -> memref<512xi32, #tpu.memory_space<vmem>>
      %dma_wait3A_27 = tpu.memref_slice %arg8[%add3A_12] : memref<81920xi32, #tpu.memory_space<hbm>> -> memref<512xi32, #tpu.memory_space<hbm>>
      tpu.wait_dma2 semaphore(%run_scoped3A : memref<!tpu.dma_semaphore, #tpu.memory_space<semaphore_mem>>) src(%dma_wait3A_27 : memref<512xi32, #tpu.memory_space<hbm>>) dst(%dma_wait3A_26 : memref<512xi32, #tpu.memory_space<vmem>>)
      tpu.yield
    }) : () -> ()
    "tpu.region"() ({
      %run_scoped3A = tpu.sem_alloc : memref<!tpu.dma_semaphore, #tpu.memory_space<semaphore_mem>>
      %dma_start3A = arith.constant 2048 : i32
      %dma_start3A_18 = tpu.memref_slice %arg18[%dma_start3A] : memref<2560xi32, #tpu.memory_space<vmem>> -> memref<512xi32, #tpu.memory_space<vmem>>
      %dma_start3A_19 = tpu.memref_slice %arg11[%add3A_12] : memref<81920xi32, #tpu.memory_space<hbm>> -> memref<512xi32, #tpu.memory_space<hbm>>
      %dma_start3A_20 = arith.constant 2048 : i32
      %dma_start3A_21 = tpu.memref_slice %arg18[%dma_start3A_20] : memref<2560xi32, #tpu.memory_space<vmem>> -> memref<512xi32, #tpu.memory_space<vmem>>
      %dma_start3A_22 = tpu.memref_slice %arg11[%add3A_12] : memref<81920xi32, #tpu.memory_space<hbm>> -> memref<512xi32, #tpu.memory_space<hbm>>
      tpu.enqueue_dma source(%dma_start3A_22 : memref<512xi32, #tpu.memory_space<hbm>>) target(%dma_start3A_21 : memref<512xi32, #tpu.memory_space<vmem>>) target_semaphore(%run_scoped3A : memref<!tpu.dma_semaphore, #tpu.memory_space<semaphore_mem>>)
      %dma_wait3A = arith.constant 2048 : i32
      %dma_wait3A_23 = tpu.memref_slice %arg18[%dma_wait3A] : memref<2560xi32, #tpu.memory_space<vmem>> -> memref<512xi32, #tpu.memory_space<vmem>>
      %dma_wait3A_24 = tpu.memref_slice %arg11[%add3A_12] : memref<81920xi32, #tpu.memory_space<hbm>> -> memref<512xi32, #tpu.memory_space<hbm>>
      %dma_wait3A_25 = arith.constant 2048 : i32
      %dma_wait3A_26 = tpu.memref_slice %arg18[%dma_wait3A_25] : memref<2560xi32, #tpu.memory_space<vmem>> -> memref<512xi32, #tpu.memory_space<vmem>>
      %dma_wait3A_27 = tpu.memref_slice %arg11[%add3A_12] : memref<81920xi32, #tpu.memory_space<hbm>> -> memref<512xi32, #tpu.memory_space<hbm>>
      tpu.wait_dma2 semaphore(%run_scoped3A : memref<!tpu.dma_semaphore, #tpu.memory_space<semaphore_mem>>) src(%dma_wait3A_27 : memref<512xi32, #tpu.memory_space<hbm>>) dst(%dma_wait3A_26 : memref<512xi32, #tpu.memory_space<vmem>>)
      tpu.yield
    }) : () -> ()
    "tpu.region"() ({
      %run_scoped3A = tpu.sem_alloc : memref<!tpu.dma_semaphore, #tpu.memory_space<semaphore_mem>>
      %dma_start3A = arith.constant 2048 : i32
      %dma_start3A_18 = tpu.memref_slice %arg23[%dma_start3A] : memref<2560xf32, #tpu.memory_space<vmem>> -> memref<512xf32, #tpu.memory_space<vmem>>
      %dma_start3A_19 = tpu.memref_slice %arg10[%add3A_12] : memref<81920xf32, #tpu.memory_space<hbm>> -> memref<512xf32, #tpu.memory_space<hbm>>
      %dma_start3A_20 = arith.constant 2048 : i32
      %dma_start3A_21 = tpu.memref_slice %arg23[%dma_start3A_20] : memref<2560xf32, #tpu.memory_space<vmem>> -> memref<512xf32, #tpu.memory_space<vmem>>
      %dma_start3A_22 = tpu.memref_slice %arg10[%add3A_12] : memref<81920xf32, #tpu.memory_space<hbm>> -> memref<512xf32, #tpu.memory_space<hbm>>
      tpu.enqueue_dma source(%dma_start3A_22 : memref<512xf32, #tpu.memory_space<hbm>>) target(%dma_start3A_21 : memref<512xf32, #tpu.memory_space<vmem>>) target_semaphore(%run_scoped3A : memref<!tpu.dma_semaphore, #tpu.memory_space<semaphore_mem>>)
      %dma_wait3A = arith.constant 2048 : i32
      %dma_wait3A_23 = tpu.memref_slice %arg23[%dma_wait3A] : memref<2560xf32, #tpu.memory_space<vmem>> -> memref<512xf32, #tpu.memory_space<vmem>>
      %dma_wait3A_24 = tpu.memref_slice %arg10[%add3A_12] : memref<81920xf32, #tpu.memory_space<hbm>> -> memref<512xf32, #tpu.memory_space<hbm>>
      %dma_wait3A_25 = arith.constant 2048 : i32
      %dma_wait3A_26 = tpu.memref_slice %arg23[%dma_wait3A_25] : memref<2560xf32, #tpu.memory_space<vmem>> -> memref<512xf32, #tpu.memory_space<vmem>>
      %dma_wait3A_27 = tpu.memref_slice %arg10[%add3A_12] : memref<81920xf32, #tpu.memory_space<hbm>> -> memref<512xf32, #tpu.memory_space<hbm>>
      tpu.wait_dma2 semaphore(%run_scoped3A : memref<!tpu.dma_semaphore, #tpu.memory_space<semaphore_mem>>) src(%dma_wait3A_27 : memref<512xf32, #tpu.memory_space<hbm>>) dst(%dma_wait3A_26 : memref<512xf32, #tpu.memory_space<vmem>>)
      tpu.yield
    }) : () -> ()
    "tpu.region"() ({
      %run_scoped3A = tpu.sem_alloc : memref<!tpu.dma_semaphore, #tpu.memory_space<semaphore_mem>>
      %dma_start3A = arith.constant 2048 : i32
      %dma_start3A_18 = tpu.memref_slice %arg24[%dma_start3A] : memref<2560xf32, #tpu.memory_space<vmem>> -> memref<512xf32, #tpu.memory_space<vmem>>
      %dma_start3A_19 = tpu.memref_slice %arg13[%add3A_12] : memref<81920xf32, #tpu.memory_space<hbm>> -> memref<512xf32, #tpu.memory_space<hbm>>
      %dma_start3A_20 = arith.constant 2048 : i32
      %dma_start3A_21 = tpu.memref_slice %arg24[%dma_start3A_20] : memref<2560xf32, #tpu.memory_space<vmem>> -> memref<512xf32, #tpu.memory_space<vmem>>
      %dma_start3A_22 = tpu.memref_slice %arg13[%add3A_12] : memref<81920xf32, #tpu.memory_space<hbm>> -> memref<512xf32, #tpu.memory_space<hbm>>
      tpu.enqueue_dma source(%dma_start3A_22 : memref<512xf32, #tpu.memory_space<hbm>>) target(%dma_start3A_21 : memref<512xf32, #tpu.memory_space<vmem>>) target_semaphore(%run_scoped3A : memref<!tpu.dma_semaphore, #tpu.memory_space<semaphore_mem>>)
      %dma_wait3A = arith.constant 2048 : i32
      %dma_wait3A_23 = tpu.memref_slice %arg24[%dma_wait3A] : memref<2560xf32, #tpu.memory_space<vmem>> -> memref<512xf32, #tpu.memory_space<vmem>>
      %dma_wait3A_24 = tpu.memref_slice %arg13[%add3A_12] : memref<81920xf32, #tpu.memory_space<hbm>> -> memref<512xf32, #tpu.memory_space<hbm>>
      %dma_wait3A_25 = arith.constant 2048 : i32
      %dma_wait3A_26 = tpu.memref_slice %arg24[%dma_wait3A_25] : memref<2560xf32, #tpu.memory_space<vmem>> -> memref<512xf32, #tpu.memory_space<vmem>>
      %dma_wait3A_27 = tpu.memref_slice %arg13[%add3A_12] : memref<81920xf32, #tpu.memory_space<hbm>> -> memref<512xf32, #tpu.memory_space<hbm>>
      tpu.wait_dma2 semaphore(%run_scoped3A : memref<!tpu.dma_semaphore, #tpu.memory_space<semaphore_mem>>) src(%dma_wait3A_27 : memref<512xf32, #tpu.memory_space<hbm>>) dst(%dma_wait3A_26 : memref<512xf32, #tpu.memory_space<vmem>>)
      tpu.yield
    }) : () -> ()
    "tpu.region"() ({
      %run_scoped3A = tpu.sem_alloc : memref<!tpu.dma_semaphore, #tpu.memory_space<semaphore_mem>>
      %dma_start3A = tpu.memref_slice %arg7[%multiple_of3A] : memref<16384xi32, #tpu.memory_space<hbm>> -> memref<512xi32, #tpu.memory_space<hbm>>
      %dma_start3A_18 = tpu.memref_slice %arg7[%multiple_of3A] : memref<16384xi32, #tpu.memory_space<hbm>> -> memref<512xi32, #tpu.memory_space<hbm>>
      tpu.enqueue_dma source(%dma_start3A_18 : memref<512xi32, #tpu.memory_space<hbm>>) target(%arg19 : memref<512xi32, #tpu.memory_space<vmem>>) target_semaphore(%run_scoped3A : memref<!tpu.dma_semaphore, #tpu.memory_space<semaphore_mem>>)
      %dma_wait3A = tpu.memref_slice %arg7[%multiple_of3A] : memref<16384xi32, #tpu.memory_space<hbm>> -> memref<512xi32, #tpu.memory_space<hbm>>
      %dma_wait3A_19 = tpu.memref_slice %arg7[%multiple_of3A] : memref<16384xi32, #tpu.memory_space<hbm>> -> memref<512xi32, #tpu.memory_space<hbm>>
      tpu.wait_dma2 semaphore(%run_scoped3A : memref<!tpu.dma_semaphore, #tpu.memory_space<semaphore_mem>>) src(%dma_wait3A_19 : memref<512xi32, #tpu.memory_space<hbm>>) dst(%arg19 : memref<512xi32, #tpu.memory_space<vmem>>)
      tpu.yield
    }) : () -> ()
    "tpu.region"() ({
      %run_scoped3A = tpu.sem_alloc : memref<!tpu.dma_semaphore, #tpu.memory_space<semaphore_mem>>
      %dma_start3A = tpu.memref_slice %arg9[%multiple_of3A] : memref<16384xi32, #tpu.memory_space<hbm>> -> memref<512xi32, #tpu.memory_space<hbm>>
      %dma_start3A_18 = tpu.memref_slice %arg9[%multiple_of3A] : memref<16384xi32, #tpu.memory_space<hbm>> -> memref<512xi32, #tpu.memory_space<hbm>>
      tpu.enqueue_dma source(%dma_start3A_18 : memref<512xi32, #tpu.memory_space<hbm>>) target(%arg20 : memref<512xi32, #tpu.memory_space<vmem>>) target_semaphore(%run_scoped3A : memref<!tpu.dma_semaphore, #tpu.memory_space<semaphore_mem>>)
      %dma_wait3A = tpu.memref_slice %arg9[%multiple_of3A] : memref<16384xi32, #tpu.memory_space<hbm>> -> memref<512xi32, #tpu.memory_space<hbm>>
      %dma_wait3A_19 = tpu.memref_slice %arg9[%multiple_of3A] : memref<16384xi32, #tpu.memory_space<hbm>> -> memref<512xi32, #tpu.memory_space<hbm>>
      tpu.wait_dma2 semaphore(%run_scoped3A : memref<!tpu.dma_semaphore, #tpu.memory_space<semaphore_mem>>) src(%dma_wait3A_19 : memref<512xi32, #tpu.memory_space<hbm>>) dst(%arg20 : memref<512xi32, #tpu.memory_space<vmem>>)
      tpu.yield
    }) : () -> ()
    "tpu.region"() ({
      %run_scoped3A = tpu.sem_alloc : memref<!tpu.dma_semaphore, #tpu.memory_space<semaphore_mem>>
      %dma_start3A = tpu.memref_slice %arg12[%multiple_of3A] : memref<16384xi32, #tpu.memory_space<hbm>> -> memref<512xi32, #tpu.memory_space<hbm>>
      %dma_start3A_18 = tpu.memref_slice %arg12[%multiple_of3A] : memref<16384xi32, #tpu.memory_space<hbm>> -> memref<512xi32, #tpu.memory_space<hbm>>
      tpu.enqueue_dma source(%dma_start3A_18 : memref<512xi32, #tpu.memory_space<hbm>>) target(%arg21 : memref<512xi32, #tpu.memory_space<vmem>>) target_semaphore(%run_scoped3A : memref<!tpu.dma_semaphore, #tpu.memory_space<semaphore_mem>>)
      %dma_wait3A = tpu.memref_slice %arg12[%multiple_of3A] : memref<16384xi32, #tpu.memory_space<hbm>> -> memref<512xi32, #tpu.memory_space<hbm>>
      %dma_wait3A_19 = tpu.memref_slice %arg12[%multiple_of3A] : memref<16384xi32, #tpu.memory_space<hbm>> -> memref<512xi32, #tpu.memory_space<hbm>>
      tpu.wait_dma2 semaphore(%run_scoped3A : memref<!tpu.dma_semaphore, #tpu.memory_space<semaphore_mem>>) src(%dma_wait3A_19 : memref<512xi32, #tpu.memory_space<hbm>>) dst(%arg21 : memref<512xi32, #tpu.memory_space<vmem>>)
      tpu.yield
    }) : () -> ()
    "tpu.region"() ({
      %run_scoped3A = tpu.sem_alloc : memref<!tpu.dma_semaphore, #tpu.memory_space<semaphore_mem>>
      %dma_start3A = tpu.memref_slice %arg14[%multiple_of3A] : memref<16384xi32, #tpu.memory_space<hbm>> -> memref<512xi32, #tpu.memory_space<hbm>>
      %dma_start3A_18 = tpu.memref_slice %arg14[%multiple_of3A] : memref<16384xi32, #tpu.memory_space<hbm>> -> memref<512xi32, #tpu.memory_space<hbm>>
      tpu.enqueue_dma source(%dma_start3A_18 : memref<512xi32, #tpu.memory_space<hbm>>) target(%arg22 : memref<512xi32, #tpu.memory_space<vmem>>) target_semaphore(%run_scoped3A : memref<!tpu.dma_semaphore, #tpu.memory_space<semaphore_mem>>)
      %dma_wait3A = tpu.memref_slice %arg14[%multiple_of3A] : memref<16384xi32, #tpu.memory_space<hbm>> -> memref<512xi32, #tpu.memory_space<hbm>>
      %dma_wait3A_19 = tpu.memref_slice %arg14[%multiple_of3A] : memref<16384xi32, #tpu.memory_space<hbm>> -> memref<512xi32, #tpu.memory_space<hbm>>
      tpu.wait_dma2 semaphore(%run_scoped3A : memref<!tpu.dma_semaphore, #tpu.memory_space<semaphore_mem>>) src(%dma_wait3A_19 : memref<512xi32, #tpu.memory_space<hbm>>) dst(%arg22 : memref<512xi32, #tpu.memory_space<vmem>>)
      tpu.yield
    }) : () -> ()
    %scan3A = arith.constant 0 : i32
    %scan3A_13 = arith.constant 0 : i32
    %scan3A_14 = arith.constant 32 : i32
    %scan3A_15 = arith.addi %scan3A_13, %scan3A_14 : i32
    %scan3A_16 = arith.constant 1 : i32
    scf.for %scan3A_18 = %scan3A_13 to %scan3A_15 step %scan3A_16  : i32 {
      %mul3A_19 = arith.constant 16 : i32
      %mul3A_20 = arith.muli %scan3A_18, %mul3A_19 : i32
      %add3A_21 = arith.addi %multiple_of3A, %mul3A_20 : i32
      %mul3A_22 = arith.constant 16 : i32
      %mul3A_23 = arith.muli %scan3A_18, %mul3A_22 : i32
      %mul3A_24 = arith.constant 16 : i32
      %mul3A_25 = arith.muli %scan3A_18, %mul3A_24 : i32
      %add3A_26 = arith.constant 0 : i32
      %add3A_27 = arith.addi %add3A_26, %mul3A_25 : i32
      %get3A = arith.index_cast %add3A_27 : i32 to index
      %get3A_28 = tpu.vector_load %arg16[%get3A] {strides = array<i32>} : memref<2560xi32, #tpu.memory_space<vmem>>, vector<16xi32>,
      %get3A_29 = vector.shape_cast %get3A_28 : vector<16xi32> to vector<16xi32>
      %swap3A = arith.constant 0 : index
      %swap3A_30 = tpu.vector_load %arg25[%swap3A] {strides = array<i32>} : memref<96xi32, #tpu.memory_space<vmem>>, vector<16xi32>,
      %swap3A_31 = vector.shape_cast %swap3A_30 : vector<16xi32> to vector<16xi32>
      %swap3A_32 = vector.shape_cast %get3A_29 : vector<16xi32> to vector<16xi32>
      tpu.vector_store %arg25[%swap3A], %swap3A_32 {strides = array<i32>} : memref<96xi32, #tpu.memory_space<vmem>>, vector<16xi32>,
      %get3A_33 = arith.index_cast %add3A_27 : i32 to index
      %get3A_34 = tpu.vector_load %arg17[%get3A_33] {strides = array<i32>} : memref<2560xi32, #tpu.memory_space<vmem>>, vector<16xi32>,
      %get3A_35 = vector.shape_cast %get3A_34 : vector<16xi32> to vector<16xi32>
      %swap3A_36 = arith.constant 0 : index
      %swap3A_37 = tpu.vector_load %arg26[%swap3A_36] {strides = array<i32>} : memref<96xi32, #tpu.memory_space<vmem>>, vector<16xi32>,
      %swap3A_38 = vector.shape_cast %swap3A_37 : vector<16xi32> to vector<16xi32>
      %swap3A_39 = vector.shape_cast %get3A_35 : vector<16xi32> to vector<16xi32>
      tpu.vector_store %arg26[%swap3A_36], %swap3A_39 {strides = array<i32>} : memref<96xi32, #tpu.memory_space<vmem>>, vector<16xi32>,
      %get3A_40 = arith.index_cast %add3A_27 : i32 to index
      %get3A_41 = tpu.vector_load %arg18[%get3A_40] {strides = array<i32>} : memref<2560xi32, #tpu.memory_space<vmem>>, vector<16xi32>,
      %get3A_42 = vector.shape_cast %get3A_41 : vector<16xi32> to vector<16xi32>
      %swap3A_43 = arith.constant 0 : index
      %swap3A_44 = tpu.vector_load %arg27[%swap3A_43] {strides = array<i32>} : memref<96xi32, #tpu.memory_space<vmem>>, vector<16xi32>,
      %swap3A_45 = vector.shape_cast %swap3A_44 : vector<16xi32> to vector<16xi32>
      %swap3A_46 = vector.shape_cast %get3A_42 : vector<16xi32> to vector<16xi32>
      tpu.vector_store %arg27[%swap3A_43], %swap3A_46 {strides = array<i32>} : memref<96xi32, #tpu.memory_space<vmem>>, vector<16xi32>,
      %mul3A_47 = arith.constant 16 : i32
      %mul3A_48 = arith.muli %scan3A_18, %mul3A_47 : i32
      %add3A_49 = arith.constant 512 : i32
      %add3A_50 = arith.addi %add3A_49, %mul3A_48 : i32
      %get3A_51 = arith.index_cast %add3A_50 : i32 to index
      %get3A_52 = tpu.vector_load %arg16[%get3A_51] {strides = array<i32>} : memref<2560xi32, #tpu.memory_space<vmem>>, vector<16xi32>,
      %get3A_53 = vector.shape_cast %get3A_52 : vector<16xi32> to vector<16xi32>
      %swap3A_54 = arith.constant 16 : index
      %swap3A_55 = tpu.vector_load %arg25[%swap3A_54] {strides = array<i32>} : memref<96xi32, #tpu.memory_space<vmem>>, vector<16xi32>,
      %swap3A_56 = vector.shape_cast %swap3A_55 : vector<16xi32> to vector<16xi32>
      %swap3A_57 = vector.shape_cast %get3A_53 : vector<16xi32> to vector<16xi32>
      tpu.vector_store %arg25[%swap3A_54], %swap3A_57 {strides = array<i32>} : memref<96xi32, #tpu.memory_space<vmem>>, vector<16xi32>,
      %get3A_58 = arith.index_cast %add3A_50 : i32 to index
      %get3A_59 = tpu.vector_load %arg17[%get3A_58] {strides = array<i32>} : memref<2560xi32, #tpu.memory_space<vmem>>, vector<16xi32>,
      %get3A_60 = vector.shape_cast %get3A_59 : vector<16xi32> to vector<16xi32>
      %swap3A_61 = arith.constant 16 : index
      %swap3A_62 = tpu.vector_load %arg26[%swap3A_61] {strides = array<i32>} : memref<96xi32, #tpu.memory_space<vmem>>, vector<16xi32>,
      %swap3A_63 = vector.shape_cast %swap3A_62 : vector<16xi32> to vector<16xi32>
      %swap3A_64 = vector.shape_cast %get3A_60 : vector<16xi32> to vector<16xi32>
      tpu.vector_store %arg26[%swap3A_61], %swap3A_64 {strides = array<i32>} : memref<96xi32, #tpu.memory_space<vmem>>, vector<16xi32>,
      %get3A_65 = arith.index_cast %add3A_50 : i32 to index
      %get3A_66 = tpu.vector_load %arg18[%get3A_65] {strides = array<i32>} : memref<2560xi32, #tpu.memory_space<vmem>>, vector<16xi32>,
      %get3A_67 = vector.shape_cast %get3A_66 : vector<16xi32> to vector<16xi32>
      %swap3A_68 = arith.constant 16 : index
      %swap3A_69 = tpu.vector_load %arg27[%swap3A_68] {strides = array<i32>} : memref<96xi32, #tpu.memory_space<vmem>>, vector<16xi32>,
      %swap3A_70 = vector.shape_cast %swap3A_69 : vector<16xi32> to vector<16xi32>
      %swap3A_71 = vector.shape_cast %get3A_67 : vector<16xi32> to vector<16xi32>
      tpu.vector_store %arg27[%swap3A_68], %swap3A_71 {strides = array<i32>} : memref<96xi32, #tpu.memory_space<vmem>>, vector<16xi32>,
      %mul3A_72 = arith.constant 16 : i32
      %mul3A_73 = arith.muli %scan3A_18, %mul3A_72 : i32
      %add3A_74 = arith.constant 1024 : i32
      %add3A_75 = arith.addi %add3A_74, %mul3A_73 : i32
      %get3A_76 = arith.index_cast %add3A_75 : i32 to index
      %get3A_77 = tpu.vector_load %arg16[%get3A_76] {strides = array<i32>} : memref<2560xi32, #tpu.memory_space<vmem>>, vector<16xi32>,
      %get3A_78 = vector.shape_cast %get3A_77 : vector<16xi32> to vector<16xi32>
      %swap3A_79 = arith.constant 32 : index
      %swap3A_80 = tpu.vector_load %arg25[%swap3A_79] {strides = array<i32>} : memref<96xi32, #tpu.memory_space<vmem>>, vector<16xi32>,
      %swap3A_81 = vector.shape_cast %swap3A_80 : vector<16xi32> to vector<16xi32>
      %swap3A_82 = vector.shape_cast %get3A_78 : vector<16xi32> to vector<16xi32>
      tpu.vector_store %arg25[%swap3A_79], %swap3A_82 {strides = array<i32>} : memref<96xi32, #tpu.memory_space<vmem>>, vector<16xi32>,
      %get3A_83 = arith.index_cast %add3A_75 : i32 to index
      %get3A_84 = tpu.vector_load %arg17[%get3A_83] {strides = array<i32>} : memref<2560xi32, #tpu.memory_space<vmem>>, vector<16xi32>,
      %get3A_85 = vector.shape_cast %get3A_84 : vector<16xi32> to vector<16xi32>
      %swap3A_86 = arith.constant 32 : index
      %swap3A_87 = tpu.vector_load %arg26[%swap3A_86] {strides = array<i32>} : memref<96xi32, #tpu.memory_space<vmem>>, vector<16xi32>,
      %swap3A_88 = vector.shape_cast %swap3A_87 : vector<16xi32> to vector<16xi32>
      %swap3A_89 = vector.shape_cast %get3A_85 : vector<16xi32> to vector<16xi32>
      tpu.vector_store %arg26[%swap3A_86], %swap3A_89 {strides = array<i32>} : memref<96xi32, #tpu.memory_space<vmem>>, vector<16xi32>,
      %get3A_90 = arith.index_cast %add3A_75 : i32 to index
      %get3A_91 = tpu.vector_load %arg18[%get3A_90] {strides = array<i32>} : memref<2560xi32, #tpu.memory_space<vmem>>, vector<16xi32>,
      %get3A_92 = vector.shape_cast %get3A_91 : vector<16xi32> to vector<16xi32>
      %swap3A_93 = arith.constant 32 : index
      %swap3A_94 = tpu.vector_load %arg27[%swap3A_93] {strides = array<i32>} : memref<96xi32, #tpu.memory_space<vmem>>, vector<16xi32>,
      %swap3A_95 = vector.shape_cast %swap3A_94 : vector<16xi32> to vector<16xi32>
      %swap3A_96 = vector.shape_cast %get3A_92 : vector<16xi32> to vector<16xi32>
      tpu.vector_store %arg27[%swap3A_93], %swap3A_96 {strides = array<i32>} : memref<96xi32, #tpu.memory_space<vmem>>, vector<16xi32>,
      %mul3A_97 = arith.constant 16 : i32
      %mul3A_98 = arith.muli %scan3A_18, %mul3A_97 : i32
      %add3A_99 = arith.constant 1536 : i32
      %add3A_100 = arith.addi %add3A_99, %mul3A_98 : i32
      %get3A_101 = arith.index_cast %add3A_100 : i32 to index
      %get3A_102 = tpu.vector_load %arg16[%get3A_101] {strides = array<i32>} : memref<2560xi32, #tpu.memory_space<vmem>>, vector<16xi32>,
      %get3A_103 = vector.shape_cast %get3A_102 : vector<16xi32> to vector<16xi32>
      %swap3A_104 = arith.constant 48 : index
      %swap3A_105 = tpu.vector_load %arg25[%swap3A_104] {strides = array<i32>} : memref<96xi32, #tpu.memory_space<vmem>>, vector<16xi32>,
      %swap3A_106 = vector.shape_cast %swap3A_105 : vector<16xi32> to vector<16xi32>
      %swap3A_107 = vector.shape_cast %get3A_103 : vector<16xi32> to vector<16xi32>
      tpu.vector_store %arg25[%swap3A_104], %swap3A_107 {strides = array<i32>} : memref<96xi32, #tpu.memory_space<vmem>>, vector<16xi32>,
      %get3A_108 = arith.index_cast %add3A_100 : i32 to index
      %get3A_109 = tpu.vector_load %arg17[%get3A_108] {strides = array<i32>} : memref<2560xi32, #tpu.memory_space<vmem>>, vector<16xi32>,
      %get3A_110 = vector.shape_cast %get3A_109 : vector<16xi32> to vector<16xi32>
      %swap3A_111 = arith.constant 48 : index
      %swap3A_112 = tpu.vector_load %arg26[%swap3A_111] {strides = array<i32>} : memref<96xi32, #tpu.memory_space<vmem>>, vector<16xi32>,
      %swap3A_113 = vector.shape_cast %swap3A_112 : vector<16xi32> to vector<16xi32>
      %swap3A_114 = vector.shape_cast %get3A_110 : vector<16xi32> to vector<16xi32>
      tpu.vector_store %arg26[%swap3A_111], %swap3A_114 {strides = array<i32>} : memref<96xi32, #tpu.memory_space<vmem>>, vector<16xi32>,
      %get3A_115 = arith.index_cast %add3A_100 : i32 to index
      %get3A_116 = tpu.vector_load %arg18[%get3A_115] {strides = array<i32>} : memref<2560xi32, #tpu.memory_space<vmem>>, vector<16xi32>,
      %get3A_117 = vector.shape_cast %get3A_116 : vector<16xi32> to vector<16xi32>
      %swap3A_118 = arith.constant 48 : index
      %swap3A_119 = tpu.vector_load %arg27[%swap3A_118] {strides = array<i32>} : memref<96xi32, #tpu.memory_space<vmem>>, vector<16xi32>,
      %swap3A_120 = vector.shape_cast %swap3A_119 : vector<16xi32> to vector<16xi32>
      %swap3A_121 = vector.shape_cast %get3A_117 : vector<16xi32> to vector<16xi32>
      tpu.vector_store %arg27[%swap3A_118], %swap3A_121 {strides = array<i32>} : memref<96xi32, #tpu.memory_space<vmem>>, vector<16xi32>,
      %mul3A_122 = arith.constant 16 : i32
      %mul3A_123 = arith.muli %scan3A_18, %mul3A_122 : i32
      %add3A_124 = arith.constant 2048 : i32
      %add3A_125 = arith.addi %add3A_124, %mul3A_123 : i32
      %get3A_126 = arith.index_cast %add3A_125 : i32 to index
      %get3A_127 = tpu.vector_load %arg16[%get3A_126] {strides = array<i32>} : memref<2560xi32, #tpu.memory_space<vmem>>, vector<16xi32>,
      %get3A_128 = vector.shape_cast %get3A_127 : vector<16xi32> to vector<16xi32>
      %swap3A_129 = arith.constant 64 : index
      %swap3A_130 = tpu.vector_load %arg25[%swap3A_129] {strides = array<i32>} : memref<96xi32, #tpu.memory_space<vmem>>, vector<16xi32>,
      %swap3A_131 = vector.shape_cast %swap3A_130 : vector<16xi32> to vector<16xi32>
      %swap3A_132 = vector.shape_cast %get3A_128 : vector<16xi32> to vector<16xi32>
      tpu.vector_store %arg25[%swap3A_129], %swap3A_132 {strides = array<i32>} : memref<96xi32, #tpu.memory_space<vmem>>, vector<16xi32>,
      %get3A_133 = arith.index_cast %add3A_125 : i32 to index
      %get3A_134 = tpu.vector_load %arg17[%get3A_133] {strides = array<i32>} : memref<2560xi32, #tpu.memory_space<vmem>>, vector<16xi32>,
      %get3A_135 = vector.shape_cast %get3A_134 : vector<16xi32> to vector<16xi32>
      %swap3A_136 = arith.constant 64 : index
      %swap3A_137 = tpu.vector_load %arg26[%swap3A_136] {strides = array<i32>} : memref<96xi32, #tpu.memory_space<vmem>>, vector<16xi32>,
      %swap3A_138 = vector.shape_cast %swap3A_137 : vector<16xi32> to vector<16xi32>
      %swap3A_139 = vector.shape_cast %get3A_135 : vector<16xi32> to vector<16xi32>
      tpu.vector_store %arg26[%swap3A_136], %swap3A_139 {strides = array<i32>} : memref<96xi32, #tpu.memory_space<vmem>>, vector<16xi32>,
      %get3A_140 = arith.index_cast %add3A_125 : i32 to index
      %get3A_141 = tpu.vector_load %arg18[%get3A_140] {strides = array<i32>} : memref<2560xi32, #tpu.memory_space<vmem>>, vector<16xi32>,
      %get3A_142 = vector.shape_cast %get3A_141 : vector<16xi32> to vector<16xi32>
      %swap3A_143 = arith.constant 64 : index
      %swap3A_144 = tpu.vector_load %arg27[%swap3A_143] {strides = array<i32>} : memref<96xi32, #tpu.memory_space<vmem>>, vector<16xi32>,
      %swap3A_145 = vector.shape_cast %swap3A_144 : vector<16xi32> to vector<16xi32>
      %swap3A_146 = vector.shape_cast %get3A_142 : vector<16xi32> to vector<16xi32>
      tpu.vector_store %arg27[%swap3A_143], %swap3A_146 {strides = array<i32>} : memref<96xi32, #tpu.memory_space<vmem>>, vector<16xi32>,
      %get3A_147 = arith.index_cast %mul3A_23 : i32 to index
      %get3A_148 = tpu.vector_load %arg19[%get3A_147] {strides = array<i32>} : memref<512xi32, #tpu.memory_space<vmem>>, vector<16xi32>,
      %get3A_149 = vector.shape_cast %get3A_148 : vector<16xi32> to vector<16xi32>
      %swap3A_150 = arith.constant 80 : index
      %swap3A_151 = tpu.vector_load %arg25[%swap3A_150] {strides = array<i32>} : memref<96xi32, #tpu.memory_space<vmem>>, vector<16xi32>,
      %swap3A_152 = vector.shape_cast %swap3A_151 : vector<16xi32> to vector<16xi32>
      %swap3A_153 = vector.shape_cast %get3A_149 : vector<16xi32> to vector<16xi32>
      tpu.vector_store %arg25[%swap3A_150], %swap3A_153 {strides = array<i32>} : memref<96xi32, #tpu.memory_space<vmem>>, vector<16xi32>,
      %get3A_154 = arith.index_cast %mul3A_23 : i32 to index
      %get3A_155 = tpu.vector_load %arg20[%get3A_154] {strides = array<i32>} : memref<512xi32, #tpu.memory_space<vmem>>, vector<16xi32>,
      %get3A_156 = vector.shape_cast %get3A_155 : vector<16xi32> to vector<16xi32>
      %swap3A_157 = arith.constant 80 : index
      %swap3A_158 = tpu.vector_load %arg26[%swap3A_157] {strides = array<i32>} : memref<96xi32, #tpu.memory_space<vmem>>, vector<16xi32>,
      %swap3A_159 = vector.shape_cast %swap3A_158 : vector<16xi32> to vector<16xi32>
      %swap3A_160 = vector.shape_cast %get3A_156 : vector<16xi32> to vector<16xi32>
      tpu.vector_store %arg26[%swap3A_157], %swap3A_160 {strides = array<i32>} : memref<96xi32, #tpu.memory_space<vmem>>, vector<16xi32>,
      %get3A_161 = arith.index_cast %mul3A_23 : i32 to index
      %get3A_162 = tpu.vector_load %arg21[%get3A_161] {strides = array<i32>} : memref<512xi32, #tpu.memory_space<vmem>>, vector<16xi32>,
      %get3A_163 = vector.shape_cast %get3A_162 : vector<16xi32> to vector<16xi32>
      %swap3A_164 = arith.constant 80 : index
      %swap3A_165 = tpu.vector_load %arg27[%swap3A_164] {strides = array<i32>} : memref<96xi32, #tpu.memory_space<vmem>>, vector<16xi32>,
      %swap3A_166 = vector.shape_cast %swap3A_165 : vector<16xi32> to vector<16xi32>
      %swap3A_167 = vector.shape_cast %get3A_163 : vector<16xi32> to vector<16xi32>
      tpu.vector_store %arg27[%swap3A_164], %swap3A_167 {strides = array<i32>} : memref<96xi32, #tpu.memory_space<vmem>>, vector<16xi32>,
      %dma_start3A = arith.constant 0 : i32
      %dma_start3A_168 = arith.constant 0 : i32
      %dma_start3A_169 = tpu.memref_slice %arg2[%dma_start3A, %dma_start3A_168] : memref<200000x64xf32, #tpu.memory_space<hbm>> -> memref<200000x64xf32, #tpu.memory_space<hbm>>
      tpu.enqueue_indirect_dma source(%dma_start3A_169 : memref<200000x64xf32, #tpu.memory_space<hbm>>) target(%arg28 : memref<96x64xf32, #tpu.memory_space<vmem>>) offsets(%arg25 : memref<96xi32, #tpu.memory_space<vmem>>) semaphore(%arg34 : memref<!tpu.dma_semaphore, #tpu.memory_space<semaphore_mem>>)
      %dma_start3A_170 = arith.constant 0 : i32
      %dma_start3A_171 = arith.constant 0 : i32
      %dma_start3A_172 = tpu.memref_slice %arg3[%dma_start3A_170, %dma_start3A_171] : memref<100000x64xf32, #tpu.memory_space<hbm>> -> memref<100000x64xf32, #tpu.memory_space<hbm>>
      tpu.enqueue_indirect_dma source(%dma_start3A_172 : memref<100000x64xf32, #tpu.memory_space<hbm>>) target(%arg29 : memref<96x64xf32, #tpu.memory_space<vmem>>) offsets(%arg26 : memref<96xi32, #tpu.memory_space<vmem>>) semaphore(%arg35 : memref<!tpu.dma_semaphore, #tpu.memory_space<semaphore_mem>>)
      %dma_start3A_173 = arith.constant 0 : i32
      %dma_start3A_174 = arith.constant 0 : i32
      %dma_start3A_175 = tpu.memref_slice %arg4[%dma_start3A_173, %dma_start3A_174] : memref<100000x64xf32, #tpu.memory_space<hbm>> -> memref<100000x64xf32, #tpu.memory_space<hbm>>
      tpu.enqueue_indirect_dma source(%dma_start3A_175 : memref<100000x64xf32, #tpu.memory_space<hbm>>) target(%arg30 : memref<96x64xf32, #tpu.memory_space<vmem>>) offsets(%arg27 : memref<96xi32, #tpu.memory_space<vmem>>) semaphore(%arg36 : memref<!tpu.dma_semaphore, #tpu.memory_space<semaphore_mem>>)
      %dma_start3A_176 = tpu.memref_slice %arg22[%mul3A_23] : memref<512xi32, #tpu.memory_space<vmem>> -> memref<16xi32, #tpu.memory_space<vmem>>
      %dma_start3A_177 = arith.constant 0 : i32
      %dma_start3A_178 = arith.constant 0 : i32
      %dma_start3A_179 = tpu.memref_slice %arg5[%dma_start3A_177, %dma_start3A_178] : memref<100000x64xf32, #tpu.memory_space<hbm>> -> memref<100000x64xf32, #tpu.memory_space<hbm>>
      tpu.enqueue_indirect_dma source(%dma_start3A_179 : memref<100000x64xf32, #tpu.memory_space<hbm>>) target(%arg31 : memref<16x64xf32, #tpu.memory_space<vmem>>) offsets(%dma_start3A_176 : memref<16xi32, #tpu.memory_space<vmem>>) semaphore(%arg37 : memref<!tpu.dma_semaphore, #tpu.memory_space<semaphore_mem>>)
      %dma_wait3A = arith.constant 0 : i32
      %dma_wait3A_180 = arith.constant 0 : i32
      %dma_wait3A_181 = tpu.memref_slice %arg2[%dma_wait3A, %dma_wait3A_180] : memref<200000x64xf32, #tpu.memory_space<hbm>> -> memref<200000x64xf32, #tpu.memory_space<hbm>>
      tpu.wait_indirect_dma semaphore(%arg34 : memref<!tpu.dma_semaphore, #tpu.memory_space<semaphore_mem>>) src(%dma_wait3A_181 : memref<200000x64xf32, #tpu.memory_space<hbm>>) dst(%arg28 : memref<96x64xf32, #tpu.memory_space<vmem>>)
      %dma_wait3A_182 = arith.constant 0 : i32
      %dma_wait3A_183 = arith.constant 0 : i32
      %dma_wait3A_184 = tpu.memref_slice %arg3[%dma_wait3A_182, %dma_wait3A_183] : memref<100000x64xf32, #tpu.memory_space<hbm>> -> memref<100000x64xf32, #tpu.memory_space<hbm>>
      tpu.wait_indirect_dma semaphore(%arg35 : memref<!tpu.dma_semaphore, #tpu.memory_space<semaphore_mem>>) src(%dma_wait3A_184 : memref<100000x64xf32, #tpu.memory_space<hbm>>) dst(%arg29 : memref<96x64xf32, #tpu.memory_space<vmem>>)
      %dma_wait3A_185 = arith.constant 0 : i32
      %dma_wait3A_186 = arith.constant 0 : i32
      %dma_wait3A_187 = tpu.memref_slice %arg4[%dma_wait3A_185, %dma_wait3A_186] : memref<100000x64xf32, #tpu.memory_space<hbm>> -> memref<100000x64xf32, #tpu.memory_space<hbm>>
      tpu.wait_indirect_dma semaphore(%arg36 : memref<!tpu.dma_semaphore, #tpu.memory_space<semaphore_mem>>) src(%dma_wait3A_187 : memref<100000x64xf32, #tpu.memory_space<hbm>>) dst(%arg30 : memref<96x64xf32, #tpu.memory_space<vmem>>)
      %dma_wait3A_188 = tpu.memref_slice %arg22[%mul3A_23] : memref<512xi32, #tpu.memory_space<vmem>> -> memref<16xi32, #tpu.memory_space<vmem>>
      %dma_wait3A_189 = arith.constant 0 : i32
      %dma_wait3A_190 = arith.constant 0 : i32
      %dma_wait3A_191 = tpu.memref_slice %arg5[%dma_wait3A_189, %dma_wait3A_190] : memref<100000x64xf32, #tpu.memory_space<hbm>> -> memref<100000x64xf32, #tpu.memory_space<hbm>>
      tpu.wait_indirect_dma semaphore(%arg37 : memref<!tpu.dma_semaphore, #tpu.memory_space<semaphore_mem>>) src(%dma_wait3A_191 : memref<100000x64xf32, #tpu.memory_space<hbm>>) dst(%arg31 : memref<16x64xf32, #tpu.memory_space<vmem>>)
      %mul3A_192 = arith.constant 16 : i32
      %mul3A_193 = arith.muli %scan3A_18, %mul3A_192 : i32
      %add3A_194 = arith.constant 0 : i32
      %add3A_195 = arith.addi %add3A_194, %mul3A_193 : i32
      %get3A_196 = arith.index_cast %add3A_195 : i32 to index
      %get3A_197 = tpu.vector_load %arg23[%get3A_196] {strides = array<i32>} : memref<2560xf32, #tpu.memory_space<vmem>>, vector<16xf32>,
      %get3A_198 = vector.shape_cast %get3A_197 : vector<16xf32> to vector<16xf32>
      %mul3A_199 = arith.constant 16 : i32
      %mul3A_200 = arith.muli %scan3A_18, %mul3A_199 : i32
      %add3A_201 = arith.constant 512 : i32
      %add3A_202 = arith.addi %add3A_201, %mul3A_200 : i32
      %get3A_203 = arith.index_cast %add3A_202 : i32 to index
      %get3A_204 = tpu.vector_load %arg23[%get3A_203] {strides = array<i32>} : memref<2560xf32, #tpu.memory_space<vmem>>, vector<16xf32>,
      %get3A_205 = vector.shape_cast %get3A_204 : vector<16xf32> to vector<16xf32>
      %mul3A_206 = arith.constant 16 : i32
      %mul3A_207 = arith.muli %scan3A_18, %mul3A_206 : i32
      %add3A_208 = arith.constant 1024 : i32
      %add3A_209 = arith.addi %add3A_208, %mul3A_207 : i32
      %get3A_210 = arith.index_cast %add3A_209 : i32 to index
      %get3A_211 = tpu.vector_load %arg23[%get3A_210] {strides = array<i32>} : memref<2560xf32, #tpu.memory_space<vmem>>, vector<16xf32>,
      %get3A_212 = vector.shape_cast %get3A_211 : vector<16xf32> to vector<16xf32>
      %mul3A_213 = arith.constant 16 : i32
      %mul3A_214 = arith.muli %scan3A_18, %mul3A_213 : i32
      %add3A_215 = arith.constant 1536 : i32
      %add3A_216 = arith.addi %add3A_215, %mul3A_214 : i32
      %get3A_217 = arith.index_cast %add3A_216 : i32 to index
      %get3A_218 = tpu.vector_load %arg23[%get3A_217] {strides = array<i32>} : memref<2560xf32, #tpu.memory_space<vmem>>, vector<16xf32>,
      %get3A_219 = vector.shape_cast %get3A_218 : vector<16xf32> to vector<16xf32>
      %mul3A_220 = arith.constant 16 : i32
      %mul3A_221 = arith.muli %scan3A_18, %mul3A_220 : i32
      %add3A_222 = arith.constant 2048 : i32
      %add3A_223 = arith.addi %add3A_222, %mul3A_221 : i32
      %get3A_224 = arith.index_cast %add3A_223 : i32 to index
      %get3A_225 = tpu.vector_load %arg23[%get3A_224] {strides = array<i32>} : memref<2560xf32, #tpu.memory_space<vmem>>, vector<16xf32>,
      %get3A_226 = vector.shape_cast %get3A_225 : vector<16xf32> to vector<16xf32>
      %mul3A_227 = arith.constant 16 : i32
      %mul3A_228 = arith.muli %scan3A_18, %mul3A_227 : i32
      %add3A_229 = arith.constant 0 : i32
      %add3A_230 = arith.addi %add3A_229, %mul3A_228 : i32
      %get3A_231 = arith.index_cast %add3A_230 : i32 to index
      %get3A_232 = tpu.vector_load %arg24[%get3A_231] {strides = array<i32>} : memref<2560xf32, #tpu.memory_space<vmem>>, vector<16xf32>,
      %get3A_233 = vector.shape_cast %get3A_232 : vector<16xf32> to vector<16xf32>
      %mul3A_234 = arith.constant 16 : i32
      %mul3A_235 = arith.muli %scan3A_18, %mul3A_234 : i32
      %add3A_236 = arith.constant 512 : i32
      %add3A_237 = arith.addi %add3A_236, %mul3A_235 : i32
      %get3A_238 = arith.index_cast %add3A_237 : i32 to index
      %get3A_239 = tpu.vector_load %arg24[%get3A_238] {strides = array<i32>} : memref<2560xf32, #tpu.memory_space<vmem>>, vector<16xf32>,
      %get3A_240 = vector.shape_cast %get3A_239 : vector<16xf32> to vector<16xf32>
      %mul3A_241 = arith.constant 16 : i32
      %mul3A_242 = arith.muli %scan3A_18, %mul3A_241 : i32
      %add3A_243 = arith.constant 1024 : i32
      %add3A_244 = arith.addi %add3A_243, %mul3A_242 : i32
      %get3A_245 = arith.index_cast %add3A_244 : i32 to index
      %get3A_246 = tpu.vector_load %arg24[%get3A_245] {strides = array<i32>} : memref<2560xf32, #tpu.memory_space<vmem>>, vector<16xf32>,
      %get3A_247 = vector.shape_cast %get3A_246 : vector<16xf32> to vector<16xf32>
      %mul3A_248 = arith.constant 16 : i32
      %mul3A_249 = arith.muli %scan3A_18, %mul3A_248 : i32
      %add3A_250 = arith.constant 1536 : i32
      %add3A_251 = arith.addi %add3A_250, %mul3A_249 : i32
      %get3A_252 = arith.index_cast %add3A_251 : i32 to index
      %get3A_253 = tpu.vector_load %arg24[%get3A_252] {strides = array<i32>} : memref<2560xf32, #tpu.memory_space<vmem>>, vector<16xf32>,
      %get3A_254 = vector.shape_cast %get3A_253 : vector<16xf32> to vector<16xf32>
      %mul3A_255 = arith.constant 16 : i32
      %mul3A_256 = arith.muli %scan3A_18, %mul3A_255 : i32
      %add3A_257 = arith.constant 2048 : i32
      %add3A_258 = arith.addi %add3A_257, %mul3A_256 : i32
      %get3A_259 = arith.index_cast %add3A_258 : i32 to index
      %get3A_260 = tpu.vector_load %arg24[%get3A_259] {strides = array<i32>} : memref<2560xf32, #tpu.memory_space<vmem>>, vector<16xf32>,
      %get3A_261 = vector.shape_cast %get3A_260 : vector<16xf32> to vector<16xf32>
      %slice3A = vector.extract_strided_slice %get3A_198 {offsets = [0], sizes = [1], strides = [1]} : vector<16xf32> to vector<1xf32>
      %squeeze3A = vector.extract %slice3A[0] : f32 from vector<1xf32>
      %swap3A_262 = arith.constant 0 : i32
      %swap3A_263 = arith.index_cast %swap3A_262 : i32 to index
      %swap3A_264 = memref.load %arg33[%swap3A_263] : memref<160xf32, #tpu.memory_space<smem>>
      memref.store %squeeze3A, %arg33[%swap3A_263] : memref<160xf32, #tpu.memory_space<smem>>
      %slice3A_265 = vector.extract_strided_slice %get3A_233 {offsets = [0], sizes = [1], strides = [1]} : vector<16xf32> to vector<1xf32>
      %squeeze3A_266 = vector.extract %slice3A_265[0] : f32 from vector<1xf32>
      %swap3A_267 = arith.constant 5 : i32
      %swap3A_268 = arith.index_cast %swap3A_267 : i32 to index
      %swap3A_269 = memref.load %arg33[%swap3A_268] : memref<160xf32, #tpu.memory_space<smem>>
      memref.store %squeeze3A_266, %arg33[%swap3A_268] : memref<160xf32, #tpu.memory_space<smem>>
      %slice3A_270 = vector.extract_strided_slice %get3A_205 {offsets = [0], sizes = [1], strides = [1]} : vector<16xf32> to vector<1xf32>
      %squeeze3A_271 = vector.extract %slice3A_270[0] : f32 from vector<1xf32>
      %swap3A_272 = arith.constant 1 : i32
      %swap3A_273 = arith.index_cast %swap3A_272 : i32 to index
      %swap3A_274 = memref.load %arg33[%swap3A_273] : memref<160xf32, #tpu.memory_space<smem>>
      memref.store %squeeze3A_271, %arg33[%swap3A_273] : memref<160xf32, #tpu.memory_space<smem>>
      %slice3A_275 = vector.extract_strided_slice %get3A_240 {offsets = [0], sizes = [1], strides = [1]} : vector<16xf32> to vector<1xf32>
      %squeeze3A_276 = vector.extract %slice3A_275[0] : f32 from vector<1xf32>
      %swap3A_277 = arith.constant 6 : i32
      %swap3A_278 = arith.index_cast %swap3A_277 : i32 to index
      %swap3A_279 = memref.load %arg33[%swap3A_278] : memref<160xf32, #tpu.memory_space<smem>>
      memref.store %squeeze3A_276, %arg33[%swap3A_278] : memref<160xf32, #tpu.memory_space<smem>>
      %slice3A_280 = vector.extract_strided_slice %get3A_212 {offsets = [0], sizes = [1], strides = [1]} : vector<16xf32> to vector<1xf32>
      %squeeze3A_281 = vector.extract %slice3A_280[0] : f32 from vector<1xf32>
      %swap3A_282 = arith.constant 2 : i32
      %swap3A_283 = arith.index_cast %swap3A_282 : i32 to index
      %swap3A_284 = memref.load %arg33[%swap3A_283] : memref<160xf32, #tpu.memory_space<smem>>
      memref.store %squeeze3A_281, %arg33[%swap3A_283] : memref<160xf32, #tpu.memory_space<smem>>
      %slice3A_285 = vector.extract_strided_slice %get3A_247 {offsets = [0], sizes = [1], strides = [1]} : vector<16xf32> to vector<1xf32>
      %squeeze3A_286 = vector.extract %slice3A_285[0] : f32 from vector<1xf32>
      %swap3A_287 = arith.constant 7 : i32
      %swap3A_288 = arith.index_cast %swap3A_287 : i32 to index
      %swap3A_289 = memref.load %arg33[%swap3A_288] : memref<160xf32, #tpu.memory_space<smem>>
      memref.store %squeeze3A_286, %arg33[%swap3A_288] : memref<160xf32, #tpu.memory_space<smem>>
      %slice3A_290 = vector.extract_strided_slice %get3A_219 {offsets = [0], sizes = [1], strides = [1]} : vector<16xf32> to vector<1xf32>
      %squeeze3A_291 = vector.extract %slice3A_290[0] : f32 from vector<1xf32>
      %swap3A_292 = arith.constant 3 : i32
      %swap3A_293 = arith.index_cast %swap3A_292 : i32 to index
      %swap3A_294 = memref.load %arg33[%swap3A_293] : memref<160xf32, #tpu.memory_space<smem>>
      memref.store %squeeze3A_291, %arg33[%swap3A_293] : memref<160xf32, #tpu.memory_space<smem>>
      %slice3A_295 = vector.extract_strided_slice %get3A_254 {offsets = [0], sizes = [1], strides = [1]} : vector<16xf32> to vector<1xf32>
      %squeeze3A_296 = vector.extract %slice3A_295[0] : f32 from vector<1xf32>
      %swap3A_297 = arith.constant 8 : i32
      %swap3A_298 = arith.index_cast %swap3A_297 : i32 to index
      %swap3A_299 = memref.load %arg33[%swap3A_298] : memref<160xf32, #tpu.memory_space<smem>>
      memref.store %squeeze3A_296, %arg33[%swap3A_298] : memref<160xf32, #tpu.memory_space<smem>>
      %slice3A_300 = vector.extract_strided_slice %get3A_226 {offsets = [0], sizes = [1], strides = [1]} : vector<16xf32> to vector<1xf32>
      %squeeze3A_301 = vector.extract %slice3A_300[0] : f32 from vector<1xf32>
      %swap3A_302 = arith.constant 4 : i32
      %swap3A_303 = arith.index_cast %swap3A_302 : i32 to index
      %swap3A_304 = memref.load %arg33[%swap3A_303] : memref<160xf32, #tpu.memory_space<smem>>
      memref.store %squeeze3A_301, %arg33[%swap3A_303] : memref<160xf32, #tpu.memory_space<smem>>
      %slice3A_305 = vector.extract_strided_slice %get3A_261 {offsets = [0], sizes = [1], strides = [1]} : vector<16xf32> to vector<1xf32>
      %squeeze3A_306 = vector.extract %slice3A_305[0] : f32 from vector<1xf32>
      %swap3A_307 = arith.constant 9 : i32
      %swap3A_308 = arith.index_cast %swap3A_307 : i32 to index
      %swap3A_309 = memref.load %arg33[%swap3A_308] : memref<160xf32, #tpu.memory_space<smem>>
      memref.store %squeeze3A_306, %arg33[%swap3A_308] : memref<160xf32, #tpu.memory_space<smem>>
      %slice3A_310 = vector.extract_strided_slice %get3A_198 {offsets = [1], sizes = [1], strides = [1]} : vector<16xf32> to vector<1xf32>
      %squeeze3A_311 = vector.extract %slice3A_310[0] : f32 from vector<1xf32>
      %swap3A_312 = arith.constant 10 : i32
      %swap3A_313 = arith.index_cast %swap3A_312 : i32 to index
      %swap3A_314 = memref.load %arg33[%swap3A_313] : memref<160xf32, #tpu.memory_space<smem>>
      memref.store %squeeze3A_311, %arg33[%swap3A_313] : memref<160xf32, #tpu.memory_space<smem>>
      %slice3A_315 = vector.extract_strided_slice %get3A_233 {offsets = [1], sizes = [1], strides = [1]} : vector<16xf32> to vector<1xf32>
      %squeeze3A_316 = vector.extract %slice3A_315[0] : f32 from vector<1xf32>
      %swap3A_317 = arith.constant 15 : i32
      %swap3A_318 = arith.index_cast %swap3A_317 : i32 to index
      %swap3A_319 = memref.load %arg33[%swap3A_318] : memref<160xf32, #tpu.memory_space<smem>>
      memref.store %squeeze3A_316, %arg33[%swap3A_318] : memref<160xf32, #tpu.memory_space<smem>>
      %slice3A_320 = vector.extract_strided_slice %get3A_205 {offsets = [1], sizes = [1], strides = [1]} : vector<16xf32> to vector<1xf32>
      %squeeze3A_321 = vector.extract %slice3A_320[0] : f32 from vector<1xf32>
      %swap3A_322 = arith.constant 11 : i32
      %swap3A_323 = arith.index_cast %swap3A_322 : i32 to index
      %swap3A_324 = memref.load %arg33[%swap3A_323] : memref<160xf32, #tpu.memory_space<smem>>
      memref.store %squeeze3A_321, %arg33[%swap3A_323] : memref<160xf32, #tpu.memory_space<smem>>
      %slice3A_325 = vector.extract_strided_slice %get3A_240 {offsets = [1], sizes = [1], strides = [1]} : vector<16xf32> to vector<1xf32>
      %squeeze3A_326 = vector.extract %slice3A_325[0] : f32 from vector<1xf32>
      %swap3A_327 = arith.constant 16 : i32
      %swap3A_328 = arith.index_cast %swap3A_327 : i32 to index
      %swap3A_329 = memref.load %arg33[%swap3A_328] : memref<160xf32, #tpu.memory_space<smem>>
      memref.store %squeeze3A_326, %arg33[%swap3A_328] : memref<160xf32, #tpu.memory_space<smem>>
      %slice3A_330 = vector.extract_strided_slice %get3A_212 {offsets = [1], sizes = [1], strides = [1]} : vector<16xf32> to vector<1xf32>
      %squeeze3A_331 = vector.extract %slice3A_330[0] : f32 from vector<1xf32>
      %swap3A_332 = arith.constant 12 : i32
      %swap3A_333 = arith.index_cast %swap3A_332 : i32 to index
      %swap3A_334 = memref.load %arg33[%swap3A_333] : memref<160xf32, #tpu.memory_space<smem>>
      memref.store %squeeze3A_331, %arg33[%swap3A_333] : memref<160xf32, #tpu.memory_space<smem>>
      %slice3A_335 = vector.extract_strided_slice %get3A_247 {offsets = [1], sizes = [1], strides = [1]} : vector<16xf32> to vector<1xf32>
      %squeeze3A_336 = vector.extract %slice3A_335[0] : f32 from vector<1xf32>
      %swap3A_337 = arith.constant 17 : i32
      %swap3A_338 = arith.index_cast %swap3A_337 : i32 to index
      %swap3A_339 = memref.load %arg33[%swap3A_338] : memref<160xf32, #tpu.memory_space<smem>>
      memref.store %squeeze3A_336, %arg33[%swap3A_338] : memref<160xf32, #tpu.memory_space<smem>>
      %slice3A_340 = vector.extract_strided_slice %get3A_219 {offsets = [1], sizes = [1], strides = [1]} : vector<16xf32> to vector<1xf32>
      %squeeze3A_341 = vector.extract %slice3A_340[0] : f32 from vector<1xf32>
      %swap3A_342 = arith.constant 13 : i32
      %swap3A_343 = arith.index_cast %swap3A_342 : i32 to index
      %swap3A_344 = memref.load %arg33[%swap3A_343] : memref<160xf32, #tpu.memory_space<smem>>
      memref.store %squeeze3A_341, %arg33[%swap3A_343] : memref<160xf32, #tpu.memory_space<smem>>
      %slice3A_345 = vector.extract_strided_slice %get3A_254 {offsets = [1], sizes = [1], strides = [1]} : vector<16xf32> to vector<1xf32>
      %squeeze3A_346 = vector.extract %slice3A_345[0] : f32 from vector<1xf32>
      %swap3A_347 = arith.constant 18 : i32
      %swap3A_348 = arith.index_cast %swap3A_347 : i32 to index
      %swap3A_349 = memref.load %arg33[%swap3A_348] : memref<160xf32, #tpu.memory_space<smem>>
      memref.store %squeeze3A_346, %arg33[%swap3A_348] : memref<160xf32, #tpu.memory_space<smem>>
      %slice3A_350 = vector.extract_strided_slice %get3A_226 {offsets = [1], sizes = [1], strides = [1]} : vector<16xf32> to vector<1xf32>
      %squeeze3A_351 = vector.extract %slice3A_350[0] : f32 from vector<1xf32>
      %swap3A_352 = arith.constant 14 : i32
      %swap3A_353 = arith.index_cast %swap3A_352 : i32 to index
      %swap3A_354 = memref.load %arg33[%swap3A_353] : memref<160xf32, #tpu.memory_space<smem>>
      memref.store %squeeze3A_351, %arg33[%swap3A_353] : memref<160xf32, #tpu.memory_space<smem>>
      %slice3A_355 = vector.extract_strided_slice %get3A_261 {offsets = [1], sizes = [1], strides = [1]} : vector<16xf32> to vector<1xf32>
      %squeeze3A_356 = vector.extract %slice3A_355[0] : f32 from vector<1xf32>
      %swap3A_357 = arith.constant 19 : i32
      %swap3A_358 = arith.index_cast %swap3A_357 : i32 to index
      %swap3A_359 = memref.load %arg33[%swap3A_358] : memref<160xf32, #tpu.memory_space<smem>>
      memref.store %squeeze3A_356, %arg33[%swap3A_358] : memref<160xf32, #tpu.memory_space<smem>>
      %slice3A_360 = vector.extract_strided_slice %get3A_198 {offsets = [2], sizes = [1], strides = [1]} : vector<16xf32> to vector<1xf32>
      %squeeze3A_361 = vector.extract %slice3A_360[0] : f32 from vector<1xf32>
      %swap3A_362 = arith.constant 20 : i32
      %swap3A_363 = arith.index_cast %swap3A_362 : i32 to index
      %swap3A_364 = memref.load %arg33[%swap3A_363] : memref<160xf32, #tpu.memory_space<smem>>
      memref.store %squeeze3A_361, %arg33[%swap3A_363] : memref<160xf32, #tpu.memory_space<smem>>
      %slice3A_365 = vector.extract_strided_slice %get3A_233 {offsets = [2], sizes = [1], strides = [1]} : vector<16xf32> to vector<1xf32>
      %squeeze3A_366 = vector.extract %slice3A_365[0] : f32 from vector<1xf32>
      %swap3A_367 = arith.constant 25 : i32
      %swap3A_368 = arith.index_cast %swap3A_367 : i32 to index
      %swap3A_369 = memref.load %arg33[%swap3A_368] : memref<160xf32, #tpu.memory_space<smem>>
      memref.store %squeeze3A_366, %arg33[%swap3A_368] : memref<160xf32, #tpu.memory_space<smem>>
      %slice3A_370 = vector.extract_strided_slice %get3A_205 {offsets = [2], sizes = [1], strides = [1]} : vector<16xf32> to vector<1xf32>
      %squeeze3A_371 = vector.extract %slice3A_370[0] : f32 from vector<1xf32>
      %swap3A_372 = arith.constant 21 : i32
      %swap3A_373 = arith.index_cast %swap3A_372 : i32 to index
      %swap3A_374 = memref.load %arg33[%swap3A_373] : memref<160xf32, #tpu.memory_space<smem>>
      memref.store %squeeze3A_371, %arg33[%swap3A_373] : memref<160xf32, #tpu.memory_space<smem>>
      %slice3A_375 = vector.extract_strided_slice %get3A_240 {offsets = [2], sizes = [1], strides = [1]} : vector<16xf32> to vector<1xf32>
      %squeeze3A_376 = vector.extract %slice3A_375[0] : f32 from vector<1xf32>
      %swap3A_377 = arith.constant 26 : i32
      %swap3A_378 = arith.index_cast %swap3A_377 : i32 to index
      %swap3A_379 = memref.load %arg33[%swap3A_378] : memref<160xf32, #tpu.memory_space<smem>>
      memref.store %squeeze3A_376, %arg33[%swap3A_378] : memref<160xf32, #tpu.memory_space<smem>>
      %slice3A_380 = vector.extract_strided_slice %get3A_212 {offsets = [2], sizes = [1], strides = [1]} : vector<16xf32> to vector<1xf32>
      %squeeze3A_381 = vector.extract %slice3A_380[0] : f32 from vector<1xf32>
      %swap3A_382 = arith.constant 22 : i32
      %swap3A_383 = arith.index_cast %swap3A_382 : i32 to index
      %swap3A_384 = memref.load %arg33[%swap3A_383] : memref<160xf32, #tpu.memory_space<smem>>
      memref.store %squeeze3A_381, %arg33[%swap3A_383] : memref<160xf32, #tpu.memory_space<smem>>
      %slice3A_385 = vector.extract_strided_slice %get3A_247 {offsets = [2], sizes = [1], strides = [1]} : vector<16xf32> to vector<1xf32>
      %squeeze3A_386 = vector.extract %slice3A_385[0] : f32 from vector<1xf32>
      %swap3A_387 = arith.constant 27 : i32
      %swap3A_388 = arith.index_cast %swap3A_387 : i32 to index
      %swap3A_389 = memref.load %arg33[%swap3A_388] : memref<160xf32, #tpu.memory_space<smem>>
      memref.store %squeeze3A_386, %arg33[%swap3A_388] : memref<160xf32, #tpu.memory_space<smem>>
      %slice3A_390 = vector.extract_strided_slice %get3A_219 {offsets = [2], sizes = [1], strides = [1]} : vector<16xf32> to vector<1xf32>
      %squeeze3A_391 = vector.extract %slice3A_390[0] : f32 from vector<1xf32>
      %swap3A_392 = arith.constant 23 : i32
      %swap3A_393 = arith.index_cast %swap3A_392 : i32 to index
      %swap3A_394 = memref.load %arg33[%swap3A_393] : memref<160xf32, #tpu.memory_space<smem>>
      memref.store %squeeze3A_391, %arg33[%swap3A_393] : memref<160xf32, #tpu.memory_space<smem>>
      %slice3A_395 = vector.extract_strided_slice %get3A_254 {offsets = [2], sizes = [1], strides = [1]} : vector<16xf32> to vector<1xf32>
      %squeeze3A_396 = vector.extract %slice3A_395[0] : f32 from vector<1xf32>
      %swap3A_397 = arith.constant 28 : i32
      %swap3A_398 = arith.index_cast %swap3A_397 : i32 to index
      %swap3A_399 = memref.load %arg33[%swap3A_398] : memref<160xf32, #tpu.memory_space<smem>>
      memref.store %squeeze3A_396, %arg33[%swap3A_398] : memref<160xf32, #tpu.memory_space<smem>>
      %slice3A_400 = vector.extract_strided_slice %get3A_226 {offsets = [2], sizes = [1], strides = [1]} : vector<16xf32> to vector<1xf32>
      %squeeze3A_401 = vector.extract %slice3A_400[0] : f32 from vector<1xf32>
      %swap3A_402 = arith.constant 24 : i32
      %swap3A_403 = arith.index_cast %swap3A_402 : i32 to index
      %swap3A_404 = memref.load %arg33[%swap3A_403] : memref<160xf32, #tpu.memory_space<smem>>
      memref.store %squeeze3A_401, %arg33[%swap3A_403] : memref<160xf32, #tpu.memory_space<smem>>
      %slice3A_405 = vector.extract_strided_slice %get3A_261 {offsets = [2], sizes = [1], strides = [1]} : vector<16xf32> to vector<1xf32>
      %squeeze3A_406 = vector.extract %slice3A_405[0] : f32 from vector<1xf32>
      %swap3A_407 = arith.constant 29 : i32
      %swap3A_408 = arith.index_cast %swap3A_407 : i32 to index
      %swap3A_409 = memref.load %arg33[%swap3A_408] : memref<160xf32, #tpu.memory_space<smem>>
      memref.store %squeeze3A_406, %arg33[%swap3A_408] : memref<160xf32, #tpu.memory_space<smem>>
      %slice3A_410 = vector.extract_strided_slice %get3A_198 {offsets = [3], sizes = [1], strides = [1]} : vector<16xf32> to vector<1xf32>
      %squeeze3A_411 = vector.extract %slice3A_410[0] : f32 from vector<1xf32>
      %swap3A_412 = arith.constant 30 : i32
      %swap3A_413 = arith.index_cast %swap3A_412 : i32 to index
      %swap3A_414 = memref.load %arg33[%swap3A_413] : memref<160xf32, #tpu.memory_space<smem>>
      memref.store %squeeze3A_411, %arg33[%swap3A_413] : memref<160xf32, #tpu.memory_space<smem>>
      %slice3A_415 = vector.extract_strided_slice %get3A_233 {offsets = [3], sizes = [1], strides = [1]} : vector<16xf32> to vector<1xf32>
      %squeeze3A_416 = vector.extract %slice3A_415[0] : f32 from vector<1xf32>
      %swap3A_417 = arith.constant 35 : i32
      %swap3A_418 = arith.index_cast %swap3A_417 : i32 to index
      %swap3A_419 = memref.load %arg33[%swap3A_418] : memref<160xf32, #tpu.memory_space<smem>>
      memref.store %squeeze3A_416, %arg33[%swap3A_418] : memref<160xf32, #tpu.memory_space<smem>>
      %slice3A_420 = vector.extract_strided_slice %get3A_205 {offsets = [3], sizes = [1], strides = [1]} : vector<16xf32> to vector<1xf32>
      %squeeze3A_421 = vector.extract %slice3A_420[0] : f32 from vector<1xf32>
      %swap3A_422 = arith.constant 31 : i32
      %swap3A_423 = arith.index_cast %swap3A_422 : i32 to index
      %swap3A_424 = memref.load %arg33[%swap3A_423] : memref<160xf32, #tpu.memory_space<smem>>
      memref.store %squeeze3A_421, %arg33[%swap3A_423] : memref<160xf32, #tpu.memory_space<smem>>
      %slice3A_425 = vector.extract_strided_slice %get3A_240 {offsets = [3], sizes = [1], strides = [1]} : vector<16xf32> to vector<1xf32>
      %squeeze3A_426 = vector.extract %slice3A_425[0] : f32 from vector<1xf32>
      %swap3A_427 = arith.constant 36 : i32
      %swap3A_428 = arith.index_cast %swap3A_427 : i32 to index
      %swap3A_429 = memref.load %arg33[%swap3A_428] : memref<160xf32, #tpu.memory_space<smem>>
      memref.store %squeeze3A_426, %arg33[%swap3A_428] : memref<160xf32, #tpu.memory_space<smem>>
      %slice3A_430 = vector.extract_strided_slice %get3A_212 {offsets = [3], sizes = [1], strides = [1]} : vector<16xf32> to vector<1xf32>
      %squeeze3A_431 = vector.extract %slice3A_430[0] : f32 from vector<1xf32>
      %swap3A_432 = arith.constant 32 : i32
      %swap3A_433 = arith.index_cast %swap3A_432 : i32 to index
      %swap3A_434 = memref.load %arg33[%swap3A_433] : memref<160xf32, #tpu.memory_space<smem>>
      memref.store %squeeze3A_431, %arg33[%swap3A_433] : memref<160xf32, #tpu.memory_space<smem>>
      %slice3A_435 = vector.extract_strided_slice %get3A_247 {offsets = [3], sizes = [1], strides = [1]} : vector<16xf32> to vector<1xf32>
      %squeeze3A_436 = vector.extract %slice3A_435[0] : f32 from vector<1xf32>
      %swap3A_437 = arith.constant 37 : i32
      %swap3A_438 = arith.index_cast %swap3A_437 : i32 to index
      %swap3A_439 = memref.load %arg33[%swap3A_438] : memref<160xf32, #tpu.memory_space<smem>>
      memref.store %squeeze3A_436, %arg33[%swap3A_438] : memref<160xf32, #tpu.memory_space<smem>>
      %slice3A_440 = vector.extract_strided_slice %get3A_219 {offsets = [3], sizes = [1], strides = [1]} : vector<16xf32> to vector<1xf32>
      %squeeze3A_441 = vector.extract %slice3A_440[0] : f32 from vector<1xf32>
      %swap3A_442 = arith.constant 33 : i32
      %swap3A_443 = arith.index_cast %swap3A_442 : i32 to index
      %swap3A_444 = memref.load %arg33[%swap3A_443] : memref<160xf32, #tpu.memory_space<smem>>
      memref.store %squeeze3A_441, %arg33[%swap3A_443] : memref<160xf32, #tpu.memory_space<smem>>
      %slice3A_445 = vector.extract_strided_slice %get3A_254 {offsets = [3], sizes = [1], strides = [1]} : vector<16xf32> to vector<1xf32>
      %squeeze3A_446 = vector.extract %slice3A_445[0] : f32 from vector<1xf32>
      %swap3A_447 = arith.constant 38 : i32
      %swap3A_448 = arith.index_cast %swap3A_447 : i32 to index
      %swap3A_449 = memref.load %arg33[%swap3A_448] : memref<160xf32, #tpu.memory_space<smem>>
      memref.store %squeeze3A_446, %arg33[%swap3A_448] : memref<160xf32, #tpu.memory_space<smem>>
      %slice3A_450 = vector.extract_strided_slice %get3A_226 {offsets = [3], sizes = [1], strides = [1]} : vector<16xf32> to vector<1xf32>
      %squeeze3A_451 = vector.extract %slice3A_450[0] : f32 from vector<1xf32>
      %swap3A_452 = arith.constant 34 : i32
      %swap3A_453 = arith.index_cast %swap3A_452 : i32 to index
      %swap3A_454 = memref.load %arg33[%swap3A_453] : memref<160xf32, #tpu.memory_space<smem>>
      memref.store %squeeze3A_451, %arg33[%swap3A_453] : memref<160xf32, #tpu.memory_space<smem>>
      %slice3A_455 = vector.extract_strided_slice %get3A_261 {offsets = [3], sizes = [1], strides = [1]} : vector<16xf32> to vector<1xf32>
      %squeeze3A_456 = vector.extract %slice3A_455[0] : f32 from vector<1xf32>
      %swap3A_457 = arith.constant 39 : i32
      %swap3A_458 = arith.index_cast %swap3A_457 : i32 to index
      %swap3A_459 = memref.load %arg33[%swap3A_458] : memref<160xf32, #tpu.memory_space<smem>>
      memref.store %squeeze3A_456, %arg33[%swap3A_458] : memref<160xf32, #tpu.memory_space<smem>>
      %slice3A_460 = vector.extract_strided_slice %get3A_198 {offsets = [4], sizes = [1], strides = [1]} : vector<16xf32> to vector<1xf32>
      %squeeze3A_461 = vector.extract %slice3A_460[0] : f32 from vector<1xf32>
      %swap3A_462 = arith.constant 40 : i32
      %swap3A_463 = arith.index_cast %swap3A_462 : i32 to index
      %swap3A_464 = memref.load %arg33[%swap3A_463] : memref<160xf32, #tpu.memory_space<smem>>
      memref.store %squeeze3A_461, %arg33[%swap3A_463] : memref<160xf32, #tpu.memory_space<smem>>
      %slice3A_465 = vector.extract_strided_slice %get3A_233 {offsets = [4], sizes = [1], strides = [1]} : vector<16xf32> to vector<1xf32>
      %squeeze3A_466 = vector.extract %slice3A_465[0] : f32 from vector<1xf32>
      %swap3A_467 = arith.constant 45 : i32
      %swap3A_468 = arith.index_cast %swap3A_467 : i32 to index
      %swap3A_469 = memref.load %arg33[%swap3A_468] : memref<160xf32, #tpu.memory_space<smem>>
      memref.store %squeeze3A_466, %arg33[%swap3A_468] : memref<160xf32, #tpu.memory_space<smem>>
      %slice3A_470 = vector.extract_strided_slice %get3A_205 {offsets = [4], sizes = [1], strides = [1]} : vector<16xf32> to vector<1xf32>
      %squeeze3A_471 = vector.extract %slice3A_470[0] : f32 from vector<1xf32>
      %swap3A_472 = arith.constant 41 : i32
      %swap3A_473 = arith.index_cast %swap3A_472 : i32 to index
      %swap3A_474 = memref.load %arg33[%swap3A_473] : memref<160xf32, #tpu.memory_space<smem>>
      memref.store %squeeze3A_471, %arg33[%swap3A_473] : memref<160xf32, #tpu.memory_space<smem>>
      %slice3A_475 = vector.extract_strided_slice %get3A_240 {offsets = [4], sizes = [1], strides = [1]} : vector<16xf32> to vector<1xf32>
      %squeeze3A_476 = vector.extract %slice3A_475[0] : f32 from vector<1xf32>
      %swap3A_477 = arith.constant 46 : i32
      %swap3A_478 = arith.index_cast %swap3A_477 : i32 to index
      %swap3A_479 = memref.load %arg33[%swap3A_478] : memref<160xf32, #tpu.memory_space<smem>>
      memref.store %squeeze3A_476, %arg33[%swap3A_478] : memref<160xf32, #tpu.memory_space<smem>>
      %slice3A_480 = vector.extract_strided_slice %get3A_212 {offsets = [4], sizes = [1], strides = [1]} : vector<16xf32> to vector<1xf32>
      %squeeze3A_481 = vector.extract %slice3A_480[0] : f32 from vector<1xf32>
      %swap3A_482 = arith.constant 42 : i32
      %swap3A_483 = arith.index_cast %swap3A_482 : i32 to index
      %swap3A_484 = memref.load %arg33[%swap3A_483] : memref<160xf32, #tpu.memory_space<smem>>
      memref.store %squeeze3A_481, %arg33[%swap3A_483] : memref<160xf32, #tpu.memory_space<smem>>
      %slice3A_485 = vector.extract_strided_slice %get3A_247 {offsets = [4], sizes = [1], strides = [1]} : vector<16xf32> to vector<1xf32>
      %squeeze3A_486 = vector.extract %slice3A_485[0] : f32 from vector<1xf32>
      %swap3A_487 = arith.constant 47 : i32
      %swap3A_488 = arith.index_cast %swap3A_487 : i32 to index
      %swap3A_489 = memref.load %arg33[%swap3A_488] : memref<160xf32, #tpu.memory_space<smem>>
      memref.store %squeeze3A_486, %arg33[%swap3A_488] : memref<160xf32, #tpu.memory_space<smem>>
      %slice3A_490 = vector.extract_strided_slice %get3A_219 {offsets = [4], sizes = [1], strides = [1]} : vector<16xf32> to vector<1xf32>
      %squeeze3A_491 = vector.extract %slice3A_490[0] : f32 from vector<1xf32>
      %swap3A_492 = arith.constant 43 : i32
      %swap3A_493 = arith.index_cast %swap3A_492 : i32 to index
      %swap3A_494 = memref.load %arg33[%swap3A_493] : memref<160xf32, #tpu.memory_space<smem>>
      memref.store %squeeze3A_491, %arg33[%swap3A_493] : memref<160xf32, #tpu.memory_space<smem>>
      %slice3A_495 = vector.extract_strided_slice %get3A_254 {offsets = [4], sizes = [1], strides = [1]} : vector<16xf32> to vector<1xf32>
      %squeeze3A_496 = vector.extract %slice3A_495[0] : f32 from vector<1xf32>
      %swap3A_497 = arith.constant 48 : i32
      %swap3A_498 = arith.index_cast %swap3A_497 : i32 to index
      %swap3A_499 = memref.load %arg33[%swap3A_498] : memref<160xf32, #tpu.memory_space<smem>>
      memref.store %squeeze3A_496, %arg33[%swap3A_498] : memref<160xf32, #tpu.memory_space<smem>>
      %slice3A_500 = vector.extract_strided_slice %get3A_226 {offsets = [4], sizes = [1], strides = [1]} : vector<16xf32> to vector<1xf32>
      %squeeze3A_501 = vector.extract %slice3A_500[0] : f32 from vector<1xf32>
      %swap3A_502 = arith.constant 44 : i32
      %swap3A_503 = arith.index_cast %swap3A_502 : i32 to index
      %swap3A_504 = memref.load %arg33[%swap3A_503] : memref<160xf32, #tpu.memory_space<smem>>
      memref.store %squeeze3A_501, %arg33[%swap3A_503] : memref<160xf32, #tpu.memory_space<smem>>
      %slice3A_505 = vector.extract_strided_slice %get3A_261 {offsets = [4], sizes = [1], strides = [1]} : vector<16xf32> to vector<1xf32>
      %squeeze3A_506 = vector.extract %slice3A_505[0] : f32 from vector<1xf32>
      %swap3A_507 = arith.constant 49 : i32
      %swap3A_508 = arith.index_cast %swap3A_507 : i32 to index
      %swap3A_509 = memref.load %arg33[%swap3A_508] : memref<160xf32, #tpu.memory_space<smem>>
      memref.store %squeeze3A_506, %arg33[%swap3A_508] : memref<160xf32, #tpu.memory_space<smem>>
      %slice3A_510 = vector.extract_strided_slice %get3A_198 {offsets = [5], sizes = [1], strides = [1]} : vector<16xf32> to vector<1xf32>
      %squeeze3A_511 = vector.extract %slice3A_510[0] : f32 from vector<1xf32>
      %swap3A_512 = arith.constant 50 : i32
      %swap3A_513 = arith.index_cast %swap3A_512 : i32 to index
      %swap3A_514 = memref.load %arg33[%swap3A_513] : memref<160xf32, #tpu.memory_space<smem>>
      memref.store %squeeze3A_511, %arg33[%swap3A_513] : memref<160xf32, #tpu.memory_space<smem>>
      %slice3A_515 = vector.extract_strided_slice %get3A_233 {offsets = [5], sizes = [1], strides = [1]} : vector<16xf32> to vector<1xf32>
      %squeeze3A_516 = vector.extract %slice3A_515[0] : f32 from vector<1xf32>
      %swap3A_517 = arith.constant 55 : i32
      %swap3A_518 = arith.index_cast %swap3A_517 : i32 to index
      %swap3A_519 = memref.load %arg33[%swap3A_518] : memref<160xf32, #tpu.memory_space<smem>>
      memref.store %squeeze3A_516, %arg33[%swap3A_518] : memref<160xf32, #tpu.memory_space<smem>>
      %slice3A_520 = vector.extract_strided_slice %get3A_205 {offsets = [5], sizes = [1], strides = [1]} : vector<16xf32> to vector<1xf32>
      %squeeze3A_521 = vector.extract %slice3A_520[0] : f32 from vector<1xf32>
      %swap3A_522 = arith.constant 51 : i32
      %swap3A_523 = arith.index_cast %swap3A_522 : i32 to index
      %swap3A_524 = memref.load %arg33[%swap3A_523] : memref<160xf32, #tpu.memory_space<smem>>
      memref.store %squeeze3A_521, %arg33[%swap3A_523] : memref<160xf32, #tpu.memory_space<smem>>
      %slice3A_525 = vector.extract_strided_slice %get3A_240 {offsets = [5], sizes = [1], strides = [1]} : vector<16xf32> to vector<1xf32>
      %squeeze3A_526 = vector.extract %slice3A_525[0] : f32 from vector<1xf32>
      %swap3A_527 = arith.constant 56 : i32
      %swap3A_528 = arith.index_cast %swap3A_527 : i32 to index
      %swap3A_529 = memref.load %arg33[%swap3A_528] : memref<160xf32, #tpu.memory_space<smem>>
      memref.store %squeeze3A_526, %arg33[%swap3A_528] : memref<160xf32, #tpu.memory_space<smem>>
      %slice3A_530 = vector.extract_strided_slice %get3A_212 {offsets = [5], sizes = [1], strides = [1]} : vector<16xf32> to vector<1xf32>
      %squeeze3A_531 = vector.extract %slice3A_530[0] : f32 from vector<1xf32>
      %swap3A_532 = arith.constant 52 : i32
      %swap3A_533 = arith.index_cast %swap3A_532 : i32 to index
      %swap3A_534 = memref.load %arg33[%swap3A_533] : memref<160xf32, #tpu.memory_space<smem>>
      memref.store %squeeze3A_531, %arg33[%swap3A_533] : memref<160xf32, #tpu.memory_space<smem>>
      %slice3A_535 = vector.extract_strided_slice %get3A_247 {offsets = [5], sizes = [1], strides = [1]} : vector<16xf32> to vector<1xf32>
      %squeeze3A_536 = vector.extract %slice3A_535[0] : f32 from vector<1xf32>
      %swap3A_537 = arith.constant 57 : i32
      %swap3A_538 = arith.index_cast %swap3A_537 : i32 to index
      %swap3A_539 = memref.load %arg33[%swap3A_538] : memref<160xf32, #tpu.memory_space<smem>>
      memref.store %squeeze3A_536, %arg33[%swap3A_538] : memref<160xf32, #tpu.memory_space<smem>>
      %slice3A_540 = vector.extract_strided_slice %get3A_219 {offsets = [5], sizes = [1], strides = [1]} : vector<16xf32> to vector<1xf32>
      %squeeze3A_541 = vector.extract %slice3A_540[0] : f32 from vector<1xf32>
      %swap3A_542 = arith.constant 53 : i32
      %swap3A_543 = arith.index_cast %swap3A_542 : i32 to index
      %swap3A_544 = memref.load %arg33[%swap3A_543] : memref<160xf32, #tpu.memory_space<smem>>
      memref.store %squeeze3A_541, %arg33[%swap3A_543] : memref<160xf32, #tpu.memory_space<smem>>
      %slice3A_545 = vector.extract_strided_slice %get3A_254 {offsets = [5], sizes = [1], strides = [1]} : vector<16xf32> to vector<1xf32>
      %squeeze3A_546 = vector.extract %slice3A_545[0] : f32 from vector<1xf32>
      %swap3A_547 = arith.constant 58 : i32
      %swap3A_548 = arith.index_cast %swap3A_547 : i32 to index
      %swap3A_549 = memref.load %arg33[%swap3A_548] : memref<160xf32, #tpu.memory_space<smem>>
      memref.store %squeeze3A_546, %arg33[%swap3A_548] : memref<160xf32, #tpu.memory_space<smem>>
      %slice3A_550 = vector.extract_strided_slice %get3A_226 {offsets = [5], sizes = [1], strides = [1]} : vector<16xf32> to vector<1xf32>
      %squeeze3A_551 = vector.extract %slice3A_550[0] : f32 from vector<1xf32>
      %swap3A_552 = arith.constant 54 : i32
      %swap3A_553 = arith.index_cast %swap3A_552 : i32 to index
      %swap3A_554 = memref.load %arg33[%swap3A_553] : memref<160xf32, #tpu.memory_space<smem>>
      memref.store %squeeze3A_551, %arg33[%swap3A_553] : memref<160xf32, #tpu.memory_space<smem>>
      %slice3A_555 = vector.extract_strided_slice %get3A_261 {offsets = [5], sizes = [1], strides = [1]} : vector<16xf32> to vector<1xf32>
      %squeeze3A_556 = vector.extract %slice3A_555[0] : f32 from vector<1xf32>
      %swap3A_557 = arith.constant 59 : i32
      %swap3A_558 = arith.index_cast %swap3A_557 : i32 to index
      %swap3A_559 = memref.load %arg33[%swap3A_558] : memref<160xf32, #tpu.memory_space<smem>>
      memref.store %squeeze3A_556, %arg33[%swap3A_558] : memref<160xf32, #tpu.memory_space<smem>>
      %slice3A_560 = vector.extract_strided_slice %get3A_198 {offsets = [6], sizes = [1], strides = [1]} : vector<16xf32> to vector<1xf32>
      %squeeze3A_561 = vector.extract %slice3A_560[0] : f32 from vector<1xf32>
      %swap3A_562 = arith.constant 60 : i32
      %swap3A_563 = arith.index_cast %swap3A_562 : i32 to index
      %swap3A_564 = memref.load %arg33[%swap3A_563] : memref<160xf32, #tpu.memory_space<smem>>
      memref.store %squeeze3A_561, %arg33[%swap3A_563] : memref<160xf32, #tpu.memory_space<smem>>
      %slice3A_565 = vector.extract_strided_slice %get3A_233 {offsets = [6], sizes = [1], strides = [1]} : vector<16xf32> to vector<1xf32>
      %squeeze3A_566 = vector.extract %slice3A_565[0] : f32 from vector<1xf32>
      %swap3A_567 = arith.constant 65 : i32
      %swap3A_568 = arith.index_cast %swap3A_567 : i32 to index
      %swap3A_569 = memref.load %arg33[%swap3A_568] : memref<160xf32, #tpu.memory_space<smem>>
      memref.store %squeeze3A_566, %arg33[%swap3A_568] : memref<160xf32, #tpu.memory_space<smem>>
      %slice3A_570 = vector.extract_strided_slice %get3A_205 {offsets = [6], sizes = [1], strides = [1]} : vector<16xf32> to vector<1xf32>
      %squeeze3A_571 = vector.extract %slice3A_570[0] : f32 from vector<1xf32>
      %swap3A_572 = arith.constant 61 : i32
      %swap3A_573 = arith.index_cast %swap3A_572 : i32 to index
      %swap3A_574 = memref.load %arg33[%swap3A_573] : memref<160xf32, #tpu.memory_space<smem>>
      memref.store %squeeze3A_571, %arg33[%swap3A_573] : memref<160xf32, #tpu.memory_space<smem>>
      %slice3A_575 = vector.extract_strided_slice %get3A_240 {offsets = [6], sizes = [1], strides = [1]} : vector<16xf32> to vector<1xf32>
      %squeeze3A_576 = vector.extract %slice3A_575[0] : f32 from vector<1xf32>
      %swap3A_577 = arith.constant 66 : i32
      %swap3A_578 = arith.index_cast %swap3A_577 : i32 to index
      %swap3A_579 = memref.load %arg33[%swap3A_578] : memref<160xf32, #tpu.memory_space<smem>>
      memref.store %squeeze3A_576, %arg33[%swap3A_578] : memref<160xf32, #tpu.memory_space<smem>>
      %slice3A_580 = vector.extract_strided_slice %get3A_212 {offsets = [6], sizes = [1], strides = [1]} : vector<16xf32> to vector<1xf32>
      %squeeze3A_581 = vector.extract %slice3A_580[0] : f32 from vector<1xf32>
      %swap3A_582 = arith.constant 62 : i32
      %swap3A_583 = arith.index_cast %swap3A_582 : i32 to index
      %swap3A_584 = memref.load %arg33[%swap3A_583] : memref<160xf32, #tpu.memory_space<smem>>
      memref.store %squeeze3A_581, %arg33[%swap3A_583] : memref<160xf32, #tpu.memory_space<smem>>
      %slice3A_585 = vector.extract_strided_slice %get3A_247 {offsets = [6], sizes = [1], strides = [1]} : vector<16xf32> to vector<1xf32>
      %squeeze3A_586 = vector.extract %slice3A_585[0] : f32 from vector<1xf32>
      %swap3A_587 = arith.constant 67 : i32
      %swap3A_588 = arith.index_cast %swap3A_587 : i32 to index
      %swap3A_589 = memref.load %arg33[%swap3A_588] : memref<160xf32, #tpu.memory_space<smem>>
      memref.store %squeeze3A_586, %arg33[%swap3A_588] : memref<160xf32, #tpu.memory_space<smem>>
      %slice3A_590 = vector.extract_strided_slice %get3A_219 {offsets = [6], sizes = [1], strides = [1]} : vector<16xf32> to vector<1xf32>
      %squeeze3A_591 = vector.extract %slice3A_590[0] : f32 from vector<1xf32>
      %swap3A_592 = arith.constant 63 : i32
      %swap3A_593 = arith.index_cast %swap3A_592 : i32 to index
      %swap3A_594 = memref.load %arg33[%swap3A_593] : memref<160xf32, #tpu.memory_space<smem>>
      memref.store %squeeze3A_591, %arg33[%swap3A_593] : memref<160xf32, #tpu.memory_space<smem>>
      %slice3A_595 = vector.extract_strided_slice %get3A_254 {offsets = [6], sizes = [1], strides = [1]} : vector<16xf32> to vector<1xf32>
      %squeeze3A_596 = vector.extract %slice3A_595[0] : f32 from vector<1xf32>
      %swap3A_597 = arith.constant 68 : i32
      %swap3A_598 = arith.index_cast %swap3A_597 : i32 to index
      %swap3A_599 = memref.load %arg33[%swap3A_598] : memref<160xf32, #tpu.memory_space<smem>>
      memref.store %squeeze3A_596, %arg33[%swap3A_598] : memref<160xf32, #tpu.memory_space<smem>>
      %slice3A_600 = vector.extract_strided_slice %get3A_226 {offsets = [6], sizes = [1], strides = [1]} : vector<16xf32> to vector<1xf32>
      %squeeze3A_601 = vector.extract %slice3A_600[0] : f32 from vector<1xf32>
      %swap3A_602 = arith.constant 64 : i32
      %swap3A_603 = arith.index_cast %swap3A_602 : i32 to index
      %swap3A_604 = memref.load %arg33[%swap3A_603] : memref<160xf32, #tpu.memory_space<smem>>
      memref.store %squeeze3A_601, %arg33[%swap3A_603] : memref<160xf32, #tpu.memory_space<smem>>
      %slice3A_605 = vector.extract_strided_slice %get3A_261 {offsets = [6], sizes = [1], strides = [1]} : vector<16xf32> to vector<1xf32>
      %squeeze3A_606 = vector.extract %slice3A_605[0] : f32 from vector<1xf32>
      %swap3A_607 = arith.constant 69 : i32
      %swap3A_608 = arith.index_cast %swap3A_607 : i32 to index
      %swap3A_609 = memref.load %arg33[%swap3A_608] : memref<160xf32, #tpu.memory_space<smem>>
      memref.store %squeeze3A_606, %arg33[%swap3A_608] : memref<160xf32, #tpu.memory_space<smem>>
      %slice3A_610 = vector.extract_strided_slice %get3A_198 {offsets = [7], sizes = [1], strides = [1]} : vector<16xf32> to vector<1xf32>
      %squeeze3A_611 = vector.extract %slice3A_610[0] : f32 from vector<1xf32>
      %swap3A_612 = arith.constant 70 : i32
      %swap3A_613 = arith.index_cast %swap3A_612 : i32 to index
      %swap3A_614 = memref.load %arg33[%swap3A_613] : memref<160xf32, #tpu.memory_space<smem>>
      memref.store %squeeze3A_611, %arg33[%swap3A_613] : memref<160xf32, #tpu.memory_space<smem>>
      %slice3A_615 = vector.extract_strided_slice %get3A_233 {offsets = [7], sizes = [1], strides = [1]} : vector<16xf32> to vector<1xf32>
      %squeeze3A_616 = vector.extract %slice3A_615[0] : f32 from vector<1xf32>
      %swap3A_617 = arith.constant 75 : i32
      %swap3A_618 = arith.index_cast %swap3A_617 : i32 to index
      %swap3A_619 = memref.load %arg33[%swap3A_618] : memref<160xf32, #tpu.memory_space<smem>>
      memref.store %squeeze3A_616, %arg33[%swap3A_618] : memref<160xf32, #tpu.memory_space<smem>>
      %slice3A_620 = vector.extract_strided_slice %get3A_205 {offsets = [7], sizes = [1], strides = [1]} : vector<16xf32> to vector<1xf32>
      %squeeze3A_621 = vector.extract %slice3A_620[0] : f32 from vector<1xf32>
      %swap3A_622 = arith.constant 71 : i32
      %swap3A_623 = arith.index_cast %swap3A_622 : i32 to index
      %swap3A_624 = memref.load %arg33[%swap3A_623] : memref<160xf32, #tpu.memory_space<smem>>
      memref.store %squeeze3A_621, %arg33[%swap3A_623] : memref<160xf32, #tpu.memory_space<smem>>
      %slice3A_625 = vector.extract_strided_slice %get3A_240 {offsets = [7], sizes = [1], strides = [1]} : vector<16xf32> to vector<1xf32>
      %squeeze3A_626 = vector.extract %slice3A_625[0] : f32 from vector<1xf32>
      %swap3A_627 = arith.constant 76 : i32
      %swap3A_628 = arith.index_cast %swap3A_627 : i32 to index
      %swap3A_629 = memref.load %arg33[%swap3A_628] : memref<160xf32, #tpu.memory_space<smem>>
      memref.store %squeeze3A_626, %arg33[%swap3A_628] : memref<160xf32, #tpu.memory_space<smem>>
      %slice3A_630 = vector.extract_strided_slice %get3A_212 {offsets = [7], sizes = [1], strides = [1]} : vector<16xf32> to vector<1xf32>
      %squeeze3A_631 = vector.extract %slice3A_630[0] : f32 from vector<1xf32>
      %swap3A_632 = arith.constant 72 : i32
      %swap3A_633 = arith.index_cast %swap3A_632 : i32 to index
      %swap3A_634 = memref.load %arg33[%swap3A_633] : memref<160xf32, #tpu.memory_space<smem>>
      memref.store %squeeze3A_631, %arg33[%swap3A_633] : memref<160xf32, #tpu.memory_space<smem>>
      %slice3A_635 = vector.extract_strided_slice %get3A_247 {offsets = [7], sizes = [1], strides = [1]} : vector<16xf32> to vector<1xf32>
      %squeeze3A_636 = vector.extract %slice3A_635[0] : f32 from vector<1xf32>
      %swap3A_637 = arith.constant 77 : i32
      %swap3A_638 = arith.index_cast %swap3A_637 : i32 to index
      %swap3A_639 = memref.load %arg33[%swap3A_638] : memref<160xf32, #tpu.memory_space<smem>>
      memref.store %squeeze3A_636, %arg33[%swap3A_638] : memref<160xf32, #tpu.memory_space<smem>>
      %slice3A_640 = vector.extract_strided_slice %get3A_219 {offsets = [7], sizes = [1], strides = [1]} : vector<16xf32> to vector<1xf32>
      %squeeze3A_641 = vector.extract %slice3A_640[0] : f32 from vector<1xf32>
      %swap3A_642 = arith.constant 73 : i32
      %swap3A_643 = arith.index_cast %swap3A_642 : i32 to index
      %swap3A_644 = memref.load %arg33[%swap3A_643] : memref<160xf32, #tpu.memory_space<smem>>
      memref.store %squeeze3A_641, %arg33[%swap3A_643] : memref<160xf32, #tpu.memory_space<smem>>
      %slice3A_645 = vector.extract_strided_slice %get3A_254 {offsets = [7], sizes = [1], strides = [1]} : vector<16xf32> to vector<1xf32>
      %squeeze3A_646 = vector.extract %slice3A_645[0] : f32 from vector<1xf32>
      %swap3A_647 = arith.constant 78 : i32
      %swap3A_648 = arith.index_cast %swap3A_647 : i32 to index
      %swap3A_649 = memref.load %arg33[%swap3A_648] : memref<160xf32, #tpu.memory_space<smem>>
      memref.store %squeeze3A_646, %arg33[%swap3A_648] : memref<160xf32, #tpu.memory_space<smem>>
      %slice3A_650 = vector.extract_strided_slice %get3A_226 {offsets = [7], sizes = [1], strides = [1]} : vector<16xf32> to vector<1xf32>
      %squeeze3A_651 = vector.extract %slice3A_650[0] : f32 from vector<1xf32>
      %swap3A_652 = arith.constant 74 : i32
      %swap3A_653 = arith.index_cast %swap3A_652 : i32 to index
      %swap3A_654 = memref.load %arg33[%swap3A_653] : memref<160xf32, #tpu.memory_space<smem>>
      memref.store %squeeze3A_651, %arg33[%swap3A_653] : memref<160xf32, #tpu.memory_space<smem>>
      %slice3A_655 = vector.extract_strided_slice %get3A_261 {offsets = [7], sizes = [1], strides = [1]} : vector<16xf32> to vector<1xf32>
      %squeeze3A_656 = vector.extract %slice3A_655[0] : f32 from vector<1xf32>
      %swap3A_657 = arith.constant 79 : i32
      %swap3A_658 = arith.index_cast %swap3A_657 : i32 to index
      %swap3A_659 = memref.load %arg33[%swap3A_658] : memref<160xf32, #tpu.memory_space<smem>>
      memref.store %squeeze3A_656, %arg33[%swap3A_658] : memref<160xf32, #tpu.memory_space<smem>>
      %slice3A_660 = vector.extract_strided_slice %get3A_198 {offsets = [8], sizes = [1], strides = [1]} : vector<16xf32> to vector<1xf32>
      %squeeze3A_661 = vector.extract %slice3A_660[0] : f32 from vector<1xf32>
      %swap3A_662 = arith.constant 80 : i32
      %swap3A_663 = arith.index_cast %swap3A_662 : i32 to index
      %swap3A_664 = memref.load %arg33[%swap3A_663] : memref<160xf32, #tpu.memory_space<smem>>
      memref.store %squeeze3A_661, %arg33[%swap3A_663] : memref<160xf32, #tpu.memory_space<smem>>
      %slice3A_665 = vector.extract_strided_slice %get3A_233 {offsets = [8], sizes = [1], strides = [1]} : vector<16xf32> to vector<1xf32>
      %squeeze3A_666 = vector.extract %slice3A_665[0] : f32 from vector<1xf32>
      %swap3A_667 = arith.constant 85 : i32
      %swap3A_668 = arith.index_cast %swap3A_667 : i32 to index
      %swap3A_669 = memref.load %arg33[%swap3A_668] : memref<160xf32, #tpu.memory_space<smem>>
      memref.store %squeeze3A_666, %arg33[%swap3A_668] : memref<160xf32, #tpu.memory_space<smem>>
      %slice3A_670 = vector.extract_strided_slice %get3A_205 {offsets = [8], sizes = [1], strides = [1]} : vector<16xf32> to vector<1xf32>
      %squeeze3A_671 = vector.extract %slice3A_670[0] : f32 from vector<1xf32>
      %swap3A_672 = arith.constant 81 : i32
      %swap3A_673 = arith.index_cast %swap3A_672 : i32 to index
      %swap3A_674 = memref.load %arg33[%swap3A_673] : memref<160xf32, #tpu.memory_space<smem>>
      memref.store %squeeze3A_671, %arg33[%swap3A_673] : memref<160xf32, #tpu.memory_space<smem>>
      %slice3A_675 = vector.extract_strided_slice %get3A_240 {offsets = [8], sizes = [1], strides = [1]} : vector<16xf32> to vector<1xf32>
      %squeeze3A_676 = vector.extract %slice3A_675[0] : f32 from vector<1xf32>
      %swap3A_677 = arith.constant 86 : i32
      %swap3A_678 = arith.index_cast %swap3A_677 : i32 to index
      %swap3A_679 = memref.load %arg33[%swap3A_678] : memref<160xf32, #tpu.memory_space<smem>>
      memref.store %squeeze3A_676, %arg33[%swap3A_678] : memref<160xf32, #tpu.memory_space<smem>>
      %slice3A_680 = vector.extract_strided_slice %get3A_212 {offsets = [8], sizes = [1], strides = [1]} : vector<16xf32> to vector<1xf32>
      %squeeze3A_681 = vector.extract %slice3A_680[0] : f32 from vector<1xf32>
      %swap3A_682 = arith.constant 82 : i32
      %swap3A_683 = arith.index_cast %swap3A_682 : i32 to index
      %swap3A_684 = memref.load %arg33[%swap3A_683] : memref<160xf32, #tpu.memory_space<smem>>
      memref.store %squeeze3A_681, %arg33[%swap3A_683] : memref<160xf32, #tpu.memory_space<smem>>
      %slice3A_685 = vector.extract_strided_slice %get3A_247 {offsets = [8], sizes = [1], strides = [1]} : vector<16xf32> to vector<1xf32>
      %squeeze3A_686 = vector.extract %slice3A_685[0] : f32 from vector<1xf32>
      %swap3A_687 = arith.constant 87 : i32
      %swap3A_688 = arith.index_cast %swap3A_687 : i32 to index
      %swap3A_689 = memref.load %arg33[%swap3A_688] : memref<160xf32, #tpu.memory_space<smem>>
      memref.store %squeeze3A_686, %arg33[%swap3A_688] : memref<160xf32, #tpu.memory_space<smem>>
      %slice3A_690 = vector.extract_strided_slice %get3A_219 {offsets = [8], sizes = [1], strides = [1]} : vector<16xf32> to vector<1xf32>
      %squeeze3A_691 = vector.extract %slice3A_690[0] : f32 from vector<1xf32>
      %swap3A_692 = arith.constant 83 : i32
      %swap3A_693 = arith.index_cast %swap3A_692 : i32 to index
      %swap3A_694 = memref.load %arg33[%swap3A_693] : memref<160xf32, #tpu.memory_space<smem>>
      memref.store %squeeze3A_691, %arg33[%swap3A_693] : memref<160xf32, #tpu.memory_space<smem>>
      %slice3A_695 = vector.extract_strided_slice %get3A_254 {offsets = [8], sizes = [1], strides = [1]} : vector<16xf32> to vector<1xf32>
      %squeeze3A_696 = vector.extract %slice3A_695[0] : f32 from vector<1xf32>
      %swap3A_697 = arith.constant 88 : i32
      %swap3A_698 = arith.index_cast %swap3A_697 : i32 to index
      %swap3A_699 = memref.load %arg33[%swap3A_698] : memref<160xf32, #tpu.memory_space<smem>>
      memref.store %squeeze3A_696, %arg33[%swap3A_698] : memref<160xf32, #tpu.memory_space<smem>>
      %slice3A_700 = vector.extract_strided_slice %get3A_226 {offsets = [8], sizes = [1], strides = [1]} : vector<16xf32> to vector<1xf32>
      %squeeze3A_701 = vector.extract %slice3A_700[0] : f32 from vector<1xf32>
      %swap3A_702 = arith.constant 84 : i32
      %swap3A_703 = arith.index_cast %swap3A_702 : i32 to index
      %swap3A_704 = memref.load %arg33[%swap3A_703] : memref<160xf32, #tpu.memory_space<smem>>
      memref.store %squeeze3A_701, %arg33[%swap3A_703] : memref<160xf32, #tpu.memory_space<smem>>
      %slice3A_705 = vector.extract_strided_slice %get3A_261 {offsets = [8], sizes = [1], strides = [1]} : vector<16xf32> to vector<1xf32>
      %squeeze3A_706 = vector.extract %slice3A_705[0] : f32 from vector<1xf32>
      %swap3A_707 = arith.constant 89 : i32
      %swap3A_708 = arith.index_cast %swap3A_707 : i32 to index
      %swap3A_709 = memref.load %arg33[%swap3A_708] : memref<160xf32, #tpu.memory_space<smem>>
      memref.store %squeeze3A_706, %arg33[%swap3A_708] : memref<160xf32, #tpu.memory_space<smem>>
      %slice3A_710 = vector.extract_strided_slice %get3A_198 {offsets = [9], sizes = [1], strides = [1]} : vector<16xf32> to vector<1xf32>
      %squeeze3A_711 = vector.extract %slice3A_710[0] : f32 from vector<1xf32>
      %swap3A_712 = arith.constant 90 : i32
      %swap3A_713 = arith.index_cast %swap3A_712 : i32 to index
      %swap3A_714 = memref.load %arg33[%swap3A_713] : memref<160xf32, #tpu.memory_space<smem>>
      memref.store %squeeze3A_711, %arg33[%swap3A_713] : memref<160xf32, #tpu.memory_space<smem>>
      %slice3A_715 = vector.extract_strided_slice %get3A_233 {offsets = [9], sizes = [1], strides = [1]} : vector<16xf32> to vector<1xf32>
      %squeeze3A_716 = vector.extract %slice3A_715[0] : f32 from vector<1xf32>
      %swap3A_717 = arith.constant 95 : i32
      %swap3A_718 = arith.index_cast %swap3A_717 : i32 to index
      %swap3A_719 = memref.load %arg33[%swap3A_718] : memref<160xf32, #tpu.memory_space<smem>>
      memref.store %squeeze3A_716, %arg33[%swap3A_718] : memref<160xf32, #tpu.memory_space<smem>>
      %slice3A_720 = vector.extract_strided_slice %get3A_205 {offsets = [9], sizes = [1], strides = [1]} : vector<16xf32> to vector<1xf32>
      %squeeze3A_721 = vector.extract %slice3A_720[0] : f32 from vector<1xf32>
      %swap3A_722 = arith.constant 91 : i32
      %swap3A_723 = arith.index_cast %swap3A_722 : i32 to index
      %swap3A_724 = memref.load %arg33[%swap3A_723] : memref<160xf32, #tpu.memory_space<smem>>
      memref.store %squeeze3A_721, %arg33[%swap3A_723] : memref<160xf32, #tpu.memory_space<smem>>
      %slice3A_725 = vector.extract_strided_slice %get3A_240 {offsets = [9], sizes = [1], strides = [1]} : vector<16xf32> to vector<1xf32>
      %squeeze3A_726 = vector.extract %slice3A_725[0] : f32 from vector<1xf32>
      %swap3A_727 = arith.constant 96 : i32
      %swap3A_728 = arith.index_cast %swap3A_727 : i32 to index
      %swap3A_729 = memref.load %arg33[%swap3A_728] : memref<160xf32, #tpu.memory_space<smem>>
      memref.store %squeeze3A_726, %arg33[%swap3A_728] : memref<160xf32, #tpu.memory_space<smem>>
      %slice3A_730 = vector.extract_strided_slice %get3A_212 {offsets = [9], sizes = [1], strides = [1]} : vector<16xf32> to vector<1xf32>
      %squeeze3A_731 = vector.extract %slice3A_730[0] : f32 from vector<1xf32>
      %swap3A_732 = arith.constant 92 : i32
      %swap3A_733 = arith.index_cast %swap3A_732 : i32 to index
      %swap3A_734 = memref.load %arg33[%swap3A_733] : memref<160xf32, #tpu.memory_space<smem>>
      memref.store %squeeze3A_731, %arg33[%swap3A_733] : memref<160xf32, #tpu.memory_space<smem>>
      %slice3A_735 = vector.extract_strided_slice %get3A_247 {offsets = [9], sizes = [1], strides = [1]} : vector<16xf32> to vector<1xf32>
      %squeeze3A_736 = vector.extract %slice3A_735[0] : f32 from vector<1xf32>
      %swap3A_737 = arith.constant 97 : i32
      %swap3A_738 = arith.index_cast %swap3A_737 : i32 to index
      %swap3A_739 = memref.load %arg33[%swap3A_738] : memref<160xf32, #tpu.memory_space<smem>>
      memref.store %squeeze3A_736, %arg33[%swap3A_738] : memref<160xf32, #tpu.memory_space<smem>>
      %slice3A_740 = vector.extract_strided_slice %get3A_219 {offsets = [9], sizes = [1], strides = [1]} : vector<16xf32> to vector<1xf32>
      %squeeze3A_741 = vector.extract %slice3A_740[0] : f32 from vector<1xf32>
      %swap3A_742 = arith.constant 93 : i32
      %swap3A_743 = arith.index_cast %swap3A_742 : i32 to index
      %swap3A_744 = memref.load %arg33[%swap3A_743] : memref<160xf32, #tpu.memory_space<smem>>
      memref.store %squeeze3A_741, %arg33[%swap3A_743] : memref<160xf32, #tpu.memory_space<smem>>
      %slice3A_745 = vector.extract_strided_slice %get3A_254 {offsets = [9], sizes = [1], strides = [1]} : vector<16xf32> to vector<1xf32>
      %squeeze3A_746 = vector.extract %slice3A_745[0] : f32 from vector<1xf32>
      %swap3A_747 = arith.constant 98 : i32
      %swap3A_748 = arith.index_cast %swap3A_747 : i32 to index
      %swap3A_749 = memref.load %arg33[%swap3A_748] : memref<160xf32, #tpu.memory_space<smem>>
      memref.store %squeeze3A_746, %arg33[%swap3A_748] : memref<160xf32, #tpu.memory_space<smem>>
      %slice3A_750 = vector.extract_strided_slice %get3A_226 {offsets = [9], sizes = [1], strides = [1]} : vector<16xf32> to vector<1xf32>
      %squeeze3A_751 = vector.extract %slice3A_750[0] : f32 from vector<1xf32>
      %swap3A_752 = arith.constant 94 : i32
      %swap3A_753 = arith.index_cast %swap3A_752 : i32 to index
      %swap3A_754 = memref.load %arg33[%swap3A_753] : memref<160xf32, #tpu.memory_space<smem>>
      memref.store %squeeze3A_751, %arg33[%swap3A_753] : memref<160xf32, #tpu.memory_space<smem>>
      %slice3A_755 = vector.extract_strided_slice %get3A_261 {offsets = [9], sizes = [1], strides = [1]} : vector<16xf32> to vector<1xf32>
      %squeeze3A_756 = vector.extract %slice3A_755[0] : f32 from vector<1xf32>
      %swap3A_757 = arith.constant 99 : i32
      %swap3A_758 = arith.index_cast %swap3A_757 : i32 to index
      %swap3A_759 = memref.load %arg33[%swap3A_758] : memref<160xf32, #tpu.memory_space<smem>>
      memref.store %squeeze3A_756, %arg33[%swap3A_758] : memref<160xf32, #tpu.memory_space<smem>>
      %slice3A_760 = vector.extract_strided_slice %get3A_198 {offsets = [10], sizes = [1], strides = [1]} : vector<16xf32> to vector<1xf32>
      %squeeze3A_761 = vector.extract %slice3A_760[0] : f32 from vector<1xf32>
      %swap3A_762 = arith.constant 100 : i32
      %swap3A_763 = arith.index_cast %swap3A_762 : i32 to index
      %swap3A_764 = memref.load %arg33[%swap3A_763] : memref<160xf32, #tpu.memory_space<smem>>
      memref.store %squeeze3A_761, %arg33[%swap3A_763] : memref<160xf32, #tpu.memory_space<smem>>
      %slice3A_765 = vector.extract_strided_slice %get3A_233 {offsets = [10], sizes = [1], strides = [1]} : vector<16xf32> to vector<1xf32>
      %squeeze3A_766 = vector.extract %slice3A_765[0] : f32 from vector<1xf32>
      %swap3A_767 = arith.constant 105 : i32
      %swap3A_768 = arith.index_cast %swap3A_767 : i32 to index
      %swap3A_769 = memref.load %arg33[%swap3A_768] : memref<160xf32, #tpu.memory_space<smem>>
      memref.store %squeeze3A_766, %arg33[%swap3A_768] : memref<160xf32, #tpu.memory_space<smem>>
      %slice3A_770 = vector.extract_strided_slice %get3A_205 {offsets = [10], sizes = [1], strides = [1]} : vector<16xf32> to vector<1xf32>
      %squeeze3A_771 = vector.extract %slice3A_770[0] : f32 from vector<1xf32>
      %swap3A_772 = arith.constant 101 : i32
      %swap3A_773 = arith.index_cast %swap3A_772 : i32 to index
      %swap3A_774 = memref.load %arg33[%swap3A_773] : memref<160xf32, #tpu.memory_space<smem>>
      memref.store %squeeze3A_771, %arg33[%swap3A_773] : memref<160xf32, #tpu.memory_space<smem>>
      %slice3A_775 = vector.extract_strided_slice %get3A_240 {offsets = [10], sizes = [1], strides = [1]} : vector<16xf32> to vector<1xf32>
      %squeeze3A_776 = vector.extract %slice3A_775[0] : f32 from vector<1xf32>
      %swap3A_777 = arith.constant 106 : i32
      %swap3A_778 = arith.index_cast %swap3A_777 : i32 to index
      %swap3A_779 = memref.load %arg33[%swap3A_778] : memref<160xf32, #tpu.memory_space<smem>>
      memref.store %squeeze3A_776, %arg33[%swap3A_778] : memref<160xf32, #tpu.memory_space<smem>>
      %slice3A_780 = vector.extract_strided_slice %get3A_212 {offsets = [10], sizes = [1], strides = [1]} : vector<16xf32> to vector<1xf32>
      %squeeze3A_781 = vector.extract %slice3A_780[0] : f32 from vector<1xf32>
      %swap3A_782 = arith.constant 102 : i32
      %swap3A_783 = arith.index_cast %swap3A_782 : i32 to index
      %swap3A_784 = memref.load %arg33[%swap3A_783] : memref<160xf32, #tpu.memory_space<smem>>
      memref.store %squeeze3A_781, %arg33[%swap3A_783] : memref<160xf32, #tpu.memory_space<smem>>
      %slice3A_785 = vector.extract_strided_slice %get3A_247 {offsets = [10], sizes = [1], strides = [1]} : vector<16xf32> to vector<1xf32>
      %squeeze3A_786 = vector.extract %slice3A_785[0] : f32 from vector<1xf32>
      %swap3A_787 = arith.constant 107 : i32
      %swap3A_788 = arith.index_cast %swap3A_787 : i32 to index
      %swap3A_789 = memref.load %arg33[%swap3A_788] : memref<160xf32, #tpu.memory_space<smem>>
      memref.store %squeeze3A_786, %arg33[%swap3A_788] : memref<160xf32, #tpu.memory_space<smem>>
      %slice3A_790 = vector.extract_strided_slice %get3A_219 {offsets = [10], sizes = [1], strides = [1]} : vector<16xf32> to vector<1xf32>
      %squeeze3A_791 = vector.extract %slice3A_790[0] : f32 from vector<1xf32>
      %swap3A_792 = arith.constant 103 : i32
      %swap3A_793 = arith.index_cast %swap3A_792 : i32 to index
      %swap3A_794 = memref.load %arg33[%swap3A_793] : memref<160xf32, #tpu.memory_space<smem>>
      memref.store %squeeze3A_791, %arg33[%swap3A_793] : memref<160xf32, #tpu.memory_space<smem>>
      %slice3A_795 = vector.extract_strided_slice %get3A_254 {offsets = [10], sizes = [1], strides = [1]} : vector<16xf32> to vector<1xf32>
      %squeeze3A_796 = vector.extract %slice3A_795[0] : f32 from vector<1xf32>
      %swap3A_797 = arith.constant 108 : i32
      %swap3A_798 = arith.index_cast %swap3A_797 : i32 to index
      %swap3A_799 = memref.load %arg33[%swap3A_798] : memref<160xf32, #tpu.memory_space<smem>>
      memref.store %squeeze3A_796, %arg33[%swap3A_798] : memref<160xf32, #tpu.memory_space<smem>>
      %slice3A_800 = vector.extract_strided_slice %get3A_226 {offsets = [10], sizes = [1], strides = [1]} : vector<16xf32> to vector<1xf32>
      %squeeze3A_801 = vector.extract %slice3A_800[0] : f32 from vector<1xf32>
      %swap3A_802 = arith.constant 104 : i32
      %swap3A_803 = arith.index_cast %swap3A_802 : i32 to index
      %swap3A_804 = memref.load %arg33[%swap3A_803] : memref<160xf32, #tpu.memory_space<smem>>
      memref.store %squeeze3A_801, %arg33[%swap3A_803] : memref<160xf32, #tpu.memory_space<smem>>
      %slice3A_805 = vector.extract_strided_slice %get3A_261 {offsets = [10], sizes = [1], strides = [1]} : vector<16xf32> to vector<1xf32>
      %squeeze3A_806 = vector.extract %slice3A_805[0] : f32 from vector<1xf32>
      %swap3A_807 = arith.constant 109 : i32
      %swap3A_808 = arith.index_cast %swap3A_807 : i32 to index
      %swap3A_809 = memref.load %arg33[%swap3A_808] : memref<160xf32, #tpu.memory_space<smem>>
      memref.store %squeeze3A_806, %arg33[%swap3A_808] : memref<160xf32, #tpu.memory_space<smem>>
      %slice3A_810 = vector.extract_strided_slice %get3A_198 {offsets = [11], sizes = [1], strides = [1]} : vector<16xf32> to vector<1xf32>
      %squeeze3A_811 = vector.extract %slice3A_810[0] : f32 from vector<1xf32>
      %swap3A_812 = arith.constant 110 : i32
      %swap3A_813 = arith.index_cast %swap3A_812 : i32 to index
      %swap3A_814 = memref.load %arg33[%swap3A_813] : memref<160xf32, #tpu.memory_space<smem>>
      memref.store %squeeze3A_811, %arg33[%swap3A_813] : memref<160xf32, #tpu.memory_space<smem>>
      %slice3A_815 = vector.extract_strided_slice %get3A_233 {offsets = [11], sizes = [1], strides = [1]} : vector<16xf32> to vector<1xf32>
      %squeeze3A_816 = vector.extract %slice3A_815[0] : f32 from vector<1xf32>
      %swap3A_817 = arith.constant 115 : i32
      %swap3A_818 = arith.index_cast %swap3A_817 : i32 to index
      %swap3A_819 = memref.load %arg33[%swap3A_818] : memref<160xf32, #tpu.memory_space<smem>>
      memref.store %squeeze3A_816, %arg33[%swap3A_818] : memref<160xf32, #tpu.memory_space<smem>>
      %slice3A_820 = vector.extract_strided_slice %get3A_205 {offsets = [11], sizes = [1], strides = [1]} : vector<16xf32> to vector<1xf32>
      %squeeze3A_821 = vector.extract %slice3A_820[0] : f32 from vector<1xf32>
      %swap3A_822 = arith.constant 111 : i32
      %swap3A_823 = arith.index_cast %swap3A_822 : i32 to index
      %swap3A_824 = memref.load %arg33[%swap3A_823] : memref<160xf32, #tpu.memory_space<smem>>
      memref.store %squeeze3A_821, %arg33[%swap3A_823] : memref<160xf32, #tpu.memory_space<smem>>
      %slice3A_825 = vector.extract_strided_slice %get3A_240 {offsets = [11], sizes = [1], strides = [1]} : vector<16xf32> to vector<1xf32>
      %squeeze3A_826 = vector.extract %slice3A_825[0] : f32 from vector<1xf32>
      %swap3A_827 = arith.constant 116 : i32
      %swap3A_828 = arith.index_cast %swap3A_827 : i32 to index
      %swap3A_829 = memref.load %arg33[%swap3A_828] : memref<160xf32, #tpu.memory_space<smem>>
      memref.store %squeeze3A_826, %arg33[%swap3A_828] : memref<160xf32, #tpu.memory_space<smem>>
      %slice3A_830 = vector.extract_strided_slice %get3A_212 {offsets = [11], sizes = [1], strides = [1]} : vector<16xf32> to vector<1xf32>
      %squeeze3A_831 = vector.extract %slice3A_830[0] : f32 from vector<1xf32>
      %swap3A_832 = arith.constant 112 : i32
      %swap3A_833 = arith.index_cast %swap3A_832 : i32 to index
      %swap3A_834 = memref.load %arg33[%swap3A_833] : memref<160xf32, #tpu.memory_space<smem>>
      memref.store %squeeze3A_831, %arg33[%swap3A_833] : memref<160xf32, #tpu.memory_space<smem>>
      %slice3A_835 = vector.extract_strided_slice %get3A_247 {offsets = [11], sizes = [1], strides = [1]} : vector<16xf32> to vector<1xf32>
      %squeeze3A_836 = vector.extract %slice3A_835[0] : f32 from vector<1xf32>
      %swap3A_837 = arith.constant 117 : i32
      %swap3A_838 = arith.index_cast %swap3A_837 : i32 to index
      %swap3A_839 = memref.load %arg33[%swap3A_838] : memref<160xf32, #tpu.memory_space<smem>>
      memref.store %squeeze3A_836, %arg33[%swap3A_838] : memref<160xf32, #tpu.memory_space<smem>>
      %slice3A_840 = vector.extract_strided_slice %get3A_219 {offsets = [11], sizes = [1], strides = [1]} : vector<16xf32> to vector<1xf32>
      %squeeze3A_841 = vector.extract %slice3A_840[0] : f32 from vector<1xf32>
      %swap3A_842 = arith.constant 113 : i32
      %swap3A_843 = arith.index_cast %swap3A_842 : i32 to index
      %swap3A_844 = memref.load %arg33[%swap3A_843] : memref<160xf32, #tpu.memory_space<smem>>
      memref.store %squeeze3A_841, %arg33[%swap3A_843] : memref<160xf32, #tpu.memory_space<smem>>
      %slice3A_845 = vector.extract_strided_slice %get3A_254 {offsets = [11], sizes = [1], strides = [1]} : vector<16xf32> to vector<1xf32>
      %squeeze3A_846 = vector.extract %slice3A_845[0] : f32 from vector<1xf32>
      %swap3A_847 = arith.constant 118 : i32
      %swap3A_848 = arith.index_cast %swap3A_847 : i32 to index
      %swap3A_849 = memref.load %arg33[%swap3A_848] : memref<160xf32, #tpu.memory_space<smem>>
      memref.store %squeeze3A_846, %arg33[%swap3A_848] : memref<160xf32, #tpu.memory_space<smem>>
      %slice3A_850 = vector.extract_strided_slice %get3A_226 {offsets = [11], sizes = [1], strides = [1]} : vector<16xf32> to vector<1xf32>
      %squeeze3A_851 = vector.extract %slice3A_850[0] : f32 from vector<1xf32>
      %swap3A_852 = arith.constant 114 : i32
      %swap3A_853 = arith.index_cast %swap3A_852 : i32 to index
      %swap3A_854 = memref.load %arg33[%swap3A_853] : memref<160xf32, #tpu.memory_space<smem>>
      memref.store %squeeze3A_851, %arg33[%swap3A_853] : memref<160xf32, #tpu.memory_space<smem>>
      %slice3A_855 = vector.extract_strided_slice %get3A_261 {offsets = [11], sizes = [1], strides = [1]} : vector<16xf32> to vector<1xf32>
      %squeeze3A_856 = vector.extract %slice3A_855[0] : f32 from vector<1xf32>
      %swap3A_857 = arith.constant 119 : i32
      %swap3A_858 = arith.index_cast %swap3A_857 : i32 to index
      %swap3A_859 = memref.load %arg33[%swap3A_858] : memref<160xf32, #tpu.memory_space<smem>>
      memref.store %squeeze3A_856, %arg33[%swap3A_858] : memref<160xf32, #tpu.memory_space<smem>>
      %slice3A_860 = vector.extract_strided_slice %get3A_198 {offsets = [12], sizes = [1], strides = [1]} : vector<16xf32> to vector<1xf32>
      %squeeze3A_861 = vector.extract %slice3A_860[0] : f32 from vector<1xf32>
      %swap3A_862 = arith.constant 120 : i32
      %swap3A_863 = arith.index_cast %swap3A_862 : i32 to index
      %swap3A_864 = memref.load %arg33[%swap3A_863] : memref<160xf32, #tpu.memory_space<smem>>
      memref.store %squeeze3A_861, %arg33[%swap3A_863] : memref<160xf32, #tpu.memory_space<smem>>
      %slice3A_865 = vector.extract_strided_slice %get3A_233 {offsets = [12], sizes = [1], strides = [1]} : vector<16xf32> to vector<1xf32>
      %squeeze3A_866 = vector.extract %slice3A_865[0] : f32 from vector<1xf32>
      %swap3A_867 = arith.constant 125 : i32
      %swap3A_868 = arith.index_cast %swap3A_867 : i32 to index
      %swap3A_869 = memref.load %arg33[%swap3A_868] : memref<160xf32, #tpu.memory_space<smem>>
      memref.store %squeeze3A_866, %arg33[%swap3A_868] : memref<160xf32, #tpu.memory_space<smem>>
      %slice3A_870 = vector.extract_strided_slice %get3A_205 {offsets = [12], sizes = [1], strides = [1]} : vector<16xf32> to vector<1xf32>
      %squeeze3A_871 = vector.extract %slice3A_870[0] : f32 from vector<1xf32>
      %swap3A_872 = arith.constant 121 : i32
      %swap3A_873 = arith.index_cast %swap3A_872 : i32 to index
      %swap3A_874 = memref.load %arg33[%swap3A_873] : memref<160xf32, #tpu.memory_space<smem>>
      memref.store %squeeze3A_871, %arg33[%swap3A_873] : memref<160xf32, #tpu.memory_space<smem>>
      %slice3A_875 = vector.extract_strided_slice %get3A_240 {offsets = [12], sizes = [1], strides = [1]} : vector<16xf32> to vector<1xf32>
      %squeeze3A_876 = vector.extract %slice3A_875[0] : f32 from vector<1xf32>
      %swap3A_877 = arith.constant 126 : i32
      %swap3A_878 = arith.index_cast %swap3A_877 : i32 to index
      %swap3A_879 = memref.load %arg33[%swap3A_878] : memref<160xf32, #tpu.memory_space<smem>>
      memref.store %squeeze3A_876, %arg33[%swap3A_878] : memref<160xf32, #tpu.memory_space<smem>>
      %slice3A_880 = vector.extract_strided_slice %get3A_212 {offsets = [12], sizes = [1], strides = [1]} : vector<16xf32> to vector<1xf32>
      %squeeze3A_881 = vector.extract %slice3A_880[0] : f32 from vector<1xf32>
      %swap3A_882 = arith.constant 122 : i32
      %swap3A_883 = arith.index_cast %swap3A_882 : i32 to index
      %swap3A_884 = memref.load %arg33[%swap3A_883] : memref<160xf32, #tpu.memory_space<smem>>
      memref.store %squeeze3A_881, %arg33[%swap3A_883] : memref<160xf32, #tpu.memory_space<smem>>
      %slice3A_885 = vector.extract_strided_slice %get3A_247 {offsets = [12], sizes = [1], strides = [1]} : vector<16xf32> to vector<1xf32>
      %squeeze3A_886 = vector.extract %slice3A_885[0] : f32 from vector<1xf32>
      %swap3A_887 = arith.constant 127 : i32
      %swap3A_888 = arith.index_cast %swap3A_887 : i32 to index
      %swap3A_889 = memref.load %arg33[%swap3A_888] : memref<160xf32, #tpu.memory_space<smem>>
      memref.store %squeeze3A_886, %arg33[%swap3A_888] : memref<160xf32, #tpu.memory_space<smem>>
      %slice3A_890 = vector.extract_strided_slice %get3A_219 {offsets = [12], sizes = [1], strides = [1]} : vector<16xf32> to vector<1xf32>
      %squeeze3A_891 = vector.extract %slice3A_890[0] : f32 from vector<1xf32>
      %swap3A_892 = arith.constant 123 : i32
      %swap3A_893 = arith.index_cast %swap3A_892 : i32 to index
      %swap3A_894 = memref.load %arg33[%swap3A_893] : memref<160xf32, #tpu.memory_space<smem>>
      memref.store %squeeze3A_891, %arg33[%swap3A_893] : memref<160xf32, #tpu.memory_space<smem>>
      %slice3A_895 = vector.extract_strided_slice %get3A_254 {offsets = [12], sizes = [1], strides = [1]} : vector<16xf32> to vector<1xf32>
      %squeeze3A_896 = vector.extract %slice3A_895[0] : f32 from vector<1xf32>
      %swap3A_897 = arith.constant 128 : i32
      %swap3A_898 = arith.index_cast %swap3A_897 : i32 to index
      %swap3A_899 = memref.load %arg33[%swap3A_898] : memref<160xf32, #tpu.memory_space<smem>>
      memref.store %squeeze3A_896, %arg33[%swap3A_898] : memref<160xf32, #tpu.memory_space<smem>>
      %slice3A_900 = vector.extract_strided_slice %get3A_226 {offsets = [12], sizes = [1], strides = [1]} : vector<16xf32> to vector<1xf32>
      %squeeze3A_901 = vector.extract %slice3A_900[0] : f32 from vector<1xf32>
      %swap3A_902 = arith.constant 124 : i32
      %swap3A_903 = arith.index_cast %swap3A_902 : i32 to index
      %swap3A_904 = memref.load %arg33[%swap3A_903] : memref<160xf32, #tpu.memory_space<smem>>
      memref.store %squeeze3A_901, %arg33[%swap3A_903] : memref<160xf32, #tpu.memory_space<smem>>
      %slice3A_905 = vector.extract_strided_slice %get3A_261 {offsets = [12], sizes = [1], strides = [1]} : vector<16xf32> to vector<1xf32>
      %squeeze3A_906 = vector.extract %slice3A_905[0] : f32 from vector<1xf32>
      %swap3A_907 = arith.constant 129 : i32
      %swap3A_908 = arith.index_cast %swap3A_907 : i32 to index
      %swap3A_909 = memref.load %arg33[%swap3A_908] : memref<160xf32, #tpu.memory_space<smem>>
      memref.store %squeeze3A_906, %arg33[%swap3A_908] : memref<160xf32, #tpu.memory_space<smem>>
      %slice3A_910 = vector.extract_strided_slice %get3A_198 {offsets = [13], sizes = [1], strides = [1]} : vector<16xf32> to vector<1xf32>
      %squeeze3A_911 = vector.extract %slice3A_910[0] : f32 from vector<1xf32>
      %swap3A_912 = arith.constant 130 : i32
      %swap3A_913 = arith.index_cast %swap3A_912 : i32 to index
      %swap3A_914 = memref.load %arg33[%swap3A_913] : memref<160xf32, #tpu.memory_space<smem>>
      memref.store %squeeze3A_911, %arg33[%swap3A_913] : memref<160xf32, #tpu.memory_space<smem>>
      %slice3A_915 = vector.extract_strided_slice %get3A_233 {offsets = [13], sizes = [1], strides = [1]} : vector<16xf32> to vector<1xf32>
      %squeeze3A_916 = vector.extract %slice3A_915[0] : f32 from vector<1xf32>
      %swap3A_917 = arith.constant 135 : i32
      %swap3A_918 = arith.index_cast %swap3A_917 : i32 to index
      %swap3A_919 = memref.load %arg33[%swap3A_918] : memref<160xf32, #tpu.memory_space<smem>>
      memref.store %squeeze3A_916, %arg33[%swap3A_918] : memref<160xf32, #tpu.memory_space<smem>>
      %slice3A_920 = vector.extract_strided_slice %get3A_205 {offsets = [13], sizes = [1], strides = [1]} : vector<16xf32> to vector<1xf32>
      %squeeze3A_921 = vector.extract %slice3A_920[0] : f32 from vector<1xf32>
      %swap3A_922 = arith.constant 131 : i32
      %swap3A_923 = arith.index_cast %swap3A_922 : i32 to index
      %swap3A_924 = memref.load %arg33[%swap3A_923] : memref<160xf32, #tpu.memory_space<smem>>
      memref.store %squeeze3A_921, %arg33[%swap3A_923] : memref<160xf32, #tpu.memory_space<smem>>
      %slice3A_925 = vector.extract_strided_slice %get3A_240 {offsets = [13], sizes = [1], strides = [1]} : vector<16xf32> to vector<1xf32>
      %squeeze3A_926 = vector.extract %slice3A_925[0] : f32 from vector<1xf32>
      %swap3A_927 = arith.constant 136 : i32
      %swap3A_928 = arith.index_cast %swap3A_927 : i32 to index
      %swap3A_929 = memref.load %arg33[%swap3A_928] : memref<160xf32, #tpu.memory_space<smem>>
      memref.store %squeeze3A_926, %arg33[%swap3A_928] : memref<160xf32, #tpu.memory_space<smem>>
      %slice3A_930 = vector.extract_strided_slice %get3A_212 {offsets = [13], sizes = [1], strides = [1]} : vector<16xf32> to vector<1xf32>
      %squeeze3A_931 = vector.extract %slice3A_930[0] : f32 from vector<1xf32>
      %swap3A_932 = arith.constant 132 : i32
      %swap3A_933 = arith.index_cast %swap3A_932 : i32 to index
      %swap3A_934 = memref.load %arg33[%swap3A_933] : memref<160xf32, #tpu.memory_space<smem>>
      memref.store %squeeze3A_931, %arg33[%swap3A_933] : memref<160xf32, #tpu.memory_space<smem>>
      %slice3A_935 = vector.extract_strided_slice %get3A_247 {offsets = [13], sizes = [1], strides = [1]} : vector<16xf32> to vector<1xf32>
      %squeeze3A_936 = vector.extract %slice3A_935[0] : f32 from vector<1xf32>
      %swap3A_937 = arith.constant 137 : i32
      %swap3A_938 = arith.index_cast %swap3A_937 : i32 to index
      %swap3A_939 = memref.load %arg33[%swap3A_938] : memref<160xf32, #tpu.memory_space<smem>>
      memref.store %squeeze3A_936, %arg33[%swap3A_938] : memref<160xf32, #tpu.memory_space<smem>>
      %slice3A_940 = vector.extract_strided_slice %get3A_219 {offsets = [13], sizes = [1], strides = [1]} : vector<16xf32> to vector<1xf32>
      %squeeze3A_941 = vector.extract %slice3A_940[0] : f32 from vector<1xf32>
      %swap3A_942 = arith.constant 133 : i32
      %swap3A_943 = arith.index_cast %swap3A_942 : i32 to index
      %swap3A_944 = memref.load %arg33[%swap3A_943] : memref<160xf32, #tpu.memory_space<smem>>
      memref.store %squeeze3A_941, %arg33[%swap3A_943] : memref<160xf32, #tpu.memory_space<smem>>
      %slice3A_945 = vector.extract_strided_slice %get3A_254 {offsets = [13], sizes = [1], strides = [1]} : vector<16xf32> to vector<1xf32>
      %squeeze3A_946 = vector.extract %slice3A_945[0] : f32 from vector<1xf32>
      %swap3A_947 = arith.constant 138 : i32
      %swap3A_948 = arith.index_cast %swap3A_947 : i32 to index
      %swap3A_949 = memref.load %arg33[%swap3A_948] : memref<160xf32, #tpu.memory_space<smem>>
      memref.store %squeeze3A_946, %arg33[%swap3A_948] : memref<160xf32, #tpu.memory_space<smem>>
      %slice3A_950 = vector.extract_strided_slice %get3A_226 {offsets = [13], sizes = [1], strides = [1]} : vector<16xf32> to vector<1xf32>
      %squeeze3A_951 = vector.extract %slice3A_950[0] : f32 from vector<1xf32>
      %swap3A_952 = arith.constant 134 : i32
      %swap3A_953 = arith.index_cast %swap3A_952 : i32 to index
      %swap3A_954 = memref.load %arg33[%swap3A_953] : memref<160xf32, #tpu.memory_space<smem>>
      memref.store %squeeze3A_951, %arg33[%swap3A_953] : memref<160xf32, #tpu.memory_space<smem>>
      %slice3A_955 = vector.extract_strided_slice %get3A_261 {offsets = [13], sizes = [1], strides = [1]} : vector<16xf32> to vector<1xf32>
      %squeeze3A_956 = vector.extract %slice3A_955[0] : f32 from vector<1xf32>
      %swap3A_957 = arith.constant 139 : i32
      %swap3A_958 = arith.index_cast %swap3A_957 : i32 to index
      %swap3A_959 = memref.load %arg33[%swap3A_958] : memref<160xf32, #tpu.memory_space<smem>>
      memref.store %squeeze3A_956, %arg33[%swap3A_958] : memref<160xf32, #tpu.memory_space<smem>>
      %slice3A_960 = vector.extract_strided_slice %get3A_198 {offsets = [14], sizes = [1], strides = [1]} : vector<16xf32> to vector<1xf32>
      %squeeze3A_961 = vector.extract %slice3A_960[0] : f32 from vector<1xf32>
      %swap3A_962 = arith.constant 140 : i32
      %swap3A_963 = arith.index_cast %swap3A_962 : i32 to index
      %swap3A_964 = memref.load %arg33[%swap3A_963] : memref<160xf32, #tpu.memory_space<smem>>
      memref.store %squeeze3A_961, %arg33[%swap3A_963] : memref<160xf32, #tpu.memory_space<smem>>
      %slice3A_965 = vector.extract_strided_slice %get3A_233 {offsets = [14], sizes = [1], strides = [1]} : vector<16xf32> to vector<1xf32>
      %squeeze3A_966 = vector.extract %slice3A_965[0] : f32 from vector<1xf32>
      %swap3A_967 = arith.constant 145 : i32
      %swap3A_968 = arith.index_cast %swap3A_967 : i32 to index
      %swap3A_969 = memref.load %arg33[%swap3A_968] : memref<160xf32, #tpu.memory_space<smem>>
      memref.store %squeeze3A_966, %arg33[%swap3A_968] : memref<160xf32, #tpu.memory_space<smem>>
      %slice3A_970 = vector.extract_strided_slice %get3A_205 {offsets = [14], sizes = [1], strides = [1]} : vector<16xf32> to vector<1xf32>
      %squeeze3A_971 = vector.extract %slice3A_970[0] : f32 from vector<1xf32>
      %swap3A_972 = arith.constant 141 : i32
      %swap3A_973 = arith.index_cast %swap3A_972 : i32 to index
      %swap3A_974 = memref.load %arg33[%swap3A_973] : memref<160xf32, #tpu.memory_space<smem>>
      memref.store %squeeze3A_971, %arg33[%swap3A_973] : memref<160xf32, #tpu.memory_space<smem>>
      %slice3A_975 = vector.extract_strided_slice %get3A_240 {offsets = [14], sizes = [1], strides = [1]} : vector<16xf32> to vector<1xf32>
      %squeeze3A_976 = vector.extract %slice3A_975[0] : f32 from vector<1xf32>
      %swap3A_977 = arith.constant 146 : i32
      %swap3A_978 = arith.index_cast %swap3A_977 : i32 to index
      %swap3A_979 = memref.load %arg33[%swap3A_978] : memref<160xf32, #tpu.memory_space<smem>>
      memref.store %squeeze3A_976, %arg33[%swap3A_978] : memref<160xf32, #tpu.memory_space<smem>>
      %slice3A_980 = vector.extract_strided_slice %get3A_212 {offsets = [14], sizes = [1], strides = [1]} : vector<16xf32> to vector<1xf32>
      %squeeze3A_981 = vector.extract %slice3A_980[0] : f32 from vector<1xf32>
      %swap3A_982 = arith.constant 142 : i32
      %swap3A_983 = arith.index_cast %swap3A_982 : i32 to index
      %swap3A_984 = memref.load %arg33[%swap3A_983] : memref<160xf32, #tpu.memory_space<smem>>
      memref.store %squeeze3A_981, %arg33[%swap3A_983] : memref<160xf32, #tpu.memory_space<smem>>
      %slice3A_985 = vector.extract_strided_slice %get3A_247 {offsets = [14], sizes = [1], strides = [1]} : vector<16xf32> to vector<1xf32>
      %squeeze3A_986 = vector.extract %slice3A_985[0] : f32 from vector<1xf32>
      %swap3A_987 = arith.constant 147 : i32
      %swap3A_988 = arith.index_cast %swap3A_987 : i32 to index
      %swap3A_989 = memref.load %arg33[%swap3A_988] : memref<160xf32, #tpu.memory_space<smem>>
      memref.store %squeeze3A_986, %arg33[%swap3A_988] : memref<160xf32, #tpu.memory_space<smem>>
      %slice3A_990 = vector.extract_strided_slice %get3A_219 {offsets = [14], sizes = [1], strides = [1]} : vector<16xf32> to vector<1xf32>
      %squeeze3A_991 = vector.extract %slice3A_990[0] : f32 from vector<1xf32>
      %swap3A_992 = arith.constant 143 : i32
      %swap3A_993 = arith.index_cast %swap3A_992 : i32 to index
      %swap3A_994 = memref.load %arg33[%swap3A_993] : memref<160xf32, #tpu.memory_space<smem>>
      memref.store %squeeze3A_991, %arg33[%swap3A_993] : memref<160xf32, #tpu.memory_space<smem>>
      %slice3A_995 = vector.extract_strided_slice %get3A_254 {offsets = [14], sizes = [1], strides = [1]} : vector<16xf32> to vector<1xf32>
      %squeeze3A_996 = vector.extract %slice3A_995[0] : f32 from vector<1xf32>
      %swap3A_997 = arith.constant 148 : i32
      %swap3A_998 = arith.index_cast %swap3A_997 : i32 to index
      %swap3A_999 = memref.load %arg33[%swap3A_998] : memref<160xf32, #tpu.memory_space<smem>>
      memref.store %squeeze3A_996, %arg33[%swap3A_998] : memref<160xf32, #tpu.memory_space<smem>>
      %slice3A_1000 = vector.extract_strided_slice %get3A_226 {offsets = [14], sizes = [1], strides = [1]} : vector<16xf32> to vector<1xf32>
      %squeeze3A_1001 = vector.extract %slice3A_1000[0] : f32 from vector<1xf32>
      %swap3A_1002 = arith.constant 144 : i32
      %swap3A_1003 = arith.index_cast %swap3A_1002 : i32 to index
      %swap3A_1004 = memref.load %arg33[%swap3A_1003] : memref<160xf32, #tpu.memory_space<smem>>
      memref.store %squeeze3A_1001, %arg33[%swap3A_1003] : memref<160xf32, #tpu.memory_space<smem>>
      %slice3A_1005 = vector.extract_strided_slice %get3A_261 {offsets = [14], sizes = [1], strides = [1]} : vector<16xf32> to vector<1xf32>
      %squeeze3A_1006 = vector.extract %slice3A_1005[0] : f32 from vector<1xf32>
      %swap3A_1007 = arith.constant 149 : i32
      %swap3A_1008 = arith.index_cast %swap3A_1007 : i32 to index
      %swap3A_1009 = memref.load %arg33[%swap3A_1008] : memref<160xf32, #tpu.memory_space<smem>>
      memref.store %squeeze3A_1006, %arg33[%swap3A_1008] : memref<160xf32, #tpu.memory_space<smem>>
      %slice3A_1010 = vector.extract_strided_slice %get3A_198 {offsets = [15], sizes = [1], strides = [1]} : vector<16xf32> to vector<1xf32>
      %squeeze3A_1011 = vector.extract %slice3A_1010[0] : f32 from vector<1xf32>
      %swap3A_1012 = arith.constant 150 : i32
      %swap3A_1013 = arith.index_cast %swap3A_1012 : i32 to index
      %swap3A_1014 = memref.load %arg33[%swap3A_1013] : memref<160xf32, #tpu.memory_space<smem>>
      memref.store %squeeze3A_1011, %arg33[%swap3A_1013] : memref<160xf32, #tpu.memory_space<smem>>
      %slice3A_1015 = vector.extract_strided_slice %get3A_233 {offsets = [15], sizes = [1], strides = [1]} : vector<16xf32> to vector<1xf32>
      %squeeze3A_1016 = vector.extract %slice3A_1015[0] : f32 from vector<1xf32>
      %swap3A_1017 = arith.constant 155 : i32
      %swap3A_1018 = arith.index_cast %swap3A_1017 : i32 to index
      %swap3A_1019 = memref.load %arg33[%swap3A_1018] : memref<160xf32, #tpu.memory_space<smem>>
      memref.store %squeeze3A_1016, %arg33[%swap3A_1018] : memref<160xf32, #tpu.memory_space<smem>>
      %slice3A_1020 = vector.extract_strided_slice %get3A_205 {offsets = [15], sizes = [1], strides = [1]} : vector<16xf32> to vector<1xf32>
      %squeeze3A_1021 = vector.extract %slice3A_1020[0] : f32 from vector<1xf32>
      %swap3A_1022 = arith.constant 151 : i32
      %swap3A_1023 = arith.index_cast %swap3A_1022 : i32 to index
      %swap3A_1024 = memref.load %arg33[%swap3A_1023] : memref<160xf32, #tpu.memory_space<smem>>
      memref.store %squeeze3A_1021, %arg33[%swap3A_1023] : memref<160xf32, #tpu.memory_space<smem>>
      %slice3A_1025 = vector.extract_strided_slice %get3A_240 {offsets = [15], sizes = [1], strides = [1]} : vector<16xf32> to vector<1xf32>
      %squeeze3A_1026 = vector.extract %slice3A_1025[0] : f32 from vector<1xf32>
      %swap3A_1027 = arith.constant 156 : i32
      %swap3A_1028 = arith.index_cast %swap3A_1027 : i32 to index
      %swap3A_1029 = memref.load %arg33[%swap3A_1028] : memref<160xf32, #tpu.memory_space<smem>>
      memref.store %squeeze3A_1026, %arg33[%swap3A_1028] : memref<160xf32, #tpu.memory_space<smem>>
      %slice3A_1030 = vector.extract_strided_slice %get3A_212 {offsets = [15], sizes = [1], strides = [1]} : vector<16xf32> to vector<1xf32>
      %squeeze3A_1031 = vector.extract %slice3A_1030[0] : f32 from vector<1xf32>
      %swap3A_1032 = arith.constant 152 : i32
      %swap3A_1033 = arith.index_cast %swap3A_1032 : i32 to index
      %swap3A_1034 = memref.load %arg33[%swap3A_1033] : memref<160xf32, #tpu.memory_space<smem>>
      memref.store %squeeze3A_1031, %arg33[%swap3A_1033] : memref<160xf32, #tpu.memory_space<smem>>
      %slice3A_1035 = vector.extract_strided_slice %get3A_247 {offsets = [15], sizes = [1], strides = [1]} : vector<16xf32> to vector<1xf32>
      %squeeze3A_1036 = vector.extract %slice3A_1035[0] : f32 from vector<1xf32>
      %swap3A_1037 = arith.constant 157 : i32
      %swap3A_1038 = arith.index_cast %swap3A_1037 : i32 to index
      %swap3A_1039 = memref.load %arg33[%swap3A_1038] : memref<160xf32, #tpu.memory_space<smem>>
      memref.store %squeeze3A_1036, %arg33[%swap3A_1038] : memref<160xf32, #tpu.memory_space<smem>>
      %slice3A_1040 = vector.extract_strided_slice %get3A_219 {offsets = [15], sizes = [1], strides = [1]} : vector<16xf32> to vector<1xf32>
      %squeeze3A_1041 = vector.extract %slice3A_1040[0] : f32 from vector<1xf32>
      %swap3A_1042 = arith.constant 153 : i32
      %swap3A_1043 = arith.index_cast %swap3A_1042 : i32 to index
      %swap3A_1044 = memref.load %arg33[%swap3A_1043] : memref<160xf32, #tpu.memory_space<smem>>
      memref.store %squeeze3A_1041, %arg33[%swap3A_1043] : memref<160xf32, #tpu.memory_space<smem>>
      %slice3A_1045 = vector.extract_strided_slice %get3A_254 {offsets = [15], sizes = [1], strides = [1]} : vector<16xf32> to vector<1xf32>
      %squeeze3A_1046 = vector.extract %slice3A_1045[0] : f32 from vector<1xf32>
      %swap3A_1047 = arith.constant 158 : i32
      %swap3A_1048 = arith.index_cast %swap3A_1047 : i32 to index
      %swap3A_1049 = memref.load %arg33[%swap3A_1048] : memref<160xf32, #tpu.memory_space<smem>>
      memref.store %squeeze3A_1046, %arg33[%swap3A_1048] : memref<160xf32, #tpu.memory_space<smem>>
      %slice3A_1050 = vector.extract_strided_slice %get3A_226 {offsets = [15], sizes = [1], strides = [1]} : vector<16xf32> to vector<1xf32>
      %squeeze3A_1051 = vector.extract %slice3A_1050[0] : f32 from vector<1xf32>
      %swap3A_1052 = arith.constant 154 : i32
      %swap3A_1053 = arith.index_cast %swap3A_1052 : i32 to index
      %swap3A_1054 = memref.load %arg33[%swap3A_1053] : memref<160xf32, #tpu.memory_space<smem>>
      memref.store %squeeze3A_1051, %arg33[%swap3A_1053] : memref<160xf32, #tpu.memory_space<smem>>
      %slice3A_1055 = vector.extract_strided_slice %get3A_261 {offsets = [15], sizes = [1], strides = [1]} : vector<16xf32> to vector<1xf32>
      %squeeze3A_1056 = vector.extract %slice3A_1055[0] : f32 from vector<1xf32>
      %swap3A_1057 = arith.constant 159 : i32
      %swap3A_1058 = arith.index_cast %swap3A_1057 : i32 to index
      %swap3A_1059 = memref.load %arg33[%swap3A_1058] : memref<160xf32, #tpu.memory_space<smem>>
      memref.store %squeeze3A_1056, %arg33[%swap3A_1058] : memref<160xf32, #tpu.memory_space<smem>>
      %scan3A_1060 = arith.constant 0 : i32
      %scan3A_1061 = arith.constant 0 : i32
      %scan3A_1062 = arith.constant 16 : i32
      %scan3A_1063 = arith.addi %scan3A_1061, %scan3A_1062 : i32
      %scan3A_1064 = arith.constant 2 : i32
      scf.for %scan3A_1066 = %scan3A_1061 to %scan3A_1063 step %scan3A_1064  : i32 {
        %mul3A_1067 = arith.constant 2 : i32
        %mul3A_1068 = arith.muli %scan3A_1066, %mul3A_1067 : i32
        %mul3A_1069 = arith.constant 5 : i32
        %mul3A_1070 = arith.muli %mul3A_1068, %mul3A_1069 : i32
        %get3A_1071 = arith.index_cast %scan3A_1066 : i32 to index
        %get3A_1072 = arith.constant 0 : index
        %get3A_1073 = tpu.vector_load %arg28[%get3A_1071, %get3A_1072] {strides = array<i32>} : memref<96x64xf32, #tpu.memory_space<vmem>>, vector<1x16xf32>,
        %get3A_1074 = vector.shape_cast %get3A_1073 : vector<1x16xf32> to vector<16xf32>
        %mul3A_1075 = arith.mulf %get3A_1074, %get3A_1074 : vector<16xf32>
        %add3A_1076 = arith.constant 16 : i32
        %add3A_1077 = arith.addi %add3A_1076, %scan3A_1066 : i32
        %get3A_1078 = arith.index_cast %add3A_1077 : i32 to index
        %get3A_1079 = arith.constant 0 : index
        %get3A_1080 = tpu.vector_load %arg28[%get3A_1078, %get3A_1079] {strides = array<i32>} : memref<96x64xf32, #tpu.memory_space<vmem>>, vector<1x16xf32>,
        %get3A_1081 = vector.shape_cast %get3A_1080 : vector<1x16xf32> to vector<16xf32>
        %add3A_1082 = arith.addf %get3A_1074, %get3A_1081 : vector<16xf32>
        %mul3A_1083 = arith.mulf %get3A_1081, %get3A_1081 : vector<16xf32>
        %add3A_1084 = arith.addf %mul3A_1075, %mul3A_1083 : vector<16xf32>
        %add3A_1085 = arith.constant 32 : i32
        %add3A_1086 = arith.addi %add3A_1085, %scan3A_1066 : i32
        %get3A_1087 = arith.index_cast %add3A_1086 : i32 to index
        %get3A_1088 = arith.constant 0 : index
        %get3A_1089 = tpu.vector_load %arg28[%get3A_1087, %get3A_1088] {strides = array<i32>} : memref<96x64xf32, #tpu.memory_space<vmem>>, vector<1x16xf32>,
        %get3A_1090 = vector.shape_cast %get3A_1089 : vector<1x16xf32> to vector<16xf32>
        %add3A_1091 = arith.addf %add3A_1082, %get3A_1090 : vector<16xf32>
        %mul3A_1092 = arith.mulf %get3A_1090, %get3A_1090 : vector<16xf32>
        %add3A_1093 = arith.addf %add3A_1084, %mul3A_1092 : vector<16xf32>
        %add3A_1094 = arith.constant 48 : i32
        %add3A_1095 = arith.addi %add3A_1094, %scan3A_1066 : i32
        %get3A_1096 = arith.index_cast %add3A_1095 : i32 to index
        %get3A_1097 = arith.constant 0 : index
        %get3A_1098 = tpu.vector_load %arg28[%get3A_1096, %get3A_1097] {strides = array<i32>} : memref<96x64xf32, #tpu.memory_space<vmem>>, vector<1x16xf32>,
        %get3A_1099 = vector.shape_cast %get3A_1098 : vector<1x16xf32> to vector<16xf32>
        %add3A_1100 = arith.addf %add3A_1091, %get3A_1099 : vector<16xf32>
        %mul3A_1101 = arith.mulf %get3A_1099, %get3A_1099 : vector<16xf32>
        %add3A_1102 = arith.addf %add3A_1093, %mul3A_1101 : vector<16xf32>
        %add3A_1103 = arith.constant 64 : i32
        %add3A_1104 = arith.addi %add3A_1103, %scan3A_1066 : i32
        %get3A_1105 = arith.index_cast %add3A_1104 : i32 to index
        %get3A_1106 = arith.constant 0 : index
        %get3A_1107 = tpu.vector_load %arg28[%get3A_1105, %get3A_1106] {strides = array<i32>} : memref<96x64xf32, #tpu.memory_space<vmem>>, vector<1x16xf32>,
        %get3A_1108 = vector.shape_cast %get3A_1107 : vector<1x16xf32> to vector<16xf32>
        %add3A_1109 = arith.addf %add3A_1100, %get3A_1108 : vector<16xf32>
        %mul3A_1110 = arith.mulf %get3A_1108, %get3A_1108 : vector<16xf32>
        %add3A_1111 = arith.addf %add3A_1102, %mul3A_1110 : vector<16xf32>
        %mul3A_1112 = arith.mulf %add3A_1109, %add3A_1109 : vector<16xf32>
        %sub3A = arith.subf %mul3A_1112, %add3A_1111 : vector<16xf32>
        %add3A_1113 = arith.constant 80 : i32
        %add3A_1114 = arith.addi %add3A_1113, %scan3A_1066 : i32
        %get3A_1115 = arith.index_cast %add3A_1114 : i32 to index
        %get3A_1116 = arith.constant 0 : index
        %get3A_1117 = tpu.vector_load %arg28[%get3A_1115, %get3A_1116] {strides = array<i32>} : memref<96x64xf32, #tpu.memory_space<vmem>>, vector<1x16xf32>,
        %get3A_1118 = vector.shape_cast %get3A_1117 : vector<1x16xf32> to vector<16xf32>
        %add3A_1119 = arith.addf %sub3A, %get3A_1118 : vector<16xf32>
        %swap3A_1120 = arith.index_cast %scan3A_1066 : i32 to index
        %swap3A_1121 = arith.constant 0 : index
        %swap3A_1122 = tpu.vector_load %arg32[%swap3A_1120, %swap3A_1121] {strides = array<i32>} : memref<16x256xf32, #tpu.memory_space<vmem>>, vector<1x16xf32>,
        %swap3A_1123 = vector.shape_cast %swap3A_1122 : vector<1x16xf32> to vector<16xf32>
        %swap3A_1124 = vector.shape_cast %add3A_1119 : vector<16xf32> to vector<1x16xf32>
        tpu.vector_store %arg32[%swap3A_1120, %swap3A_1121], %swap3A_1124 {strides = array<i32>} : memref<16x256xf32, #tpu.memory_space<vmem>>, vector<1x16xf32>,
        %add3A_1125 = arith.constant 80 : i32
        %add3A_1126 = arith.addi %add3A_1125, %scan3A_1066 : i32
        %get3A_1127 = arith.index_cast %add3A_1126 : i32 to index
        %get3A_1128 = arith.constant 0 : index
        %get3A_1129 = tpu.vector_load %arg29[%get3A_1127, %get3A_1128] {strides = array<i32>} : memref<96x64xf32, #tpu.memory_space<vmem>>, vector<1x16xf32>,
        %get3A_1130 = vector.shape_cast %get3A_1129 : vector<1x16xf32> to vector<16xf32>
        %add3A_1131 = arith.constant 80 : i32
        %add3A_1132 = arith.addi %add3A_1131, %scan3A_1066 : i32
        %get3A_1133 = arith.index_cast %add3A_1132 : i32 to index
        %get3A_1134 = arith.constant 0 : index
        %get3A_1135 = tpu.vector_load %arg30[%get3A_1133, %get3A_1134] {strides = array<i32>} : memref<96x64xf32, #tpu.memory_space<vmem>>, vector<1x16xf32>,
        %get3A_1136 = vector.shape_cast %get3A_1135 : vector<1x16xf32> to vector<16xf32>
        %add3A_1137 = arith.constant 0 : i32
        %add3A_1138 = arith.addi %mul3A_1070, %add3A_1137 : i32
        %get3A_1139 = arith.index_cast %add3A_1138 : i32 to index
        %get3A_1140 = memref.load %arg33[%get3A_1139] : memref<160xf32, #tpu.memory_space<smem>>
        %add3A_1141 = arith.constant 0 : i32
        %add3A_1142 = arith.addi %add3A_1141, %scan3A_1066 : i32
        %get3A_1143 = arith.index_cast %add3A_1142 : i32 to index
        %get3A_1144 = arith.constant 0 : index
        %get3A_1145 = tpu.vector_load %arg29[%get3A_1143, %get3A_1144] {strides = array<i32>} : memref<96x64xf32, #tpu.memory_space<vmem>>, vector<1x16xf32>,
        %get3A_1146 = vector.shape_cast %get3A_1145 : vector<1x16xf32> to vector<16xf32>
        %mul3A_1147 = vector.broadcast %get3A_1140 : f32 to vector<16xf32>
        %mul3A_1148 = arith.mulf %mul3A_1147, %get3A_1146 : vector<16xf32>
        %add3A_1149 = arith.addf %get3A_1130, %mul3A_1148 : vector<16xf32>
        %add3A_1150 = arith.constant 5 : i32
        %add3A_1151 = arith.addi %mul3A_1070, %add3A_1150 : i32
        %add3A_1152 = arith.constant 0 : i32
        %add3A_1153 = arith.addi %add3A_1151, %add3A_1152 : i32
        %get3A_1154 = arith.index_cast %add3A_1153 : i32 to index
        %get3A_1155 = memref.load %arg33[%get3A_1154] : memref<160xf32, #tpu.memory_space<smem>>
        %add3A_1156 = arith.constant 0 : i32
        %add3A_1157 = arith.addi %add3A_1156, %scan3A_1066 : i32
        %get3A_1158 = arith.index_cast %add3A_1157 : i32 to index
        %get3A_1159 = arith.constant 0 : index
        %get3A_1160 = tpu.vector_load %arg30[%get3A_1158, %get3A_1159] {strides = array<i32>} : memref<96x64xf32, #tpu.memory_space<vmem>>, vector<1x16xf32>,
        %get3A_1161 = vector.shape_cast %get3A_1160 : vector<1x16xf32> to vector<16xf32>
        %mul3A_1162 = vector.broadcast %get3A_1155 : f32 to vector<16xf32>
        %mul3A_1163 = arith.mulf %mul3A_1162, %get3A_1161 : vector<16xf32>
        %add3A_1164 = arith.addf %get3A_1136, %mul3A_1163 : vector<16xf32>
        %add3A_1165 = arith.constant 1 : i32
        %add3A_1166 = arith.addi %mul3A_1070, %add3A_1165 : i32
        %get3A_1167 = arith.index_cast %add3A_1166 : i32 to index
        %get3A_1168 = memref.load %arg33[%get3A_1167] : memref<160xf32, #tpu.memory_space<smem>>
        %add3A_1169 = arith.constant 16 : i32
        %add3A_1170 = arith.addi %add3A_1169, %scan3A_1066 : i32
        %get3A_1171 = arith.index_cast %add3A_1170 : i32 to index
        %get3A_1172 = arith.constant 0 : index
        %get3A_1173 = tpu.vector_load %arg29[%get3A_1171, %get3A_1172] {strides = array<i32>} : memref<96x64xf32, #tpu.memory_space<vmem>>, vector<1x16xf32>,
        %get3A_1174 = vector.shape_cast %get3A_1173 : vector<1x16xf32> to vector<16xf32>
        %mul3A_1175 = vector.broadcast %get3A_1168 : f32 to vector<16xf32>
        %mul3A_1176 = arith.mulf %mul3A_1175, %get3A_1174 : vector<16xf32>
        %add3A_1177 = arith.addf %add3A_1149, %mul3A_1176 : vector<16xf32>
        %add3A_1178 = arith.constant 5 : i32
        %add3A_1179 = arith.addi %mul3A_1070, %add3A_1178 : i32
        %add3A_1180 = arith.constant 1 : i32
        %add3A_1181 = arith.addi %add3A_1179, %add3A_1180 : i32
        %get3A_1182 = arith.index_cast %add3A_1181 : i32 to index
        %get3A_1183 = memref.load %arg33[%get3A_1182] : memref<160xf32, #tpu.memory_space<smem>>
        %add3A_1184 = arith.constant 16 : i32
        %add3A_1185 = arith.addi %add3A_1184, %scan3A_1066 : i32
        %get3A_1186 = arith.index_cast %add3A_1185 : i32 to index
        %get3A_1187 = arith.constant 0 : index
        %get3A_1188 = tpu.vector_load %arg30[%get3A_1186, %get3A_1187] {strides = array<i32>} : memref<96x64xf32, #tpu.memory_space<vmem>>, vector<1x16xf32>,
        %get3A_1189 = vector.shape_cast %get3A_1188 : vector<1x16xf32> to vector<16xf32>
        %mul3A_1190 = vector.broadcast %get3A_1183 : f32 to vector<16xf32>
        %mul3A_1191 = arith.mulf %mul3A_1190, %get3A_1189 : vector<16xf32>
        %add3A_1192 = arith.addf %add3A_1164, %mul3A_1191 : vector<16xf32>
        %add3A_1193 = arith.constant 2 : i32
        %add3A_1194 = arith.addi %mul3A_1070, %add3A_1193 : i32
        %get3A_1195 = arith.index_cast %add3A_1194 : i32 to index
        %get3A_1196 = memref.load %arg33[%get3A_1195] : memref<160xf32, #tpu.memory_space<smem>>
        %add3A_1197 = arith.constant 32 : i32
        %add3A_1198 = arith.addi %add3A_1197, %scan3A_1066 : i32
        %get3A_1199 = arith.index_cast %add3A_1198 : i32 to index
        %get3A_1200 = arith.constant 0 : index
        %get3A_1201 = tpu.vector_load %arg29[%get3A_1199, %get3A_1200] {strides = array<i32>} : memref<96x64xf32, #tpu.memory_space<vmem>>, vector<1x16xf32>,
        %get3A_1202 = vector.shape_cast %get3A_1201 : vector<1x16xf32> to vector<16xf32>
        %mul3A_1203 = vector.broadcast %get3A_1196 : f32 to vector<16xf32>
        %mul3A_1204 = arith.mulf %mul3A_1203, %get3A_1202 : vector<16xf32>
        %add3A_1205 = arith.addf %add3A_1177, %mul3A_1204 : vector<16xf32>
        %add3A_1206 = arith.constant 5 : i32
        %add3A_1207 = arith.addi %mul3A_1070, %add3A_1206 : i32
        %add3A_1208 = arith.constant 2 : i32
        %add3A_1209 = arith.addi %add3A_1207, %add3A_1208 : i32
        %get3A_1210 = arith.index_cast %add3A_1209 : i32 to index
        %get3A_1211 = memref.load %arg33[%get3A_1210] : memref<160xf32, #tpu.memory_space<smem>>
        %add3A_1212 = arith.constant 32 : i32
        %add3A_1213 = arith.addi %add3A_1212, %scan3A_1066 : i32
        %get3A_1214 = arith.index_cast %add3A_1213 : i32 to index
        %get3A_1215 = arith.constant 0 : index
        %get3A_1216 = tpu.vector_load %arg30[%get3A_1214, %get3A_1215] {strides = array<i32>} : memref<96x64xf32, #tpu.memory_space<vmem>>, vector<1x16xf32>,
        %get3A_1217 = vector.shape_cast %get3A_1216 : vector<1x16xf32> to vector<16xf32>
        %mul3A_1218 = vector.broadcast %get3A_1211 : f32 to vector<16xf32>
        %mul3A_1219 = arith.mulf %mul3A_1218, %get3A_1217 : vector<16xf32>
        %add3A_1220 = arith.addf %add3A_1192, %mul3A_1219 : vector<16xf32>
        %add3A_1221 = arith.constant 3 : i32
        %add3A_1222 = arith.addi %mul3A_1070, %add3A_1221 : i32
        %get3A_1223 = arith.index_cast %add3A_1222 : i32 to index
        %get3A_1224 = memref.load %arg33[%get3A_1223] : memref<160xf32, #tpu.memory_space<smem>>
        %add3A_1225 = arith.constant 48 : i32
        %add3A_1226 = arith.addi %add3A_1225, %scan3A_1066 : i32
        %get3A_1227 = arith.index_cast %add3A_1226 : i32 to index
        %get3A_1228 = arith.constant 0 : index
        %get3A_1229 = tpu.vector_load %arg29[%get3A_1227, %get3A_1228] {strides = array<i32>} : memref<96x64xf32, #tpu.memory_space<vmem>>, vector<1x16xf32>,
        %get3A_1230 = vector.shape_cast %get3A_1229 : vector<1x16xf32> to vector<16xf32>
        %mul3A_1231 = vector.broadcast %get3A_1224 : f32 to vector<16xf32>
        %mul3A_1232 = arith.mulf %mul3A_1231, %get3A_1230 : vector<16xf32>
        %add3A_1233 = arith.addf %add3A_1205, %mul3A_1232 : vector<16xf32>
        %add3A_1234 = arith.constant 5 : i32
        %add3A_1235 = arith.addi %mul3A_1070, %add3A_1234 : i32
        %add3A_1236 = arith.constant 3 : i32
        %add3A_1237 = arith.addi %add3A_1235, %add3A_1236 : i32
        %get3A_1238 = arith.index_cast %add3A_1237 : i32 to index
        %get3A_1239 = memref.load %arg33[%get3A_1238] : memref<160xf32, #tpu.memory_space<smem>>
        %add3A_1240 = arith.constant 48 : i32
        %add3A_1241 = arith.addi %add3A_1240, %scan3A_1066 : i32
        %get3A_1242 = arith.index_cast %add3A_1241 : i32 to index
        %get3A_1243 = arith.constant 0 : index
        %get3A_1244 = tpu.vector_load %arg30[%get3A_1242, %get3A_1243] {strides = array<i32>} : memref<96x64xf32, #tpu.memory_space<vmem>>, vector<1x16xf32>,
        %get3A_1245 = vector.shape_cast %get3A_1244 : vector<1x16xf32> to vector<16xf32>
        %mul3A_1246 = vector.broadcast %get3A_1239 : f32 to vector<16xf32>
        %mul3A_1247 = arith.mulf %mul3A_1246, %get3A_1245 : vector<16xf32>
        %add3A_1248 = arith.addf %add3A_1220, %mul3A_1247 : vector<16xf32>
        %add3A_1249 = arith.constant 4 : i32
        %add3A_1250 = arith.addi %mul3A_1070, %add3A_1249 : i32
        %get3A_1251 = arith.index_cast %add3A_1250 : i32 to index
        %get3A_1252 = memref.load %arg33[%get3A_1251] : memref<160xf32, #tpu.memory_space<smem>>
        %add3A_1253 = arith.constant 64 : i32
        %add3A_1254 = arith.addi %add3A_1253, %scan3A_1066 : i32
        %get3A_1255 = arith.index_cast %add3A_1254 : i32 to index
        %get3A_1256 = arith.constant 0 : index
        %get3A_1257 = tpu.vector_load %arg29[%get3A_1255, %get3A_1256] {strides = array<i32>} : memref<96x64xf32, #tpu.memory_space<vmem>>, vector<1x16xf32>,
        %get3A_1258 = vector.shape_cast %get3A_1257 : vector<1x16xf32> to vector<16xf32>
        %mul3A_1259 = vector.broadcast %get3A_1252 : f32 to vector<16xf32>
        %mul3A_1260 = arith.mulf %mul3A_1259, %get3A_1258 : vector<16xf32>
        %add3A_1261 = arith.addf %add3A_1233, %mul3A_1260 : vector<16xf32>
        %add3A_1262 = arith.constant 5 : i32
        %add3A_1263 = arith.addi %mul3A_1070, %add3A_1262 : i32
        %add3A_1264 = arith.constant 4 : i32
        %add3A_1265 = arith.addi %add3A_1263, %add3A_1264 : i32
        %get3A_1266 = arith.index_cast %add3A_1265 : i32 to index
        %get3A_1267 = memref.load %arg33[%get3A_1266] : memref<160xf32, #tpu.memory_space<smem>>
        %add3A_1268 = arith.constant 64 : i32
        %add3A_1269 = arith.addi %add3A_1268, %scan3A_1066 : i32
        %get3A_1270 = arith.index_cast %add3A_1269 : i32 to index
        %get3A_1271 = arith.constant 0 : index
        %get3A_1272 = tpu.vector_load %arg30[%get3A_1270, %get3A_1271] {strides = array<i32>} : memref<96x64xf32, #tpu.memory_space<vmem>>, vector<1x16xf32>,
        %get3A_1273 = vector.shape_cast %get3A_1272 : vector<1x16xf32> to vector<16xf32>
        %mul3A_1274 = vector.broadcast %get3A_1267 : f32 to vector<16xf32>
        %mul3A_1275 = arith.mulf %mul3A_1274, %get3A_1273 : vector<16xf32>
        %add3A_1276 = arith.addf %add3A_1248, %mul3A_1275 : vector<16xf32>
        %swap3A_1277 = arith.index_cast %scan3A_1066 : i32 to index
        %swap3A_1278 = arith.constant 64 : index
        %swap3A_1279 = tpu.vector_load %arg32[%swap3A_1277, %swap3A_1278] {strides = array<i32>} : memref<16x256xf32, #tpu.memory_space<vmem>>, vector<1x16xf32>,
        %swap3A_1280 = vector.shape_cast %swap3A_1279 : vector<1x16xf32> to vector<16xf32>
        %swap3A_1281 = vector.shape_cast %add3A_1261 : vector<16xf32> to vector<1x16xf32>
        tpu.vector_store %arg32[%swap3A_1277, %swap3A_1278], %swap3A_1281 {strides = array<i32>} : memref<16x256xf32, #tpu.memory_space<vmem>>, vector<1x16xf32>,
        %swap3A_1282 = arith.index_cast %scan3A_1066 : i32 to index
        %swap3A_1283 = arith.constant 128 : index
        %swap3A_1284 = tpu.vector_load %arg32[%swap3A_1282, %swap3A_1283] {strides = array<i32>} : memref<16x256xf32, #tpu.memory_space<vmem>>, vector<1x16xf32>,
        %swap3A_1285 = vector.shape_cast %swap3A_1284 : vector<1x16xf32> to vector<16xf32>
        %swap3A_1286 = vector.shape_cast %add3A_1276 : vector<16xf32> to vector<1x16xf32>
        tpu.vector_store %arg32[%swap3A_1282, %swap3A_1283], %swap3A_1286 {strides = array<i32>} : memref<16x256xf32, #tpu.memory_space<vmem>>, vector<1x16xf32>,
        %get3A_1287 = arith.index_cast %scan3A_1066 : i32 to index
        %get3A_1288 = arith.constant 0 : index
        %get3A_1289 = tpu.vector_load %arg31[%get3A_1287, %get3A_1288] {strides = array<i32>} : memref<16x64xf32, #tpu.memory_space<vmem>>, vector<1x16xf32>,
        %get3A_1290 = vector.shape_cast %get3A_1289 : vector<1x16xf32> to vector<16xf32>
        %swap3A_1291 = arith.index_cast %scan3A_1066 : i32 to index
        %swap3A_1292 = arith.constant 192 : index
        %swap3A_1293 = tpu.vector_load %arg32[%swap3A_1291, %swap3A_1292] {strides = array<i32>} : memref<16x256xf32, #tpu.memory_space<vmem>>, vector<1x16xf32>,
        %swap3A_1294 = vector.shape_cast %swap3A_1293 : vector<1x16xf32> to vector<16xf32>
        %swap3A_1295 = vector.shape_cast %get3A_1290 : vector<16xf32> to vector<1x16xf32>
        tpu.vector_store %arg32[%swap3A_1291, %swap3A_1292], %swap3A_1295 {strides = array<i32>} : memref<16x256xf32, #tpu.memory_space<vmem>>, vector<1x16xf32>,
        %get3A_1296 = arith.index_cast %scan3A_1066 : i32 to index
        %get3A_1297 = arith.constant 16 : index
        %get3A_1298 = tpu.vector_load %arg28[%get3A_1296, %get3A_1297] {strides = array<i32>} : memref<96x64xf32, #tpu.memory_space<vmem>>, vector<1x16xf32>,
        %get3A_1299 = vector.shape_cast %get3A_1298 : vector<1x16xf32> to vector<16xf32>
        %mul3A_1300 = arith.mulf %get3A_1299, %get3A_1299 : vector<16xf32>
        %add3A_1301 = arith.constant 16 : i32
        %add3A_1302 = arith.addi %add3A_1301, %scan3A_1066 : i32
        %get3A_1303 = arith.index_cast %add3A_1302 : i32 to index
        %get3A_1304 = arith.constant 16 : index
        %get3A_1305 = tpu.vector_load %arg28[%get3A_1303, %get3A_1304] {strides = array<i32>} : memref<96x64xf32, #tpu.memory_space<vmem>>, vector<1x16xf32>,
        %get3A_1306 = vector.shape_cast %get3A_1305 : vector<1x16xf32> to vector<16xf32>
        %add3A_1307 = arith.addf %get3A_1299, %get3A_1306 : vector<16xf32>
        %mul3A_1308 = arith.mulf %get3A_1306, %get3A_1306 : vector<16xf32>
        %add3A_1309 = arith.addf %mul3A_1300, %mul3A_1308 : vector<16xf32>
        %add3A_1310 = arith.constant 32 : i32
        %add3A_1311 = arith.addi %add3A_1310, %scan3A_1066 : i32
        %get3A_1312 = arith.index_cast %add3A_1311 : i32 to index
        %get3A_1313 = arith.constant 16 : index
        %get3A_1314 = tpu.vector_load %arg28[%get3A_1312, %get3A_1313] {strides = array<i32>} : memref<96x64xf32, #tpu.memory_space<vmem>>, vector<1x16xf32>,
        %get3A_1315 = vector.shape_cast %get3A_1314 : vector<1x16xf32> to vector<16xf32>
        %add3A_1316 = arith.addf %add3A_1307, %get3A_1315 : vector<16xf32>
        %mul3A_1317 = arith.mulf %get3A_1315, %get3A_1315 : vector<16xf32>
        %add3A_1318 = arith.addf %add3A_1309, %mul3A_1317 : vector<16xf32>
        %add3A_1319 = arith.constant 48 : i32
        %add3A_1320 = arith.addi %add3A_1319, %scan3A_1066 : i32
        %get3A_1321 = arith.index_cast %add3A_1320 : i32 to index
        %get3A_1322 = arith.constant 16 : index
        %get3A_1323 = tpu.vector_load %arg28[%get3A_1321, %get3A_1322] {strides = array<i32>} : memref<96x64xf32, #tpu.memory_space<vmem>>, vector<1x16xf32>,
        %get3A_1324 = vector.shape_cast %get3A_1323 : vector<1x16xf32> to vector<16xf32>
        %add3A_1325 = arith.addf %add3A_1316, %get3A_1324 : vector<16xf32>
        %mul3A_1326 = arith.mulf %get3A_1324, %get3A_1324 : vector<16xf32>
        %add3A_1327 = arith.addf %add3A_1318, %mul3A_1326 : vector<16xf32>
        %add3A_1328 = arith.constant 64 : i32
        %add3A_1329 = arith.addi %add3A_1328, %scan3A_1066 : i32
        %get3A_1330 = arith.index_cast %add3A_1329 : i32 to index
        %get3A_1331 = arith.constant 16 : index
        %get3A_1332 = tpu.vector_load %arg28[%get3A_1330, %get3A_1331] {strides = array<i32>} : memref<96x64xf32, #tpu.memory_space<vmem>>, vector<1x16xf32>,
        %get3A_1333 = vector.shape_cast %get3A_1332 : vector<1x16xf32> to vector<16xf32>
        %add3A_1334 = arith.addf %add3A_1325, %get3A_1333 : vector<16xf32>
        %mul3A_1335 = arith.mulf %get3A_1333, %get3A_1333 : vector<16xf32>
        %add3A_1336 = arith.addf %add3A_1327, %mul3A_1335 : vector<16xf32>
        %mul3A_1337 = arith.mulf %add3A_1334, %add3A_1334 : vector<16xf32>
        %sub3A_1338 = arith.subf %mul3A_1337, %add3A_1336 : vector<16xf32>
        %add3A_1339 = arith.constant 80 : i32
        %add3A_1340 = arith.addi %add3A_1339, %scan3A_1066 : i32
        %get3A_1341 = arith.index_cast %add3A_1340 : i32 to index
        %get3A_1342 = arith.constant 16 : index
        %get3A_1343 = tpu.vector_load %arg28[%get3A_1341, %get3A_1342] {strides = array<i32>} : memref<96x64xf32, #tpu.memory_space<vmem>>, vector<1x16xf32>,
        %get3A_1344 = vector.shape_cast %get3A_1343 : vector<1x16xf32> to vector<16xf32>
        %add3A_1345 = arith.addf %sub3A_1338, %get3A_1344 : vector<16xf32>
        %swap3A_1346 = arith.index_cast %scan3A_1066 : i32 to index
        %swap3A_1347 = arith.constant 16 : index
        %swap3A_1348 = tpu.vector_load %arg32[%swap3A_1346, %swap3A_1347] {strides = array<i32>} : memref<16x256xf32, #tpu.memory_space<vmem>>, vector<1x16xf32>,
        %swap3A_1349 = vector.shape_cast %swap3A_1348 : vector<1x16xf32> to vector<16xf32>
        %swap3A_1350 = vector.shape_cast %add3A_1345 : vector<16xf32> to vector<1x16xf32>
        tpu.vector_store %arg32[%swap3A_1346, %swap3A_1347], %swap3A_1350 {strides = array<i32>} : memref<16x256xf32, #tpu.memory_space<vmem>>, vector<1x16xf32>,
        %add3A_1351 = arith.constant 80 : i32
        %add3A_1352 = arith.addi %add3A_1351, %scan3A_1066 : i32
        %get3A_1353 = arith.index_cast %add3A_1352 : i32 to index
        %get3A_1354 = arith.constant 16 : index
        %get3A_1355 = tpu.vector_load %arg29[%get3A_1353, %get3A_1354] {strides = array<i32>} : memref<96x64xf32, #tpu.memory_space<vmem>>, vector<1x16xf32>,
        %get3A_1356 = vector.shape_cast %get3A_1355 : vector<1x16xf32> to vector<16xf32>
        %add3A_1357 = arith.constant 80 : i32
        %add3A_1358 = arith.addi %add3A_1357, %scan3A_1066 : i32
        %get3A_1359 = arith.index_cast %add3A_1358 : i32 to index
        %get3A_1360 = arith.constant 16 : index
        %get3A_1361 = tpu.vector_load %arg30[%get3A_1359, %get3A_1360] {strides = array<i32>} : memref<96x64xf32, #tpu.memory_space<vmem>>, vector<1x16xf32>,
        %get3A_1362 = vector.shape_cast %get3A_1361 : vector<1x16xf32> to vector<16xf32>
        %add3A_1363 = arith.constant 0 : i32
        %add3A_1364 = arith.addi %mul3A_1070, %add3A_1363 : i32
        %get3A_1365 = arith.index_cast %add3A_1364 : i32 to index
        %get3A_1366 = memref.load %arg33[%get3A_1365] : memref<160xf32, #tpu.memory_space<smem>>
        %add3A_1367 = arith.constant 0 : i32
        %add3A_1368 = arith.addi %add3A_1367, %scan3A_1066 : i32
        %get3A_1369 = arith.index_cast %add3A_1368 : i32 to index
        %get3A_1370 = arith.constant 16 : index
        %get3A_1371 = tpu.vector_load %arg29[%get3A_1369, %get3A_1370] {strides = array<i32>} : memref<96x64xf32, #tpu.memory_space<vmem>>, vector<1x16xf32>,
        %get3A_1372 = vector.shape_cast %get3A_1371 : vector<1x16xf32> to vector<16xf32>
        %mul3A_1373 = vector.broadcast %get3A_1366 : f32 to vector<16xf32>
        %mul3A_1374 = arith.mulf %mul3A_1373, %get3A_1372 : vector<16xf32>
        %add3A_1375 = arith.addf %get3A_1356, %mul3A_1374 : vector<16xf32>
        %add3A_1376 = arith.constant 5 : i32
        %add3A_1377 = arith.addi %mul3A_1070, %add3A_1376 : i32
        %add3A_1378 = arith.constant 0 : i32
        %add3A_1379 = arith.addi %add3A_1377, %add3A_1378 : i32
        %get3A_1380 = arith.index_cast %add3A_1379 : i32 to index
        %get3A_1381 = memref.load %arg33[%get3A_1380] : memref<160xf32, #tpu.memory_space<smem>>
        %add3A_1382 = arith.constant 0 : i32
        %add3A_1383 = arith.addi %add3A_1382, %scan3A_1066 : i32
        %get3A_1384 = arith.index_cast %add3A_1383 : i32 to index
        %get3A_1385 = arith.constant 16 : index
        %get3A_1386 = tpu.vector_load %arg30[%get3A_1384, %get3A_1385] {strides = array<i32>} : memref<96x64xf32, #tpu.memory_space<vmem>>, vector<1x16xf32>,
        %get3A_1387 = vector.shape_cast %get3A_1386 : vector<1x16xf32> to vector<16xf32>
        %mul3A_1388 = vector.broadcast %get3A_1381 : f32 to vector<16xf32>
        %mul3A_1389 = arith.mulf %mul3A_1388, %get3A_1387 : vector<16xf32>
        %add3A_1390 = arith.addf %get3A_1362, %mul3A_1389 : vector<16xf32>
        %add3A_1391 = arith.constant 1 : i32
        %add3A_1392 = arith.addi %mul3A_1070, %add3A_1391 : i32
        %get3A_1393 = arith.index_cast %add3A_1392 : i32 to index
        %get3A_1394 = memref.load %arg33[%get3A_1393] : memref<160xf32, #tpu.memory_space<smem>>
        %add3A_1395 = arith.constant 16 : i32
        %add3A_1396 = arith.addi %add3A_1395, %scan3A_1066 : i32
        %get3A_1397 = arith.index_cast %add3A_1396 : i32 to index
        %get3A_1398 = arith.constant 16 : index
        %get3A_1399 = tpu.vector_load %arg29[%get3A_1397, %get3A_1398] {strides = array<i32>} : memref<96x64xf32, #tpu.memory_space<vmem>>, vector<1x16xf32>,
        %get3A_1400 = vector.shape_cast %get3A_1399 : vector<1x16xf32> to vector<16xf32>
        %mul3A_1401 = vector.broadcast %get3A_1394 : f32 to vector<16xf32>
        %mul3A_1402 = arith.mulf %mul3A_1401, %get3A_1400 : vector<16xf32>
        %add3A_1403 = arith.addf %add3A_1375, %mul3A_1402 : vector<16xf32>
        %add3A_1404 = arith.constant 5 : i32
        %add3A_1405 = arith.addi %mul3A_1070, %add3A_1404 : i32
        %add3A_1406 = arith.constant 1 : i32
        %add3A_1407 = arith.addi %add3A_1405, %add3A_1406 : i32
        %get3A_1408 = arith.index_cast %add3A_1407 : i32 to index
        %get3A_1409 = memref.load %arg33[%get3A_1408] : memref<160xf32, #tpu.memory_space<smem>>
        %add3A_1410 = arith.constant 16 : i32
        %add3A_1411 = arith.addi %add3A_1410, %scan3A_1066 : i32
        %get3A_1412 = arith.index_cast %add3A_1411 : i32 to index
        %get3A_1413 = arith.constant 16 : index
        %get3A_1414 = tpu.vector_load %arg30[%get3A_1412, %get3A_1413] {strides = array<i32>} : memref<96x64xf32, #tpu.memory_space<vmem>>, vector<1x16xf32>,
        %get3A_1415 = vector.shape_cast %get3A_1414 : vector<1x16xf32> to vector<16xf32>
        %mul3A_1416 = vector.broadcast %get3A_1409 : f32 to vector<16xf32>
        %mul3A_1417 = arith.mulf %mul3A_1416, %get3A_1415 : vector<16xf32>
        %add3A_1418 = arith.addf %add3A_1390, %mul3A_1417 : vector<16xf32>
        %add3A_1419 = arith.constant 2 : i32
        %add3A_1420 = arith.addi %mul3A_1070, %add3A_1419 : i32
        %get3A_1421 = arith.index_cast %add3A_1420 : i32 to index
        %get3A_1422 = memref.load %arg33[%get3A_1421] : memref<160xf32, #tpu.memory_space<smem>>
        %add3A_1423 = arith.constant 32 : i32
        %add3A_1424 = arith.addi %add3A_1423, %scan3A_1066 : i32
        %get3A_1425 = arith.index_cast %add3A_1424 : i32 to index
        %get3A_1426 = arith.constant 16 : index
        %get3A_1427 = tpu.vector_load %arg29[%get3A_1425, %get3A_1426] {strides = array<i32>} : memref<96x64xf32, #tpu.memory_space<vmem>>, vector<1x16xf32>,
        %get3A_1428 = vector.shape_cast %get3A_1427 : vector<1x16xf32> to vector<16xf32>
        %mul3A_1429 = vector.broadcast %get3A_1422 : f32 to vector<16xf32>
        %mul3A_1430 = arith.mulf %mul3A_1429, %get3A_1428 : vector<16xf32>
        %add3A_1431 = arith.addf %add3A_1403, %mul3A_1430 : vector<16xf32>
        %add3A_1432 = arith.constant 5 : i32
        %add3A_1433 = arith.addi %mul3A_1070, %add3A_1432 : i32
        %add3A_1434 = arith.constant 2 : i32
        %add3A_1435 = arith.addi %add3A_1433, %add3A_1434 : i32
        %get3A_1436 = arith.index_cast %add3A_1435 : i32 to index
        %get3A_1437 = memref.load %arg33[%get3A_1436] : memref<160xf32, #tpu.memory_space<smem>>
        %add3A_1438 = arith.constant 32 : i32
        %add3A_1439 = arith.addi %add3A_1438, %scan3A_1066 : i32
        %get3A_1440 = arith.index_cast %add3A_1439 : i32 to index
        %get3A_1441 = arith.constant 16 : index
        %get3A_1442 = tpu.vector_load %arg30[%get3A_1440, %get3A_1441] {strides = array<i32>} : memref<96x64xf32, #tpu.memory_space<vmem>>, vector<1x16xf32>,
        %get3A_1443 = vector.shape_cast %get3A_1442 : vector<1x16xf32> to vector<16xf32>
        %mul3A_1444 = vector.broadcast %get3A_1437 : f32 to vector<16xf32>
        %mul3A_1445 = arith.mulf %mul3A_1444, %get3A_1443 : vector<16xf32>
        %add3A_1446 = arith.addf %add3A_1418, %mul3A_1445 : vector<16xf32>
        %add3A_1447 = arith.constant 3 : i32
        %add3A_1448 = arith.addi %mul3A_1070, %add3A_1447 : i32
        %get3A_1449 = arith.index_cast %add3A_1448 : i32 to index
        %get3A_1450 = memref.load %arg33[%get3A_1449] : memref<160xf32, #tpu.memory_space<smem>>
        %add3A_1451 = arith.constant 48 : i32
        %add3A_1452 = arith.addi %add3A_1451, %scan3A_1066 : i32
        %get3A_1453 = arith.index_cast %add3A_1452 : i32 to index
        %get3A_1454 = arith.constant 16 : index
        %get3A_1455 = tpu.vector_load %arg29[%get3A_1453, %get3A_1454] {strides = array<i32>} : memref<96x64xf32, #tpu.memory_space<vmem>>, vector<1x16xf32>,
        %get3A_1456 = vector.shape_cast %get3A_1455 : vector<1x16xf32> to vector<16xf32>
        %mul3A_1457 = vector.broadcast %get3A_1450 : f32 to vector<16xf32>
        %mul3A_1458 = arith.mulf %mul3A_1457, %get3A_1456 : vector<16xf32>
        %add3A_1459 = arith.addf %add3A_1431, %mul3A_1458 : vector<16xf32>
        %add3A_1460 = arith.constant 5 : i32
        %add3A_1461 = arith.addi %mul3A_1070, %add3A_1460 : i32
        %add3A_1462 = arith.constant 3 : i32
        %add3A_1463 = arith.addi %add3A_1461, %add3A_1462 : i32
        %get3A_1464 = arith.index_cast %add3A_1463 : i32 to index
        %get3A_1465 = memref.load %arg33[%get3A_1464] : memref<160xf32, #tpu.memory_space<smem>>
        %add3A_1466 = arith.constant 48 : i32
        %add3A_1467 = arith.addi %add3A_1466, %scan3A_1066 : i32
        %get3A_1468 = arith.index_cast %add3A_1467 : i32 to index
        %get3A_1469 = arith.constant 16 : index
        %get3A_1470 = tpu.vector_load %arg30[%get3A_1468, %get3A_1469] {strides = array<i32>} : memref<96x64xf32, #tpu.memory_space<vmem>>, vector<1x16xf32>,
        %get3A_1471 = vector.shape_cast %get3A_1470 : vector<1x16xf32> to vector<16xf32>
        %mul3A_1472 = vector.broadcast %get3A_1465 : f32 to vector<16xf32>
        %mul3A_1473 = arith.mulf %mul3A_1472, %get3A_1471 : vector<16xf32>
        %add3A_1474 = arith.addf %add3A_1446, %mul3A_1473 : vector<16xf32>
        %add3A_1475 = arith.constant 4 : i32
        %add3A_1476 = arith.addi %mul3A_1070, %add3A_1475 : i32
        %get3A_1477 = arith.index_cast %add3A_1476 : i32 to index
        %get3A_1478 = memref.load %arg33[%get3A_1477] : memref<160xf32, #tpu.memory_space<smem>>
        %add3A_1479 = arith.constant 64 : i32
        %add3A_1480 = arith.addi %add3A_1479, %scan3A_1066 : i32
        %get3A_1481 = arith.index_cast %add3A_1480 : i32 to index
        %get3A_1482 = arith.constant 16 : index
        %get3A_1483 = tpu.vector_load %arg29[%get3A_1481, %get3A_1482] {strides = array<i32>} : memref<96x64xf32, #tpu.memory_space<vmem>>, vector<1x16xf32>,
        %get3A_1484 = vector.shape_cast %get3A_1483 : vector<1x16xf32> to vector<16xf32>
        %mul3A_1485 = vector.broadcast %get3A_1478 : f32 to vector<16xf32>
        %mul3A_1486 = arith.mulf %mul3A_1485, %get3A_1484 : vector<16xf32>
        %add3A_1487 = arith.addf %add3A_1459, %mul3A_1486 : vector<16xf32>
        %add3A_1488 = arith.constant 5 : i32
        %add3A_1489 = arith.addi %mul3A_1070, %add3A_1488 : i32
        %add3A_1490 = arith.constant 4 : i32
        %add3A_1491 = arith.addi %add3A_1489, %add3A_1490 : i32
        %get3A_1492 = arith.index_cast %add3A_1491 : i32 to index
        %get3A_1493 = memref.load %arg33[%get3A_1492] : memref<160xf32, #tpu.memory_space<smem>>
        %add3A_1494 = arith.constant 64 : i32
        %add3A_1495 = arith.addi %add3A_1494, %scan3A_1066 : i32
        %get3A_1496 = arith.index_cast %add3A_1495 : i32 to index
        %get3A_1497 = arith.constant 16 : index
        %get3A_1498 = tpu.vector_load %arg30[%get3A_1496, %get3A_1497] {strides = array<i32>} : memref<96x64xf32, #tpu.memory_space<vmem>>, vector<1x16xf32>,
        %get3A_1499 = vector.shape_cast %get3A_1498 : vector<1x16xf32> to vector<16xf32>
        %mul3A_1500 = vector.broadcast %get3A_1493 : f32 to vector<16xf32>
        %mul3A_1501 = arith.mulf %mul3A_1500, %get3A_1499 : vector<16xf32>
        %add3A_1502 = arith.addf %add3A_1474, %mul3A_1501 : vector<16xf32>
        %swap3A_1503 = arith.index_cast %scan3A_1066 : i32 to index
        %swap3A_1504 = arith.constant 80 : index
        %swap3A_1505 = tpu.vector_load %arg32[%swap3A_1503, %swap3A_1504] {strides = array<i32>} : memref<16x256xf32, #tpu.memory_space<vmem>>, vector<1x16xf32>,
        %swap3A_1506 = vector.shape_cast %swap3A_1505 : vector<1x16xf32> to vector<16xf32>
        %swap3A_1507 = vector.shape_cast %add3A_1487 : vector<16xf32> to vector<1x16xf32>
        tpu.vector_store %arg32[%swap3A_1503, %swap3A_1504], %swap3A_1507 {strides = array<i32>} : memref<16x256xf32, #tpu.memory_space<vmem>>, vector<1x16xf32>,
        %swap3A_1508 = arith.index_cast %scan3A_1066 : i32 to index
        %swap3A_1509 = arith.constant 144 : index
        %swap3A_1510 = tpu.vector_load %arg32[%swap3A_1508, %swap3A_1509] {strides = array<i32>} : memref<16x256xf32, #tpu.memory_space<vmem>>, vector<1x16xf32>,
        %swap3A_1511 = vector.shape_cast %swap3A_1510 : vector<1x16xf32> to vector<16xf32>
        %swap3A_1512 = vector.shape_cast %add3A_1502 : vector<16xf32> to vector<1x16xf32>
        tpu.vector_store %arg32[%swap3A_1508, %swap3A_1509], %swap3A_1512 {strides = array<i32>} : memref<16x256xf32, #tpu.memory_space<vmem>>, vector<1x16xf32>,
        %get3A_1513 = arith.index_cast %scan3A_1066 : i32 to index
        %get3A_1514 = arith.constant 16 : index
        %get3A_1515 = tpu.vector_load %arg31[%get3A_1513, %get3A_1514] {strides = array<i32>} : memref<16x64xf32, #tpu.memory_space<vmem>>, vector<1x16xf32>,
        %get3A_1516 = vector.shape_cast %get3A_1515 : vector<1x16xf32> to vector<16xf32>
        %swap3A_1517 = arith.index_cast %scan3A_1066 : i32 to index
        %swap3A_1518 = arith.constant 208 : index
        %swap3A_1519 = tpu.vector_load %arg32[%swap3A_1517, %swap3A_1518] {strides = array<i32>} : memref<16x256xf32, #tpu.memory_space<vmem>>, vector<1x16xf32>,
        %swap3A_1520 = vector.shape_cast %swap3A_1519 : vector<1x16xf32> to vector<16xf32>
        %swap3A_1521 = vector.shape_cast %get3A_1516 : vector<16xf32> to vector<1x16xf32>
        tpu.vector_store %arg32[%swap3A_1517, %swap3A_1518], %swap3A_1521 {strides = array<i32>} : memref<16x256xf32, #tpu.memory_space<vmem>>, vector<1x16xf32>,
        %get3A_1522 = arith.index_cast %scan3A_1066 : i32 to index
        %get3A_1523 = arith.constant 32 : index
        %get3A_1524 = tpu.vector_load %arg28[%get3A_1522, %get3A_1523] {strides = array<i32>} : memref<96x64xf32, #tpu.memory_space<vmem>>, vector<1x16xf32>,
        %get3A_1525 = vector.shape_cast %get3A_1524 : vector<1x16xf32> to vector<16xf32>
        %mul3A_1526 = arith.mulf %get3A_1525, %get3A_1525 : vector<16xf32>
        %add3A_1527 = arith.constant 16 : i32
        %add3A_1528 = arith.addi %add3A_1527, %scan3A_1066 : i32
        %get3A_1529 = arith.index_cast %add3A_1528 : i32 to index
        %get3A_1530 = arith.constant 32 : index
        %get3A_1531 = tpu.vector_load %arg28[%get3A_1529, %get3A_1530] {strides = array<i32>} : memref<96x64xf32, #tpu.memory_space<vmem>>, vector<1x16xf32>,
        %get3A_1532 = vector.shape_cast %get3A_1531 : vector<1x16xf32> to vector<16xf32>
        %add3A_1533 = arith.addf %get3A_1525, %get3A_1532 : vector<16xf32>
        %mul3A_1534 = arith.mulf %get3A_1532, %get3A_1532 : vector<16xf32>
        %add3A_1535 = arith.addf %mul3A_1526, %mul3A_1534 : vector<16xf32>
        %add3A_1536 = arith.constant 32 : i32
        %add3A_1537 = arith.addi %add3A_1536, %scan3A_1066 : i32
        %get3A_1538 = arith.index_cast %add3A_1537 : i32 to index
        %get3A_1539 = arith.constant 32 : index
        %get3A_1540 = tpu.vector_load %arg28[%get3A_1538, %get3A_1539] {strides = array<i32>} : memref<96x64xf32, #tpu.memory_space<vmem>>, vector<1x16xf32>,
        %get3A_1541 = vector.shape_cast %get3A_1540 : vector<1x16xf32> to vector<16xf32>
        %add3A_1542 = arith.addf %add3A_1533, %get3A_1541 : vector<16xf32>
        %mul3A_1543 = arith.mulf %get3A_1541, %get3A_1541 : vector<16xf32>
        %add3A_1544 = arith.addf %add3A_1535, %mul3A_1543 : vector<16xf32>
        %add3A_1545 = arith.constant 48 : i32
        %add3A_1546 = arith.addi %add3A_1545, %scan3A_1066 : i32
        %get3A_1547 = arith.index_cast %add3A_1546 : i32 to index
        %get3A_1548 = arith.constant 32 : index
        %get3A_1549 = tpu.vector_load %arg28[%get3A_1547, %get3A_1548] {strides = array<i32>} : memref<96x64xf32, #tpu.memory_space<vmem>>, vector<1x16xf32>,
        %get3A_1550 = vector.shape_cast %get3A_1549 : vector<1x16xf32> to vector<16xf32>
        %add3A_1551 = arith.addf %add3A_1542, %get3A_1550 : vector<16xf32>
        %mul3A_1552 = arith.mulf %get3A_1550, %get3A_1550 : vector<16xf32>
        %add3A_1553 = arith.addf %add3A_1544, %mul3A_1552 : vector<16xf32>
        %add3A_1554 = arith.constant 64 : i32
        %add3A_1555 = arith.addi %add3A_1554, %scan3A_1066 : i32
        %get3A_1556 = arith.index_cast %add3A_1555 : i32 to index
        %get3A_1557 = arith.constant 32 : index
        %get3A_1558 = tpu.vector_load %arg28[%get3A_1556, %get3A_1557] {strides = array<i32>} : memref<96x64xf32, #tpu.memory_space<vmem>>, vector<1x16xf32>,
        %get3A_1559 = vector.shape_cast %get3A_1558 : vector<1x16xf32> to vector<16xf32>
        %add3A_1560 = arith.addf %add3A_1551, %get3A_1559 : vector<16xf32>
        %mul3A_1561 = arith.mulf %get3A_1559, %get3A_1559 : vector<16xf32>
        %add3A_1562 = arith.addf %add3A_1553, %mul3A_1561 : vector<16xf32>
        %mul3A_1563 = arith.mulf %add3A_1560, %add3A_1560 : vector<16xf32>
        %sub3A_1564 = arith.subf %mul3A_1563, %add3A_1562 : vector<16xf32>
        %add3A_1565 = arith.constant 80 : i32
        %add3A_1566 = arith.addi %add3A_1565, %scan3A_1066 : i32
        %get3A_1567 = arith.index_cast %add3A_1566 : i32 to index
        %get3A_1568 = arith.constant 32 : index
        %get3A_1569 = tpu.vector_load %arg28[%get3A_1567, %get3A_1568] {strides = array<i32>} : memref<96x64xf32, #tpu.memory_space<vmem>>, vector<1x16xf32>,
        %get3A_1570 = vector.shape_cast %get3A_1569 : vector<1x16xf32> to vector<16xf32>
        %add3A_1571 = arith.addf %sub3A_1564, %get3A_1570 : vector<16xf32>
        %swap3A_1572 = arith.index_cast %scan3A_1066 : i32 to index
        %swap3A_1573 = arith.constant 32 : index
        %swap3A_1574 = tpu.vector_load %arg32[%swap3A_1572, %swap3A_1573] {strides = array<i32>} : memref<16x256xf32, #tpu.memory_space<vmem>>, vector<1x16xf32>,
        %swap3A_1575 = vector.shape_cast %swap3A_1574 : vector<1x16xf32> to vector<16xf32>
        %swap3A_1576 = vector.shape_cast %add3A_1571 : vector<16xf32> to vector<1x16xf32>
        tpu.vector_store %arg32[%swap3A_1572, %swap3A_1573], %swap3A_1576 {strides = array<i32>} : memref<16x256xf32, #tpu.memory_space<vmem>>, vector<1x16xf32>,
        %add3A_1577 = arith.constant 80 : i32
        %add3A_1578 = arith.addi %add3A_1577, %scan3A_1066 : i32
        %get3A_1579 = arith.index_cast %add3A_1578 : i32 to index
        %get3A_1580 = arith.constant 32 : index
        %get3A_1581 = tpu.vector_load %arg29[%get3A_1579, %get3A_1580] {strides = array<i32>} : memref<96x64xf32, #tpu.memory_space<vmem>>, vector<1x16xf32>,
        %get3A_1582 = vector.shape_cast %get3A_1581 : vector<1x16xf32> to vector<16xf32>
        %add3A_1583 = arith.constant 80 : i32
        %add3A_1584 = arith.addi %add3A_1583, %scan3A_1066 : i32
        %get3A_1585 = arith.index_cast %add3A_1584 : i32 to index
        %get3A_1586 = arith.constant 32 : index
        %get3A_1587 = tpu.vector_load %arg30[%get3A_1585, %get3A_1586] {strides = array<i32>} : memref<96x64xf32, #tpu.memory_space<vmem>>, vector<1x16xf32>,
        %get3A_1588 = vector.shape_cast %get3A_1587 : vector<1x16xf32> to vector<16xf32>
        %add3A_1589 = arith.constant 0 : i32
        %add3A_1590 = arith.addi %mul3A_1070, %add3A_1589 : i32
        %get3A_1591 = arith.index_cast %add3A_1590 : i32 to index
        %get3A_1592 = memref.load %arg33[%get3A_1591] : memref<160xf32, #tpu.memory_space<smem>>
        %add3A_1593 = arith.constant 0 : i32
        %add3A_1594 = arith.addi %add3A_1593, %scan3A_1066 : i32
        %get3A_1595 = arith.index_cast %add3A_1594 : i32 to index
        %get3A_1596 = arith.constant 32 : index
        %get3A_1597 = tpu.vector_load %arg29[%get3A_1595, %get3A_1596] {strides = array<i32>} : memref<96x64xf32, #tpu.memory_space<vmem>>, vector<1x16xf32>,
        %get3A_1598 = vector.shape_cast %get3A_1597 : vector<1x16xf32> to vector<16xf32>
        %mul3A_1599 = vector.broadcast %get3A_1592 : f32 to vector<16xf32>
        %mul3A_1600 = arith.mulf %mul3A_1599, %get3A_1598 : vector<16xf32>
        %add3A_1601 = arith.addf %get3A_1582, %mul3A_1600 : vector<16xf32>
        %add3A_1602 = arith.constant 5 : i32
        %add3A_1603 = arith.addi %mul3A_1070, %add3A_1602 : i32
        %add3A_1604 = arith.constant 0 : i32
        %add3A_1605 = arith.addi %add3A_1603, %add3A_1604 : i32
        %get3A_1606 = arith.index_cast %add3A_1605 : i32 to index
        %get3A_1607 = memref.load %arg33[%get3A_1606] : memref<160xf32, #tpu.memory_space<smem>>
        %add3A_1608 = arith.constant 0 : i32
        %add3A_1609 = arith.addi %add3A_1608, %scan3A_1066 : i32
        %get3A_1610 = arith.index_cast %add3A_1609 : i32 to index
        %get3A_1611 = arith.constant 32 : index
        %get3A_1612 = tpu.vector_load %arg30[%get3A_1610, %get3A_1611] {strides = array<i32>} : memref<96x64xf32, #tpu.memory_space<vmem>>, vector<1x16xf32>,
        %get3A_1613 = vector.shape_cast %get3A_1612 : vector<1x16xf32> to vector<16xf32>
        %mul3A_1614 = vector.broadcast %get3A_1607 : f32 to vector<16xf32>
        %mul3A_1615 = arith.mulf %mul3A_1614, %get3A_1613 : vector<16xf32>
        %add3A_1616 = arith.addf %get3A_1588, %mul3A_1615 : vector<16xf32>
        %add3A_1617 = arith.constant 1 : i32
        %add3A_1618 = arith.addi %mul3A_1070, %add3A_1617 : i32
        %get3A_1619 = arith.index_cast %add3A_1618 : i32 to index
        %get3A_1620 = memref.load %arg33[%get3A_1619] : memref<160xf32, #tpu.memory_space<smem>>
        %add3A_1621 = arith.constant 16 : i32
        %add3A_1622 = arith.addi %add3A_1621, %scan3A_1066 : i32
        %get3A_1623 = arith.index_cast %add3A_1622 : i32 to index
        %get3A_1624 = arith.constant 32 : index
        %get3A_1625 = tpu.vector_load %arg29[%get3A_1623, %get3A_1624] {strides = array<i32>} : memref<96x64xf32, #tpu.memory_space<vmem>>, vector<1x16xf32>,
        %get3A_1626 = vector.shape_cast %get3A_1625 : vector<1x16xf32> to vector<16xf32>
        %mul3A_1627 = vector.broadcast %get3A_1620 : f32 to vector<16xf32>
        %mul3A_1628 = arith.mulf %mul3A_1627, %get3A_1626 : vector<16xf32>
        %add3A_1629 = arith.addf %add3A_1601, %mul3A_1628 : vector<16xf32>
        %add3A_1630 = arith.constant 5 : i32
        %add3A_1631 = arith.addi %mul3A_1070, %add3A_1630 : i32
        %add3A_1632 = arith.constant 1 : i32
        %add3A_1633 = arith.addi %add3A_1631, %add3A_1632 : i32
        %get3A_1634 = arith.index_cast %add3A_1633 : i32 to index
        %get3A_1635 = memref.load %arg33[%get3A_1634] : memref<160xf32, #tpu.memory_space<smem>>
        %add3A_1636 = arith.constant 16 : i32
        %add3A_1637 = arith.addi %add3A_1636, %scan3A_1066 : i32
        %get3A_1638 = arith.index_cast %add3A_1637 : i32 to index
        %get3A_1639 = arith.constant 32 : index
        %get3A_1640 = tpu.vector_load %arg30[%get3A_1638, %get3A_1639] {strides = array<i32>} : memref<96x64xf32, #tpu.memory_space<vmem>>, vector<1x16xf32>,
        %get3A_1641 = vector.shape_cast %get3A_1640 : vector<1x16xf32> to vector<16xf32>
        %mul3A_1642 = vector.broadcast %get3A_1635 : f32 to vector<16xf32>
        %mul3A_1643 = arith.mulf %mul3A_1642, %get3A_1641 : vector<16xf32>
        %add3A_1644 = arith.addf %add3A_1616, %mul3A_1643 : vector<16xf32>
        %add3A_1645 = arith.constant 2 : i32
        %add3A_1646 = arith.addi %mul3A_1070, %add3A_1645 : i32
        %get3A_1647 = arith.index_cast %add3A_1646 : i32 to index
        %get3A_1648 = memref.load %arg33[%get3A_1647] : memref<160xf32, #tpu.memory_space<smem>>
        %add3A_1649 = arith.constant 32 : i32
        %add3A_1650 = arith.addi %add3A_1649, %scan3A_1066 : i32
        %get3A_1651 = arith.index_cast %add3A_1650 : i32 to index
        %get3A_1652 = arith.constant 32 : index
        %get3A_1653 = tpu.vector_load %arg29[%get3A_1651, %get3A_1652] {strides = array<i32>} : memref<96x64xf32, #tpu.memory_space<vmem>>, vector<1x16xf32>,
        %get3A_1654 = vector.shape_cast %get3A_1653 : vector<1x16xf32> to vector<16xf32>
        %mul3A_1655 = vector.broadcast %get3A_1648 : f32 to vector<16xf32>
        %mul3A_1656 = arith.mulf %mul3A_1655, %get3A_1654 : vector<16xf32>
        %add3A_1657 = arith.addf %add3A_1629, %mul3A_1656 : vector<16xf32>
        %add3A_1658 = arith.constant 5 : i32
        %add3A_1659 = arith.addi %mul3A_1070, %add3A_1658 : i32
        %add3A_1660 = arith.constant 2 : i32
        %add3A_1661 = arith.addi %add3A_1659, %add3A_1660 : i32
        %get3A_1662 = arith.index_cast %add3A_1661 : i32 to index
        %get3A_1663 = memref.load %arg33[%get3A_1662] : memref<160xf32, #tpu.memory_space<smem>>
        %add3A_1664 = arith.constant 32 : i32
        %add3A_1665 = arith.addi %add3A_1664, %scan3A_1066 : i32
        %get3A_1666 = arith.index_cast %add3A_1665 : i32 to index
        %get3A_1667 = arith.constant 32 : index
        %get3A_1668 = tpu.vector_load %arg30[%get3A_1666, %get3A_1667] {strides = array<i32>} : memref<96x64xf32, #tpu.memory_space<vmem>>, vector<1x16xf32>,
        %get3A_1669 = vector.shape_cast %get3A_1668 : vector<1x16xf32> to vector<16xf32>
        %mul3A_1670 = vector.broadcast %get3A_1663 : f32 to vector<16xf32>
        %mul3A_1671 = arith.mulf %mul3A_1670, %get3A_1669 : vector<16xf32>
        %add3A_1672 = arith.addf %add3A_1644, %mul3A_1671 : vector<16xf32>
        %add3A_1673 = arith.constant 3 : i32
        %add3A_1674 = arith.addi %mul3A_1070, %add3A_1673 : i32
        %get3A_1675 = arith.index_cast %add3A_1674 : i32 to index
        %get3A_1676 = memref.load %arg33[%get3A_1675] : memref<160xf32, #tpu.memory_space<smem>>
        %add3A_1677 = arith.constant 48 : i32
        %add3A_1678 = arith.addi %add3A_1677, %scan3A_1066 : i32
        %get3A_1679 = arith.index_cast %add3A_1678 : i32 to index
        %get3A_1680 = arith.constant 32 : index
        %get3A_1681 = tpu.vector_load %arg29[%get3A_1679, %get3A_1680] {strides = array<i32>} : memref<96x64xf32, #tpu.memory_space<vmem>>, vector<1x16xf32>,
        %get3A_1682 = vector.shape_cast %get3A_1681 : vector<1x16xf32> to vector<16xf32>
        %mul3A_1683 = vector.broadcast %get3A_1676 : f32 to vector<16xf32>
        %mul3A_1684 = arith.mulf %mul3A_1683, %get3A_1682 : vector<16xf32>
        %add3A_1685 = arith.addf %add3A_1657, %mul3A_1684 : vector<16xf32>
        %add3A_1686 = arith.constant 5 : i32
        %add3A_1687 = arith.addi %mul3A_1070, %add3A_1686 : i32
        %add3A_1688 = arith.constant 3 : i32
        %add3A_1689 = arith.addi %add3A_1687, %add3A_1688 : i32
        %get3A_1690 = arith.index_cast %add3A_1689 : i32 to index
        %get3A_1691 = memref.load %arg33[%get3A_1690] : memref<160xf32, #tpu.memory_space<smem>>
        %add3A_1692 = arith.constant 48 : i32
        %add3A_1693 = arith.addi %add3A_1692, %scan3A_1066 : i32
        %get3A_1694 = arith.index_cast %add3A_1693 : i32 to index
        %get3A_1695 = arith.constant 32 : index
        %get3A_1696 = tpu.vector_load %arg30[%get3A_1694, %get3A_1695] {strides = array<i32>} : memref<96x64xf32, #tpu.memory_space<vmem>>, vector<1x16xf32>,
        %get3A_1697 = vector.shape_cast %get3A_1696 : vector<1x16xf32> to vector<16xf32>
        %mul3A_1698 = vector.broadcast %get3A_1691 : f32 to vector<16xf32>
        %mul3A_1699 = arith.mulf %mul3A_1698, %get3A_1697 : vector<16xf32>
        %add3A_1700 = arith.addf %add3A_1672, %mul3A_1699 : vector<16xf32>
        %add3A_1701 = arith.constant 4 : i32
        %add3A_1702 = arith.addi %mul3A_1070, %add3A_1701 : i32
        %get3A_1703 = arith.index_cast %add3A_1702 : i32 to index
        %get3A_1704 = memref.load %arg33[%get3A_1703] : memref<160xf32, #tpu.memory_space<smem>>
        %add3A_1705 = arith.constant 64 : i32
        %add3A_1706 = arith.addi %add3A_1705, %scan3A_1066 : i32
        %get3A_1707 = arith.index_cast %add3A_1706 : i32 to index
        %get3A_1708 = arith.constant 32 : index
        %get3A_1709 = tpu.vector_load %arg29[%get3A_1707, %get3A_1708] {strides = array<i32>} : memref<96x64xf32, #tpu.memory_space<vmem>>, vector<1x16xf32>,
        %get3A_1710 = vector.shape_cast %get3A_1709 : vector<1x16xf32> to vector<16xf32>
        %mul3A_1711 = vector.broadcast %get3A_1704 : f32 to vector<16xf32>
        %mul3A_1712 = arith.mulf %mul3A_1711, %get3A_1710 : vector<16xf32>
        %add3A_1713 = arith.addf %add3A_1685, %mul3A_1712 : vector<16xf32>
        %add3A_1714 = arith.constant 5 : i32
        %add3A_1715 = arith.addi %mul3A_1070, %add3A_1714 : i32
        %add3A_1716 = arith.constant 4 : i32
        %add3A_1717 = arith.addi %add3A_1715, %add3A_1716 : i32
        %get3A_1718 = arith.index_cast %add3A_1717 : i32 to index
        %get3A_1719 = memref.load %arg33[%get3A_1718] : memref<160xf32, #tpu.memory_space<smem>>
        %add3A_1720 = arith.constant 64 : i32
        %add3A_1721 = arith.addi %add3A_1720, %scan3A_1066 : i32
        %get3A_1722 = arith.index_cast %add3A_1721 : i32 to index
        %get3A_1723 = arith.constant 32 : index
        %get3A_1724 = tpu.vector_load %arg30[%get3A_1722, %get3A_1723] {strides = array<i32>} : memref<96x64xf32, #tpu.memory_space<vmem>>, vector<1x16xf32>,
        %get3A_1725 = vector.shape_cast %get3A_1724 : vector<1x16xf32> to vector<16xf32>
        %mul3A_1726 = vector.broadcast %get3A_1719 : f32 to vector<16xf32>
        %mul3A_1727 = arith.mulf %mul3A_1726, %get3A_1725 : vector<16xf32>
        %add3A_1728 = arith.addf %add3A_1700, %mul3A_1727 : vector<16xf32>
        %swap3A_1729 = arith.index_cast %scan3A_1066 : i32 to index
        %swap3A_1730 = arith.constant 96 : index
        %swap3A_1731 = tpu.vector_load %arg32[%swap3A_1729, %swap3A_1730] {strides = array<i32>} : memref<16x256xf32, #tpu.memory_space<vmem>>, vector<1x16xf32>,
        %swap3A_1732 = vector.shape_cast %swap3A_1731 : vector<1x16xf32> to vector<16xf32>
        %swap3A_1733 = vector.shape_cast %add3A_1713 : vector<16xf32> to vector<1x16xf32>
        tpu.vector_store %arg32[%swap3A_1729, %swap3A_1730], %swap3A_1733 {strides = array<i32>} : memref<16x256xf32, #tpu.memory_space<vmem>>, vector<1x16xf32>,
        %swap3A_1734 = arith.index_cast %scan3A_1066 : i32 to index
        %swap3A_1735 = arith.constant 160 : index
        %swap3A_1736 = tpu.vector_load %arg32[%swap3A_1734, %swap3A_1735] {strides = array<i32>} : memref<16x256xf32, #tpu.memory_space<vmem>>, vector<1x16xf32>,
        %swap3A_1737 = vector.shape_cast %swap3A_1736 : vector<1x16xf32> to vector<16xf32>
        %swap3A_1738 = vector.shape_cast %add3A_1728 : vector<16xf32> to vector<1x16xf32>
        tpu.vector_store %arg32[%swap3A_1734, %swap3A_1735], %swap3A_1738 {strides = array<i32>} : memref<16x256xf32, #tpu.memory_space<vmem>>, vector<1x16xf32>,
        %get3A_1739 = arith.index_cast %scan3A_1066 : i32 to index
        %get3A_1740 = arith.constant 32 : index
        %get3A_1741 = tpu.vector_load %arg31[%get3A_1739, %get3A_1740] {strides = array<i32>} : memref<16x64xf32, #tpu.memory_space<vmem>>, vector<1x16xf32>,
        %get3A_1742 = vector.shape_cast %get3A_1741 : vector<1x16xf32> to vector<16xf32>
        %swap3A_1743 = arith.index_cast %scan3A_1066 : i32 to index
        %swap3A_1744 = arith.constant 224 : index
        %swap3A_1745 = tpu.vector_load %arg32[%swap3A_1743, %swap3A_1744] {strides = array<i32>} : memref<16x256xf32, #tpu.memory_space<vmem>>, vector<1x16xf32>,
        %swap3A_1746 = vector.shape_cast %swap3A_1745 : vector<1x16xf32> to vector<16xf32>
        %swap3A_1747 = vector.shape_cast %get3A_1742 : vector<16xf32> to vector<1x16xf32>
        tpu.vector_store %arg32[%swap3A_1743, %swap3A_1744], %swap3A_1747 {strides = array<i32>} : memref<16x256xf32, #tpu.memory_space<vmem>>, vector<1x16xf32>,
        %get3A_1748 = arith.index_cast %scan3A_1066 : i32 to index
        %get3A_1749 = arith.constant 48 : index
        %get3A_1750 = tpu.vector_load %arg28[%get3A_1748, %get3A_1749] {strides = array<i32>} : memref<96x64xf32, #tpu.memory_space<vmem>>, vector<1x16xf32>,
        %get3A_1751 = vector.shape_cast %get3A_1750 : vector<1x16xf32> to vector<16xf32>
        %mul3A_1752 = arith.mulf %get3A_1751, %get3A_1751 : vector<16xf32>
        %add3A_1753 = arith.constant 16 : i32
        %add3A_1754 = arith.addi %add3A_1753, %scan3A_1066 : i32
        %get3A_1755 = arith.index_cast %add3A_1754 : i32 to index
        %get3A_1756 = arith.constant 48 : index
        %get3A_1757 = tpu.vector_load %arg28[%get3A_1755, %get3A_1756] {strides = array<i32>} : memref<96x64xf32, #tpu.memory_space<vmem>>, vector<1x16xf32>,
        %get3A_1758 = vector.shape_cast %get3A_1757 : vector<1x16xf32> to vector<16xf32>
        %add3A_1759 = arith.addf %get3A_1751, %get3A_1758 : vector<16xf32>
        %mul3A_1760 = arith.mulf %get3A_1758, %get3A_1758 : vector<16xf32>
        %add3A_1761 = arith.addf %mul3A_1752, %mul3A_1760 : vector<16xf32>
        %add3A_1762 = arith.constant 32 : i32
        %add3A_1763 = arith.addi %add3A_1762, %scan3A_1066 : i32
        %get3A_1764 = arith.index_cast %add3A_1763 : i32 to index
        %get3A_1765 = arith.constant 48 : index
        %get3A_1766 = tpu.vector_load %arg28[%get3A_1764, %get3A_1765] {strides = array<i32>} : memref<96x64xf32, #tpu.memory_space<vmem>>, vector<1x16xf32>,
        %get3A_1767 = vector.shape_cast %get3A_1766 : vector<1x16xf32> to vector<16xf32>
        %add3A_1768 = arith.addf %add3A_1759, %get3A_1767 : vector<16xf32>
        %mul3A_1769 = arith.mulf %get3A_1767, %get3A_1767 : vector<16xf32>
        %add3A_1770 = arith.addf %add3A_1761, %mul3A_1769 : vector<16xf32>
        %add3A_1771 = arith.constant 48 : i32
        %add3A_1772 = arith.addi %add3A_1771, %scan3A_1066 : i32
        %get3A_1773 = arith.index_cast %add3A_1772 : i32 to index
        %get3A_1774 = arith.constant 48 : index
        %get3A_1775 = tpu.vector_load %arg28[%get3A_1773, %get3A_1774] {strides = array<i32>} : memref<96x64xf32, #tpu.memory_space<vmem>>, vector<1x16xf32>,
        %get3A_1776 = vector.shape_cast %get3A_1775 : vector<1x16xf32> to vector<16xf32>
        %add3A_1777 = arith.addf %add3A_1768, %get3A_1776 : vector<16xf32>
        %mul3A_1778 = arith.mulf %get3A_1776, %get3A_1776 : vector<16xf32>
        %add3A_1779 = arith.addf %add3A_1770, %mul3A_1778 : vector<16xf32>
        %add3A_1780 = arith.constant 64 : i32
        %add3A_1781 = arith.addi %add3A_1780, %scan3A_1066 : i32
        %get3A_1782 = arith.index_cast %add3A_1781 : i32 to index
        %get3A_1783 = arith.constant 48 : index
        %get3A_1784 = tpu.vector_load %arg28[%get3A_1782, %get3A_1783] {strides = array<i32>} : memref<96x64xf32, #tpu.memory_space<vmem>>, vector<1x16xf32>,
        %get3A_1785 = vector.shape_cast %get3A_1784 : vector<1x16xf32> to vector<16xf32>
        %add3A_1786 = arith.addf %add3A_1777, %get3A_1785 : vector<16xf32>
        %mul3A_1787 = arith.mulf %get3A_1785, %get3A_1785 : vector<16xf32>
        %add3A_1788 = arith.addf %add3A_1779, %mul3A_1787 : vector<16xf32>
        %mul3A_1789 = arith.mulf %add3A_1786, %add3A_1786 : vector<16xf32>
        %sub3A_1790 = arith.subf %mul3A_1789, %add3A_1788 : vector<16xf32>
        %add3A_1791 = arith.constant 80 : i32
        %add3A_1792 = arith.addi %add3A_1791, %scan3A_1066 : i32
        %get3A_1793 = arith.index_cast %add3A_1792 : i32 to index
        %get3A_1794 = arith.constant 48 : index
        %get3A_1795 = tpu.vector_load %arg28[%get3A_1793, %get3A_1794] {strides = array<i32>} : memref<96x64xf32, #tpu.memory_space<vmem>>, vector<1x16xf32>,
        %get3A_1796 = vector.shape_cast %get3A_1795 : vector<1x16xf32> to vector<16xf32>
        %add3A_1797 = arith.addf %sub3A_1790, %get3A_1796 : vector<16xf32>
        %swap3A_1798 = arith.index_cast %scan3A_1066 : i32 to index
        %swap3A_1799 = arith.constant 48 : index
        %swap3A_1800 = tpu.vector_load %arg32[%swap3A_1798, %swap3A_1799] {strides = array<i32>} : memref<16x256xf32, #tpu.memory_space<vmem>>, vector<1x16xf32>,
        %swap3A_1801 = vector.shape_cast %swap3A_1800 : vector<1x16xf32> to vector<16xf32>
        %swap3A_1802 = vector.shape_cast %add3A_1797 : vector<16xf32> to vector<1x16xf32>
        tpu.vector_store %arg32[%swap3A_1798, %swap3A_1799], %swap3A_1802 {strides = array<i32>} : memref<16x256xf32, #tpu.memory_space<vmem>>, vector<1x16xf32>,
        %add3A_1803 = arith.constant 80 : i32
        %add3A_1804 = arith.addi %add3A_1803, %scan3A_1066 : i32
        %get3A_1805 = arith.index_cast %add3A_1804 : i32 to index
        %get3A_1806 = arith.constant 48 : index
        %get3A_1807 = tpu.vector_load %arg29[%get3A_1805, %get3A_1806] {strides = array<i32>} : memref<96x64xf32, #tpu.memory_space<vmem>>, vector<1x16xf32>,
        %get3A_1808 = vector.shape_cast %get3A_1807 : vector<1x16xf32> to vector<16xf32>
        %add3A_1809 = arith.constant 80 : i32
        %add3A_1810 = arith.addi %add3A_1809, %scan3A_1066 : i32
        %get3A_1811 = arith.index_cast %add3A_1810 : i32 to index
        %get3A_1812 = arith.constant 48 : index
        %get3A_1813 = tpu.vector_load %arg30[%get3A_1811, %get3A_1812] {strides = array<i32>} : memref<96x64xf32, #tpu.memory_space<vmem>>, vector<1x16xf32>,
        %get3A_1814 = vector.shape_cast %get3A_1813 : vector<1x16xf32> to vector<16xf32>
        %add3A_1815 = arith.constant 0 : i32
        %add3A_1816 = arith.addi %mul3A_1070, %add3A_1815 : i32
        %get3A_1817 = arith.index_cast %add3A_1816 : i32 to index
        %get3A_1818 = memref.load %arg33[%get3A_1817] : memref<160xf32, #tpu.memory_space<smem>>
        %add3A_1819 = arith.constant 0 : i32
        %add3A_1820 = arith.addi %add3A_1819, %scan3A_1066 : i32
        %get3A_1821 = arith.index_cast %add3A_1820 : i32 to index
        %get3A_1822 = arith.constant 48 : index
        %get3A_1823 = tpu.vector_load %arg29[%get3A_1821, %get3A_1822] {strides = array<i32>} : memref<96x64xf32, #tpu.memory_space<vmem>>, vector<1x16xf32>,
        %get3A_1824 = vector.shape_cast %get3A_1823 : vector<1x16xf32> to vector<16xf32>
        %mul3A_1825 = vector.broadcast %get3A_1818 : f32 to vector<16xf32>
        %mul3A_1826 = arith.mulf %mul3A_1825, %get3A_1824 : vector<16xf32>
        %add3A_1827 = arith.addf %get3A_1808, %mul3A_1826 : vector<16xf32>
        %add3A_1828 = arith.constant 5 : i32
        %add3A_1829 = arith.addi %mul3A_1070, %add3A_1828 : i32
        %add3A_1830 = arith.constant 0 : i32
        %add3A_1831 = arith.addi %add3A_1829, %add3A_1830 : i32
        %get3A_1832 = arith.index_cast %add3A_1831 : i32 to index
        %get3A_1833 = memref.load %arg33[%get3A_1832] : memref<160xf32, #tpu.memory_space<smem>>
        %add3A_1834 = arith.constant 0 : i32
        %add3A_1835 = arith.addi %add3A_1834, %scan3A_1066 : i32
        %get3A_1836 = arith.index_cast %add3A_1835 : i32 to index
        %get3A_1837 = arith.constant 48 : index
        %get3A_1838 = tpu.vector_load %arg30[%get3A_1836, %get3A_1837] {strides = array<i32>} : memref<96x64xf32, #tpu.memory_space<vmem>>, vector<1x16xf32>,
        %get3A_1839 = vector.shape_cast %get3A_1838 : vector<1x16xf32> to vector<16xf32>
        %mul3A_1840 = vector.broadcast %get3A_1833 : f32 to vector<16xf32>
        %mul3A_1841 = arith.mulf %mul3A_1840, %get3A_1839 : vector<16xf32>
        %add3A_1842 = arith.addf %get3A_1814, %mul3A_1841 : vector<16xf32>
        %add3A_1843 = arith.constant 1 : i32
        %add3A_1844 = arith.addi %mul3A_1070, %add3A_1843 : i32
        %get3A_1845 = arith.index_cast %add3A_1844 : i32 to index
        %get3A_1846 = memref.load %arg33[%get3A_1845] : memref<160xf32, #tpu.memory_space<smem>>
        %add3A_1847 = arith.constant 16 : i32
        %add3A_1848 = arith.addi %add3A_1847, %scan3A_1066 : i32
        %get3A_1849 = arith.index_cast %add3A_1848 : i32 to index
        %get3A_1850 = arith.constant 48 : index
        %get3A_1851 = tpu.vector_load %arg29[%get3A_1849, %get3A_1850] {strides = array<i32>} : memref<96x64xf32, #tpu.memory_space<vmem>>, vector<1x16xf32>,
        %get3A_1852 = vector.shape_cast %get3A_1851 : vector<1x16xf32> to vector<16xf32>
        %mul3A_1853 = vector.broadcast %get3A_1846 : f32 to vector<16xf32>
        %mul3A_1854 = arith.mulf %mul3A_1853, %get3A_1852 : vector<16xf32>
        %add3A_1855 = arith.addf %add3A_1827, %mul3A_1854 : vector<16xf32>
        %add3A_1856 = arith.constant 5 : i32
        %add3A_1857 = arith.addi %mul3A_1070, %add3A_1856 : i32
        %add3A_1858 = arith.constant 1 : i32
        %add3A_1859 = arith.addi %add3A_1857, %add3A_1858 : i32
        %get3A_1860 = arith.index_cast %add3A_1859 : i32 to index
        %get3A_1861 = memref.load %arg33[%get3A_1860] : memref<160xf32, #tpu.memory_space<smem>>
        %add3A_1862 = arith.constant 16 : i32
        %add3A_1863 = arith.addi %add3A_1862, %scan3A_1066 : i32
        %get3A_1864 = arith.index_cast %add3A_1863 : i32 to index
        %get3A_1865 = arith.constant 48 : index
        %get3A_1866 = tpu.vector_load %arg30[%get3A_1864, %get3A_1865] {strides = array<i32>} : memref<96x64xf32, #tpu.memory_space<vmem>>, vector<1x16xf32>,
        %get3A_1867 = vector.shape_cast %get3A_1866 : vector<1x16xf32> to vector<16xf32>
        %mul3A_1868 = vector.broadcast %get3A_1861 : f32 to vector<16xf32>
        %mul3A_1869 = arith.mulf %mul3A_1868, %get3A_1867 : vector<16xf32>
        %add3A_1870 = arith.addf %add3A_1842, %mul3A_1869 : vector<16xf32>
        %add3A_1871 = arith.constant 2 : i32
        %add3A_1872 = arith.addi %mul3A_1070, %add3A_1871 : i32
        %get3A_1873 = arith.index_cast %add3A_1872 : i32 to index
        %get3A_1874 = memref.load %arg33[%get3A_1873] : memref<160xf32, #tpu.memory_space<smem>>
        %add3A_1875 = arith.constant 32 : i32
        %add3A_1876 = arith.addi %add3A_1875, %scan3A_1066 : i32
        %get3A_1877 = arith.index_cast %add3A_1876 : i32 to index
        %get3A_1878 = arith.constant 48 : index
        %get3A_1879 = tpu.vector_load %arg29[%get3A_1877, %get3A_1878] {strides = array<i32>} : memref<96x64xf32, #tpu.memory_space<vmem>>, vector<1x16xf32>,
        %get3A_1880 = vector.shape_cast %get3A_1879 : vector<1x16xf32> to vector<16xf32>
        %mul3A_1881 = vector.broadcast %get3A_1874 : f32 to vector<16xf32>
        %mul3A_1882 = arith.mulf %mul3A_1881, %get3A_1880 : vector<16xf32>
        %add3A_1883 = arith.addf %add3A_1855, %mul3A_1882 : vector<16xf32>
        %add3A_1884 = arith.constant 5 : i32
        %add3A_1885 = arith.addi %mul3A_1070, %add3A_1884 : i32
        %add3A_1886 = arith.constant 2 : i32
        %add3A_1887 = arith.addi %add3A_1885, %add3A_1886 : i32
        %get3A_1888 = arith.index_cast %add3A_1887 : i32 to index
        %get3A_1889 = memref.load %arg33[%get3A_1888] : memref<160xf32, #tpu.memory_space<smem>>
        %add3A_1890 = arith.constant 32 : i32
        %add3A_1891 = arith.addi %add3A_1890, %scan3A_1066 : i32
        %get3A_1892 = arith.index_cast %add3A_1891 : i32 to index
        %get3A_1893 = arith.constant 48 : index
        %get3A_1894 = tpu.vector_load %arg30[%get3A_1892, %get3A_1893] {strides = array<i32>} : memref<96x64xf32, #tpu.memory_space<vmem>>, vector<1x16xf32>,
        %get3A_1895 = vector.shape_cast %get3A_1894 : vector<1x16xf32> to vector<16xf32>
        %mul3A_1896 = vector.broadcast %get3A_1889 : f32 to vector<16xf32>
        %mul3A_1897 = arith.mulf %mul3A_1896, %get3A_1895 : vector<16xf32>
        %add3A_1898 = arith.addf %add3A_1870, %mul3A_1897 : vector<16xf32>
        %add3A_1899 = arith.constant 3 : i32
        %add3A_1900 = arith.addi %mul3A_1070, %add3A_1899 : i32
        %get3A_1901 = arith.index_cast %add3A_1900 : i32 to index
        %get3A_1902 = memref.load %arg33[%get3A_1901] : memref<160xf32, #tpu.memory_space<smem>>
        %add3A_1903 = arith.constant 48 : i32
        %add3A_1904 = arith.addi %add3A_1903, %scan3A_1066 : i32
        %get3A_1905 = arith.index_cast %add3A_1904 : i32 to index
        %get3A_1906 = arith.constant 48 : index
        %get3A_1907 = tpu.vector_load %arg29[%get3A_1905, %get3A_1906] {strides = array<i32>} : memref<96x64xf32, #tpu.memory_space<vmem>>, vector<1x16xf32>,
        %get3A_1908 = vector.shape_cast %get3A_1907 : vector<1x16xf32> to vector<16xf32>
        %mul3A_1909 = vector.broadcast %get3A_1902 : f32 to vector<16xf32>
        %mul3A_1910 = arith.mulf %mul3A_1909, %get3A_1908 : vector<16xf32>
        %add3A_1911 = arith.addf %add3A_1883, %mul3A_1910 : vector<16xf32>
        %add3A_1912 = arith.constant 5 : i32
        %add3A_1913 = arith.addi %mul3A_1070, %add3A_1912 : i32
        %add3A_1914 = arith.constant 3 : i32
        %add3A_1915 = arith.addi %add3A_1913, %add3A_1914 : i32
        %get3A_1916 = arith.index_cast %add3A_1915 : i32 to index
        %get3A_1917 = memref.load %arg33[%get3A_1916] : memref<160xf32, #tpu.memory_space<smem>>
        %add3A_1918 = arith.constant 48 : i32
        %add3A_1919 = arith.addi %add3A_1918, %scan3A_1066 : i32
        %get3A_1920 = arith.index_cast %add3A_1919 : i32 to index
        %get3A_1921 = arith.constant 48 : index
        %get3A_1922 = tpu.vector_load %arg30[%get3A_1920, %get3A_1921] {strides = array<i32>} : memref<96x64xf32, #tpu.memory_space<vmem>>, vector<1x16xf32>,
        %get3A_1923 = vector.shape_cast %get3A_1922 : vector<1x16xf32> to vector<16xf32>
        %mul3A_1924 = vector.broadcast %get3A_1917 : f32 to vector<16xf32>
        %mul3A_1925 = arith.mulf %mul3A_1924, %get3A_1923 : vector<16xf32>
        %add3A_1926 = arith.addf %add3A_1898, %mul3A_1925 : vector<16xf32>
        %add3A_1927 = arith.constant 4 : i32
        %add3A_1928 = arith.addi %mul3A_1070, %add3A_1927 : i32
        %get3A_1929 = arith.index_cast %add3A_1928 : i32 to index
        %get3A_1930 = memref.load %arg33[%get3A_1929] : memref<160xf32, #tpu.memory_space<smem>>
        %add3A_1931 = arith.constant 64 : i32
        %add3A_1932 = arith.addi %add3A_1931, %scan3A_1066 : i32
        %get3A_1933 = arith.index_cast %add3A_1932 : i32 to index
        %get3A_1934 = arith.constant 48 : index
        %get3A_1935 = tpu.vector_load %arg29[%get3A_1933, %get3A_1934] {strides = array<i32>} : memref<96x64xf32, #tpu.memory_space<vmem>>, vector<1x16xf32>,
        %get3A_1936 = vector.shape_cast %get3A_1935 : vector<1x16xf32> to vector<16xf32>
        %mul3A_1937 = vector.broadcast %get3A_1930 : f32 to vector<16xf32>
        %mul3A_1938 = arith.mulf %mul3A_1937, %get3A_1936 : vector<16xf32>
        %add3A_1939 = arith.addf %add3A_1911, %mul3A_1938 : vector<16xf32>
        %add3A_1940 = arith.constant 5 : i32
        %add3A_1941 = arith.addi %mul3A_1070, %add3A_1940 : i32
        %add3A_1942 = arith.constant 4 : i32
        %add3A_1943 = arith.addi %add3A_1941, %add3A_1942 : i32
        %get3A_1944 = arith.index_cast %add3A_1943 : i32 to index
        %get3A_1945 = memref.load %arg33[%get3A_1944] : memref<160xf32, #tpu.memory_space<smem>>
        %add3A_1946 = arith.constant 64 : i32
        %add3A_1947 = arith.addi %add3A_1946, %scan3A_1066 : i32
        %get3A_1948 = arith.index_cast %add3A_1947 : i32 to index
        %get3A_1949 = arith.constant 48 : index
        %get3A_1950 = tpu.vector_load %arg30[%get3A_1948, %get3A_1949] {strides = array<i32>} : memref<96x64xf32, #tpu.memory_space<vmem>>, vector<1x16xf32>,
        %get3A_1951 = vector.shape_cast %get3A_1950 : vector<1x16xf32> to vector<16xf32>
        %mul3A_1952 = vector.broadcast %get3A_1945 : f32 to vector<16xf32>
        %mul3A_1953 = arith.mulf %mul3A_1952, %get3A_1951 : vector<16xf32>
        %add3A_1954 = arith.addf %add3A_1926, %mul3A_1953 : vector<16xf32>
        %swap3A_1955 = arith.index_cast %scan3A_1066 : i32 to index
        %swap3A_1956 = arith.constant 112 : index
        %swap3A_1957 = tpu.vector_load %arg32[%swap3A_1955, %swap3A_1956] {strides = array<i32>} : memref<16x256xf32, #tpu.memory_space<vmem>>, vector<1x16xf32>,
        %swap3A_1958 = vector.shape_cast %swap3A_1957 : vector<1x16xf32> to vector<16xf32>
        %swap3A_1959 = vector.shape_cast %add3A_1939 : vector<16xf32> to vector<1x16xf32>
        tpu.vector_store %arg32[%swap3A_1955, %swap3A_1956], %swap3A_1959 {strides = array<i32>} : memref<16x256xf32, #tpu.memory_space<vmem>>, vector<1x16xf32>,
        %swap3A_1960 = arith.index_cast %scan3A_1066 : i32 to index
        %swap3A_1961 = arith.constant 176 : index
        %swap3A_1962 = tpu.vector_load %arg32[%swap3A_1960, %swap3A_1961] {strides = array<i32>} : memref<16x256xf32, #tpu.memory_space<vmem>>, vector<1x16xf32>,
        %swap3A_1963 = vector.shape_cast %swap3A_1962 : vector<1x16xf32> to vector<16xf32>
        %swap3A_1964 = vector.shape_cast %add3A_1954 : vector<16xf32> to vector<1x16xf32>
        tpu.vector_store %arg32[%swap3A_1960, %swap3A_1961], %swap3A_1964 {strides = array<i32>} : memref<16x256xf32, #tpu.memory_space<vmem>>, vector<1x16xf32>,
        %get3A_1965 = arith.index_cast %scan3A_1066 : i32 to index
        %get3A_1966 = arith.constant 48 : index
        %get3A_1967 = tpu.vector_load %arg31[%get3A_1965, %get3A_1966] {strides = array<i32>} : memref<16x64xf32, #tpu.memory_space<vmem>>, vector<1x16xf32>,
        %get3A_1968 = vector.shape_cast %get3A_1967 : vector<1x16xf32> to vector<16xf32>
        %swap3A_1969 = arith.index_cast %scan3A_1066 : i32 to index
        %swap3A_1970 = arith.constant 240 : index
        %swap3A_1971 = tpu.vector_load %arg32[%swap3A_1969, %swap3A_1970] {strides = array<i32>} : memref<16x256xf32, #tpu.memory_space<vmem>>, vector<1x16xf32>,
        %swap3A_1972 = vector.shape_cast %swap3A_1971 : vector<1x16xf32> to vector<16xf32>
        %swap3A_1973 = vector.shape_cast %get3A_1968 : vector<16xf32> to vector<1x16xf32>
        tpu.vector_store %arg32[%swap3A_1969, %swap3A_1970], %swap3A_1973 {strides = array<i32>} : memref<16x256xf32, #tpu.memory_space<vmem>>, vector<1x16xf32>,
        %scan3A_1974 = arith.constant 1 : i32
        %scan3A_1975 = arith.addi %scan3A_1066, %scan3A_1974 : i32
        %mul3A_1976 = arith.constant 2 : i32
        %mul3A_1977 = arith.muli %scan3A_1975, %mul3A_1976 : i32
        %mul3A_1978 = arith.constant 5 : i32
        %mul3A_1979 = arith.muli %mul3A_1977, %mul3A_1978 : i32
        %get3A_1980 = arith.index_cast %scan3A_1975 : i32 to index
        %get3A_1981 = arith.constant 0 : index
        %get3A_1982 = tpu.vector_load %arg28[%get3A_1980, %get3A_1981] {strides = array<i32>} : memref<96x64xf32, #tpu.memory_space<vmem>>, vector<1x16xf32>,
        %get3A_1983 = vector.shape_cast %get3A_1982 : vector<1x16xf32> to vector<16xf32>
        %mul3A_1984 = arith.mulf %get3A_1983, %get3A_1983 : vector<16xf32>
        %add3A_1985 = arith.constant 16 : i32
        %add3A_1986 = arith.addi %add3A_1985, %scan3A_1975 : i32
        %get3A_1987 = arith.index_cast %add3A_1986 : i32 to index
        %get3A_1988 = arith.constant 0 : index
        %get3A_1989 = tpu.vector_load %arg28[%get3A_1987, %get3A_1988] {strides = array<i32>} : memref<96x64xf32, #tpu.memory_space<vmem>>, vector<1x16xf32>,
        %get3A_1990 = vector.shape_cast %get3A_1989 : vector<1x16xf32> to vector<16xf32>
        %add3A_1991 = arith.addf %get3A_1983, %get3A_1990 : vector<16xf32>
        %mul3A_1992 = arith.mulf %get3A_1990, %get3A_1990 : vector<16xf32>
        %add3A_1993 = arith.addf %mul3A_1984, %mul3A_1992 : vector<16xf32>
        %add3A_1994 = arith.constant 32 : i32
        %add3A_1995 = arith.addi %add3A_1994, %scan3A_1975 : i32
        %get3A_1996 = arith.index_cast %add3A_1995 : i32 to index
        %get3A_1997 = arith.constant 0 : index
        %get3A_1998 = tpu.vector_load %arg28[%get3A_1996, %get3A_1997] {strides = array<i32>} : memref<96x64xf32, #tpu.memory_space<vmem>>, vector<1x16xf32>,
        %get3A_1999 = vector.shape_cast %get3A_1998 : vector<1x16xf32> to vector<16xf32>
        %add3A_2000 = arith.addf %add3A_1991, %get3A_1999 : vector<16xf32>
        %mul3A_2001 = arith.mulf %get3A_1999, %get3A_1999 : vector<16xf32>
        %add3A_2002 = arith.addf %add3A_1993, %mul3A_2001 : vector<16xf32>
        %add3A_2003 = arith.constant 48 : i32
        %add3A_2004 = arith.addi %add3A_2003, %scan3A_1975 : i32
        %get3A_2005 = arith.index_cast %add3A_2004 : i32 to index
        %get3A_2006 = arith.constant 0 : index
        %get3A_2007 = tpu.vector_load %arg28[%get3A_2005, %get3A_2006] {strides = array<i32>} : memref<96x64xf32, #tpu.memory_space<vmem>>, vector<1x16xf32>,
        %get3A_2008 = vector.shape_cast %get3A_2007 : vector<1x16xf32> to vector<16xf32>
        %add3A_2009 = arith.addf %add3A_2000, %get3A_2008 : vector<16xf32>
        %mul3A_2010 = arith.mulf %get3A_2008, %get3A_2008 : vector<16xf32>
        %add3A_2011 = arith.addf %add3A_2002, %mul3A_2010 : vector<16xf32>
        %add3A_2012 = arith.constant 64 : i32
        %add3A_2013 = arith.addi %add3A_2012, %scan3A_1975 : i32
        %get3A_2014 = arith.index_cast %add3A_2013 : i32 to index
        %get3A_2015 = arith.constant 0 : index
        %get3A_2016 = tpu.vector_load %arg28[%get3A_2014, %get3A_2015] {strides = array<i32>} : memref<96x64xf32, #tpu.memory_space<vmem>>, vector<1x16xf32>,
        %get3A_2017 = vector.shape_cast %get3A_2016 : vector<1x16xf32> to vector<16xf32>
        %add3A_2018 = arith.addf %add3A_2009, %get3A_2017 : vector<16xf32>
        %mul3A_2019 = arith.mulf %get3A_2017, %get3A_2017 : vector<16xf32>
        %add3A_2020 = arith.addf %add3A_2011, %mul3A_2019 : vector<16xf32>
        %mul3A_2021 = arith.mulf %add3A_2018, %add3A_2018 : vector<16xf32>
        %sub3A_2022 = arith.subf %mul3A_2021, %add3A_2020 : vector<16xf32>
        %add3A_2023 = arith.constant 80 : i32
        %add3A_2024 = arith.addi %add3A_2023, %scan3A_1975 : i32
        %get3A_2025 = arith.index_cast %add3A_2024 : i32 to index
        %get3A_2026 = arith.constant 0 : index
        %get3A_2027 = tpu.vector_load %arg28[%get3A_2025, %get3A_2026] {strides = array<i32>} : memref<96x64xf32, #tpu.memory_space<vmem>>, vector<1x16xf32>,
        %get3A_2028 = vector.shape_cast %get3A_2027 : vector<1x16xf32> to vector<16xf32>
        %add3A_2029 = arith.addf %sub3A_2022, %get3A_2028 : vector<16xf32>
        %swap3A_2030 = arith.index_cast %scan3A_1975 : i32 to index
        %swap3A_2031 = arith.constant 0 : index
        %swap3A_2032 = tpu.vector_load %arg32[%swap3A_2030, %swap3A_2031] {strides = array<i32>} : memref<16x256xf32, #tpu.memory_space<vmem>>, vector<1x16xf32>,
        %swap3A_2033 = vector.shape_cast %swap3A_2032 : vector<1x16xf32> to vector<16xf32>
        %swap3A_2034 = vector.shape_cast %add3A_2029 : vector<16xf32> to vector<1x16xf32>
        tpu.vector_store %arg32[%swap3A_2030, %swap3A_2031], %swap3A_2034 {strides = array<i32>} : memref<16x256xf32, #tpu.memory_space<vmem>>, vector<1x16xf32>,
        %add3A_2035 = arith.constant 80 : i32
        %add3A_2036 = arith.addi %add3A_2035, %scan3A_1975 : i32
        %get3A_2037 = arith.index_cast %add3A_2036 : i32 to index
        %get3A_2038 = arith.constant 0 : index
        %get3A_2039 = tpu.vector_load %arg29[%get3A_2037, %get3A_2038] {strides = array<i32>} : memref<96x64xf32, #tpu.memory_space<vmem>>, vector<1x16xf32>,
        %get3A_2040 = vector.shape_cast %get3A_2039 : vector<1x16xf32> to vector<16xf32>
        %add3A_2041 = arith.constant 80 : i32
        %add3A_2042 = arith.addi %add3A_2041, %scan3A_1975 : i32
        %get3A_2043 = arith.index_cast %add3A_2042 : i32 to index
        %get3A_2044 = arith.constant 0 : index
        %get3A_2045 = tpu.vector_load %arg30[%get3A_2043, %get3A_2044] {strides = array<i32>} : memref<96x64xf32, #tpu.memory_space<vmem>>, vector<1x16xf32>,
        %get3A_2046 = vector.shape_cast %get3A_2045 : vector<1x16xf32> to vector<16xf32>
        %add3A_2047 = arith.constant 0 : i32
        %add3A_2048 = arith.addi %mul3A_1979, %add3A_2047 : i32
        %get3A_2049 = arith.index_cast %add3A_2048 : i32 to index
        %get3A_2050 = memref.load %arg33[%get3A_2049] : memref<160xf32, #tpu.memory_space<smem>>
        %add3A_2051 = arith.constant 0 : i32
        %add3A_2052 = arith.addi %add3A_2051, %scan3A_1975 : i32
        %get3A_2053 = arith.index_cast %add3A_2052 : i32 to index
        %get3A_2054 = arith.constant 0 : index
        %get3A_2055 = tpu.vector_load %arg29[%get3A_2053, %get3A_2054] {strides = array<i32>} : memref<96x64xf32, #tpu.memory_space<vmem>>, vector<1x16xf32>,
        %get3A_2056 = vector.shape_cast %get3A_2055 : vector<1x16xf32> to vector<16xf32>
        %mul3A_2057 = vector.broadcast %get3A_2050 : f32 to vector<16xf32>
        %mul3A_2058 = arith.mulf %mul3A_2057, %get3A_2056 : vector<16xf32>
        %add3A_2059 = arith.addf %get3A_2040, %mul3A_2058 : vector<16xf32>
        %add3A_2060 = arith.constant 5 : i32
        %add3A_2061 = arith.addi %mul3A_1979, %add3A_2060 : i32
        %add3A_2062 = arith.constant 0 : i32
        %add3A_2063 = arith.addi %add3A_2061, %add3A_2062 : i32
        %get3A_2064 = arith.index_cast %add3A_2063 : i32 to index
        %get3A_2065 = memref.load %arg33[%get3A_2064] : memref<160xf32, #tpu.memory_space<smem>>
        %add3A_2066 = arith.constant 0 : i32
        %add3A_2067 = arith.addi %add3A_2066, %scan3A_1975 : i32
        %get3A_2068 = arith.index_cast %add3A_2067 : i32 to index
        %get3A_2069 = arith.constant 0 : index
        %get3A_2070 = tpu.vector_load %arg30[%get3A_2068, %get3A_2069] {strides = array<i32>} : memref<96x64xf32, #tpu.memory_space<vmem>>, vector<1x16xf32>,
        %get3A_2071 = vector.shape_cast %get3A_2070 : vector<1x16xf32> to vector<16xf32>
        %mul3A_2072 = vector.broadcast %get3A_2065 : f32 to vector<16xf32>
        %mul3A_2073 = arith.mulf %mul3A_2072, %get3A_2071 : vector<16xf32>
        %add3A_2074 = arith.addf %get3A_2046, %mul3A_2073 : vector<16xf32>
        %add3A_2075 = arith.constant 1 : i32
        %add3A_2076 = arith.addi %mul3A_1979, %add3A_2075 : i32
        %get3A_2077 = arith.index_cast %add3A_2076 : i32 to index
        %get3A_2078 = memref.load %arg33[%get3A_2077] : memref<160xf32, #tpu.memory_space<smem>>
        %add3A_2079 = arith.constant 16 : i32
        %add3A_2080 = arith.addi %add3A_2079, %scan3A_1975 : i32
        %get3A_2081 = arith.index_cast %add3A_2080 : i32 to index
        %get3A_2082 = arith.constant 0 : index
        %get3A_2083 = tpu.vector_load %arg29[%get3A_2081, %get3A_2082] {strides = array<i32>} : memref<96x64xf32, #tpu.memory_space<vmem>>, vector<1x16xf32>,
        %get3A_2084 = vector.shape_cast %get3A_2083 : vector<1x16xf32> to vector<16xf32>
        %mul3A_2085 = vector.broadcast %get3A_2078 : f32 to vector<16xf32>
        %mul3A_2086 = arith.mulf %mul3A_2085, %get3A_2084 : vector<16xf32>
        %add3A_2087 = arith.addf %add3A_2059, %mul3A_2086 : vector<16xf32>
        %add3A_2088 = arith.constant 5 : i32
        %add3A_2089 = arith.addi %mul3A_1979, %add3A_2088 : i32
        %add3A_2090 = arith.constant 1 : i32
        %add3A_2091 = arith.addi %add3A_2089, %add3A_2090 : i32
        %get3A_2092 = arith.index_cast %add3A_2091 : i32 to index
        %get3A_2093 = memref.load %arg33[%get3A_2092] : memref<160xf32, #tpu.memory_space<smem>>
        %add3A_2094 = arith.constant 16 : i32
        %add3A_2095 = arith.addi %add3A_2094, %scan3A_1975 : i32
        %get3A_2096 = arith.index_cast %add3A_2095 : i32 to index
        %get3A_2097 = arith.constant 0 : index
        %get3A_2098 = tpu.vector_load %arg30[%get3A_2096, %get3A_2097] {strides = array<i32>} : memref<96x64xf32, #tpu.memory_space<vmem>>, vector<1x16xf32>,
        %get3A_2099 = vector.shape_cast %get3A_2098 : vector<1x16xf32> to vector<16xf32>
        %mul3A_2100 = vector.broadcast %get3A_2093 : f32 to vector<16xf32>
        %mul3A_2101 = arith.mulf %mul3A_2100, %get3A_2099 : vector<16xf32>
        %add3A_2102 = arith.addf %add3A_2074, %mul3A_2101 : vector<16xf32>
        %add3A_2103 = arith.constant 2 : i32
        %add3A_2104 = arith.addi %mul3A_1979, %add3A_2103 : i32
        %get3A_2105 = arith.index_cast %add3A_2104 : i32 to index
        %get3A_2106 = memref.load %arg33[%get3A_2105] : memref<160xf32, #tpu.memory_space<smem>>
        %add3A_2107 = arith.constant 32 : i32
        %add3A_2108 = arith.addi %add3A_2107, %scan3A_1975 : i32
        %get3A_2109 = arith.index_cast %add3A_2108 : i32 to index
        %get3A_2110 = arith.constant 0 : index
        %get3A_2111 = tpu.vector_load %arg29[%get3A_2109, %get3A_2110] {strides = array<i32>} : memref<96x64xf32, #tpu.memory_space<vmem>>, vector<1x16xf32>,
        %get3A_2112 = vector.shape_cast %get3A_2111 : vector<1x16xf32> to vector<16xf32>
        %mul3A_2113 = vector.broadcast %get3A_2106 : f32 to vector<16xf32>
        %mul3A_2114 = arith.mulf %mul3A_2113, %get3A_2112 : vector<16xf32>
        %add3A_2115 = arith.addf %add3A_2087, %mul3A_2114 : vector<16xf32>
        %add3A_2116 = arith.constant 5 : i32
        %add3A_2117 = arith.addi %mul3A_1979, %add3A_2116 : i32
        %add3A_2118 = arith.constant 2 : i32
        %add3A_2119 = arith.addi %add3A_2117, %add3A_2118 : i32
        %get3A_2120 = arith.index_cast %add3A_2119 : i32 to index
        %get3A_2121 = memref.load %arg33[%get3A_2120] : memref<160xf32, #tpu.memory_space<smem>>
        %add3A_2122 = arith.constant 32 : i32
        %add3A_2123 = arith.addi %add3A_2122, %scan3A_1975 : i32
        %get3A_2124 = arith.index_cast %add3A_2123 : i32 to index
        %get3A_2125 = arith.constant 0 : index
        %get3A_2126 = tpu.vector_load %arg30[%get3A_2124, %get3A_2125] {strides = array<i32>} : memref<96x64xf32, #tpu.memory_space<vmem>>, vector<1x16xf32>,
        %get3A_2127 = vector.shape_cast %get3A_2126 : vector<1x16xf32> to vector<16xf32>
        %mul3A_2128 = vector.broadcast %get3A_2121 : f32 to vector<16xf32>
        %mul3A_2129 = arith.mulf %mul3A_2128, %get3A_2127 : vector<16xf32>
        %add3A_2130 = arith.addf %add3A_2102, %mul3A_2129 : vector<16xf32>
        %add3A_2131 = arith.constant 3 : i32
        %add3A_2132 = arith.addi %mul3A_1979, %add3A_2131 : i32
        %get3A_2133 = arith.index_cast %add3A_2132 : i32 to index
        %get3A_2134 = memref.load %arg33[%get3A_2133] : memref<160xf32, #tpu.memory_space<smem>>
        %add3A_2135 = arith.constant 48 : i32
        %add3A_2136 = arith.addi %add3A_2135, %scan3A_1975 : i32
        %get3A_2137 = arith.index_cast %add3A_2136 : i32 to index
        %get3A_2138 = arith.constant 0 : index
        %get3A_2139 = tpu.vector_load %arg29[%get3A_2137, %get3A_2138] {strides = array<i32>} : memref<96x64xf32, #tpu.memory_space<vmem>>, vector<1x16xf32>,
        %get3A_2140 = vector.shape_cast %get3A_2139 : vector<1x16xf32> to vector<16xf32>
        %mul3A_2141 = vector.broadcast %get3A_2134 : f32 to vector<16xf32>
        %mul3A_2142 = arith.mulf %mul3A_2141, %get3A_2140 : vector<16xf32>
        %add3A_2143 = arith.addf %add3A_2115, %mul3A_2142 : vector<16xf32>
        %add3A_2144 = arith.constant 5 : i32
        %add3A_2145 = arith.addi %mul3A_1979, %add3A_2144 : i32
        %add3A_2146 = arith.constant 3 : i32
        %add3A_2147 = arith.addi %add3A_2145, %add3A_2146 : i32
        %get3A_2148 = arith.index_cast %add3A_2147 : i32 to index
        %get3A_2149 = memref.load %arg33[%get3A_2148] : memref<160xf32, #tpu.memory_space<smem>>
        %add3A_2150 = arith.constant 48 : i32
        %add3A_2151 = arith.addi %add3A_2150, %scan3A_1975 : i32
        %get3A_2152 = arith.index_cast %add3A_2151 : i32 to index
        %get3A_2153 = arith.constant 0 : index
        %get3A_2154 = tpu.vector_load %arg30[%get3A_2152, %get3A_2153] {strides = array<i32>} : memref<96x64xf32, #tpu.memory_space<vmem>>, vector<1x16xf32>,
        %get3A_2155 = vector.shape_cast %get3A_2154 : vector<1x16xf32> to vector<16xf32>
        %mul3A_2156 = vector.broadcast %get3A_2149 : f32 to vector<16xf32>
        %mul3A_2157 = arith.mulf %mul3A_2156, %get3A_2155 : vector<16xf32>
        %add3A_2158 = arith.addf %add3A_2130, %mul3A_2157 : vector<16xf32>
        %add3A_2159 = arith.constant 4 : i32
        %add3A_2160 = arith.addi %mul3A_1979, %add3A_2159 : i32
        %get3A_2161 = arith.index_cast %add3A_2160 : i32 to index
        %get3A_2162 = memref.load %arg33[%get3A_2161] : memref<160xf32, #tpu.memory_space<smem>>
        %add3A_2163 = arith.constant 64 : i32
        %add3A_2164 = arith.addi %add3A_2163, %scan3A_1975 : i32
        %get3A_2165 = arith.index_cast %add3A_2164 : i32 to index
        %get3A_2166 = arith.constant 0 : index
        %get3A_2167 = tpu.vector_load %arg29[%get3A_2165, %get3A_2166] {strides = array<i32>} : memref<96x64xf32, #tpu.memory_space<vmem>>, vector<1x16xf32>,
        %get3A_2168 = vector.shape_cast %get3A_2167 : vector<1x16xf32> to vector<16xf32>
        %mul3A_2169 = vector.broadcast %get3A_2162 : f32 to vector<16xf32>
        %mul3A_2170 = arith.mulf %mul3A_2169, %get3A_2168 : vector<16xf32>
        %add3A_2171 = arith.addf %add3A_2143, %mul3A_2170 : vector<16xf32>
        %add3A_2172 = arith.constant 5 : i32
        %add3A_2173 = arith.addi %mul3A_1979, %add3A_2172 : i32
        %add3A_2174 = arith.constant 4 : i32
        %add3A_2175 = arith.addi %add3A_2173, %add3A_2174 : i32
        %get3A_2176 = arith.index_cast %add3A_2175 : i32 to index
        %get3A_2177 = memref.load %arg33[%get3A_2176] : memref<160xf32, #tpu.memory_space<smem>>
        %add3A_2178 = arith.constant 64 : i32
        %add3A_2179 = arith.addi %add3A_2178, %scan3A_1975 : i32
        %get3A_2180 = arith.index_cast %add3A_2179 : i32 to index
        %get3A_2181 = arith.constant 0 : index
        %get3A_2182 = tpu.vector_load %arg30[%get3A_2180, %get3A_2181] {strides = array<i32>} : memref<96x64xf32, #tpu.memory_space<vmem>>, vector<1x16xf32>,
        %get3A_2183 = vector.shape_cast %get3A_2182 : vector<1x16xf32> to vector<16xf32>
        %mul3A_2184 = vector.broadcast %get3A_2177 : f32 to vector<16xf32>
        %mul3A_2185 = arith.mulf %mul3A_2184, %get3A_2183 : vector<16xf32>
        %add3A_2186 = arith.addf %add3A_2158, %mul3A_2185 : vector<16xf32>
        %swap3A_2187 = arith.index_cast %scan3A_1975 : i32 to index
        %swap3A_2188 = arith.constant 64 : index
        %swap3A_2189 = tpu.vector_load %arg32[%swap3A_2187, %swap3A_2188] {strides = array<i32>} : memref<16x256xf32, #tpu.memory_space<vmem>>, vector<1x16xf32>,
        %swap3A_2190 = vector.shape_cast %swap3A_2189 : vector<1x16xf32> to vector<16xf32>
        %swap3A_2191 = vector.shape_cast %add3A_2171 : vector<16xf32> to vector<1x16xf32>
        tpu.vector_store %arg32[%swap3A_2187, %swap3A_2188], %swap3A_2191 {strides = array<i32>} : memref<16x256xf32, #tpu.memory_space<vmem>>, vector<1x16xf32>,
        %swap3A_2192 = arith.index_cast %scan3A_1975 : i32 to index
        %swap3A_2193 = arith.constant 128 : index
        %swap3A_2194 = tpu.vector_load %arg32[%swap3A_2192, %swap3A_2193] {strides = array<i32>} : memref<16x256xf32, #tpu.memory_space<vmem>>, vector<1x16xf32>,
        %swap3A_2195 = vector.shape_cast %swap3A_2194 : vector<1x16xf32> to vector<16xf32>
        %swap3A_2196 = vector.shape_cast %add3A_2186 : vector<16xf32> to vector<1x16xf32>
        tpu.vector_store %arg32[%swap3A_2192, %swap3A_2193], %swap3A_2196 {strides = array<i32>} : memref<16x256xf32, #tpu.memory_space<vmem>>, vector<1x16xf32>,
        %get3A_2197 = arith.index_cast %scan3A_1975 : i32 to index
        %get3A_2198 = arith.constant 0 : index
        %get3A_2199 = tpu.vector_load %arg31[%get3A_2197, %get3A_2198] {strides = array<i32>} : memref<16x64xf32, #tpu.memory_space<vmem>>, vector<1x16xf32>,
        %get3A_2200 = vector.shape_cast %get3A_2199 : vector<1x16xf32> to vector<16xf32>
        %swap3A_2201 = arith.index_cast %scan3A_1975 : i32 to index
        %swap3A_2202 = arith.constant 192 : index
        %swap3A_2203 = tpu.vector_load %arg32[%swap3A_2201, %swap3A_2202] {strides = array<i32>} : memref<16x256xf32, #tpu.memory_space<vmem>>, vector<1x16xf32>,
        %swap3A_2204 = vector.shape_cast %swap3A_2203 : vector<1x16xf32> to vector<16xf32>
        %swap3A_2205 = vector.shape_cast %get3A_2200 : vector<16xf32> to vector<1x16xf32>
        tpu.vector_store %arg32[%swap3A_2201, %swap3A_2202], %swap3A_2205 {strides = array<i32>} : memref<16x256xf32, #tpu.memory_space<vmem>>, vector<1x16xf32>,
        %get3A_2206 = arith.index_cast %scan3A_1975 : i32 to index
        %get3A_2207 = arith.constant 16 : index
        %get3A_2208 = tpu.vector_load %arg28[%get3A_2206, %get3A_2207] {strides = array<i32>} : memref<96x64xf32, #tpu.memory_space<vmem>>, vector<1x16xf32>,
        %get3A_2209 = vector.shape_cast %get3A_2208 : vector<1x16xf32> to vector<16xf32>
        %mul3A_2210 = arith.mulf %get3A_2209, %get3A_2209 : vector<16xf32>
        %add3A_2211 = arith.constant 16 : i32
        %add3A_2212 = arith.addi %add3A_2211, %scan3A_1975 : i32
        %get3A_2213 = arith.index_cast %add3A_2212 : i32 to index
        %get3A_2214 = arith.constant 16 : index
        %get3A_2215 = tpu.vector_load %arg28[%get3A_2213, %get3A_2214] {strides = array<i32>} : memref<96x64xf32, #tpu.memory_space<vmem>>, vector<1x16xf32>,
        %get3A_2216 = vector.shape_cast %get3A_2215 : vector<1x16xf32> to vector<16xf32>
        %add3A_2217 = arith.addf %get3A_2209, %get3A_2216 : vector<16xf32>
        %mul3A_2218 = arith.mulf %get3A_2216, %get3A_2216 : vector<16xf32>
        %add3A_2219 = arith.addf %mul3A_2210, %mul3A_2218 : vector<16xf32>
        %add3A_2220 = arith.constant 32 : i32
        %add3A_2221 = arith.addi %add3A_2220, %scan3A_1975 : i32
        %get3A_2222 = arith.index_cast %add3A_2221 : i32 to index
        %get3A_2223 = arith.constant 16 : index
        %get3A_2224 = tpu.vector_load %arg28[%get3A_2222, %get3A_2223] {strides = array<i32>} : memref<96x64xf32, #tpu.memory_space<vmem>>, vector<1x16xf32>,
        %get3A_2225 = vector.shape_cast %get3A_2224 : vector<1x16xf32> to vector<16xf32>
        %add3A_2226 = arith.addf %add3A_2217, %get3A_2225 : vector<16xf32>
        %mul3A_2227 = arith.mulf %get3A_2225, %get3A_2225 : vector<16xf32>
        %add3A_2228 = arith.addf %add3A_2219, %mul3A_2227 : vector<16xf32>
        %add3A_2229 = arith.constant 48 : i32
        %add3A_2230 = arith.addi %add3A_2229, %scan3A_1975 : i32
        %get3A_2231 = arith.index_cast %add3A_2230 : i32 to index
        %get3A_2232 = arith.constant 16 : index
        %get3A_2233 = tpu.vector_load %arg28[%get3A_2231, %get3A_2232] {strides = array<i32>} : memref<96x64xf32, #tpu.memory_space<vmem>>, vector<1x16xf32>,
        %get3A_2234 = vector.shape_cast %get3A_2233 : vector<1x16xf32> to vector<16xf32>
        %add3A_2235 = arith.addf %add3A_2226, %get3A_2234 : vector<16xf32>
        %mul3A_2236 = arith.mulf %get3A_2234, %get3A_2234 : vector<16xf32>
        %add3A_2237 = arith.addf %add3A_2228, %mul3A_2236 : vector<16xf32>
        %add3A_2238 = arith.constant 64 : i32
        %add3A_2239 = arith.addi %add3A_2238, %scan3A_1975 : i32
        %get3A_2240 = arith.index_cast %add3A_2239 : i32 to index
        %get3A_2241 = arith.constant 16 : index
        %get3A_2242 = tpu.vector_load %arg28[%get3A_2240, %get3A_2241] {strides = array<i32>} : memref<96x64xf32, #tpu.memory_space<vmem>>, vector<1x16xf32>,
        %get3A_2243 = vector.shape_cast %get3A_2242 : vector<1x16xf32> to vector<16xf32>
        %add3A_2244 = arith.addf %add3A_2235, %get3A_2243 : vector<16xf32>
        %mul3A_2245 = arith.mulf %get3A_2243, %get3A_2243 : vector<16xf32>
        %add3A_2246 = arith.addf %add3A_2237, %mul3A_2245 : vector<16xf32>
        %mul3A_2247 = arith.mulf %add3A_2244, %add3A_2244 : vector<16xf32>
        %sub3A_2248 = arith.subf %mul3A_2247, %add3A_2246 : vector<16xf32>
        %add3A_2249 = arith.constant 80 : i32
        %add3A_2250 = arith.addi %add3A_2249, %scan3A_1975 : i32
        %get3A_2251 = arith.index_cast %add3A_2250 : i32 to index
        %get3A_2252 = arith.constant 16 : index
        %get3A_2253 = tpu.vector_load %arg28[%get3A_2251, %get3A_2252] {strides = array<i32>} : memref<96x64xf32, #tpu.memory_space<vmem>>, vector<1x16xf32>,
        %get3A_2254 = vector.shape_cast %get3A_2253 : vector<1x16xf32> to vector<16xf32>
        %add3A_2255 = arith.addf %sub3A_2248, %get3A_2254 : vector<16xf32>
        %swap3A_2256 = arith.index_cast %scan3A_1975 : i32 to index
        %swap3A_2257 = arith.constant 16 : index
        %swap3A_2258 = tpu.vector_load %arg32[%swap3A_2256, %swap3A_2257] {strides = array<i32>} : memref<16x256xf32, #tpu.memory_space<vmem>>, vector<1x16xf32>,
        %swap3A_2259 = vector.shape_cast %swap3A_2258 : vector<1x16xf32> to vector<16xf32>
        %swap3A_2260 = vector.shape_cast %add3A_2255 : vector<16xf32> to vector<1x16xf32>
        tpu.vector_store %arg32[%swap3A_2256, %swap3A_2257], %swap3A_2260 {strides = array<i32>} : memref<16x256xf32, #tpu.memory_space<vmem>>, vector<1x16xf32>,
        %add3A_2261 = arith.constant 80 : i32
        %add3A_2262 = arith.addi %add3A_2261, %scan3A_1975 : i32
        %get3A_2263 = arith.index_cast %add3A_2262 : i32 to index
        %get3A_2264 = arith.constant 16 : index
        %get3A_2265 = tpu.vector_load %arg29[%get3A_2263, %get3A_2264] {strides = array<i32>} : memref<96x64xf32, #tpu.memory_space<vmem>>, vector<1x16xf32>,
        %get3A_2266 = vector.shape_cast %get3A_2265 : vector<1x16xf32> to vector<16xf32>
        %add3A_2267 = arith.constant 80 : i32
        %add3A_2268 = arith.addi %add3A_2267, %scan3A_1975 : i32
        %get3A_2269 = arith.index_cast %add3A_2268 : i32 to index
        %get3A_2270 = arith.constant 16 : index
        %get3A_2271 = tpu.vector_load %arg30[%get3A_2269, %get3A_2270] {strides = array<i32>} : memref<96x64xf32, #tpu.memory_space<vmem>>, vector<1x16xf32>,
        %get3A_2272 = vector.shape_cast %get3A_2271 : vector<1x16xf32> to vector<16xf32>
        %add3A_2273 = arith.constant 0 : i32
        %add3A_2274 = arith.addi %mul3A_1979, %add3A_2273 : i32
        %get3A_2275 = arith.index_cast %add3A_2274 : i32 to index
        %get3A_2276 = memref.load %arg33[%get3A_2275] : memref<160xf32, #tpu.memory_space<smem>>
        %add3A_2277 = arith.constant 0 : i32
        %add3A_2278 = arith.addi %add3A_2277, %scan3A_1975 : i32
        %get3A_2279 = arith.index_cast %add3A_2278 : i32 to index
        %get3A_2280 = arith.constant 16 : index
        %get3A_2281 = tpu.vector_load %arg29[%get3A_2279, %get3A_2280] {strides = array<i32>} : memref<96x64xf32, #tpu.memory_space<vmem>>, vector<1x16xf32>,
        %get3A_2282 = vector.shape_cast %get3A_2281 : vector<1x16xf32> to vector<16xf32>
        %mul3A_2283 = vector.broadcast %get3A_2276 : f32 to vector<16xf32>
        %mul3A_2284 = arith.mulf %mul3A_2283, %get3A_2282 : vector<16xf32>
        %add3A_2285 = arith.addf %get3A_2266, %mul3A_2284 : vector<16xf32>
        %add3A_2286 = arith.constant 5 : i32
        %add3A_2287 = arith.addi %mul3A_1979, %add3A_2286 : i32
        %add3A_2288 = arith.constant 0 : i32
        %add3A_2289 = arith.addi %add3A_2287, %add3A_2288 : i32
        %get3A_2290 = arith.index_cast %add3A_2289 : i32 to index
        %get3A_2291 = memref.load %arg33[%get3A_2290] : memref<160xf32, #tpu.memory_space<smem>>
        %add3A_2292 = arith.constant 0 : i32
        %add3A_2293 = arith.addi %add3A_2292, %scan3A_1975 : i32
        %get3A_2294 = arith.index_cast %add3A_2293 : i32 to index
        %get3A_2295 = arith.constant 16 : index
        %get3A_2296 = tpu.vector_load %arg30[%get3A_2294, %get3A_2295] {strides = array<i32>} : memref<96x64xf32, #tpu.memory_space<vmem>>, vector<1x16xf32>,
        %get3A_2297 = vector.shape_cast %get3A_2296 : vector<1x16xf32> to vector<16xf32>
        %mul3A_2298 = vector.broadcast %get3A_2291 : f32 to vector<16xf32>
        %mul3A_2299 = arith.mulf %mul3A_2298, %get3A_2297 : vector<16xf32>
        %add3A_2300 = arith.addf %get3A_2272, %mul3A_2299 : vector<16xf32>
        %add3A_2301 = arith.constant 1 : i32
        %add3A_2302 = arith.addi %mul3A_1979, %add3A_2301 : i32
        %get3A_2303 = arith.index_cast %add3A_2302 : i32 to index
        %get3A_2304 = memref.load %arg33[%get3A_2303] : memref<160xf32, #tpu.memory_space<smem>>
        %add3A_2305 = arith.constant 16 : i32
        %add3A_2306 = arith.addi %add3A_2305, %scan3A_1975 : i32
        %get3A_2307 = arith.index_cast %add3A_2306 : i32 to index
        %get3A_2308 = arith.constant 16 : index
        %get3A_2309 = tpu.vector_load %arg29[%get3A_2307, %get3A_2308] {strides = array<i32>} : memref<96x64xf32, #tpu.memory_space<vmem>>, vector<1x16xf32>,
        %get3A_2310 = vector.shape_cast %get3A_2309 : vector<1x16xf32> to vector<16xf32>
        %mul3A_2311 = vector.broadcast %get3A_2304 : f32 to vector<16xf32>
        %mul3A_2312 = arith.mulf %mul3A_2311, %get3A_2310 : vector<16xf32>
        %add3A_2313 = arith.addf %add3A_2285, %mul3A_2312 : vector<16xf32>
        %add3A_2314 = arith.constant 5 : i32
        %add3A_2315 = arith.addi %mul3A_1979, %add3A_2314 : i32
        %add3A_2316 = arith.constant 1 : i32
        %add3A_2317 = arith.addi %add3A_2315, %add3A_2316 : i32
        %get3A_2318 = arith.index_cast %add3A_2317 : i32 to index
        %get3A_2319 = memref.load %arg33[%get3A_2318] : memref<160xf32, #tpu.memory_space<smem>>
        %add3A_2320 = arith.constant 16 : i32
        %add3A_2321 = arith.addi %add3A_2320, %scan3A_1975 : i32
        %get3A_2322 = arith.index_cast %add3A_2321 : i32 to index
        %get3A_2323 = arith.constant 16 : index
        %get3A_2324 = tpu.vector_load %arg30[%get3A_2322, %get3A_2323] {strides = array<i32>} : memref<96x64xf32, #tpu.memory_space<vmem>>, vector<1x16xf32>,
        %get3A_2325 = vector.shape_cast %get3A_2324 : vector<1x16xf32> to vector<16xf32>
        %mul3A_2326 = vector.broadcast %get3A_2319 : f32 to vector<16xf32>
        %mul3A_2327 = arith.mulf %mul3A_2326, %get3A_2325 : vector<16xf32>
        %add3A_2328 = arith.addf %add3A_2300, %mul3A_2327 : vector<16xf32>
        %add3A_2329 = arith.constant 2 : i32
        %add3A_2330 = arith.addi %mul3A_1979, %add3A_2329 : i32
        %get3A_2331 = arith.index_cast %add3A_2330 : i32 to index
        %get3A_2332 = memref.load %arg33[%get3A_2331] : memref<160xf32, #tpu.memory_space<smem>>
        %add3A_2333 = arith.constant 32 : i32
        %add3A_2334 = arith.addi %add3A_2333, %scan3A_1975 : i32
        %get3A_2335 = arith.index_cast %add3A_2334 : i32 to index
        %get3A_2336 = arith.constant 16 : index
        %get3A_2337 = tpu.vector_load %arg29[%get3A_2335, %get3A_2336] {strides = array<i32>} : memref<96x64xf32, #tpu.memory_space<vmem>>, vector<1x16xf32>,
        %get3A_2338 = vector.shape_cast %get3A_2337 : vector<1x16xf32> to vector<16xf32>
        %mul3A_2339 = vector.broadcast %get3A_2332 : f32 to vector<16xf32>
        %mul3A_2340 = arith.mulf %mul3A_2339, %get3A_2338 : vector<16xf32>
        %add3A_2341 = arith.addf %add3A_2313, %mul3A_2340 : vector<16xf32>
        %add3A_2342 = arith.constant 5 : i32
        %add3A_2343 = arith.addi %mul3A_1979, %add3A_2342 : i32
        %add3A_2344 = arith.constant 2 : i32
        %add3A_2345 = arith.addi %add3A_2343, %add3A_2344 : i32
        %get3A_2346 = arith.index_cast %add3A_2345 : i32 to index
        %get3A_2347 = memref.load %arg33[%get3A_2346] : memref<160xf32, #tpu.memory_space<smem>>
        %add3A_2348 = arith.constant 32 : i32
        %add3A_2349 = arith.addi %add3A_2348, %scan3A_1975 : i32
        %get3A_2350 = arith.index_cast %add3A_2349 : i32 to index
        %get3A_2351 = arith.constant 16 : index
        %get3A_2352 = tpu.vector_load %arg30[%get3A_2350, %get3A_2351] {strides = array<i32>} : memref<96x64xf32, #tpu.memory_space<vmem>>, vector<1x16xf32>,
        %get3A_2353 = vector.shape_cast %get3A_2352 : vector<1x16xf32> to vector<16xf32>
        %mul3A_2354 = vector.broadcast %get3A_2347 : f32 to vector<16xf32>
        %mul3A_2355 = arith.mulf %mul3A_2354, %get3A_2353 : vector<16xf32>
        %add3A_2356 = arith.addf %add3A_2328, %mul3A_2355 : vector<16xf32>
        %add3A_2357 = arith.constant 3 : i32
        %add3A_2358 = arith.addi %mul3A_1979, %add3A_2357 : i32
        %get3A_2359 = arith.index_cast %add3A_2358 : i32 to index
        %get3A_2360 = memref.load %arg33[%get3A_2359] : memref<160xf32, #tpu.memory_space<smem>>
        %add3A_2361 = arith.constant 48 : i32
        %add3A_2362 = arith.addi %add3A_2361, %scan3A_1975 : i32
        %get3A_2363 = arith.index_cast %add3A_2362 : i32 to index
        %get3A_2364 = arith.constant 16 : index
        %get3A_2365 = tpu.vector_load %arg29[%get3A_2363, %get3A_2364] {strides = array<i32>} : memref<96x64xf32, #tpu.memory_space<vmem>>, vector<1x16xf32>,
        %get3A_2366 = vector.shape_cast %get3A_2365 : vector<1x16xf32> to vector<16xf32>
        %mul3A_2367 = vector.broadcast %get3A_2360 : f32 to vector<16xf32>
        %mul3A_2368 = arith.mulf %mul3A_2367, %get3A_2366 : vector<16xf32>
        %add3A_2369 = arith.addf %add3A_2341, %mul3A_2368 : vector<16xf32>
        %add3A_2370 = arith.constant 5 : i32
        %add3A_2371 = arith.addi %mul3A_1979, %add3A_2370 : i32
        %add3A_2372 = arith.constant 3 : i32
        %add3A_2373 = arith.addi %add3A_2371, %add3A_2372 : i32
        %get3A_2374 = arith.index_cast %add3A_2373 : i32 to index
        %get3A_2375 = memref.load %arg33[%get3A_2374] : memref<160xf32, #tpu.memory_space<smem>>
        %add3A_2376 = arith.constant 48 : i32
        %add3A_2377 = arith.addi %add3A_2376, %scan3A_1975 : i32
        %get3A_2378 = arith.index_cast %add3A_2377 : i32 to index
        %get3A_2379 = arith.constant 16 : index
        %get3A_2380 = tpu.vector_load %arg30[%get3A_2378, %get3A_2379] {strides = array<i32>} : memref<96x64xf32, #tpu.memory_space<vmem>>, vector<1x16xf32>,
        %get3A_2381 = vector.shape_cast %get3A_2380 : vector<1x16xf32> to vector<16xf32>
        %mul3A_2382 = vector.broadcast %get3A_2375 : f32 to vector<16xf32>
        %mul3A_2383 = arith.mulf %mul3A_2382, %get3A_2381 : vector<16xf32>
        %add3A_2384 = arith.addf %add3A_2356, %mul3A_2383 : vector<16xf32>
        %add3A_2385 = arith.constant 4 : i32
        %add3A_2386 = arith.addi %mul3A_1979, %add3A_2385 : i32
        %get3A_2387 = arith.index_cast %add3A_2386 : i32 to index
        %get3A_2388 = memref.load %arg33[%get3A_2387] : memref<160xf32, #tpu.memory_space<smem>>
        %add3A_2389 = arith.constant 64 : i32
        %add3A_2390 = arith.addi %add3A_2389, %scan3A_1975 : i32
        %get3A_2391 = arith.index_cast %add3A_2390 : i32 to index
        %get3A_2392 = arith.constant 16 : index
        %get3A_2393 = tpu.vector_load %arg29[%get3A_2391, %get3A_2392] {strides = array<i32>} : memref<96x64xf32, #tpu.memory_space<vmem>>, vector<1x16xf32>,
        %get3A_2394 = vector.shape_cast %get3A_2393 : vector<1x16xf32> to vector<16xf32>
        %mul3A_2395 = vector.broadcast %get3A_2388 : f32 to vector<16xf32>
        %mul3A_2396 = arith.mulf %mul3A_2395, %get3A_2394 : vector<16xf32>
        %add3A_2397 = arith.addf %add3A_2369, %mul3A_2396 : vector<16xf32>
        %add3A_2398 = arith.constant 5 : i32
        %add3A_2399 = arith.addi %mul3A_1979, %add3A_2398 : i32
        %add3A_2400 = arith.constant 4 : i32
        %add3A_2401 = arith.addi %add3A_2399, %add3A_2400 : i32
        %get3A_2402 = arith.index_cast %add3A_2401 : i32 to index
        %get3A_2403 = memref.load %arg33[%get3A_2402] : memref<160xf32, #tpu.memory_space<smem>>
        %add3A_2404 = arith.constant 64 : i32
        %add3A_2405 = arith.addi %add3A_2404, %scan3A_1975 : i32
        %get3A_2406 = arith.index_cast %add3A_2405 : i32 to index
        %get3A_2407 = arith.constant 16 : index
        %get3A_2408 = tpu.vector_load %arg30[%get3A_2406, %get3A_2407] {strides = array<i32>} : memref<96x64xf32, #tpu.memory_space<vmem>>, vector<1x16xf32>,
        %get3A_2409 = vector.shape_cast %get3A_2408 : vector<1x16xf32> to vector<16xf32>
        %mul3A_2410 = vector.broadcast %get3A_2403 : f32 to vector<16xf32>
        %mul3A_2411 = arith.mulf %mul3A_2410, %get3A_2409 : vector<16xf32>
        %add3A_2412 = arith.addf %add3A_2384, %mul3A_2411 : vector<16xf32>
        %swap3A_2413 = arith.index_cast %scan3A_1975 : i32 to index
        %swap3A_2414 = arith.constant 80 : index
        %swap3A_2415 = tpu.vector_load %arg32[%swap3A_2413, %swap3A_2414] {strides = array<i32>} : memref<16x256xf32, #tpu.memory_space<vmem>>, vector<1x16xf32>,
        %swap3A_2416 = vector.shape_cast %swap3A_2415 : vector<1x16xf32> to vector<16xf32>
        %swap3A_2417 = vector.shape_cast %add3A_2397 : vector<16xf32> to vector<1x16xf32>
        tpu.vector_store %arg32[%swap3A_2413, %swap3A_2414], %swap3A_2417 {strides = array<i32>} : memref<16x256xf32, #tpu.memory_space<vmem>>, vector<1x16xf32>,
        %swap3A_2418 = arith.index_cast %scan3A_1975 : i32 to index
        %swap3A_2419 = arith.constant 144 : index
        %swap3A_2420 = tpu.vector_load %arg32[%swap3A_2418, %swap3A_2419] {strides = array<i32>} : memref<16x256xf32, #tpu.memory_space<vmem>>, vector<1x16xf32>,
        %swap3A_2421 = vector.shape_cast %swap3A_2420 : vector<1x16xf32> to vector<16xf32>
        %swap3A_2422 = vector.shape_cast %add3A_2412 : vector<16xf32> to vector<1x16xf32>
        tpu.vector_store %arg32[%swap3A_2418, %swap3A_2419], %swap3A_2422 {strides = array<i32>} : memref<16x256xf32, #tpu.memory_space<vmem>>, vector<1x16xf32>,
        %get3A_2423 = arith.index_cast %scan3A_1975 : i32 to index
        %get3A_2424 = arith.constant 16 : index
        %get3A_2425 = tpu.vector_load %arg31[%get3A_2423, %get3A_2424] {strides = array<i32>} : memref<16x64xf32, #tpu.memory_space<vmem>>, vector<1x16xf32>,
        %get3A_2426 = vector.shape_cast %get3A_2425 : vector<1x16xf32> to vector<16xf32>
        %swap3A_2427 = arith.index_cast %scan3A_1975 : i32 to index
        %swap3A_2428 = arith.constant 208 : index
        %swap3A_2429 = tpu.vector_load %arg32[%swap3A_2427, %swap3A_2428] {strides = array<i32>} : memref<16x256xf32, #tpu.memory_space<vmem>>, vector<1x16xf32>,
        %swap3A_2430 = vector.shape_cast %swap3A_2429 : vector<1x16xf32> to vector<16xf32>
        %swap3A_2431 = vector.shape_cast %get3A_2426 : vector<16xf32> to vector<1x16xf32>
        tpu.vector_store %arg32[%swap3A_2427, %swap3A_2428], %swap3A_2431 {strides = array<i32>} : memref<16x256xf32, #tpu.memory_space<vmem>>, vector<1x16xf32>,
        %get3A_2432 = arith.index_cast %scan3A_1975 : i32 to index
        %get3A_2433 = arith.constant 32 : index
        %get3A_2434 = tpu.vector_load %arg28[%get3A_2432, %get3A_2433] {strides = array<i32>} : memref<96x64xf32, #tpu.memory_space<vmem>>, vector<1x16xf32>,
        %get3A_2435 = vector.shape_cast %get3A_2434 : vector<1x16xf32> to vector<16xf32>
        %mul3A_2436 = arith.mulf %get3A_2435, %get3A_2435 : vector<16xf32>
        %add3A_2437 = arith.constant 16 : i32
        %add3A_2438 = arith.addi %add3A_2437, %scan3A_1975 : i32
        %get3A_2439 = arith.index_cast %add3A_2438 : i32 to index
        %get3A_2440 = arith.constant 32 : index
        %get3A_2441 = tpu.vector_load %arg28[%get3A_2439, %get3A_2440] {strides = array<i32>} : memref<96x64xf32, #tpu.memory_space<vmem>>, vector<1x16xf32>,
        %get3A_2442 = vector.shape_cast %get3A_2441 : vector<1x16xf32> to vector<16xf32>
        %add3A_2443 = arith.addf %get3A_2435, %get3A_2442 : vector<16xf32>
        %mul3A_2444 = arith.mulf %get3A_2442, %get3A_2442 : vector<16xf32>
        %add3A_2445 = arith.addf %mul3A_2436, %mul3A_2444 : vector<16xf32>
        %add3A_2446 = arith.constant 32 : i32
        %add3A_2447 = arith.addi %add3A_2446, %scan3A_1975 : i32
        %get3A_2448 = arith.index_cast %add3A_2447 : i32 to index
        %get3A_2449 = arith.constant 32 : index
        %get3A_2450 = tpu.vector_load %arg28[%get3A_2448, %get3A_2449] {strides = array<i32>} : memref<96x64xf32, #tpu.memory_space<vmem>>, vector<1x16xf32>,
        %get3A_2451 = vector.shape_cast %get3A_2450 : vector<1x16xf32> to vector<16xf32>
        %add3A_2452 = arith.addf %add3A_2443, %get3A_2451 : vector<16xf32>
        %mul3A_2453 = arith.mulf %get3A_2451, %get3A_2451 : vector<16xf32>
        %add3A_2454 = arith.addf %add3A_2445, %mul3A_2453 : vector<16xf32>
        %add3A_2455 = arith.constant 48 : i32
        %add3A_2456 = arith.addi %add3A_2455, %scan3A_1975 : i32
        %get3A_2457 = arith.index_cast %add3A_2456 : i32 to index
        %get3A_2458 = arith.constant 32 : index
        %get3A_2459 = tpu.vector_load %arg28[%get3A_2457, %get3A_2458] {strides = array<i32>} : memref<96x64xf32, #tpu.memory_space<vmem>>, vector<1x16xf32>,
        %get3A_2460 = vector.shape_cast %get3A_2459 : vector<1x16xf32> to vector<16xf32>
        %add3A_2461 = arith.addf %add3A_2452, %get3A_2460 : vector<16xf32>
        %mul3A_2462 = arith.mulf %get3A_2460, %get3A_2460 : vector<16xf32>
        %add3A_2463 = arith.addf %add3A_2454, %mul3A_2462 : vector<16xf32>
        %add3A_2464 = arith.constant 64 : i32
        %add3A_2465 = arith.addi %add3A_2464, %scan3A_1975 : i32
        %get3A_2466 = arith.index_cast %add3A_2465 : i32 to index
        %get3A_2467 = arith.constant 32 : index
        %get3A_2468 = tpu.vector_load %arg28[%get3A_2466, %get3A_2467] {strides = array<i32>} : memref<96x64xf32, #tpu.memory_space<vmem>>, vector<1x16xf32>,
        %get3A_2469 = vector.shape_cast %get3A_2468 : vector<1x16xf32> to vector<16xf32>
        %add3A_2470 = arith.addf %add3A_2461, %get3A_2469 : vector<16xf32>
        %mul3A_2471 = arith.mulf %get3A_2469, %get3A_2469 : vector<16xf32>
        %add3A_2472 = arith.addf %add3A_2463, %mul3A_2471 : vector<16xf32>
        %mul3A_2473 = arith.mulf %add3A_2470, %add3A_2470 : vector<16xf32>
        %sub3A_2474 = arith.subf %mul3A_2473, %add3A_2472 : vector<16xf32>
        %add3A_2475 = arith.constant 80 : i32
        %add3A_2476 = arith.addi %add3A_2475, %scan3A_1975 : i32
        %get3A_2477 = arith.index_cast %add3A_2476 : i32 to index
        %get3A_2478 = arith.constant 32 : index
        %get3A_2479 = tpu.vector_load %arg28[%get3A_2477, %get3A_2478] {strides = array<i32>} : memref<96x64xf32, #tpu.memory_space<vmem>>, vector<1x16xf32>,
        %get3A_2480 = vector.shape_cast %get3A_2479 : vector<1x16xf32> to vector<16xf32>
        %add3A_2481 = arith.addf %sub3A_2474, %get3A_2480 : vector<16xf32>
        %swap3A_2482 = arith.index_cast %scan3A_1975 : i32 to index
        %swap3A_2483 = arith.constant 32 : index
        %swap3A_2484 = tpu.vector_load %arg32[%swap3A_2482, %swap3A_2483] {strides = array<i32>} : memref<16x256xf32, #tpu.memory_space<vmem>>, vector<1x16xf32>,
        %swap3A_2485 = vector.shape_cast %swap3A_2484 : vector<1x16xf32> to vector<16xf32>
        %swap3A_2486 = vector.shape_cast %add3A_2481 : vector<16xf32> to vector<1x16xf32>
        tpu.vector_store %arg32[%swap3A_2482, %swap3A_2483], %swap3A_2486 {strides = array<i32>} : memref<16x256xf32, #tpu.memory_space<vmem>>, vector<1x16xf32>,
        %add3A_2487 = arith.constant 80 : i32
        %add3A_2488 = arith.addi %add3A_2487, %scan3A_1975 : i32
        %get3A_2489 = arith.index_cast %add3A_2488 : i32 to index
        %get3A_2490 = arith.constant 32 : index
        %get3A_2491 = tpu.vector_load %arg29[%get3A_2489, %get3A_2490] {strides = array<i32>} : memref<96x64xf32, #tpu.memory_space<vmem>>, vector<1x16xf32>,
        %get3A_2492 = vector.shape_cast %get3A_2491 : vector<1x16xf32> to vector<16xf32>
        %add3A_2493 = arith.constant 80 : i32
        %add3A_2494 = arith.addi %add3A_2493, %scan3A_1975 : i32
        %get3A_2495 = arith.index_cast %add3A_2494 : i32 to index
        %get3A_2496 = arith.constant 32 : index
        %get3A_2497 = tpu.vector_load %arg30[%get3A_2495, %get3A_2496] {strides = array<i32>} : memref<96x64xf32, #tpu.memory_space<vmem>>, vector<1x16xf32>,
        %get3A_2498 = vector.shape_cast %get3A_2497 : vector<1x16xf32> to vector<16xf32>
        %add3A_2499 = arith.constant 0 : i32
        %add3A_2500 = arith.addi %mul3A_1979, %add3A_2499 : i32
        %get3A_2501 = arith.index_cast %add3A_2500 : i32 to index
        %get3A_2502 = memref.load %arg33[%get3A_2501] : memref<160xf32, #tpu.memory_space<smem>>
        %add3A_2503 = arith.constant 0 : i32
        %add3A_2504 = arith.addi %add3A_2503, %scan3A_1975 : i32
        %get3A_2505 = arith.index_cast %add3A_2504 : i32 to index
        %get3A_2506 = arith.constant 32 : index
        %get3A_2507 = tpu.vector_load %arg29[%get3A_2505, %get3A_2506] {strides = array<i32>} : memref<96x64xf32, #tpu.memory_space<vmem>>, vector<1x16xf32>,
        %get3A_2508 = vector.shape_cast %get3A_2507 : vector<1x16xf32> to vector<16xf32>
        %mul3A_2509 = vector.broadcast %get3A_2502 : f32 to vector<16xf32>
        %mul3A_2510 = arith.mulf %mul3A_2509, %get3A_2508 : vector<16xf32>
        %add3A_2511 = arith.addf %get3A_2492, %mul3A_2510 : vector<16xf32>
        %add3A_2512 = arith.constant 5 : i32
        %add3A_2513 = arith.addi %mul3A_1979, %add3A_2512 : i32
        %add3A_2514 = arith.constant 0 : i32
        %add3A_2515 = arith.addi %add3A_2513, %add3A_2514 : i32
        %get3A_2516 = arith.index_cast %add3A_2515 : i32 to index
        %get3A_2517 = memref.load %arg33[%get3A_2516] : memref<160xf32, #tpu.memory_space<smem>>
        %add3A_2518 = arith.constant 0 : i32
        %add3A_2519 = arith.addi %add3A_2518, %scan3A_1975 : i32
        %get3A_2520 = arith.index_cast %add3A_2519 : i32 to index
        %get3A_2521 = arith.constant 32 : index
        %get3A_2522 = tpu.vector_load %arg30[%get3A_2520, %get3A_2521] {strides = array<i32>} : memref<96x64xf32, #tpu.memory_space<vmem>>, vector<1x16xf32>,
        %get3A_2523 = vector.shape_cast %get3A_2522 : vector<1x16xf32> to vector<16xf32>
        %mul3A_2524 = vector.broadcast %get3A_2517 : f32 to vector<16xf32>
        %mul3A_2525 = arith.mulf %mul3A_2524, %get3A_2523 : vector<16xf32>
        %add3A_2526 = arith.addf %get3A_2498, %mul3A_2525 : vector<16xf32>
        %add3A_2527 = arith.constant 1 : i32
        %add3A_2528 = arith.addi %mul3A_1979, %add3A_2527 : i32
        %get3A_2529 = arith.index_cast %add3A_2528 : i32 to index
        %get3A_2530 = memref.load %arg33[%get3A_2529] : memref<160xf32, #tpu.memory_space<smem>>
        %add3A_2531 = arith.constant 16 : i32
        %add3A_2532 = arith.addi %add3A_2531, %scan3A_1975 : i32
        %get3A_2533 = arith.index_cast %add3A_2532 : i32 to index
        %get3A_2534 = arith.constant 32 : index
        %get3A_2535 = tpu.vector_load %arg29[%get3A_2533, %get3A_2534] {strides = array<i32>} : memref<96x64xf32, #tpu.memory_space<vmem>>, vector<1x16xf32>,
        %get3A_2536 = vector.shape_cast %get3A_2535 : vector<1x16xf32> to vector<16xf32>
        %mul3A_2537 = vector.broadcast %get3A_2530 : f32 to vector<16xf32>
        %mul3A_2538 = arith.mulf %mul3A_2537, %get3A_2536 : vector<16xf32>
        %add3A_2539 = arith.addf %add3A_2511, %mul3A_2538 : vector<16xf32>
        %add3A_2540 = arith.constant 5 : i32
        %add3A_2541 = arith.addi %mul3A_1979, %add3A_2540 : i32
        %add3A_2542 = arith.constant 1 : i32
        %add3A_2543 = arith.addi %add3A_2541, %add3A_2542 : i32
        %get3A_2544 = arith.index_cast %add3A_2543 : i32 to index
        %get3A_2545 = memref.load %arg33[%get3A_2544] : memref<160xf32, #tpu.memory_space<smem>>
        %add3A_2546 = arith.constant 16 : i32
        %add3A_2547 = arith.addi %add3A_2546, %scan3A_1975 : i32
        %get3A_2548 = arith.index_cast %add3A_2547 : i32 to index
        %get3A_2549 = arith.constant 32 : index
        %get3A_2550 = tpu.vector_load %arg30[%get3A_2548, %get3A_2549] {strides = array<i32>} : memref<96x64xf32, #tpu.memory_space<vmem>>, vector<1x16xf32>,
        %get3A_2551 = vector.shape_cast %get3A_2550 : vector<1x16xf32> to vector<16xf32>
        %mul3A_2552 = vector.broadcast %get3A_2545 : f32 to vector<16xf32>
        %mul3A_2553 = arith.mulf %mul3A_2552, %get3A_2551 : vector<16xf32>
        %add3A_2554 = arith.addf %add3A_2526, %mul3A_2553 : vector<16xf32>
        %add3A_2555 = arith.constant 2 : i32
        %add3A_2556 = arith.addi %mul3A_1979, %add3A_2555 : i32
        %get3A_2557 = arith.index_cast %add3A_2556 : i32 to index
        %get3A_2558 = memref.load %arg33[%get3A_2557] : memref<160xf32, #tpu.memory_space<smem>>
        %add3A_2559 = arith.constant 32 : i32
        %add3A_2560 = arith.addi %add3A_2559, %scan3A_1975 : i32
        %get3A_2561 = arith.index_cast %add3A_2560 : i32 to index
        %get3A_2562 = arith.constant 32 : index
        %get3A_2563 = tpu.vector_load %arg29[%get3A_2561, %get3A_2562] {strides = array<i32>} : memref<96x64xf32, #tpu.memory_space<vmem>>, vector<1x16xf32>,
        %get3A_2564 = vector.shape_cast %get3A_2563 : vector<1x16xf32> to vector<16xf32>
        %mul3A_2565 = vector.broadcast %get3A_2558 : f32 to vector<16xf32>
        %mul3A_2566 = arith.mulf %mul3A_2565, %get3A_2564 : vector<16xf32>
        %add3A_2567 = arith.addf %add3A_2539, %mul3A_2566 : vector<16xf32>
        %add3A_2568 = arith.constant 5 : i32
        %add3A_2569 = arith.addi %mul3A_1979, %add3A_2568 : i32
        %add3A_2570 = arith.constant 2 : i32
        %add3A_2571 = arith.addi %add3A_2569, %add3A_2570 : i32
        %get3A_2572 = arith.index_cast %add3A_2571 : i32 to index
        %get3A_2573 = memref.load %arg33[%get3A_2572] : memref<160xf32, #tpu.memory_space<smem>>
        %add3A_2574 = arith.constant 32 : i32
        %add3A_2575 = arith.addi %add3A_2574, %scan3A_1975 : i32
        %get3A_2576 = arith.index_cast %add3A_2575 : i32 to index
        %get3A_2577 = arith.constant 32 : index
        %get3A_2578 = tpu.vector_load %arg30[%get3A_2576, %get3A_2577] {strides = array<i32>} : memref<96x64xf32, #tpu.memory_space<vmem>>, vector<1x16xf32>,
        %get3A_2579 = vector.shape_cast %get3A_2578 : vector<1x16xf32> to vector<16xf32>
        %mul3A_2580 = vector.broadcast %get3A_2573 : f32 to vector<16xf32>
        %mul3A_2581 = arith.mulf %mul3A_2580, %get3A_2579 : vector<16xf32>
        %add3A_2582 = arith.addf %add3A_2554, %mul3A_2581 : vector<16xf32>
        %add3A_2583 = arith.constant 3 : i32
        %add3A_2584 = arith.addi %mul3A_1979, %add3A_2583 : i32
        %get3A_2585 = arith.index_cast %add3A_2584 : i32 to index
        %get3A_2586 = memref.load %arg33[%get3A_2585] : memref<160xf32, #tpu.memory_space<smem>>
        %add3A_2587 = arith.constant 48 : i32
        %add3A_2588 = arith.addi %add3A_2587, %scan3A_1975 : i32
        %get3A_2589 = arith.index_cast %add3A_2588 : i32 to index
        %get3A_2590 = arith.constant 32 : index
        %get3A_2591 = tpu.vector_load %arg29[%get3A_2589, %get3A_2590] {strides = array<i32>} : memref<96x64xf32, #tpu.memory_space<vmem>>, vector<1x16xf32>,
        %get3A_2592 = vector.shape_cast %get3A_2591 : vector<1x16xf32> to vector<16xf32>
        %mul3A_2593 = vector.broadcast %get3A_2586 : f32 to vector<16xf32>
        %mul3A_2594 = arith.mulf %mul3A_2593, %get3A_2592 : vector<16xf32>
        %add3A_2595 = arith.addf %add3A_2567, %mul3A_2594 : vector<16xf32>
        %add3A_2596 = arith.constant 5 : i32
        %add3A_2597 = arith.addi %mul3A_1979, %add3A_2596 : i32
        %add3A_2598 = arith.constant 3 : i32
        %add3A_2599 = arith.addi %add3A_2597, %add3A_2598 : i32
        %get3A_2600 = arith.index_cast %add3A_2599 : i32 to index
        %get3A_2601 = memref.load %arg33[%get3A_2600] : memref<160xf32, #tpu.memory_space<smem>>
        %add3A_2602 = arith.constant 48 : i32
        %add3A_2603 = arith.addi %add3A_2602, %scan3A_1975 : i32
        %get3A_2604 = arith.index_cast %add3A_2603 : i32 to index
        %get3A_2605 = arith.constant 32 : index
        %get3A_2606 = tpu.vector_load %arg30[%get3A_2604, %get3A_2605] {strides = array<i32>} : memref<96x64xf32, #tpu.memory_space<vmem>>, vector<1x16xf32>,
        %get3A_2607 = vector.shape_cast %get3A_2606 : vector<1x16xf32> to vector<16xf32>
        %mul3A_2608 = vector.broadcast %get3A_2601 : f32 to vector<16xf32>
        %mul3A_2609 = arith.mulf %mul3A_2608, %get3A_2607 : vector<16xf32>
        %add3A_2610 = arith.addf %add3A_2582, %mul3A_2609 : vector<16xf32>
        %add3A_2611 = arith.constant 4 : i32
        %add3A_2612 = arith.addi %mul3A_1979, %add3A_2611 : i32
        %get3A_2613 = arith.index_cast %add3A_2612 : i32 to index
        %get3A_2614 = memref.load %arg33[%get3A_2613] : memref<160xf32, #tpu.memory_space<smem>>
        %add3A_2615 = arith.constant 64 : i32
        %add3A_2616 = arith.addi %add3A_2615, %scan3A_1975 : i32
        %get3A_2617 = arith.index_cast %add3A_2616 : i32 to index
        %get3A_2618 = arith.constant 32 : index
        %get3A_2619 = tpu.vector_load %arg29[%get3A_2617, %get3A_2618] {strides = array<i32>} : memref<96x64xf32, #tpu.memory_space<vmem>>, vector<1x16xf32>,
        %get3A_2620 = vector.shape_cast %get3A_2619 : vector<1x16xf32> to vector<16xf32>
        %mul3A_2621 = vector.broadcast %get3A_2614 : f32 to vector<16xf32>
        %mul3A_2622 = arith.mulf %mul3A_2621, %get3A_2620 : vector<16xf32>
        %add3A_2623 = arith.addf %add3A_2595, %mul3A_2622 : vector<16xf32>
        %add3A_2624 = arith.constant 5 : i32
        %add3A_2625 = arith.addi %mul3A_1979, %add3A_2624 : i32
        %add3A_2626 = arith.constant 4 : i32
        %add3A_2627 = arith.addi %add3A_2625, %add3A_2626 : i32
        %get3A_2628 = arith.index_cast %add3A_2627 : i32 to index
        %get3A_2629 = memref.load %arg33[%get3A_2628] : memref<160xf32, #tpu.memory_space<smem>>
        %add3A_2630 = arith.constant 64 : i32
        %add3A_2631 = arith.addi %add3A_2630, %scan3A_1975 : i32
        %get3A_2632 = arith.index_cast %add3A_2631 : i32 to index
        %get3A_2633 = arith.constant 32 : index
        %get3A_2634 = tpu.vector_load %arg30[%get3A_2632, %get3A_2633] {strides = array<i32>} : memref<96x64xf32, #tpu.memory_space<vmem>>, vector<1x16xf32>,
        %get3A_2635 = vector.shape_cast %get3A_2634 : vector<1x16xf32> to vector<16xf32>
        %mul3A_2636 = vector.broadcast %get3A_2629 : f32 to vector<16xf32>
        %mul3A_2637 = arith.mulf %mul3A_2636, %get3A_2635 : vector<16xf32>
        %add3A_2638 = arith.addf %add3A_2610, %mul3A_2637 : vector<16xf32>
        %swap3A_2639 = arith.index_cast %scan3A_1975 : i32 to index
        %swap3A_2640 = arith.constant 96 : index
        %swap3A_2641 = tpu.vector_load %arg32[%swap3A_2639, %swap3A_2640] {strides = array<i32>} : memref<16x256xf32, #tpu.memory_space<vmem>>, vector<1x16xf32>,
        %swap3A_2642 = vector.shape_cast %swap3A_2641 : vector<1x16xf32> to vector<16xf32>
        %swap3A_2643 = vector.shape_cast %add3A_2623 : vector<16xf32> to vector<1x16xf32>
        tpu.vector_store %arg32[%swap3A_2639, %swap3A_2640], %swap3A_2643 {strides = array<i32>} : memref<16x256xf32, #tpu.memory_space<vmem>>, vector<1x16xf32>,
        %swap3A_2644 = arith.index_cast %scan3A_1975 : i32 to index
        %swap3A_2645 = arith.constant 160 : index
        %swap3A_2646 = tpu.vector_load %arg32[%swap3A_2644, %swap3A_2645] {strides = array<i32>} : memref<16x256xf32, #tpu.memory_space<vmem>>, vector<1x16xf32>,
        %swap3A_2647 = vector.shape_cast %swap3A_2646 : vector<1x16xf32> to vector<16xf32>
        %swap3A_2648 = vector.shape_cast %add3A_2638 : vector<16xf32> to vector<1x16xf32>
        tpu.vector_store %arg32[%swap3A_2644, %swap3A_2645], %swap3A_2648 {strides = array<i32>} : memref<16x256xf32, #tpu.memory_space<vmem>>, vector<1x16xf32>,
        %get3A_2649 = arith.index_cast %scan3A_1975 : i32 to index
        %get3A_2650 = arith.constant 32 : index
        %get3A_2651 = tpu.vector_load %arg31[%get3A_2649, %get3A_2650] {strides = array<i32>} : memref<16x64xf32, #tpu.memory_space<vmem>>, vector<1x16xf32>,
        %get3A_2652 = vector.shape_cast %get3A_2651 : vector<1x16xf32> to vector<16xf32>
        %swap3A_2653 = arith.index_cast %scan3A_1975 : i32 to index
        %swap3A_2654 = arith.constant 224 : index
        %swap3A_2655 = tpu.vector_load %arg32[%swap3A_2653, %swap3A_2654] {strides = array<i32>} : memref<16x256xf32, #tpu.memory_space<vmem>>, vector<1x16xf32>,
        %swap3A_2656 = vector.shape_cast %swap3A_2655 : vector<1x16xf32> to vector<16xf32>
        %swap3A_2657 = vector.shape_cast %get3A_2652 : vector<16xf32> to vector<1x16xf32>
        tpu.vector_store %arg32[%swap3A_2653, %swap3A_2654], %swap3A_2657 {strides = array<i32>} : memref<16x256xf32, #tpu.memory_space<vmem>>, vector<1x16xf32>,
        %get3A_2658 = arith.index_cast %scan3A_1975 : i32 to index
        %get3A_2659 = arith.constant 48 : index
        %get3A_2660 = tpu.vector_load %arg28[%get3A_2658, %get3A_2659] {strides = array<i32>} : memref<96x64xf32, #tpu.memory_space<vmem>>, vector<1x16xf32>,
        %get3A_2661 = vector.shape_cast %get3A_2660 : vector<1x16xf32> to vector<16xf32>
        %mul3A_2662 = arith.mulf %get3A_2661, %get3A_2661 : vector<16xf32>
        %add3A_2663 = arith.constant 16 : i32
        %add3A_2664 = arith.addi %add3A_2663, %scan3A_1975 : i32
        %get3A_2665 = arith.index_cast %add3A_2664 : i32 to index
        %get3A_2666 = arith.constant 48 : index
        %get3A_2667 = tpu.vector_load %arg28[%get3A_2665, %get3A_2666] {strides = array<i32>} : memref<96x64xf32, #tpu.memory_space<vmem>>, vector<1x16xf32>,
        %get3A_2668 = vector.shape_cast %get3A_2667 : vector<1x16xf32> to vector<16xf32>
        %add3A_2669 = arith.addf %get3A_2661, %get3A_2668 : vector<16xf32>
        %mul3A_2670 = arith.mulf %get3A_2668, %get3A_2668 : vector<16xf32>
        %add3A_2671 = arith.addf %mul3A_2662, %mul3A_2670 : vector<16xf32>
        %add3A_2672 = arith.constant 32 : i32
        %add3A_2673 = arith.addi %add3A_2672, %scan3A_1975 : i32
        %get3A_2674 = arith.index_cast %add3A_2673 : i32 to index
        %get3A_2675 = arith.constant 48 : index
        %get3A_2676 = tpu.vector_load %arg28[%get3A_2674, %get3A_2675] {strides = array<i32>} : memref<96x64xf32, #tpu.memory_space<vmem>>, vector<1x16xf32>,
        %get3A_2677 = vector.shape_cast %get3A_2676 : vector<1x16xf32> to vector<16xf32>
        %add3A_2678 = arith.addf %add3A_2669, %get3A_2677 : vector<16xf32>
        %mul3A_2679 = arith.mulf %get3A_2677, %get3A_2677 : vector<16xf32>
        %add3A_2680 = arith.addf %add3A_2671, %mul3A_2679 : vector<16xf32>
        %add3A_2681 = arith.constant 48 : i32
        %add3A_2682 = arith.addi %add3A_2681, %scan3A_1975 : i32
        %get3A_2683 = arith.index_cast %add3A_2682 : i32 to index
        %get3A_2684 = arith.constant 48 : index
        %get3A_2685 = tpu.vector_load %arg28[%get3A_2683, %get3A_2684] {strides = array<i32>} : memref<96x64xf32, #tpu.memory_space<vmem>>, vector<1x16xf32>,
        %get3A_2686 = vector.shape_cast %get3A_2685 : vector<1x16xf32> to vector<16xf32>
        %add3A_2687 = arith.addf %add3A_2678, %get3A_2686 : vector<16xf32>
        %mul3A_2688 = arith.mulf %get3A_2686, %get3A_2686 : vector<16xf32>
        %add3A_2689 = arith.addf %add3A_2680, %mul3A_2688 : vector<16xf32>
        %add3A_2690 = arith.constant 64 : i32
        %add3A_2691 = arith.addi %add3A_2690, %scan3A_1975 : i32
        %get3A_2692 = arith.index_cast %add3A_2691 : i32 to index
        %get3A_2693 = arith.constant 48 : index
        %get3A_2694 = tpu.vector_load %arg28[%get3A_2692, %get3A_2693] {strides = array<i32>} : memref<96x64xf32, #tpu.memory_space<vmem>>, vector<1x16xf32>,
        %get3A_2695 = vector.shape_cast %get3A_2694 : vector<1x16xf32> to vector<16xf32>
        %add3A_2696 = arith.addf %add3A_2687, %get3A_2695 : vector<16xf32>
        %mul3A_2697 = arith.mulf %get3A_2695, %get3A_2695 : vector<16xf32>
        %add3A_2698 = arith.addf %add3A_2689, %mul3A_2697 : vector<16xf32>
        %mul3A_2699 = arith.mulf %add3A_2696, %add3A_2696 : vector<16xf32>
        %sub3A_2700 = arith.subf %mul3A_2699, %add3A_2698 : vector<16xf32>
        %add3A_2701 = arith.constant 80 : i32
        %add3A_2702 = arith.addi %add3A_2701, %scan3A_1975 : i32
        %get3A_2703 = arith.index_cast %add3A_2702 : i32 to index
        %get3A_2704 = arith.constant 48 : index
        %get3A_2705 = tpu.vector_load %arg28[%get3A_2703, %get3A_2704] {strides = array<i32>} : memref<96x64xf32, #tpu.memory_space<vmem>>, vector<1x16xf32>,
        %get3A_2706 = vector.shape_cast %get3A_2705 : vector<1x16xf32> to vector<16xf32>
        %add3A_2707 = arith.addf %sub3A_2700, %get3A_2706 : vector<16xf32>
        %swap3A_2708 = arith.index_cast %scan3A_1975 : i32 to index
        %swap3A_2709 = arith.constant 48 : index
        %swap3A_2710 = tpu.vector_load %arg32[%swap3A_2708, %swap3A_2709] {strides = array<i32>} : memref<16x256xf32, #tpu.memory_space<vmem>>, vector<1x16xf32>,
        %swap3A_2711 = vector.shape_cast %swap3A_2710 : vector<1x16xf32> to vector<16xf32>
        %swap3A_2712 = vector.shape_cast %add3A_2707 : vector<16xf32> to vector<1x16xf32>
        tpu.vector_store %arg32[%swap3A_2708, %swap3A_2709], %swap3A_2712 {strides = array<i32>} : memref<16x256xf32, #tpu.memory_space<vmem>>, vector<1x16xf32>,
        %add3A_2713 = arith.constant 80 : i32
        %add3A_2714 = arith.addi %add3A_2713, %scan3A_1975 : i32
        %get3A_2715 = arith.index_cast %add3A_2714 : i32 to index
        %get3A_2716 = arith.constant 48 : index
        %get3A_2717 = tpu.vector_load %arg29[%get3A_2715, %get3A_2716] {strides = array<i32>} : memref<96x64xf32, #tpu.memory_space<vmem>>, vector<1x16xf32>,
        %get3A_2718 = vector.shape_cast %get3A_2717 : vector<1x16xf32> to vector<16xf32>
        %add3A_2719 = arith.constant 80 : i32
        %add3A_2720 = arith.addi %add3A_2719, %scan3A_1975 : i32
        %get3A_2721 = arith.index_cast %add3A_2720 : i32 to index
        %get3A_2722 = arith.constant 48 : index
        %get3A_2723 = tpu.vector_load %arg30[%get3A_2721, %get3A_2722] {strides = array<i32>} : memref<96x64xf32, #tpu.memory_space<vmem>>, vector<1x16xf32>,
        %get3A_2724 = vector.shape_cast %get3A_2723 : vector<1x16xf32> to vector<16xf32>
        %add3A_2725 = arith.constant 0 : i32
        %add3A_2726 = arith.addi %mul3A_1979, %add3A_2725 : i32
        %get3A_2727 = arith.index_cast %add3A_2726 : i32 to index
        %get3A_2728 = memref.load %arg33[%get3A_2727] : memref<160xf32, #tpu.memory_space<smem>>
        %add3A_2729 = arith.constant 0 : i32
        %add3A_2730 = arith.addi %add3A_2729, %scan3A_1975 : i32
        %get3A_2731 = arith.index_cast %add3A_2730 : i32 to index
        %get3A_2732 = arith.constant 48 : index
        %get3A_2733 = tpu.vector_load %arg29[%get3A_2731, %get3A_2732] {strides = array<i32>} : memref<96x64xf32, #tpu.memory_space<vmem>>, vector<1x16xf32>,
        %get3A_2734 = vector.shape_cast %get3A_2733 : vector<1x16xf32> to vector<16xf32>
        %mul3A_2735 = vector.broadcast %get3A_2728 : f32 to vector<16xf32>
        %mul3A_2736 = arith.mulf %mul3A_2735, %get3A_2734 : vector<16xf32>
        %add3A_2737 = arith.addf %get3A_2718, %mul3A_2736 : vector<16xf32>
        %add3A_2738 = arith.constant 5 : i32
        %add3A_2739 = arith.addi %mul3A_1979, %add3A_2738 : i32
        %add3A_2740 = arith.constant 0 : i32
        %add3A_2741 = arith.addi %add3A_2739, %add3A_2740 : i32
        %get3A_2742 = arith.index_cast %add3A_2741 : i32 to index
        %get3A_2743 = memref.load %arg33[%get3A_2742] : memref<160xf32, #tpu.memory_space<smem>>
        %add3A_2744 = arith.constant 0 : i32
        %add3A_2745 = arith.addi %add3A_2744, %scan3A_1975 : i32
        %get3A_2746 = arith.index_cast %add3A_2745 : i32 to index
        %get3A_2747 = arith.constant 48 : index
        %get3A_2748 = tpu.vector_load %arg30[%get3A_2746, %get3A_2747] {strides = array<i32>} : memref<96x64xf32, #tpu.memory_space<vmem>>, vector<1x16xf32>,
        %get3A_2749 = vector.shape_cast %get3A_2748 : vector<1x16xf32> to vector<16xf32>
        %mul3A_2750 = vector.broadcast %get3A_2743 : f32 to vector<16xf32>
        %mul3A_2751 = arith.mulf %mul3A_2750, %get3A_2749 : vector<16xf32>
        %add3A_2752 = arith.addf %get3A_2724, %mul3A_2751 : vector<16xf32>
        %add3A_2753 = arith.constant 1 : i32
        %add3A_2754 = arith.addi %mul3A_1979, %add3A_2753 : i32
        %get3A_2755 = arith.index_cast %add3A_2754 : i32 to index
        %get3A_2756 = memref.load %arg33[%get3A_2755] : memref<160xf32, #tpu.memory_space<smem>>
        %add3A_2757 = arith.constant 16 : i32
        %add3A_2758 = arith.addi %add3A_2757, %scan3A_1975 : i32
        %get3A_2759 = arith.index_cast %add3A_2758 : i32 to index
        %get3A_2760 = arith.constant 48 : index
        %get3A_2761 = tpu.vector_load %arg29[%get3A_2759, %get3A_2760] {strides = array<i32>} : memref<96x64xf32, #tpu.memory_space<vmem>>, vector<1x16xf32>,
        %get3A_2762 = vector.shape_cast %get3A_2761 : vector<1x16xf32> to vector<16xf32>
        %mul3A_2763 = vector.broadcast %get3A_2756 : f32 to vector<16xf32>
        %mul3A_2764 = arith.mulf %mul3A_2763, %get3A_2762 : vector<16xf32>
        %add3A_2765 = arith.addf %add3A_2737, %mul3A_2764 : vector<16xf32>
        %add3A_2766 = arith.constant 5 : i32
        %add3A_2767 = arith.addi %mul3A_1979, %add3A_2766 : i32
        %add3A_2768 = arith.constant 1 : i32
        %add3A_2769 = arith.addi %add3A_2767, %add3A_2768 : i32
        %get3A_2770 = arith.index_cast %add3A_2769 : i32 to index
        %get3A_2771 = memref.load %arg33[%get3A_2770] : memref<160xf32, #tpu.memory_space<smem>>
        %add3A_2772 = arith.constant 16 : i32
        %add3A_2773 = arith.addi %add3A_2772, %scan3A_1975 : i32
        %get3A_2774 = arith.index_cast %add3A_2773 : i32 to index
        %get3A_2775 = arith.constant 48 : index
        %get3A_2776 = tpu.vector_load %arg30[%get3A_2774, %get3A_2775] {strides = array<i32>} : memref<96x64xf32, #tpu.memory_space<vmem>>, vector<1x16xf32>,
        %get3A_2777 = vector.shape_cast %get3A_2776 : vector<1x16xf32> to vector<16xf32>
        %mul3A_2778 = vector.broadcast %get3A_2771 : f32 to vector<16xf32>
        %mul3A_2779 = arith.mulf %mul3A_2778, %get3A_2777 : vector<16xf32>
        %add3A_2780 = arith.addf %add3A_2752, %mul3A_2779 : vector<16xf32>
        %add3A_2781 = arith.constant 2 : i32
        %add3A_2782 = arith.addi %mul3A_1979, %add3A_2781 : i32
        %get3A_2783 = arith.index_cast %add3A_2782 : i32 to index
        %get3A_2784 = memref.load %arg33[%get3A_2783] : memref<160xf32, #tpu.memory_space<smem>>
        %add3A_2785 = arith.constant 32 : i32
        %add3A_2786 = arith.addi %add3A_2785, %scan3A_1975 : i32
        %get3A_2787 = arith.index_cast %add3A_2786 : i32 to index
        %get3A_2788 = arith.constant 48 : index
        %get3A_2789 = tpu.vector_load %arg29[%get3A_2787, %get3A_2788] {strides = array<i32>} : memref<96x64xf32, #tpu.memory_space<vmem>>, vector<1x16xf32>,
        %get3A_2790 = vector.shape_cast %get3A_2789 : vector<1x16xf32> to vector<16xf32>
        %mul3A_2791 = vector.broadcast %get3A_2784 : f32 to vector<16xf32>
        %mul3A_2792 = arith.mulf %mul3A_2791, %get3A_2790 : vector<16xf32>
        %add3A_2793 = arith.addf %add3A_2765, %mul3A_2792 : vector<16xf32>
        %add3A_2794 = arith.constant 5 : i32
        %add3A_2795 = arith.addi %mul3A_1979, %add3A_2794 : i32
        %add3A_2796 = arith.constant 2 : i32
        %add3A_2797 = arith.addi %add3A_2795, %add3A_2796 : i32
        %get3A_2798 = arith.index_cast %add3A_2797 : i32 to index
        %get3A_2799 = memref.load %arg33[%get3A_2798] : memref<160xf32, #tpu.memory_space<smem>>
        %add3A_2800 = arith.constant 32 : i32
        %add3A_2801 = arith.addi %add3A_2800, %scan3A_1975 : i32
        %get3A_2802 = arith.index_cast %add3A_2801 : i32 to index
        %get3A_2803 = arith.constant 48 : index
        %get3A_2804 = tpu.vector_load %arg30[%get3A_2802, %get3A_2803] {strides = array<i32>} : memref<96x64xf32, #tpu.memory_space<vmem>>, vector<1x16xf32>,
        %get3A_2805 = vector.shape_cast %get3A_2804 : vector<1x16xf32> to vector<16xf32>
        %mul3A_2806 = vector.broadcast %get3A_2799 : f32 to vector<16xf32>
        %mul3A_2807 = arith.mulf %mul3A_2806, %get3A_2805 : vector<16xf32>
        %add3A_2808 = arith.addf %add3A_2780, %mul3A_2807 : vector<16xf32>
        %add3A_2809 = arith.constant 3 : i32
        %add3A_2810 = arith.addi %mul3A_1979, %add3A_2809 : i32
        %get3A_2811 = arith.index_cast %add3A_2810 : i32 to index
        %get3A_2812 = memref.load %arg33[%get3A_2811] : memref<160xf32, #tpu.memory_space<smem>>
        %add3A_2813 = arith.constant 48 : i32
        %add3A_2814 = arith.addi %add3A_2813, %scan3A_1975 : i32
        %get3A_2815 = arith.index_cast %add3A_2814 : i32 to index
        %get3A_2816 = arith.constant 48 : index
        %get3A_2817 = tpu.vector_load %arg29[%get3A_2815, %get3A_2816] {strides = array<i32>} : memref<96x64xf32, #tpu.memory_space<vmem>>, vector<1x16xf32>,
        %get3A_2818 = vector.shape_cast %get3A_2817 : vector<1x16xf32> to vector<16xf32>
        %mul3A_2819 = vector.broadcast %get3A_2812 : f32 to vector<16xf32>
        %mul3A_2820 = arith.mulf %mul3A_2819, %get3A_2818 : vector<16xf32>
        %add3A_2821 = arith.addf %add3A_2793, %mul3A_2820 : vector<16xf32>
        %add3A_2822 = arith.constant 5 : i32
        %add3A_2823 = arith.addi %mul3A_1979, %add3A_2822 : i32
        %add3A_2824 = arith.constant 3 : i32
        %add3A_2825 = arith.addi %add3A_2823, %add3A_2824 : i32
        %get3A_2826 = arith.index_cast %add3A_2825 : i32 to index
        %get3A_2827 = memref.load %arg33[%get3A_2826] : memref<160xf32, #tpu.memory_space<smem>>
        %add3A_2828 = arith.constant 48 : i32
        %add3A_2829 = arith.addi %add3A_2828, %scan3A_1975 : i32
        %get3A_2830 = arith.index_cast %add3A_2829 : i32 to index
        %get3A_2831 = arith.constant 48 : index
        %get3A_2832 = tpu.vector_load %arg30[%get3A_2830, %get3A_2831] {strides = array<i32>} : memref<96x64xf32, #tpu.memory_space<vmem>>, vector<1x16xf32>,
        %get3A_2833 = vector.shape_cast %get3A_2832 : vector<1x16xf32> to vector<16xf32>
        %mul3A_2834 = vector.broadcast %get3A_2827 : f32 to vector<16xf32>
        %mul3A_2835 = arith.mulf %mul3A_2834, %get3A_2833 : vector<16xf32>
        %add3A_2836 = arith.addf %add3A_2808, %mul3A_2835 : vector<16xf32>
        %add3A_2837 = arith.constant 4 : i32
        %add3A_2838 = arith.addi %mul3A_1979, %add3A_2837 : i32
        %get3A_2839 = arith.index_cast %add3A_2838 : i32 to index
        %get3A_2840 = memref.load %arg33[%get3A_2839] : memref<160xf32, #tpu.memory_space<smem>>
        %add3A_2841 = arith.constant 64 : i32
        %add3A_2842 = arith.addi %add3A_2841, %scan3A_1975 : i32
        %get3A_2843 = arith.index_cast %add3A_2842 : i32 to index
        %get3A_2844 = arith.constant 48 : index
        %get3A_2845 = tpu.vector_load %arg29[%get3A_2843, %get3A_2844] {strides = array<i32>} : memref<96x64xf32, #tpu.memory_space<vmem>>, vector<1x16xf32>,
        %get3A_2846 = vector.shape_cast %get3A_2845 : vector<1x16xf32> to vector<16xf32>
        %mul3A_2847 = vector.broadcast %get3A_2840 : f32 to vector<16xf32>
        %mul3A_2848 = arith.mulf %mul3A_2847, %get3A_2846 : vector<16xf32>
        %add3A_2849 = arith.addf %add3A_2821, %mul3A_2848 : vector<16xf32>
        %add3A_2850 = arith.constant 5 : i32
        %add3A_2851 = arith.addi %mul3A_1979, %add3A_2850 : i32
        %add3A_2852 = arith.constant 4 : i32
        %add3A_2853 = arith.addi %add3A_2851, %add3A_2852 : i32
        %get3A_2854 = arith.index_cast %add3A_2853 : i32 to index
        %get3A_2855 = memref.load %arg33[%get3A_2854] : memref<160xf32, #tpu.memory_space<smem>>
        %add3A_2856 = arith.constant 64 : i32
        %add3A_2857 = arith.addi %add3A_2856, %scan3A_1975 : i32
        %get3A_2858 = arith.index_cast %add3A_2857 : i32 to index
        %get3A_2859 = arith.constant 48 : index
        %get3A_2860 = tpu.vector_load %arg30[%get3A_2858, %get3A_2859] {strides = array<i32>} : memref<96x64xf32, #tpu.memory_space<vmem>>, vector<1x16xf32>,
        %get3A_2861 = vector.shape_cast %get3A_2860 : vector<1x16xf32> to vector<16xf32>
        %mul3A_2862 = vector.broadcast %get3A_2855 : f32 to vector<16xf32>
        %mul3A_2863 = arith.mulf %mul3A_2862, %get3A_2861 : vector<16xf32>
        %add3A_2864 = arith.addf %add3A_2836, %mul3A_2863 : vector<16xf32>
        %swap3A_2865 = arith.index_cast %scan3A_1975 : i32 to index
        %swap3A_2866 = arith.constant 112 : index
        %swap3A_2867 = tpu.vector_load %arg32[%swap3A_2865, %swap3A_2866] {strides = array<i32>} : memref<16x256xf32, #tpu.memory_space<vmem>>, vector<1x16xf32>,
        %swap3A_2868 = vector.shape_cast %swap3A_2867 : vector<1x16xf32> to vector<16xf32>
        %swap3A_2869 = vector.shape_cast %add3A_2849 : vector<16xf32> to vector<1x16xf32>
        tpu.vector_store %arg32[%swap3A_2865, %swap3A_2866], %swap3A_2869 {strides = array<i32>} : memref<16x256xf32, #tpu.memory_space<vmem>>, vector<1x16xf32>,
        %swap3A_2870 = arith.index_cast %scan3A_1975 : i32 to index
        %swap3A_2871 = arith.constant 176 : index
        %swap3A_2872 = tpu.vector_load %arg32[%swap3A_2870, %swap3A_2871] {strides = array<i32>} : memref<16x256xf32, #tpu.memory_space<vmem>>, vector<1x16xf32>,
        %swap3A_2873 = vector.shape_cast %swap3A_2872 : vector<1x16xf32> to vector<16xf32>
        %swap3A_2874 = vector.shape_cast %add3A_2864 : vector<16xf32> to vector<1x16xf32>
        tpu.vector_store %arg32[%swap3A_2870, %swap3A_2871], %swap3A_2874 {strides = array<i32>} : memref<16x256xf32, #tpu.memory_space<vmem>>, vector<1x16xf32>,
        %get3A_2875 = arith.index_cast %scan3A_1975 : i32 to index
        %get3A_2876 = arith.constant 48 : index
        %get3A_2877 = tpu.vector_load %arg31[%get3A_2875, %get3A_2876] {strides = array<i32>} : memref<16x64xf32, #tpu.memory_space<vmem>>, vector<1x16xf32>,
        %get3A_2878 = vector.shape_cast %get3A_2877 : vector<1x16xf32> to vector<16xf32>
        %swap3A_2879 = arith.index_cast %scan3A_1975 : i32 to index
        %swap3A_2880 = arith.constant 240 : index
        %swap3A_2881 = tpu.vector_load %arg32[%swap3A_2879, %swap3A_2880] {strides = array<i32>} : memref<16x256xf32, #tpu.memory_space<vmem>>, vector<1x16xf32>,
        %swap3A_2882 = vector.shape_cast %swap3A_2881 : vector<1x16xf32> to vector<16xf32>
        %swap3A_2883 = vector.shape_cast %get3A_2878 : vector<16xf32> to vector<1x16xf32>
        tpu.vector_store %arg32[%swap3A_2879, %swap3A_2880], %swap3A_2883 {strides = array<i32>} : memref<16x256xf32, #tpu.memory_space<vmem>>, vector<1x16xf32>,
      }
      %scan3A_1065 = arith.constant 16 : i32
      "tpu.region"() ({
        %run_scoped3A = tpu.sem_alloc : memref<!tpu.dma_semaphore, #tpu.memory_space<semaphore_mem>>
        %dma_start3A_1066 = arith.constant 0 : i32
        %dma_start3A_1067 = tpu.memref_slice %arg15[%add3A_21, %dma_start3A_1066] : memref<16384x256xf32, #tpu.memory_space<hbm>> -> memref<16x256xf32, #tpu.memory_space<hbm>>
        %dma_start3A_1068 = arith.constant 0 : i32
        %dma_start3A_1069 = tpu.memref_slice %arg15[%add3A_21, %dma_start3A_1068] : memref<16384x256xf32, #tpu.memory_space<hbm>> -> memref<16x256xf32, #tpu.memory_space<hbm>>
        tpu.enqueue_dma source(%arg32 : memref<16x256xf32, #tpu.memory_space<vmem>>) target(%dma_start3A_1069 : memref<16x256xf32, #tpu.memory_space<hbm>>) target_semaphore(%run_scoped3A : memref<!tpu.dma_semaphore, #tpu.memory_space<semaphore_mem>>)
        %dma_wait3A_1070 = arith.constant 0 : i32
        %dma_wait3A_1071 = tpu.memref_slice %arg15[%add3A_21, %dma_wait3A_1070] : memref<16384x256xf32, #tpu.memory_space<hbm>> -> memref<16x256xf32, #tpu.memory_space<hbm>>
        %dma_wait3A_1072 = arith.constant 0 : i32
        %dma_wait3A_1073 = tpu.memref_slice %arg15[%add3A_21, %dma_wait3A_1072] : memref<16384x256xf32, #tpu.memory_space<hbm>> -> memref<16x256xf32, #tpu.memory_space<hbm>>
        tpu.wait_dma2 semaphore(%run_scoped3A : memref<!tpu.dma_semaphore, #tpu.memory_space<semaphore_mem>>) src(%arg32 : memref<16x256xf32, #tpu.memory_space<vmem>>) dst(%dma_wait3A_1073 : memref<16x256xf32, #tpu.memory_space<hbm>>)
        tpu.yield
      }) : () -> ()
    }
    %scan3A_17 = arith.constant 32 : i32
    return
  }
}

module attributes {stable_mosaic.version = 14 : i64} {
  func.func @_mlp_body(%arg0: i32, %arg1: memref<512x256xf32, #tpu.memory_space<vmem>>, %arg2: memref<64x64xbf16, #tpu.memory_space<vmem>>, %arg3: memref<1x64xf32, #tpu.memory_space<vmem>>, %arg4: memref<64x64xbf16, #tpu.memory_space<vmem>>, %arg5: memref<1x64xf32, #tpu.memory_space<vmem>>, %arg6: memref<64x64xbf16, #tpu.memory_space<vmem>>, %arg7: memref<1x64xf32, #tpu.memory_space<vmem>>, %arg8: memref<64x64xbf16, #tpu.memory_space<vmem>>, %arg9: memref<1x64xf32, #tpu.memory_space<vmem>>, %arg10: memref<64x64xbf16, #tpu.memory_space<vmem>>, %arg11: memref<1x64xf32, #tpu.memory_space<vmem>>, %arg12: memref<64x100xbf16, #tpu.memory_space<vmem>>, %arg13: memref<1x100xf32, #tpu.memory_space<vmem>>, %arg14: memref<1x100xf32, #tpu.memory_space<vmem>>, %arg15: memref<1x1xf32, #tpu.memory_space<vmem>>, %arg16: memref<64x100xbf16, #tpu.memory_space<vmem>>, %arg17: memref<1x100xf32, #tpu.memory_space<vmem>>, %arg18: memref<1x100xf32, #tpu.memory_space<vmem>>, %arg19: memref<1x1xf32, #tpu.memory_space<vmem>>, %arg20: memref<128x1024xbf16, #tpu.memory_space<vmem>>, %arg21: memref<1x1024xf32, #tpu.memory_space<vmem>>, %arg22: memref<1024x512xbf16, #tpu.memory_space<vmem>>, %arg23: memref<1x512xf32, #tpu.memory_space<vmem>>, %arg24: memref<1x512xf32, #tpu.memory_space<vmem>>, %arg25: memref<1x1xf32, #tpu.memory_space<vmem>>, %arg26: memref<512xf32, #tpu.memory_space<vmem>>) attributes {dimension_semantics = [#tpu.dimension_semantics<arbitrary>], iteration_bounds = array<i64: 32>, scalar_prefetch = 0 : i64, scratch_operands = 0 : i64, tpu.core_type = #tpu.core_type<tc>, window_params = [{transform_indices = @transform_0, window_bounds = array<i64: 512, 256>}, {pipeline_mode = #tpu.pipeline_mode<synchronous>, transform_indices = @transform_1, window_bounds = array<i64: 64, 64>}, {pipeline_mode = #tpu.pipeline_mode<synchronous>, transform_indices = @transform_2, window_bounds = array<i64: 1, 64>}, {pipeline_mode = #tpu.pipeline_mode<synchronous>, transform_indices = @transform_3, window_bounds = array<i64: 64, 64>}, {pipeline_mode = #tpu.pipeline_mode<synchronous>, transform_indices = @transform_4, window_bounds = array<i64: 1, 64>}, {pipeline_mode = #tpu.pipeline_mode<synchronous>, transform_indices = @transform_5, window_bounds = array<i64: 64, 64>}, {pipeline_mode = #tpu.pipeline_mode<synchronous>, transform_indices = @transform_6, window_bounds = array<i64: 1, 64>}, {pipeline_mode = #tpu.pipeline_mode<synchronous>, transform_indices = @transform_7, window_bounds = array<i64: 64, 64>}, {pipeline_mode = #tpu.pipeline_mode<synchronous>, transform_indices = @transform_8, window_bounds = array<i64: 1, 64>}, {pipeline_mode = #tpu.pipeline_mode<synchronous>, transform_indices = @transform_9, window_bounds = array<i64: 64, 64>}, {pipeline_mode = #tpu.pipeline_mode<synchronous>, transform_indices = @transform_10, window_bounds = array<i64: 1, 64>}, {pipeline_mode = #tpu.pipeline_mode<synchronous>, transform_indices = @transform_11, window_bounds = array<i64: 64, 100>}, {pipeline_mode = #tpu.pipeline_mode<synchronous>, transform_indices = @transform_12, window_bounds = array<i64: 1, 100>}, {pipeline_mode = #tpu.pipeline_mode<synchronous>, transform_indices = @transform_13, window_bounds = array<i64: 1, 100>}, {pipeline_mode = #tpu.pipeline_mode<synchronous>, transform_indices = @transform_14, window_bounds = array<i64: 1, 1>}, {pipeline_mode = #tpu.pipeline_mode<synchronous>, transform_indices = @transform_15, window_bounds = array<i64: 64, 100>}, {pipeline_mode = #tpu.pipeline_mode<synchronous>, transform_indices = @transform_16, window_bounds = array<i64: 1, 100>}, {pipeline_mode = #tpu.pipeline_mode<synchronous>, transform_indices = @transform_17, window_bounds = array<i64: 1, 100>}, {pipeline_mode = #tpu.pipeline_mode<synchronous>, transform_indices = @transform_18, window_bounds = array<i64: 1, 1>}, {pipeline_mode = #tpu.pipeline_mode<synchronous>, transform_indices = @transform_19, window_bounds = array<i64: 128, 1024>}, {pipeline_mode = #tpu.pipeline_mode<synchronous>, transform_indices = @transform_20, window_bounds = array<i64: 1, 1024>}, {pipeline_mode = #tpu.pipeline_mode<synchronous>, transform_indices = @transform_21, window_bounds = array<i64: 1024, 512>}, {pipeline_mode = #tpu.pipeline_mode<synchronous>, transform_indices = @transform_22, window_bounds = array<i64: 1, 512>}, {pipeline_mode = #tpu.pipeline_mode<synchronous>, transform_indices = @transform_23, window_bounds = array<i64: 1, 512>}, {pipeline_mode = #tpu.pipeline_mode<synchronous>, transform_indices = @transform_24, window_bounds = array<i64: 1, 1>}, {transform_indices = @transform_25, window_bounds = array<i64: 512>}]} {
    %get3A = arith.constant 0 : index
    %get3A_0 = arith.constant 0 : index
    %get3A_1 = vector.load %arg1[%get3A, %get3A_0] : memref<512x256xf32, #tpu.memory_space<vmem>>, vector<512x256xf32>
    %slice3A = vector.extract_strided_slice %get3A_1 {offsets = [0, 0], sizes = [512, 64], strides = [1, 1]} : vector<512x256xf32> to vector<512x64xf32>
    %slice3A_2 = vector.extract_strided_slice %get3A_1 {offsets = [0, 64], sizes = [512, 64], strides = [1, 1]} : vector<512x256xf32> to vector<512x64xf32>
    %slice3A_3 = vector.extract_strided_slice %get3A_1 {offsets = [0, 128], sizes = [512, 64], strides = [1, 1]} : vector<512x256xf32> to vector<512x64xf32>
    %slice3A_4 = vector.extract_strided_slice %get3A_1 {offsets = [0, 192], sizes = [512, 64], strides = [1, 1]} : vector<512x256xf32> to vector<512x64xf32>
    %get3A_5 = arith.constant 0 : index
    %get3A_6 = arith.constant 0 : index
    %get3A_7 = vector.load %arg2[%get3A_5, %get3A_6] : memref<64x64xbf16, #tpu.memory_space<vmem>>, vector<64x64xbf16>
    %convert_element_type3A = arith.truncf %slice3A : vector<512x64xf32> to vector<512x64xbf16>
    %dot_general3A = arith.constant dense<0.000000e+00> : vector<512x64xf32>
    %dot_general3A_8 = tpu.matmul %convert_element_type3A, %get3A_7, %dot_general3A {dimension_numbers = #tpu.dot_dimension_numbers<[1], [0], [0], [1], [0, 0, 1, 1], [], []>, transpose_lhs_hint = false} : vector<512x64xbf16>, vector<64x64xbf16>, vector<512x64xf32> -> vector<512x64xf32>
    %get3A_9 = arith.constant 0 : index
    %get3A_10 = arith.constant 0 : index
    %get3A_11 = vector.load %arg3[%get3A_9, %get3A_10] : memref<1x64xf32, #tpu.memory_space<vmem>>, vector<1x64xf32>
    %add3A = vector.broadcast %get3A_11 : vector<1x64xf32> to vector<512x64xf32>
    %add3A_12 = arith.addf %dot_general3A_8, %add3A : vector<512x64xf32>
    %get3A_13 = arith.constant 0 : index
    %get3A_14 = arith.constant 0 : index
    %get3A_15 = vector.load %arg4[%get3A_13, %get3A_14] : memref<64x64xbf16, #tpu.memory_space<vmem>>, vector<64x64xbf16>
    %convert_element_type3A_16 = arith.truncf %slice3A_2 : vector<512x64xf32> to vector<512x64xbf16>
    %dot_general3A_17 = arith.constant dense<0.000000e+00> : vector<512x64xf32>
    %dot_general3A_18 = tpu.matmul %convert_element_type3A_16, %get3A_15, %dot_general3A_17 {dimension_numbers = #tpu.dot_dimension_numbers<[1], [0], [0], [1], [0, 0, 1, 1], [], []>, transpose_lhs_hint = false} : vector<512x64xbf16>, vector<64x64xbf16>, vector<512x64xf32> -> vector<512x64xf32>
    %get3A_19 = arith.constant 0 : index
    %get3A_20 = arith.constant 0 : index
    %get3A_21 = vector.load %arg5[%get3A_19, %get3A_20] : memref<1x64xf32, #tpu.memory_space<vmem>>, vector<1x64xf32>
    %add3A_22 = vector.broadcast %get3A_21 : vector<1x64xf32> to vector<512x64xf32>
    %add3A_23 = arith.addf %dot_general3A_18, %add3A_22 : vector<512x64xf32>
    %get3A_24 = arith.constant 0 : index
    %get3A_25 = arith.constant 0 : index
    %get3A_26 = vector.load %arg6[%get3A_24, %get3A_25] : memref<64x64xbf16, #tpu.memory_space<vmem>>, vector<64x64xbf16>
    %convert_element_type3A_27 = arith.truncf %slice3A_2 : vector<512x64xf32> to vector<512x64xbf16>
    %dot_general3A_28 = arith.constant dense<0.000000e+00> : vector<512x64xf32>
    %dot_general3A_29 = tpu.matmul %convert_element_type3A_27, %get3A_26, %dot_general3A_28 {dimension_numbers = #tpu.dot_dimension_numbers<[1], [0], [0], [1], [0, 0, 1, 1], [], []>, transpose_lhs_hint = false} : vector<512x64xbf16>, vector<64x64xbf16>, vector<512x64xf32> -> vector<512x64xf32>
    %get3A_30 = arith.constant 0 : index
    %get3A_31 = arith.constant 0 : index
    %get3A_32 = vector.load %arg7[%get3A_30, %get3A_31] : memref<1x64xf32, #tpu.memory_space<vmem>>, vector<1x64xf32>
    %add3A_33 = vector.broadcast %get3A_32 : vector<1x64xf32> to vector<512x64xf32>
    %add3A_34 = arith.addf %dot_general3A_29, %add3A_33 : vector<512x64xf32>
    %get3A_35 = arith.constant 0 : index
    %get3A_36 = arith.constant 0 : index
    %get3A_37 = vector.load %arg8[%get3A_35, %get3A_36] : memref<64x64xbf16, #tpu.memory_space<vmem>>, vector<64x64xbf16>
    %convert_element_type3A_38 = arith.truncf %slice3A_3 : vector<512x64xf32> to vector<512x64xbf16>
    %dot_general3A_39 = arith.constant dense<0.000000e+00> : vector<512x64xf32>
    %dot_general3A_40 = tpu.matmul %convert_element_type3A_38, %get3A_37, %dot_general3A_39 {dimension_numbers = #tpu.dot_dimension_numbers<[1], [0], [0], [1], [0, 0, 1, 1], [], []>, transpose_lhs_hint = false} : vector<512x64xbf16>, vector<64x64xbf16>, vector<512x64xf32> -> vector<512x64xf32>
    %get3A_41 = arith.constant 0 : index
    %get3A_42 = arith.constant 0 : index
    %get3A_43 = vector.load %arg9[%get3A_41, %get3A_42] : memref<1x64xf32, #tpu.memory_space<vmem>>, vector<1x64xf32>
    %add3A_44 = vector.broadcast %get3A_43 : vector<1x64xf32> to vector<512x64xf32>
    %add3A_45 = arith.addf %dot_general3A_40, %add3A_44 : vector<512x64xf32>
    %get3A_46 = arith.constant 0 : index
    %get3A_47 = arith.constant 0 : index
    %get3A_48 = vector.load %arg10[%get3A_46, %get3A_47] : memref<64x64xbf16, #tpu.memory_space<vmem>>, vector<64x64xbf16>
    %convert_element_type3A_49 = arith.truncf %slice3A_3 : vector<512x64xf32> to vector<512x64xbf16>
    %dot_general3A_50 = arith.constant dense<0.000000e+00> : vector<512x64xf32>
    %dot_general3A_51 = tpu.matmul %convert_element_type3A_49, %get3A_48, %dot_general3A_50 {dimension_numbers = #tpu.dot_dimension_numbers<[1], [0], [0], [1], [0, 0, 1, 1], [], []>, transpose_lhs_hint = false} : vector<512x64xbf16>, vector<64x64xbf16>, vector<512x64xf32> -> vector<512x64xf32>
    %get3A_52 = arith.constant 0 : index
    %get3A_53 = arith.constant 0 : index
    %get3A_54 = vector.load %arg11[%get3A_52, %get3A_53] : memref<1x64xf32, #tpu.memory_space<vmem>>, vector<1x64xf32>
    %add3A_55 = vector.broadcast %get3A_54 : vector<1x64xf32> to vector<512x64xf32>
    %add3A_56 = arith.addf %dot_general3A_51, %add3A_55 : vector<512x64xf32>
    %mul3A = arith.mulf %add3A_23, %add3A_12 : vector<512x64xf32>
    %get3A_57 = arith.constant 0 : index
    %get3A_58 = arith.constant 0 : index
    %get3A_59 = vector.load %arg12[%get3A_57, %get3A_58] : memref<64x100xbf16, #tpu.memory_space<vmem>>, vector<64x100xbf16>
    %convert_element_type3A_60 = arith.truncf %mul3A : vector<512x64xf32> to vector<512x64xbf16>
    %dot_general3A_61 = arith.constant dense<0.000000e+00> : vector<512x100xf32>
    %dot_general3A_62 = tpu.matmul %convert_element_type3A_60, %get3A_59, %dot_general3A_61 {dimension_numbers = #tpu.dot_dimension_numbers<[1], [0], [0], [1], [0, 0, 1, 1], [], []>, transpose_lhs_hint = false} : vector<512x64xbf16>, vector<64x100xbf16>, vector<512x100xf32> -> vector<512x100xf32>
    %get3A_63 = arith.constant 0 : index
    %get3A_64 = arith.constant 0 : index
    %get3A_65 = vector.load %arg13[%get3A_63, %get3A_64] : memref<1x100xf32, #tpu.memory_space<vmem>>, vector<1x100xf32>
    %add3A_66 = vector.broadcast %get3A_65 : vector<1x100xf32> to vector<512x100xf32>
    %add3A_67 = arith.addf %dot_general3A_62, %add3A_66 : vector<512x100xf32>
    %max3A = arith.constant 0.000000e+00 : f32
    %max3A_68 = vector.broadcast %max3A : f32 to vector<512x100xf32>
    %max3A_69 = arith.maximumf %add3A_67, %max3A_68 : vector<512x100xf32>
    %get3A_70 = arith.constant 0 : index
    %get3A_71 = arith.constant 0 : index
    %get3A_72 = vector.load %arg14[%get3A_70, %get3A_71] : memref<1x100xf32, #tpu.memory_space<vmem>>, vector<1x100xf32>
    %mul3A_73 = vector.broadcast %get3A_72 : vector<1x100xf32> to vector<512x100xf32>
    %mul3A_74 = arith.mulf %max3A_69, %mul3A_73 : vector<512x100xf32>
    %reduce_sum3A = arith.constant dense<0.000000e+00> : vector<512xf32>
    %reduce_sum3A_75 = vector.multi_reduction <add>, %mul3A_74, %reduce_sum3A [1] : vector<512x100xf32> to vector<512xf32>
    %broadcast_in_dim3A = vector.shape_cast %reduce_sum3A_75 : vector<512xf32> to vector<512x1xf32>
    %get3A_76 = arith.constant 0 : index
    %get3A_77 = arith.constant 0 : index
    %get3A_78 = vector.load %arg15[%get3A_76, %get3A_77] : memref<1x1xf32, #tpu.memory_space<vmem>>, vector<1x1xf32>
    %add3A_79 = vector.broadcast %get3A_78 : vector<1x1xf32> to vector<512x1xf32>
    %add3A_80 = arith.addf %broadcast_in_dim3A, %add3A_79 : vector<512x1xf32>
    %logistic3A = arith.negf %add3A_80 : vector<512x1xf32>
    %logistic3A_81 = math.exp %logistic3A : vector<512x1xf32>
    %logistic3A_82 = arith.constant 1.000000e+00 : f32
    %logistic3A_83 = vector.broadcast %logistic3A_82 : f32 to vector<512x1xf32>
    %logistic3A_84 = arith.addf %logistic3A_83, %logistic3A_81 : vector<512x1xf32>
    %logistic3A_85 = arith.divf %logistic3A_83, %logistic3A_84 : vector<512x1xf32>
    %mul3A_86 = arith.mulf %add3A_45, %add3A_12 : vector<512x64xf32>
    %get3A_87 = arith.constant 0 : index
    %get3A_88 = arith.constant 0 : index
    %get3A_89 = vector.load %arg16[%get3A_87, %get3A_88] : memref<64x100xbf16, #tpu.memory_space<vmem>>, vector<64x100xbf16>
    %convert_element_type3A_90 = arith.truncf %mul3A_86 : vector<512x64xf32> to vector<512x64xbf16>
    %dot_general3A_91 = arith.constant dense<0.000000e+00> : vector<512x100xf32>
    %dot_general3A_92 = tpu.matmul %convert_element_type3A_90, %get3A_89, %dot_general3A_91 {dimension_numbers = #tpu.dot_dimension_numbers<[1], [0], [0], [1], [0, 0, 1, 1], [], []>, transpose_lhs_hint = false} : vector<512x64xbf16>, vector<64x100xbf16>, vector<512x100xf32> -> vector<512x100xf32>
    %get3A_93 = arith.constant 0 : index
    %get3A_94 = arith.constant 0 : index
    %get3A_95 = vector.load %arg17[%get3A_93, %get3A_94] : memref<1x100xf32, #tpu.memory_space<vmem>>, vector<1x100xf32>
    %add3A_96 = vector.broadcast %get3A_95 : vector<1x100xf32> to vector<512x100xf32>
    %add3A_97 = arith.addf %dot_general3A_92, %add3A_96 : vector<512x100xf32>
    %max3A_98 = arith.constant 0.000000e+00 : f32
    %max3A_99 = vector.broadcast %max3A_98 : f32 to vector<512x100xf32>
    %max3A_100 = arith.maximumf %add3A_97, %max3A_99 : vector<512x100xf32>
    %get3A_101 = arith.constant 0 : index
    %get3A_102 = arith.constant 0 : index
    %get3A_103 = vector.load %arg18[%get3A_101, %get3A_102] : memref<1x100xf32, #tpu.memory_space<vmem>>, vector<1x100xf32>
    %mul3A_104 = vector.broadcast %get3A_103 : vector<1x100xf32> to vector<512x100xf32>
    %mul3A_105 = arith.mulf %max3A_100, %mul3A_104 : vector<512x100xf32>
    %reduce_sum3A_106 = arith.constant dense<0.000000e+00> : vector<512xf32>
    %reduce_sum3A_107 = vector.multi_reduction <add>, %mul3A_105, %reduce_sum3A_106 [1] : vector<512x100xf32> to vector<512xf32>
    %broadcast_in_dim3A_108 = vector.shape_cast %reduce_sum3A_107 : vector<512xf32> to vector<512x1xf32>
    %get3A_109 = arith.constant 0 : index
    %get3A_110 = arith.constant 0 : index
    %get3A_111 = vector.load %arg19[%get3A_109, %get3A_110] : memref<1x1xf32, #tpu.memory_space<vmem>>, vector<1x1xf32>
    %add3A_112 = vector.broadcast %get3A_111 : vector<1x1xf32> to vector<512x1xf32>
    %add3A_113 = arith.addf %broadcast_in_dim3A_108, %add3A_112 : vector<512x1xf32>
    %logistic3A_114 = arith.negf %add3A_113 : vector<512x1xf32>
    %logistic3A_115 = math.exp %logistic3A_114 : vector<512x1xf32>
    %logistic3A_116 = arith.constant 1.000000e+00 : f32
    %logistic3A_117 = vector.broadcast %logistic3A_116 : f32 to vector<512x1xf32>
    %logistic3A_118 = arith.addf %logistic3A_117, %logistic3A_115 : vector<512x1xf32>
    %logistic3A_119 = arith.divf %logistic3A_117, %logistic3A_118 : vector<512x1xf32>
    %mul3A_120 = vector.broadcast %logistic3A_85 : vector<512x1xf32> to vector<512x64xf32>
    %mul3A_121 = arith.mulf %mul3A_120, %add3A_34 : vector<512x64xf32>
    %mul3A_122 = vector.broadcast %logistic3A_119 : vector<512x1xf32> to vector<512x64xf32>
    %mul3A_123 = arith.mulf %mul3A_122, %add3A_56 : vector<512x64xf32>
    %add3A_124 = arith.addf %mul3A_121, %mul3A_123 : vector<512x64xf32>
    %get3A_125 = arith.constant 0 : index
    %get3A_126 = arith.constant 0 : index
    %get3A_127 = vector.load %arg20[%get3A_125, %get3A_126] : memref<128x1024xbf16, #tpu.memory_space<vmem>>, vector<64x1024xbf16>
    %convert_element_type3A_128 = arith.truncf %add3A_124 : vector<512x64xf32> to vector<512x64xbf16>
    %dot_general3A_129 = arith.constant dense<0.000000e+00> : vector<512x1024xf32>
    %dot_general3A_130 = tpu.matmul %convert_element_type3A_128, %get3A_127, %dot_general3A_129 {dimension_numbers = #tpu.dot_dimension_numbers<[1], [0], [0], [1], [0, 0, 1, 1], [], []>, transpose_lhs_hint = false} : vector<512x64xbf16>, vector<64x1024xbf16>, vector<512x1024xf32> -> vector<512x1024xf32>
    %get3A_131 = arith.constant 64 : index
    %get3A_132 = arith.constant 0 : index
    %get3A_133 = vector.load %arg20[%get3A_131, %get3A_132] : memref<128x1024xbf16, #tpu.memory_space<vmem>>, vector<64x1024xbf16>
    %convert_element_type3A_134 = arith.truncf %slice3A_4 : vector<512x64xf32> to vector<512x64xbf16>
    %dot_general3A_135 = arith.constant dense<0.000000e+00> : vector<512x1024xf32>
    %dot_general3A_136 = tpu.matmul %convert_element_type3A_134, %get3A_133, %dot_general3A_135 {dimension_numbers = #tpu.dot_dimension_numbers<[1], [0], [0], [1], [0, 0, 1, 1], [], []>, transpose_lhs_hint = false} : vector<512x64xbf16>, vector<64x1024xbf16>, vector<512x1024xf32> -> vector<512x1024xf32>
    %add3A_137 = arith.addf %dot_general3A_130, %dot_general3A_136 : vector<512x1024xf32>
    %get3A_138 = arith.constant 0 : index
    %get3A_139 = arith.constant 0 : index
    %get3A_140 = vector.load %arg21[%get3A_138, %get3A_139] : memref<1x1024xf32, #tpu.memory_space<vmem>>, vector<1x1024xf32>
    %add3A_141 = vector.broadcast %get3A_140 : vector<1x1024xf32> to vector<512x1024xf32>
    %add3A_142 = arith.addf %add3A_137, %add3A_141 : vector<512x1024xf32>
    %max3A_143 = arith.constant 0.000000e+00 : f32
    %max3A_144 = vector.broadcast %max3A_143 : f32 to vector<512x1024xf32>
    %max3A_145 = arith.maximumf %add3A_142, %max3A_144 : vector<512x1024xf32>
    %get3A_146 = arith.constant 0 : index
    %get3A_147 = arith.constant 0 : index
    %get3A_148 = vector.load %arg22[%get3A_146, %get3A_147] : memref<1024x512xbf16, #tpu.memory_space<vmem>>, vector<1024x512xbf16>
    %convert_element_type3A_149 = arith.truncf %max3A_145 : vector<512x1024xf32> to vector<512x1024xbf16>
    %dot_general3A_150 = arith.constant dense<0.000000e+00> : vector<512x512xf32>
    %dot_general3A_151 = tpu.matmul %convert_element_type3A_149, %get3A_148, %dot_general3A_150 {dimension_numbers = #tpu.dot_dimension_numbers<[1], [0], [0], [1], [0, 0, 1, 1], [], []>, transpose_lhs_hint = false} : vector<512x1024xbf16>, vector<1024x512xbf16>, vector<512x512xf32> -> vector<512x512xf32>
    %get3A_152 = arith.constant 0 : index
    %get3A_153 = arith.constant 0 : index
    %get3A_154 = vector.load %arg23[%get3A_152, %get3A_153] : memref<1x512xf32, #tpu.memory_space<vmem>>, vector<1x512xf32>
    %add3A_155 = vector.broadcast %get3A_154 : vector<1x512xf32> to vector<512x512xf32>
    %add3A_156 = arith.addf %dot_general3A_151, %add3A_155 : vector<512x512xf32>
    %max3A_157 = arith.constant 0.000000e+00 : f32
    %max3A_158 = vector.broadcast %max3A_157 : f32 to vector<512x512xf32>
    %max3A_159 = arith.maximumf %add3A_156, %max3A_158 : vector<512x512xf32>
    %get3A_160 = arith.constant 0 : index
    %get3A_161 = arith.constant 0 : index
    %get3A_162 = vector.load %arg24[%get3A_160, %get3A_161] : memref<1x512xf32, #tpu.memory_space<vmem>>, vector<1x512xf32>
    %mul3A_163 = vector.broadcast %get3A_162 : vector<1x512xf32> to vector<512x512xf32>
    %mul3A_164 = arith.mulf %max3A_159, %mul3A_163 : vector<512x512xf32>
    %reduce_sum3A_165 = arith.constant dense<0.000000e+00> : vector<512xf32>
    %reduce_sum3A_166 = vector.multi_reduction <add>, %mul3A_164, %reduce_sum3A_165 [1] : vector<512x512xf32> to vector<512xf32>
    %get3A_167 = arith.constant 0 : index
    %get3A_168 = arith.constant 0 : index
    %get3A_169 = vector.load %arg25[%get3A_167, %get3A_168] : memref<1x1xf32, #tpu.memory_space<vmem>>, vector<1x1xf32>
    %get3A_170 = vector.extract %get3A_169[0, 0] : f32 from vector<1x1xf32>
    %add3A_171 = vector.broadcast %get3A_170 : f32 to vector<512xf32>
    %add3A_172 = arith.addf %reduce_sum3A_166, %add3A_171 : vector<512xf32>
    %logistic3A_173 = arith.negf %add3A_172 : vector<512xf32>
    %logistic3A_174 = math.exp %logistic3A_173 : vector<512xf32>
    %logistic3A_175 = arith.constant 1.000000e+00 : f32
    %logistic3A_176 = vector.broadcast %logistic3A_175 : f32 to vector<512xf32>
    %logistic3A_177 = arith.addf %logistic3A_176, %logistic3A_174 : vector<512xf32>
    %logistic3A_178 = arith.divf %logistic3A_176, %logistic3A_177 : vector<512xf32>
    %swap3A = arith.constant 0 : index
    %swap3A_179 = vector.load %arg26[%swap3A] : memref<512xf32, #tpu.memory_space<vmem>>, vector<512xf32>
    tpu.vector_store %arg26[%swap3A], %logistic3A_178 {strides = array<i32>} : memref<512xf32, #tpu.memory_space<vmem>>, vector<512xf32>,
    return
  }
  func.func @transform_0(%arg0: i32) -> (i32, i32) {
    %c0_i32 = arith.constant 0 : i32
    %c0_i32_0 = arith.constant 0 : i32
    return %arg0, %c0_i32 : i32, i32
  }
  func.func @transform_1(%arg0: i32) -> (i32, i32) {
    %c0_i32 = arith.constant 0 : i32
    %c0_i32_0 = arith.constant 0 : i32
    %c0_i32_1 = arith.constant 0 : i32
    return %c0_i32, %c0_i32_0 : i32, i32
  }
  func.func @transform_2(%arg0: i32) -> (i32, i32) {
    %c0_i32 = arith.constant 0 : i32
    %c0_i32_0 = arith.constant 0 : i32
    %c0_i32_1 = arith.constant 0 : i32
    return %c0_i32, %c0_i32_0 : i32, i32
  }
  func.func @transform_3(%arg0: i32) -> (i32, i32) {
    %c0_i32 = arith.constant 0 : i32
    %c0_i32_0 = arith.constant 0 : i32
    %c0_i32_1 = arith.constant 0 : i32
    return %c0_i32, %c0_i32_0 : i32, i32
  }
  func.func @transform_4(%arg0: i32) -> (i32, i32) {
    %c0_i32 = arith.constant 0 : i32
    %c0_i32_0 = arith.constant 0 : i32
    %c0_i32_1 = arith.constant 0 : i32
    return %c0_i32, %c0_i32_0 : i32, i32
  }
  func.func @transform_5(%arg0: i32) -> (i32, i32) {
    %c0_i32 = arith.constant 0 : i32
    %c0_i32_0 = arith.constant 0 : i32
    %c0_i32_1 = arith.constant 0 : i32
    return %c0_i32, %c0_i32_0 : i32, i32
  }
  func.func @transform_6(%arg0: i32) -> (i32, i32) {
    %c0_i32 = arith.constant 0 : i32
    %c0_i32_0 = arith.constant 0 : i32
    %c0_i32_1 = arith.constant 0 : i32
    return %c0_i32, %c0_i32_0 : i32, i32
  }
  func.func @transform_7(%arg0: i32) -> (i32, i32) {
    %c0_i32 = arith.constant 0 : i32
    %c0_i32_0 = arith.constant 0 : i32
    %c0_i32_1 = arith.constant 0 : i32
    return %c0_i32, %c0_i32_0 : i32, i32
  }
  func.func @transform_8(%arg0: i32) -> (i32, i32) {
    %c0_i32 = arith.constant 0 : i32
    %c0_i32_0 = arith.constant 0 : i32
    %c0_i32_1 = arith.constant 0 : i32
    return %c0_i32, %c0_i32_0 : i32, i32
  }
  func.func @transform_9(%arg0: i32) -> (i32, i32) {
    %c0_i32 = arith.constant 0 : i32
    %c0_i32_0 = arith.constant 0 : i32
    %c0_i32_1 = arith.constant 0 : i32
    return %c0_i32, %c0_i32_0 : i32, i32
  }
  func.func @transform_10(%arg0: i32) -> (i32, i32) {
    %c0_i32 = arith.constant 0 : i32
    %c0_i32_0 = arith.constant 0 : i32
    %c0_i32_1 = arith.constant 0 : i32
    return %c0_i32, %c0_i32_0 : i32, i32
  }
  func.func @transform_11(%arg0: i32) -> (i32, i32) {
    %c0_i32 = arith.constant 0 : i32
    %c0_i32_0 = arith.constant 0 : i32
    %c0_i32_1 = arith.constant 0 : i32
    return %c0_i32, %c0_i32_0 : i32, i32
  }
  func.func @transform_12(%arg0: i32) -> (i32, i32) {
    %c0_i32 = arith.constant 0 : i32
    %c0_i32_0 = arith.constant 0 : i32
    %c0_i32_1 = arith.constant 0 : i32
    return %c0_i32, %c0_i32_0 : i32, i32
  }
  func.func @transform_13(%arg0: i32) -> (i32, i32) {
    %c0_i32 = arith.constant 0 : i32
    %c0_i32_0 = arith.constant 0 : i32
    %c0_i32_1 = arith.constant 0 : i32
    return %c0_i32, %c0_i32_0 : i32, i32
  }
  func.func @transform_14(%arg0: i32) -> (i32, i32) {
    %c0_i32 = arith.constant 0 : i32
    %c0_i32_0 = arith.constant 0 : i32
    %c0_i32_1 = arith.constant 0 : i32
    return %c0_i32, %c0_i32_0 : i32, i32
  }
  func.func @transform_15(%arg0: i32) -> (i32, i32) {
    %c0_i32 = arith.constant 0 : i32
    %c0_i32_0 = arith.constant 0 : i32
    %c0_i32_1 = arith.constant 0 : i32
    return %c0_i32, %c0_i32_0 : i32, i32
  }
  func.func @transform_16(%arg0: i32) -> (i32, i32) {
    %c0_i32 = arith.constant 0 : i32
    %c0_i32_0 = arith.constant 0 : i32
    %c0_i32_1 = arith.constant 0 : i32
    return %c0_i32, %c0_i32_0 : i32, i32
  }
  func.func @transform_17(%arg0: i32) -> (i32, i32) {
    %c0_i32 = arith.constant 0 : i32
    %c0_i32_0 = arith.constant 0 : i32
    %c0_i32_1 = arith.constant 0 : i32
    return %c0_i32, %c0_i32_0 : i32, i32
  }
  func.func @transform_18(%arg0: i32) -> (i32, i32) {
    %c0_i32 = arith.constant 0 : i32
    %c0_i32_0 = arith.constant 0 : i32
    %c0_i32_1 = arith.constant 0 : i32
    return %c0_i32, %c0_i32_0 : i32, i32
  }
  func.func @transform_19(%arg0: i32) -> (i32, i32) {
    %c0_i32 = arith.constant 0 : i32
    %c0_i32_0 = arith.constant 0 : i32
    %c0_i32_1 = arith.constant 0 : i32
    return %c0_i32, %c0_i32_0 : i32, i32
  }
  func.func @transform_20(%arg0: i32) -> (i32, i32) {
    %c0_i32 = arith.constant 0 : i32
    %c0_i32_0 = arith.constant 0 : i32
    %c0_i32_1 = arith.constant 0 : i32
    return %c0_i32, %c0_i32_0 : i32, i32
  }
  func.func @transform_21(%arg0: i32) -> (i32, i32) {
    %c0_i32 = arith.constant 0 : i32
    %c0_i32_0 = arith.constant 0 : i32
    %c0_i32_1 = arith.constant 0 : i32
    return %c0_i32, %c0_i32_0 : i32, i32
  }
  func.func @transform_22(%arg0: i32) -> (i32, i32) {
    %c0_i32 = arith.constant 0 : i32
    %c0_i32_0 = arith.constant 0 : i32
    %c0_i32_1 = arith.constant 0 : i32
    return %c0_i32, %c0_i32_0 : i32, i32
  }
  func.func @transform_23(%arg0: i32) -> (i32, i32) {
    %c0_i32 = arith.constant 0 : i32
    %c0_i32_0 = arith.constant 0 : i32
    %c0_i32_1 = arith.constant 0 : i32
    return %c0_i32, %c0_i32_0 : i32, i32
  }
  func.func @transform_24(%arg0: i32) -> (i32, i32) {
    %c0_i32 = arith.constant 0 : i32
    %c0_i32_0 = arith.constant 0 : i32
    %c0_i32_1 = arith.constant 0 : i32
    return %c0_i32, %c0_i32_0 : i32, i32
  }
  func.func @transform_25(%arg0: i32) -> i32 {
    %c0_i32 = arith.constant 0 : i32
    return %arg0 : i32
  }
}

</mosaic_0001>

<sc_bundles>
// kernel: kernel.4.cloned.1.call-start
scs
__scs_entry_jumppad:
0x0: {  	(pc) =	sbr.rel $0x88, $3  }
0x1: {  	(tag) =	ssettag $0x0;
	lr =	simm.s32 $0x1  }
0x2: {  	[smem:$0x3F7C] =	sst lr;
	_ =	strace $0xD0000000  }
0x3: {  	_ = 	snop  }
0x4: {  	_ = 	snop  }
0x5: {  	_ = 	snop  }
0x6: {  	_ = 	snop  }
0x7: {  	_ = 	snop  }
__scs_overlays_trampoline_lowered:
0x8: {  	[smem:$0x3F8B] =	sst s0  }
0x9: {  	[smem:$0x3F8C] =	sst s1  }
0xa: {  	[smem:$0x3F8D] =	sst s2  }
0xb: {  	[smem:$0x3F8E] =	sst s3  }
0xc: {  	[smem:$0x3F8F] =	sst s4  }
0xd: {  	[smem:$0x3F90] =	sst s5  }
0xe: {  	[smem:$0x3F91] =	sst s6  }
0xf: {  	[smem:$0x3F92] =	sst s7  }
0x10: {  	[smem:$0x3F93] =	sst s8  }
0x11: {  	[smem:$0x3F94] =	sst s9;
	s0 =	simm.s32 @!p0 $0x0  }
0x12: {  	s1 =	sld [smem:$0x3F7A];
	s0 =	simm.s32 @p0 $0x1  }
0x13: {  	[smem:$0x3F95] =	sst s0;
	s0 =	simm.s32 @!p1 $0x0  }
0x14: {  	s2 =	sld [smem:$0x3F79];
	s0 =	simm.s32 @p1 $0x1  }
0x15: {  	[smem:$0x3F96] =	sst s0;
	s0 =	simm.s32 @!p2 $0x0  }
0x16: {  	s3 =	sld [smem:$0x3FDB];
	s0 =	simm.s32 @p2 $0x1  }
0x17: {  	s4 =	simm.s32 $0x1BF5;
	[smem:$0x3F98] =	sst s0  }
0x18: {  	s0 =	sld [smem:$0x3F7B];
	_ =	swait.ge [sflag:s4], $0x0  }
0x19: {  	s7 =	sld [smem:$0x3F7C]  }
0x1a: {  	s8 =	sadd.s32 $0xFFFFE003, lr  }
0x1b: {  	s9 =	sadd.s32 $0xFFFFFEF7, lr;
	s5 =	simm.s32 $0xFFFFFFFF;
	p2 =	slt.u32 s8, $0xFFFFF086  }
0x1c: {  	p1 =	slt.u32 s9, $0xF7A;
	s5 =	simm.s32 @!p2 $0x0  }
0x1d: {  	s5 =	simm.s32 @p1 $0x1;
	p0 =	seq.s32 s7, s2  }
0x1e: {  	s7 =	smul.u32 @!p0 $0xF7A, s2;
	p2 =	seq.s32 @!p0 s5, $0x0  }
0x1f: {  	s9 =	smul.u32 $0xF7A, s1;
	s8 =	simm.s32 @!p0 $0x1BF5;
	p2 =	por !p2, p0  }
0x20: {  	[sflag:s8] =	ssyncset.s32 @!p0 $0xFFFFF086;
	s6 =	sadd.s32 @!p0 s3, s7;
	s7 =	simm.s32 @!p0 $0x108  }
0x21: {  	s3 =	sadd.s32 s3, s9;
	s6 =	sadd.s32 @!p0 $0x88, s6;
	s7 =	simm.s32 @p2 $0x1082  }
0x22: {  	[simem:s7], [sflag:s8] =	dma.local @!p0 [hbm:s6], $0xF7A  }
0x23: {  	s9 =	sor.u32 $0xD0000000, s2;
	s6 =	simm.s32 $0x108;
	_ =	swait.ge @!p0 [sflag:s8], $0x0  }
0x24: {  	s3 =	sadd.s32 $0x88, s3;
	s6 =	simm.s32 @!p1 $0x1082;
	[sflag:s4] =	ssyncset.s32 $0xFFFFF086  }
0x25: {  	[simem:s6], [sflag:s4] =	dma.local [hbm:s3], $0xF7A  }
0x26: {  	[smem:$0x3F7C] =	sst s1;
	(tag) =	ssettag s2;
	_ =	strace s9  }
0x27: {  	s1 =	sld [smem:$0x3F8C]  }
0x28: {  	s2 =	sld [smem:$0x3F8D]  }
0x29: {  	s4 =	sld [smem:$0x3F8F]  }
0x2a: {  	p0 =	seq.s32 s5, $0x0;
	s5 =	sld [smem:$0x3F90]  }
0x2b: {  	s6 =	sld [smem:$0x3F91]  }
0x2c: {  	s7 =	sld [smem:$0x3F92]  }
0x2d: {  	s3 =	simm.s32 $0x108;
	s8 =	sld [smem:$0x3F93]  }
0x2e: {  	s3 =	simm.s32 @!p0 $0x1082;
	s9 =	sld [smem:$0x3F94]  }
0x2f: {  	lr =	sadd.s32 s0, s3;
	s0 =	sld [smem:$0x3F8B]  }
0x30: {  	s3 =	sld [smem:$0x3F8E]  }
0x31: {  	[smem:$0x3F97] =	sst s10  }
0x32: {  	s10 =	sld [smem:$0x3F95];
	_ =	sdelay $0x3  }
0x33: {  	p0 =	seq.s32 s10, $0x1;
	s10 =	sld [smem:$0x3F97];
	_ =	sdelay $0x3  }
0x34: {  	[smem:$0x3F97] =	sst s10  }
0x35: {  	s10 =	sld [smem:$0x3F96];
	_ =	sdelay $0x3  }
0x36: {  	p1 =	seq.s32 s10, $0x1;
	s10 =	sld [smem:$0x3F97];
	_ =	sdelay $0x3  }
0x37: {  	[smem:$0x3F97] =	sst s10  }
0x38: {  	s10 =	sld [smem:$0x3F98]  }
0x39: {  	_ = 	snop;
	(pc) =	sbr.ind lr, $3  }
0x3a: {  	_ = 	snop  }
0x3b: {  	_ = 	snop  }
0x3c: {  	p2 =	seq.s32 s10, $0x1;
	s10 =	sld [smem:$0x3F97]  }
0x3d: {  	_ =	shalt  }
0x3e: {  	_ =	shalt  }
0x3f: {  	_ =	shalt  }
0x40: {  	_ =	shalt  }
0x41: {  	_ =	shalt  }
0x42: {  	_ =	shalt  }
0x43: {  	_ =	shalt  }
0x44: {  	_ =	shalt  }
0x45: {  	_ =	shalt  }
0x46: {  	_ =	shalt  }
0x47: {  	_ =	shalt  }
0x48: {  	_ =	shalt  }
0x49: {  	_ =	shalt  }
0x4a: {  	_ =	shalt  }
0x4b: {  	_ =	shalt  }
0x4c: {  	_ =	shalt  }
0x4d: {  	_ =	shalt  }
0x4e: {  	_ =	shalt  }
0x4f: {  	_ =	shalt  }
0x50: {  	_ =	shalt  }
0x51: {  	_ =	shalt  }
0x52: {  	_ =	shalt  }
0x53: {  	_ =	shalt  }
0x54: {  	_ =	shalt  }
0x55: {  	_ =	shalt  }
0x56: {  	_ =	shalt  }
0x57: {  	_ =	shalt  }
0x58: {  	_ =	shalt  }
0x59: {  	_ =	shalt  }
0x5a: {  	_ =	shalt  }
0x5b: {  	_ =	shalt  }
0x5c: {  	_ =	shalt  }
0x5d: {  	_ =	shalt  }
0x5e: {  	_ =	shalt  }
0x5f: {  	_ =	shalt  }
0x60: {  	_ =	shalt  }
0x61: {  	_ =	shalt  }
0x62: {  	_ =	shalt  }
0x63: {  	_ =	shalt  }
0x64: {  	_ =	shalt  }
0x65: {  	_ =	shalt  }
0x66: {  	_ =	shalt  }
0x67: {  	_ =	shalt  }
0x68: {  	_ =	shalt  }
0x69: {  	_ =	shalt  }
0x6a: {  	_ =	shalt  }
0x6b: {  	_ =	shalt  }
0x6c: {  	_ =	shalt  }
0x6d: {  	_ =	shalt  }
0x6e: {  	_ =	shalt  }
0x6f: {  	_ =	shalt  }
0x70: {  	_ =	shalt  }
0x71: {  	_ =	shalt  }
0x72: {  	_ =	shalt  }
0x73: {  	_ =	shalt  }
0x74: {  	_ =	shalt  }
0x75: {  	_ =	shalt  }
0x76: {  	_ =	shalt  }
0x77: {  	_ =	shalt  }
0x78: {  	_ =	shalt  }
0x79: {  	_ =	shalt  }
0x7a: {  	_ =	shalt  }
0x7b: {  	_ =	shalt  }
0x7c: {  	_ =	shalt  }
0x7d: {  	_ =	shalt  }
0x7e: {  	_ =	shalt  }
0x7f: {  	_ =	shalt  }
0x80: {  	_ =	shalt  }
0x81: {  	_ =	shalt  }
0x82: {  	_ =	shalt  }
0x83: {  	_ =	shalt  }
0x84: {  	_ =	shalt  }
0x85: {  	_ =	shalt  }
0x86: {  	_ =	shalt  }
0x87: {  	_ =	shalt  }
.Lfunc_end0:
.L_simem_size_0:
called_computation.1_lowered:
.L_overlay_start_0:
0x88: {  	s2 =	sld [smem:$0x3FD9]  }
0x89: {  	s3 =	sld [smem:$0x3FFE];
	_ =	sdelay $0x1  }
0x8a: {  	s1 =	srdreg.scid  }
0x8b: {  	s0 =	sand.u32 $0x1, s1  }
0x8c: {  	s17 =	sshll.u32 s0, $0xA;
	s2 =	sadd.s32 s3, s2  }
0x8d: {  	s2 =	sadd.s32 s2, s17  }
0x8e: {  	[smem:$0x3FA3] =	sst s2  }
0x8f: {  	_ = 	snop  }
0x90: {  	s2 =	sld [smem:$0x3FC9]  }
0x91: {  	s18 =	sld [smem:$0x3FC8]  }
0x92: {  	s4 =	sld [smem:$0x3FC6]  }
0x93: {  	s5 =	sld [smem:$0x3FC3];
	(tm) =	ssettm $0x1  }
0x94: {  	s6 =	sld [smem:$0x3FFB];
	_ =	sdelay $0x3  }
0x95: {  	_ =	strace s6  }
0x96: {  	s6 =	sld [smem:$0x3FFC];
	_ =	sdelay $0x3  }
0x97: {  	_ =	strace s6  }
0x98: {  	s6 =	sld [smem:$0x3FFD];
	_ =	sdelay $0x3  }
0x99: {  	_ =	strace s6  }
0x9a: {  	_ =	strace $0x8FFFFFFF  }
0x9b: {  	s19 =	sld [smem:$0x3FDB];
	_ =	sdelay $0x1  }
0x9c: {  	s7 =	simm.s32 $_scs_section_size  }
0x9d: {  	s8 =	simm.s32 $_size__tile_overlayer_lowered;
	s9 =	simm.s32 $_tile_overlayer_lowered  }
0x9e: {  	s22 =	simm.s32 $0x1BFF;
	s21 =	sshll.u32 s9, $0x1;
	s6 =	sadd.s32 s7, s19  }
0x9f: {  	s10 =	simm.s32 $0x0;
	s20 =	sshll.u32 s8, $0x1;
	s8 =	sadd.s32 s21, s6  }
0xa0: {  	[timem:s10], [sflag:s22] =	dma.local [hbm:s8], s20  }
0xa1: {  	_ =	swait.ge [sflag:s22], s20  }
0xa2: {  	s7 =	ssub.s32 $0x0, s20;
	[sflag:s22] =	ssyncset.done $0x0  }
0xa3: {  	[sflag:s22] =	ssyncadd.s32 s7;
	_ =	sdelay $0x1  }
0xa4: {  	s23 =	simm.s32 $0x1B8B  }
0xa5: {  	_ =	swait.ge [sflag:s23], $0x1  }
0xa6: {  	[sflag:s23] =	ssyncset.done $0x0  }
0xa7: {  	s25 =	simm.s32 $0x1B8E;
	s24 =	sld [smem:$0x3FFE];
	[sflag:s23] =	ssyncadd.s32 $0xFFFFFFFF  }
0xa8: {  	s26 =	simm.s32 $execute0_lowered;
	[smem:$0x3FD2] =	sst s25  }
0xa9: {  	s8 =	sshll.u32 s26, $0x1;
	_ =	strace $0x80000049;
	[dreg:$0x1] =	wrdreg $0xFFFFFFFF  }
0xaa: {  	s28 =	simm.s32 $_size_execute0_lowered;
	s6 =	sadd.s32 s6, s8;
	[dreg:$0x0] =	wrdreg $0x0  }
0xab: {  	s8 =	sshll.u32 s28, $0x1;
	[dreg:$0x2] =	wrdreg s6  }
0xac: {  	[dreg:$0x3] =	wrdreg s8  }
0xad: {  	[dreg:$0x4] =	wrdreg $0xC0  }
0xae: {  	_ =	task [dreg:s10], $0x5FFFF  }
0xaf: {  	[dreg:$0x1] =	wrdreg $0xFFFFFFFF  }
0xb0: {  	[dreg:$0x0] =	wrdreg $0x60  }
0xb1: {  	[dreg:$0x2] =	wrdreg s24  }
0xb2: {  	[dreg:$0x3] =	wrdreg s18  }
0xb3: {  	[dreg:$0x4] =	wrdreg s4  }
0xb4: {  	[dreg:$0x5] =	wrdreg s5  }
0xb5: {  	[dreg:$0x6] =	wrdreg s2  }
0xb6: {  	[dreg:$0x7] =	wrdreg $0x9  }
0xb7: {  	_ =	task.clear_ibuf [dreg:s10], $0x8FFFF;
	_ =	strace $0x90000049  }
0xb8: {  	s29 =	simm.s32 $0x9;
	_ =	strace $0x8000004B  }
0xb9: {  	_ =	swait.ge [sflag:s29], $0x1  }
0xba: {  	[sflag:s29] =	ssyncadd.s32 $0xFFFFFFFF  }
0xbb: {  	_ =	strace $0x9000004B  }
0xbc: {  	_ =	sfence  }
0xbd: {  	s30 =	sld [smem:$0x0];
	_ =	sdelay $0x2  }
0xbe: {  	s31 =	sshll.u32 s1, $0xD;
	s1 =	sshrl.u32 s1, $0x2  }
0xbf: {  	s3 =	sand.u32 $0x4000, s31;
	s1 =	sadd.s32 s1, s30  }
0xc0: {  	s0 =	sor.u32 s3, s0;
	s1 =	sshll.u32 s1, $0x11  }
0xc1: {  	s0 =	sor.u32 s1, s0  }
0xc2: {  	s0 =	sadd.s32 $0x8F2B, s0  }
0xc3: {  	[sflag:s0] =	ssyncadd.remote.s32 $0x1  }
0xc4: {  	_ =	sfence.sel $0xFFFF  }
0xc5: {  	[dreg:$0x0] =	wrdreg $0xFFFFFFFF;
	(pc) =	sbr.abs _section_cstart, $3  }
0xc6: {  	[dreg:$0x1] =	wrdreg $0xFFFFFFFF  }
0xc7: {  	_ =	task.clear_ibuf [dreg:s10], $0x2FFFF;
	_ =	strace $0x9FFFFFFF  }
0xc8: {  	(tm) =	ssettm $0x7FFFFFFF  }
0xc9: {  	_ =	shalt  }
tec
execute0_lowered:
.L_overlay_start_1:
0x0: {  	(tag) =	ssettag $0x1  }
0x1: {  	s1 =	rddreg [dreg:$0x0]  }
0x2: {  	s0 =	rddreg [dreg:$0x1];
	s3 =	srdreg.scid  }
0x3: {  	s4 =	rddreg [dreg:$0x2];
	s8 =	stileid.u32;
	s7 =	sand.u32 $0x1, s3  }
0x4: {  	s5 =	rddreg [dreg:$0x3];
	s19 =	sshll.u32 s8, $0xA;
	s20 =	sshll.u32 s7, $0x9  }
0x5: {  	s6 =	rddreg [dreg:$0x4];
	s3 =	sor.u32 s20, s19  }
0x6: {  	s2 =	simm.s32 $0x0;
	s9 =	sadd.s32 $0x311400, s1;
	s11 =	sshrl.u32 s3, $0x3  }
0x7: {  	[smem:$0x7FF] =	sst s2;
	s20 =	sadd.s32 s9, s11  }
0x8: {  	_ =	strace $0x8000004A;
	s0 =	sadd.s32 s0, s11;
	[dreg:$0x15] =	wrdreg s20  }
0x9: {  	s14 =	sor.u32 $0x800, s11;
	s6 =	sadd.s32 s6, s11;
	[dreg:$0x1f] =	wrdreg s0  }
0xa: {  	s10 =	sadd.s32 $0x313C00, s1;
	s21 =	sadd.s32 s9, s14;
	[smem:$0x7FC] =	sst s6  }
0xb: {  	s12 =	sadd.s32 $0x318C00, s1;
	s22 =	sadd.s32 s10, s14;
	[dreg:$0x6] =	wrdreg s21  }
0xc: {  	s8 =	sadd.s32 $0x316400, s1;
	s23 =	sadd.s32 s12, s14;
	[dreg:$0x7] =	wrdreg s22  }
0xd: {  	s15 =	sadd.s32 $0x31B400, s1;
	s16 =	sadd.s32 s8, s14;
	[dreg:$0x8] =	wrdreg s23  }
0xe: {  	s24 =	sor.u32 $0x1000, s11;
	s14 =	sadd.s32 s15, s14;
	[dreg:$0x9] =	wrdreg s16  }
0xf: {  	s25 =	sadd.s32 s9, s24;
	[dreg:$0xa] =	wrdreg s14  }
0x10: {  	s7 =	ssub.s32 $0x2, s7;
	s26 =	sadd.s32 s10, s24;
	[dreg:$0xb] =	wrdreg s25  }
0x11: {  	s13 =	sshrl.u32 s7, $0x1;
	s28 =	sadd.s32 s12, s24;
	[dreg:$0xc] =	wrdreg s26  }
0x12: {  	s13 =	ssub.s32 s7, s13;
	s30 =	sadd.s32 s8, s24;
	[dreg:$0xd] =	wrdreg s28  }
0x13: {  	s29 =	sor.u32 $0x1800, s11;
	s7 =	sadd.s32 s15, s24;
	[dreg:$0xe] =	wrdreg s30  }
0x14: {  	s31 =	sadd.s32 s9, s29;
	[dreg:$0xf] =	wrdreg s7  }
0x15: {  	s17 =	sadd.s32 s12, s29;
	[dreg:$0x10] =	wrdreg s31  }
0x16: {  	s18 =	sadd.s32 s8, s29;
	[dreg:$0x12] =	wrdreg s17  }
0x17: {  	s19 =	sadd.s32 s15, s29;
	[dreg:$0x13] =	wrdreg s18  }
0x18: {  	s24 =	sadd.s32 s12, s11;
	[dreg:$0x14] =	wrdreg s19  }
0x19: {  	s16 =	sadd.s32 s10, s29;
	[dreg:$0x19] =	wrdreg s24  }
0x1a: {  	s22 =	sadd.s32 s10, s11;
	[dreg:$0x11] =	wrdreg s16  }
0x1b: {  	s0 =	sadd.s32 $0x6E2000, s1;
	s26 =	sadd.s32 s8, s11;
	[dreg:$0x17] =	wrdreg s22  }
0x1c: {  	s20 =	simm.s32 $0x1;
	s28 =	sadd.s32 s15, s11;
	[dreg:$0x1b] =	wrdreg s26  }
0x1d: {  	s6 =	simm.s32 $0x0;
	s29 =	sadd.s32 s4, s11;
	[dreg:$0x1e] =	wrdreg s28  }
0x1e: {  	s21 =	sor.u32 $0x2000, s11;
	s30 =	sadd.s32 s5, s11;
	[smem:$0x7FA] =	sst s29  }
0x1f: {  	s4 =	sadd.s32 $0x497E00, s1;
	s31 =	smax.u32 s13, $0x1;
	[smem:$0x7FB] =	sst s30  }
0x20: {  	s5 =	sadd.s32 $0x55B400, s1;
	s9 =	sadd.s32 s9, s21;
	[smem:$0x7FD] =	sst s31  }
0x21: {  	s11 =	simm.s32 $0x60;
	s23 =	sadd.s32 s10, s21;
	[dreg:$0x16] =	wrdreg s9  }
0x22: {  	s19 =	simm.s32 $0x8320;
	s25 =	sadd.s32 s12, s21;
	[dreg:$0x18] =	wrdreg s23  }
0x23: {  	s24 =	simm.s32 $0x8720;
	s8 =	sadd.s32 s8, s21;
	[dreg:$0x1a] =	wrdreg s25  }
0x24: {  	s7 =	sadd.s32 s15, s21;
	s10 =	simm.s32 $0x5;
	[dreg:$0x1c] =	wrdreg s8  }
0x25: {  	s21 =	simm.s32 $0x2;
	s22 =	simm.s32 $0x3;
	[dreg:$0x1d] =	wrdreg s7  }
0x26: {  	s7 =	sadd.s32 $0x61EA00, s1;
	s8 =	sadd.s32 $0x31DC00, s1;
	s23 =	simm.s32 $0x4  }
.LBB2_1:
0x27: {  	[smem:$0x7F9] =	sst s6  }
0x28: {  	s1 =	rddreg [dreg:$0x15]  }
0x29: {  	[tilespmem:s2], [sflag:$0x5] =	stream.linear.gather [hbm4b:s1+s2], $0x200, $0x38;
	[tilespmem:$0x9720] =	vst v63  }
0x2a: {  	_ =	swait.ge [sflag:s10], $0x200  }
0x2b: {  	[sflag:s10] =	ssyncset.done $0x0  }
0x2c: {  	s12 =	simm.s32 $0xA00;
	s9 =	rddreg [dreg:$0x17];
	[sflag:s10] =	ssyncadd.s32 $0xFFFFFE00  }
0x2d: {  	[tilespmem:s12], [sflag:$0x5] =	stream.linear.gather [hbm4b:s9+s2], $0x200, $0x38;
	[tilespmem:$0x9720] =	vst v63  }
0x2e: {  	_ =	swait.ge [sflag:s10], $0x200  }
0x2f: {  	[sflag:s10] =	ssyncset.done $0x0  }
0x30: {  	s14 =	simm.s32 $0x1400;
	s13 =	rddreg [dreg:$0x19];
	[sflag:s10] =	ssyncadd.s32 $0xFFFFFE00  }
0x31: {  	[tilespmem:s14], [sflag:$0x5] =	stream.linear.gather [hbm4b:s13+s2], $0x200, $0x38;
	[tilespmem:$0x9720] =	vst v63  }
0x32: {  	_ =	swait.ge [sflag:s10], $0x200  }
0x33: {  	[sflag:s10] =	ssyncset.done $0x0  }
0x34: {  	s16 =	simm.s32 $0x2600;
	s15 =	rddreg [dreg:$0x1b];
	[sflag:s10] =	ssyncadd.s32 $0xFFFFFE00  }
0x35: {  	[tilespmem:s16], [sflag:$0x5] =	stream.linear.gather [hbm4b:s15+s2], $0x200, $0x38;
	[tilespmem:$0x9720] =	vst v63  }
0x36: {  	_ =	swait.ge [sflag:s10], $0x200  }
0x37: {  	[sflag:s10] =	ssyncset.done $0x0  }
0x38: {  	s18 =	simm.s32 $0x3000;
	s17 =	rddreg [dreg:$0x1e];
	[sflag:s10] =	ssyncadd.s32 $0xFFFFFE00  }
0x39: {  	[tilespmem:s18], [sflag:$0x5] =	stream.linear.gather [hbm4b:s17+s2], $0x200, $0x38;
	[tilespmem:$0x9720] =	vst v63  }
0x3a: {  	_ =	swait.ge [sflag:s10], $0x200  }
0x3b: {  	[sflag:s10] =	ssyncset.done $0x0  }
0x3c: {  	s26 =	simm.s32 $0x200;
	s25 =	rddreg [dreg:$0x6];
	[sflag:s10] =	ssyncadd.s32 $0xFFFFFE00  }
0x3d: {  	[tilespmem:s26], [sflag:$0x5] =	stream.linear.gather [hbm4b:s25+s2], $0x200, $0x38;
	[tilespmem:$0x9720] =	vst v63  }
0x3e: {  	_ =	swait.ge [sflag:s10], $0x200  }
0x3f: {  	[sflag:s10] =	ssyncset.done $0x0  }
0x40: {  	s29 =	simm.s32 $0xC00;
	s28 =	rddreg [dreg:$0x7];
	[sflag:s10] =	ssyncadd.s32 $0xFFFFFE00  }
0x41: {  	[tilespmem:s29], [sflag:$0x5] =	stream.linear.gather [hbm4b:s28+s2], $0x200, $0x38;
	[tilespmem:$0x9720] =	vst v63  }
0x42: {  	_ =	swait.ge [sflag:s10], $0x200  }
0x43: {  	[sflag:s10] =	ssyncset.done $0x0  }
0x44: {  	s31 =	simm.s32 $0x1600;
	s30 =	rddreg [dreg:$0x8];
	[sflag:s10] =	ssyncadd.s32 $0xFFFFFE00  }
0x45: {  	[tilespmem:s31], [sflag:$0x5] =	stream.linear.gather [hbm4b:s30+s2], $0x200, $0x38;
	[tilespmem:$0x9720] =	vst v63  }
0x46: {  	_ =	swait.ge [sflag:s10], $0x200  }
0x47: {  	[sflag:s10] =	ssyncset.done $0x0  }
0x48: {  	s12 =	simm.s32 $0x2800;
	s9 =	rddreg [dreg:$0x9];
	[sflag:s10] =	ssyncadd.s32 $0xFFFFFE00  }
0x49: {  	[tilespmem:s12], [sflag:$0x5] =	stream.linear.gather [hbm4b:s9+s2], $0x200, $0x38;
	[tilespmem:$0x9720] =	vst v63  }
0x4a: {  	_ =	swait.ge [sflag:s10], $0x200  }
0x4b: {  	[sflag:s10] =	ssyncset.done $0x0  }
0x4c: {  	s14 =	simm.s32 $0x3200;
	s13 =	rddreg [dreg:$0xa];
	[sflag:s10] =	ssyncadd.s32 $0xFFFFFE00  }
0x4d: {  	[tilespmem:s14], [sflag:$0x5] =	stream.linear.gather [hbm4b:s13+s2], $0x200, $0x38;
	[tilespmem:$0x9720] =	vst v63  }
0x4e: {  	_ =	swait.ge [sflag:s10], $0x200  }
0x4f: {  	[sflag:s10] =	ssyncset.done $0x0  }
0x50: {  	s16 =	simm.s32 $0x400;
	s15 =	rddreg [dreg:$0xb];
	[sflag:s10] =	ssyncadd.s32 $0xFFFFFE00  }
0x51: {  	[tilespmem:s16], [sflag:$0x5] =	stream.linear.gather [hbm4b:s15+s2], $0x200, $0x38;
	[tilespmem:$0x9720] =	vst v63  }
0x52: {  	_ =	swait.ge [sflag:s10], $0x200  }
0x53: {  	[sflag:s10] =	ssyncset.done $0x0  }
0x54: {  	s18 =	simm.s32 $0xE00;
	s17 =	rddreg [dreg:$0xc];
	[sflag:s10] =	ssyncadd.s32 $0xFFFFFE00  }
0x55: {  	[tilespmem:s18], [sflag:$0x5] =	stream.linear.gather [hbm4b:s17+s2], $0x200, $0x38;
	[tilespmem:$0x9720] =	vst v63  }
0x56: {  	_ =	swait.ge [sflag:s10], $0x200  }
0x57: {  	[sflag:s10] =	ssyncset.done $0x0  }
0x58: {  	s26 =	simm.s32 $0x1800;
	s25 =	rddreg [dreg:$0xd];
	[sflag:s10] =	ssyncadd.s32 $0xFFFFFE00  }
0x59: {  	[tilespmem:s26], [sflag:$0x5] =	stream.linear.gather [hbm4b:s25+s2], $0x200, $0x38;
	[tilespmem:$0x9720] =	vst v63  }
0x5a: {  	_ =	swait.ge [sflag:s10], $0x200  }
0x5b: {  	[sflag:s10] =	ssyncset.done $0x0  }
0x5c: {  	s29 =	simm.s32 $0x2A00;
	s28 =	rddreg [dreg:$0xe];
	[sflag:s10] =	ssyncadd.s32 $0xFFFFFE00  }
0x5d: {  	[tilespmem:s29], [sflag:$0x5] =	stream.linear.gather [hbm4b:s28+s2], $0x200, $0x38;
	[tilespmem:$0x9720] =	vst v63  }
0x5e: {  	_ =	swait.ge [sflag:s10], $0x200  }
0x5f: {  	[sflag:s10] =	ssyncset.done $0x0  }
0x60: {  	s31 =	simm.s32 $0x3400;
	s30 =	rddreg [dreg:$0xf];
	[sflag:s10] =	ssyncadd.s32 $0xFFFFFE00  }
0x61: {  	[tilespmem:s31], [sflag:$0x5] =	stream.linear.gather [hbm4b:s30+s2], $0x200, $0x38;
	[tilespmem:$0x9720] =	vst v63  }
0x62: {  	_ =	swait.ge [sflag:s10], $0x200  }
0x63: {  	[sflag:s10] =	ssyncset.done $0x0  }
0x64: {  	s12 =	simm.s32 $0x600;
	s9 =	rddreg [dreg:$0x10];
	[sflag:s10] =	ssyncadd.s32 $0xFFFFFE00  }
0x65: {  	[tilespmem:s12], [sflag:$0x5] =	stream.linear.gather [hbm4b:s9+s2], $0x200, $0x38;
	[tilespmem:$0x9720] =	vst v63  }
0x66: {  	_ =	swait.ge [sflag:s10], $0x200  }
0x67: {  	[sflag:s10] =	ssyncset.done $0x0  }
0x68: {  	s14 =	simm.s32 $0x1000;
	s13 =	rddreg [dreg:$0x11];
	[sflag:s10] =	ssyncadd.s32 $0xFFFFFE00  }
0x69: {  	[tilespmem:s14], [sflag:$0x5] =	stream.linear.gather [hbm4b:s13+s2], $0x200, $0x38;
	[tilespmem:$0x9720] =	vst v63  }
0x6a: {  	_ =	swait.ge [sflag:s10], $0x200  }
0x6b: {  	[sflag:s10] =	ssyncset.done $0x0  }
0x6c: {  	s16 =	simm.s32 $0x1A00;
	s15 =	rddreg [dreg:$0x12];
	[sflag:s10] =	ssyncadd.s32 $0xFFFFFE00  }
0x6d: {  	[tilespmem:s16], [sflag:$0x5] =	stream.linear.gather [hbm4b:s15+s2], $0x200, $0x38;
	[tilespmem:$0x9720] =	vst v63  }
0x6e: {  	_ =	swait.ge [sflag:s10], $0x200  }
0x6f: {  	[sflag:s10] =	ssyncset.done $0x0  }
0x70: {  	s18 =	simm.s32 $0x2C00;
	s17 =	rddreg [dreg:$0x13];
	[sflag:s10] =	ssyncadd.s32 $0xFFFFFE00  }
0x71: {  	[tilespmem:s18], [sflag:$0x5] =	stream.linear.gather [hbm4b:s17+s2], $0x200, $0x38;
	[tilespmem:$0x9720] =	vst v63  }
0x72: {  	_ =	swait.ge [sflag:s10], $0x200  }
0x73: {  	[sflag:s10] =	ssyncset.done $0x0  }
0x74: {  	s26 =	simm.s32 $0x3600;
	s25 =	rddreg [dreg:$0x14];
	[sflag:s10] =	ssyncadd.s32 $0xFFFFFE00  }
0x75: {  	[tilespmem:s26], [sflag:$0x5] =	stream.linear.gather [hbm4b:s25+s2], $0x200, $0x38;
	[tilespmem:$0x9720] =	vst v63  }
0x76: {  	_ =	swait.ge [sflag:s10], $0x200  }
0x77: {  	[sflag:s10] =	ssyncset.done $0x0  }
0x78: {  	s29 =	simm.s32 $0x800;
	s28 =	rddreg [dreg:$0x16];
	[sflag:s10] =	ssyncadd.s32 $0xFFFFFE00  }
0x79: {  	[tilespmem:s29], [sflag:$0x5] =	stream.linear.gather [hbm4b:s28+s2], $0x200, $0x38;
	[tilespmem:$0x9720] =	vst v63  }
0x7a: {  	_ =	swait.ge [sflag:s10], $0x200  }
0x7b: {  	[sflag:s10] =	ssyncset.done $0x0  }
0x7c: {  	s31 =	simm.s32 $0x1200;
	s30 =	rddreg [dreg:$0x18];
	[sflag:s10] =	ssyncadd.s32 $0xFFFFFE00  }
0x7d: {  	[tilespmem:s31], [sflag:$0x5] =	stream.linear.gather [hbm4b:s30+s2], $0x200, $0x38;
	[tilespmem:$0x9720] =	vst v63  }
0x7e: {  	_ =	swait.ge [sflag:s10], $0x200  }
0x7f: {  	[sflag:s10] =	ssyncset.done $0x0  }
0x80: {  	s12 =	simm.s32 $0x1C00;
	s9 =	rddreg [dreg:$0x1a];
	[sflag:s10] =	ssyncadd.s32 $0xFFFFFE00  }
0x81: {  	[tilespmem:s12], [sflag:$0x5] =	stream.linear.gather [hbm4b:s9+s2], $0x200, $0x38;
	[tilespmem:$0x9720] =	vst v63  }
0x82: {  	_ =	swait.ge [sflag:s10], $0x200  }
0x83: {  	[sflag:s10] =	ssyncset.done $0x0  }
0x84: {  	s14 =	simm.s32 $0x2E00;
	s13 =	rddreg [dreg:$0x1c];
	[sflag:s10] =	ssyncadd.s32 $0xFFFFFE00  }
0x85: {  	[tilespmem:s14], [sflag:$0x5] =	stream.linear.gather [hbm4b:s13+s2], $0x200, $0x38;
	[tilespmem:$0x9720] =	vst v63  }
0x86: {  	_ =	swait.ge [sflag:s10], $0x200  }
0x87: {  	[sflag:s10] =	ssyncset.done $0x0  }
0x88: {  	s16 =	simm.s32 $0x3800;
	s15 =	rddreg [dreg:$0x1d];
	[sflag:s10] =	ssyncadd.s32 $0xFFFFFE00  }
0x89: {  	[tilespmem:s16], [sflag:$0x5] =	stream.linear.gather [hbm4b:s15+s2], $0x200, $0x38;
	[tilespmem:$0x9720] =	vst v63  }
0x8a: {  	_ =	swait.ge [sflag:s10], $0x200  }
0x8b: {  	[sflag:s10] =	ssyncset.done $0x0  }
0x8c: {  	s18 =	simm.s32 $0x1E00;
	s17 =	rddreg [dreg:$0x1f];
	[sflag:s10] =	ssyncadd.s32 $0xFFFFFE00  }
0x8d: {  	[tilespmem:s18], [sflag:$0x5] =	stream.linear.gather [hbm4b:s17+s2], $0x200, $0x38;
	[tilespmem:$0x9720] =	vst v63  }
0x8e: {  	_ =	swait.ge [sflag:s10], $0x200  }
0x8f: {  	s25 =	sld [smem:$0x7FA]  }
0x90: {  	[sflag:s10] =	ssyncset.done $0x0  }
0x91: {  	s26 =	simm.s32 $0x2000;
	[sflag:s10] =	ssyncadd.s32 $0xFFFFFE00  }
0x92: {  	[tilespmem:s26], [sflag:$0x5] =	stream.linear.gather [hbm4b:s25+s2], $0x200, $0x38;
	[tilespmem:$0x9720] =	vst v63  }
0x93: {  	_ =	swait.ge [sflag:s10], $0x200  }
0x94: {  	s28 =	sld [smem:$0x7FB]  }
0x95: {  	[sflag:s10] =	ssyncset.done $0x0  }
0x96: {  	s29 =	simm.s32 $0x2200;
	[sflag:s10] =	ssyncadd.s32 $0xFFFFFE00  }
0x97: {  	[tilespmem:s29], [sflag:$0x5] =	stream.linear.gather [hbm4b:s28+s2], $0x200, $0x38;
	[tilespmem:$0x9720] =	vst v63  }
0x98: {  	_ =	swait.ge [sflag:s10], $0x200  }
0x99: {  	s30 =	sld [smem:$0x7FC]  }
0x9a: {  	[sflag:s10] =	ssyncset.done $0x0  }
0x9b: {  	s31 =	simm.s32 $0x2400;
	[sflag:s10] =	ssyncadd.s32 $0xFFFFFE00  }
0x9c: {  	[tilespmem:s31], [sflag:$0x5] =	stream.linear.gather [hbm4b:s30+s2], $0x200, $0x38;
	[tilespmem:$0x9720] =	vst v63  }
0x9d: {  	_ =	swait.ge [sflag:s10], $0x200  }
0x9e: {  	[sflag:s10] =	ssyncset.done $0x0  }
0x9f: {  	s26 =	simm.s32 $0x0;
	[sflag:s10] =	ssyncadd.s32 $0xFFFFFE00  }
.LBB2_2:
0xa0: {  	s28 =	sshll.u32 s26, $0x4  }
0xa1: {  	v0 =	vld [tilespmem:s28+$0x0];
	_ =	sdelay $0x4  }
0xa2: {  	[tilespmem:$0x3A00] =	vst v0  }
0xa3: {  	v0 =	vld [tilespmem:s28+$0xA00];
	_ =	sdelay $0x4  }
0xa4: {  	[tilespmem:$0x3A60] =	vst v0  }
0xa5: {  	v0 =	vld [tilespmem:s28+$0x1400];
	_ =	sdelay $0x4  }
0xa6: {  	s1 =	sor.u32 $0x200, s28;
	[tilespmem:$0x3AC0] =	vst v0  }
0xa7: {  	v0 =	vld [tilespmem:s1+$0x0];
	_ =	sdelay $0x4  }
0xa8: {  	[tilespmem:$0x3A10] =	vst v0  }
0xa9: {  	v0 =	vld [tilespmem:s28+$0xC00];
	_ =	sdelay $0x4  }
0xaa: {  	[tilespmem:$0x3A70] =	vst v0  }
0xab: {  	v0 =	vld [tilespmem:s28+$0x1600];
	_ =	sdelay $0x4  }
0xac: {  	s30 =	sor.u32 $0x400, s28;
	[tilespmem:$0x3AD0] =	vst v0  }
0xad: {  	v0 =	vld [tilespmem:s30+$0x0];
	_ =	sdelay $0x4  }
0xae: {  	[tilespmem:$0x3A20] =	vst v0  }
0xaf: {  	v0 =	vld [tilespmem:s28+$0xE00];
	_ =	sdelay $0x4  }
0xb0: {  	[tilespmem:$0x3A80] =	vst v0  }
0xb1: {  	v0 =	vld [tilespmem:s28+$0x1800];
	_ =	sdelay $0x4  }
0xb2: {  	s31 =	sor.u32 $0x600, s28;
	[tilespmem:$0x3AE0] =	vst v0  }
0xb3: {  	v0 =	vld [tilespmem:s31+$0x0];
	_ =	sdelay $0x4  }
0xb4: {  	[tilespmem:$0x3A30] =	vst v0  }
0xb5: {  	v0 =	vld [tilespmem:s28+$0x1000];
	_ =	sdelay $0x4  }
0xb6: {  	[tilespmem:$0x3A90] =	vst v0  }
0xb7: {  	v0 =	vld [tilespmem:s28+$0x1A00];
	_ =	sdelay $0x4  }
0xb8: {  	s6 =	sor.u32 $0x800, s28;
	[tilespmem:$0x3AF0] =	vst v0  }
0xb9: {  	v0 =	vld [tilespmem:s6+$0x0];
	_ =	sdelay $0x4  }
0xba: {  	[tilespmem:$0x3A40] =	vst v0  }
0xbb: {  	v0 =	vld [tilespmem:s28+$0x1200];
	_ =	sdelay $0x4  }
0xbc: {  	[tilespmem:$0x3AA0] =	vst v0  }
0xbd: {  	v0 =	vld [tilespmem:s28+$0x1C00];
	_ =	sdelay $0x4  }
0xbe: {  	[tilespmem:$0x3B00] =	vst v0  }
0xbf: {  	v0 =	vld [tilespmem:s28+$0x1E00];
	_ =	sdelay $0x4  }
0xc0: {  	[tilespmem:$0x3A50] =	vst v0  }
0xc1: {  	v0 =	vld [tilespmem:s28+$0x2000];
	_ =	sdelay $0x4  }
0xc2: {  	[tilespmem:$0x3AB0] =	vst v0  }
0xc3: {  	v0 =	vld [tilespmem:s28+$0x2200];
	_ =	sdelay $0x4  }
0xc4: {  	s9 =	simm.s32 $0x3A00;
	s6 =	simm.s32 $0x3B20;
	[tilespmem:$0x3B10] =	vst v0  }
0xc5: {  	[tilespmem:s6], [sflag:$0x1] =	stream.indirect.gather [hbm4b:s0+s11], $0x40, s9, s11, $0xb8;
	[tilespmem:$0x9720] =	vst v63  }
0xc6: {  	s12 =	simm.s32 $0x3A60;
	s13 =	simm.s32 $0x5320  }
0xc7: {  	[tilespmem:s13], [sflag:$0x2] =	stream.indirect.gather [hbm4b:s4+s11], $0x40, s12, s11, $0xb8;
	[tilespmem:$0x9720] =	vst v63  }
0xc8: {  	s14 =	simm.s32 $0x3AC0;
	s15 =	simm.s32 $0x6B20  }
0xc9: {  	[tilespmem:s15], [sflag:$0x3] =	stream.indirect.gather [hbm4b:s5+s11], $0x40, s14, s11, $0xb8;
	[tilespmem:$0x9720] =	vst v63  }
0xca: {  	s17 =	simm.s32 $0x10;
	s16 =	sadd.s32 $0x2400, s28  }
0xcb: {  	[tilespmem:s19], [sflag:$0x4] =	stream.indirect.gather [hbm4b:s7+s17], $0x40, s16, s17, $0xb8;
	[tilespmem:$0x9720] =	vst v63  }
0xcc: {  	_ =	swait.ge [sflag:s20], $0x1800  }
0xcd: {  	[sflag:s20] =	ssyncset.done $0x0  }
0xce: {  	[sflag:s20] =	ssyncadd.s32 $0xFFFFE800  }
0xcf: {  	_ =	swait.ge [sflag:s21], $0x1800  }
0xd0: {  	[sflag:s21] =	ssyncset.done $0x0  }
0xd1: {  	[sflag:s21] =	ssyncadd.s32 $0xFFFFE800  }
0xd2: {  	_ =	swait.ge [sflag:s22], $0x1800  }
0xd3: {  	[sflag:s22] =	ssyncset.done $0x0  }
0xd4: {  	[sflag:s22] =	ssyncadd.s32 $0xFFFFE800  }
0xd5: {  	_ =	swait.ge [sflag:s23], $0x400  }
0xd6: {  	[sflag:s23] =	ssyncset.done $0x0  }
0xd7: {  	[sflag:s23] =	ssyncadd.s32 $0xFFFFFC00  }
0xd8: {  	v9 =	vld [tilespmem:s28+$0x2600]  }
0xd9: {  	v8 =	vld [tilespmem:s28+$0x3000]  }
0xda: {  	v7 =	vld [tilespmem:s28+$0x2800]  }
0xdb: {  	v6 =	vld [tilespmem:s28+$0x3200]  }
0xdc: {  	v5 =	vld [tilespmem:s28+$0x2A00]  }
0xdd: {  	v4 =	vld [tilespmem:s28+$0x3400];
	(v2sf) =	vpush v9, $0x0  }
0xde: {  	v3 =	vld [tilespmem:s28+$0x2C00];
	(v2sf) =	vpush v8, $0x0  }
0xdf: {  	v2 =	vld [tilespmem:s28+$0x3600];
	(v2sf) =	vpush v7, $0x0  }
0xe0: {  	v1 =	vld [tilespmem:s28+$0x2E00];
	(v2sf) =	vpush v6, $0x0  }
0xe1: {  	v63 =	vld [tilespmem:s28+$0x3800];
	(v2sf) =	vpush v5, $0x0  }
0xe2: {  	(v2sf) =	vpush v4, $0x0  }
0xe3: {  	(v2sf) =	vpush v3, $0x0  }
0xe4: {  	(v2sf) =	vpush v2, $0x0  }
0xe5: {  	(v2sf) =	vpush v1, $0x0  }
0xe6: {  	(v2sf) =	vpush v63, $0x0  }
0xe7: {  	(v2sf) =	vpush v9, $0x1  }
0xe8: {  	(v2sf) =	vpush v8, $0x1  }
0xe9: {  	(v2sf) =	vpush v7, $0x1  }
0xea: {  	(v2sf) =	vpush v6, $0x1  }
0xeb: {  	(v2sf) =	vpush v5, $0x1  }
0xec: {  	s18 =	spop (v2sf);
	(v2sf) =	vpush v4, $0x1  }
0xed: {  	[smem:$0x0] =	sst s18;
	s25 =	spop (v2sf);
	(v2sf) =	vpush v3, $0x1  }
0xee: {  	[smem:$0x5] =	sst s25;
	s30 =	spop (v2sf);
	(v2sf) =	vpush v2, $0x1  }
0xef: {  	[smem:$0x1] =	sst s30;
	s31 =	spop (v2sf);
	(v2sf) =	vpush v1, $0x1  }
0xf0: {  	[smem:$0x6] =	sst s31;
	s6 =	spop (v2sf);
	(v2sf) =	vpush v63, $0x1  }
0xf1: {  	[smem:$0x2] =	sst s6;
	s9 =	spop (v2sf);
	(v2sf) =	vpush v9, $0x2  }
0xf2: {  	[smem:$0x7] =	sst s9;
	s12 =	spop (v2sf);
	(v2sf) =	vpush v8, $0x2  }
0xf3: {  	[smem:$0x3] =	sst s12;
	s13 =	spop (v2sf);
	(v2sf) =	vpush v7, $0x2  }
0xf4: {  	[smem:$0x8] =	sst s13;
	s14 =	spop (v2sf);
	(v2sf) =	vpush v6, $0x2  }
0xf5: {  	[smem:$0x4] =	sst s14;
	s15 =	spop (v2sf);
	(v2sf) =	vpush v5, $0x2  }
0xf6: {  	[smem:$0x9] =	sst s15;
	s16 =	spop (v2sf);
	(v2sf) =	vpush v4, $0x2  }
0xf7: {  	[smem:$0xA] =	sst s16;
	s17 =	spop (v2sf);
	(v2sf) =	vpush v3, $0x2  }
0xf8: {  	[smem:$0xF] =	sst s17;
	s18 =	spop (v2sf);
	(v2sf) =	vpush v2, $0x2  }
0xf9: {  	[smem:$0xB] =	sst s18;
	s25 =	spop (v2sf);
	(v2sf) =	vpush v1, $0x2  }
0xfa: {  	[smem:$0x10] =	sst s25;
	s30 =	spop (v2sf);
	(v2sf) =	vpush v63, $0x2  }
0xfb: {  	[smem:$0xC] =	sst s30;
	s31 =	spop (v2sf);
	(v2sf) =	vpush v9, $0x3  }
0xfc: {  	[smem:$0x11] =	sst s31;
	s6 =	spop (v2sf);
	(v2sf) =	vpush v8, $0x3  }
0xfd: {  	[smem:$0xD] =	sst s6;
	s9 =	spop (v2sf);
	(v2sf) =	vpush v7, $0x3  }
0xfe: {  	[smem:$0x12] =	sst s9;
	s12 =	spop (v2sf);
	(v2sf) =	vpush v6, $0x3  }
0xff: {  	[smem:$0xE] =	sst s12;
	s13 =	spop (v2sf);
	(v2sf) =	vpush v5, $0x3  }
0x100: {  	[smem:$0x13] =	sst s13;
	s14 =	spop (v2sf);
	(v2sf) =	vpush v4, $0x3  }
0x101: {  	[smem:$0x14] =	sst s14;
	s15 =	spop (v2sf);
	(v2sf) =	vpush v3, $0x3  }
0x102: {  	[smem:$0x19] =	sst s15;
	s16 =	spop (v2sf);
	(v2sf) =	vpush v2, $0x3  }
0x103: {  	[smem:$0x15] =	sst s16;
	s17 =	spop (v2sf);
	(v2sf) =	vpush v1, $0x3  }
0x104: {  	[smem:$0x1A] =	sst s17;
	s18 =	spop (v2sf);
	(v2sf) =	vpush v63, $0x3  }
0x105: {  	[smem:$0x16] =	sst s18;
	s25 =	spop (v2sf);
	(v2sf) =	vpush v9, $0x4  }
0x106: {  	[smem:$0x1B] =	sst s25;
	s30 =	spop (v2sf);
	(v2sf) =	vpush v8, $0x4  }
0x107: {  	[smem:$0x17] =	sst s30;
	s31 =	spop (v2sf);
	(v2sf) =	vpush v7, $0x4  }
0x108: {  	[smem:$0x1C] =	sst s31;
	s6 =	spop (v2sf);
	(v2sf) =	vpush v6, $0x4  }
0x109: {  	[smem:$0x18] =	sst s6;
	s9 =	spop (v2sf);
	(v2sf) =	vpush v5, $0x4  }
0x10a: {  	[smem:$0x1D] =	sst s9;
	s12 =	spop (v2sf);
	(v2sf) =	vpush v4, $0x4  }
0x10b: {  	[smem:$0x1E] =	sst s12;
	s13 =	spop (v2sf);
	(v2sf) =	vpush v3, $0x4  }
0x10c: {  	[smem:$0x23] =	sst s13;
	s14 =	spop (v2sf);
	(v2sf) =	vpush v2, $0x4  }
0x10d: {  	[smem:$0x1F] =	sst s14;
	s15 =	spop (v2sf);
	(v2sf) =	vpush v1, $0x4  }
0x10e: {  	[smem:$0x24] =	sst s15;
	s16 =	spop (v2sf);
	(v2sf) =	vpush v63, $0x4  }
0x10f: {  	[smem:$0x20] =	sst s16;
	s17 =	spop (v2sf);
	(v2sf) =	vpush v9, $0x5  }
0x110: {  	[smem:$0x25] =	sst s17;
	s18 =	spop (v2sf);
	(v2sf) =	vpush v8, $0x5  }
0x111: {  	[smem:$0x21] =	sst s18;
	s25 =	spop (v2sf);
	(v2sf) =	vpush v7, $0x5  }
0x112: {  	[smem:$0x26] =	sst s25;
	s30 =	spop (v2sf);
	(v2sf) =	vpush v6, $0x5  }
0x113: {  	[smem:$0x22] =	sst s30;
	s31 =	spop (v2sf);
	(v2sf) =	vpush v5, $0x5  }
0x114: {  	[smem:$0x27] =	sst s31;
	s6 =	spop (v2sf);
	(v2sf) =	vpush v4, $0x5  }
0x115: {  	[smem:$0x28] =	sst s6;
	s9 =	spop (v2sf);
	(v2sf) =	vpush v3, $0x5  }
0x116: {  	[smem:$0x2D] =	sst s9;
	s12 =	spop (v2sf);
	(v2sf) =	vpush v2, $0x5  }
0x117: {  	[smem:$0x29] =	sst s12;
	s13 =	spop (v2sf);
	(v2sf) =	vpush v1, $0x5  }
0x118: {  	[smem:$0x2E] =	sst s13;
	s14 =	spop (v2sf);
	(v2sf) =	vpush v63, $0x5  }
0x119: {  	[smem:$0x2A] =	sst s14;
	s15 =	spop (v2sf);
	(v2sf) =	vpush v9, $0x6  }
0x11a: {  	[smem:$0x2F] =	sst s15;
	s16 =	spop (v2sf);
	(v2sf) =	vpush v8, $0x6  }
0x11b: {  	[smem:$0x2B] =	sst s16;
	s17 =	spop (v2sf);
	(v2sf) =	vpush v7, $0x6  }
0x11c: {  	[smem:$0x30] =	sst s17;
	s18 =	spop (v2sf);
	(v2sf) =	vpush v6, $0x6  }
0x11d: {  	[smem:$0x2C] =	sst s18;
	s25 =	spop (v2sf);
	(v2sf) =	vpush v5, $0x6  }
0x11e: {  	[smem:$0x31] =	sst s25;
	s30 =	spop (v2sf);
	(v2sf) =	vpush v4, $0x6  }
0x11f: {  	[smem:$0x32] =	sst s30;
	s31 =	spop (v2sf);
	(v2sf) =	vpush v3, $0x6  }
0x120: {  	[smem:$0x37] =	sst s31;
	s6 =	spop (v2sf);
	(v2sf) =	vpush v2, $0x6  }
0x121: {  	[smem:$0x33] =	sst s6;
	s9 =	spop (v2sf);
	(v2sf) =	vpush v1, $0x6  }
0x122: {  	[smem:$0x38] =	sst s9;
	s12 =	spop (v2sf);
	(v2sf) =	vpush v63, $0x6  }
0x123: {  	[smem:$0x34] =	sst s12;
	s13 =	spop (v2sf);
	(v2sf) =	vpush v9, $0x7  }
0x124: {  	[smem:$0x39] =	sst s13;
	s14 =	spop (v2sf);
	(v2sf) =	vpush v8, $0x7  }
0x125: {  	[smem:$0x35] =	sst s14;
	s15 =	spop (v2sf);
	(v2sf) =	vpush v7, $0x7  }
0x126: {  	[smem:$0x3A] =	sst s15;
	s16 =	spop (v2sf);
	(v2sf) =	vpush v6, $0x7  }
0x127: {  	[smem:$0x36] =	sst s16;
	s17 =	spop (v2sf);
	(v2sf) =	vpush v5, $0x7  }
0x128: {  	[smem:$0x3B] =	sst s17;
	s18 =	spop (v2sf);
	(v2sf) =	vpush v4, $0x7  }
0x129: {  	[smem:$0x3C] =	sst s18;
	s25 =	spop (v2sf);
	(v2sf) =	vpush v3, $0x7  }
0x12a: {  	[smem:$0x41] =	sst s25;
	s30 =	spop (v2sf);
	(v2sf) =	vpush v2, $0x7  }
0x12b: {  	[smem:$0x3D] =	sst s30;
	s31 =	spop (v2sf);
	(v2sf) =	vpush v1, $0x7  }
0x12c: {  	[smem:$0x42] =	sst s31;
	s6 =	spop (v2sf);
	(v2sf) =	vpush v63, $0x7  }
0x12d: {  	[smem:$0x3E] =	sst s6;
	s9 =	spop (v2sf);
	(v2sf) =	vpush v9, $0x8  }
0x12e: {  	[smem:$0x43] =	sst s9;
	s12 =	spop (v2sf);
	(v2sf) =	vpush v8, $0x8  }
0x12f: {  	[smem:$0x3F] =	sst s12;
	s13 =	spop (v2sf);
	(v2sf) =	vpush v7, $0x8  }
0x130: {  	[smem:$0x44] =	sst s13;
	s14 =	spop (v2sf);
	(v2sf) =	vpush v6, $0x8  }
0x131: {  	[smem:$0x40] =	sst s14;
	s15 =	spop (v2sf);
	(v2sf) =	vpush v5, $0x8  }
0x132: {  	[smem:$0x45] =	sst s15;
	s16 =	spop (v2sf);
	(v2sf) =	vpush v4, $0x8  }
0x133: {  	[smem:$0x46] =	sst s16;
	s17 =	spop (v2sf);
	(v2sf) =	vpush v3, $0x8  }
0x134: {  	[smem:$0x4B] =	sst s17;
	s18 =	spop (v2sf);
	(v2sf) =	vpush v2, $0x8  }
0x135: {  	[smem:$0x47] =	sst s18;
	s25 =	spop (v2sf);
	(v2sf) =	vpush v1, $0x8  }
0x136: {  	[smem:$0x4C] =	sst s25;
	s30 =	spop (v2sf);
	(v2sf) =	vpush v63, $0x8  }
0x137: {  	[smem:$0x48] =	sst s30;
	s31 =	spop (v2sf);
	(v2sf) =	vpush v9, $0x9  }
0x138: {  	[smem:$0x4D] =	sst s31;
	s6 =	spop (v2sf);
	(v2sf) =	vpush v8, $0x9  }
0x139: {  	[smem:$0x49] =	sst s6;
	s9 =	spop (v2sf);
	(v2sf) =	vpush v7, $0x9  }
0x13a: {  	[smem:$0x4E] =	sst s9;
	s12 =	spop (v2sf);
	(v2sf) =	vpush v6, $0x9  }
0x13b: {  	[smem:$0x4A] =	sst s12;
	s13 =	spop (v2sf);
	(v2sf) =	vpush v5, $0x9  }
0x13c: {  	[smem:$0x4F] =	sst s13;
	s14 =	spop (v2sf);
	(v2sf) =	vpush v4, $0x9  }
0x13d: {  	[smem:$0x50] =	sst s14;
	s15 =	spop (v2sf);
	(v2sf) =	vpush v3, $0x9  }
0x13e: {  	[smem:$0x55] =	sst s15;
	s16 =	spop (v2sf);
	(v2sf) =	vpush v2, $0x9  }
0x13f: {  	[smem:$0x51] =	sst s16;
	s17 =	spop (v2sf);
	(v2sf) =	vpush v1, $0x9  }
0x140: {  	[smem:$0x56] =	sst s17;
	s18 =	spop (v2sf);
	(v2sf) =	vpush v63, $0x9  }
0x141: {  	[smem:$0x52] =	sst s18;
	s25 =	spop (v2sf);
	(v2sf) =	vpush v9, $0xA  }
0x142: {  	[smem:$0x57] =	sst s25;
	s30 =	spop (v2sf);
	(v2sf) =	vpush v8, $0xA  }
0x143: {  	[smem:$0x53] =	sst s30;
	s31 =	spop (v2sf);
	(v2sf) =	vpush v7, $0xA  }
0x144: {  	[smem:$0x58] =	sst s31;
	s6 =	spop (v2sf);
	(v2sf) =	vpush v6, $0xA  }
0x145: {  	[smem:$0x54] =	sst s6;
	s9 =	spop (v2sf);
	(v2sf) =	vpush v5, $0xA  }
0x146: {  	[smem:$0x59] =	sst s9;
	s12 =	spop (v2sf);
	(v2sf) =	vpush v4, $0xA  }
0x147: {  	[smem:$0x5A] =	sst s12;
	s13 =	spop (v2sf);
	(v2sf) =	vpush v3, $0xA  }
0x148: {  	[smem:$0x5F] =	sst s13;
	s14 =	spop (v2sf);
	(v2sf) =	vpush v2, $0xA  }
0x149: {  	[smem:$0x5B] =	sst s14;
	s15 =	spop (v2sf);
	(v2sf) =	vpush v1, $0xA  }
0x14a: {  	[smem:$0x60] =	sst s15;
	s16 =	spop (v2sf);
	(v2sf) =	vpush v63, $0xA  }
0x14b: {  	[smem:$0x5C] =	sst s16;
	s17 =	spop (v2sf);
	(v2sf) =	vpush v9, $0xB  }
0x14c: {  	[smem:$0x61] =	sst s17;
	s18 =	spop (v2sf);
	(v2sf) =	vpush v8, $0xB  }
0x14d: {  	[smem:$0x5D] =	sst s18;
	s25 =	spop (v2sf);
	(v2sf) =	vpush v7, $0xB  }
0x14e: {  	[smem:$0x62] =	sst s25;
	s30 =	spop (v2sf);
	(v2sf) =	vpush v6, $0xB  }
0x14f: {  	[smem:$0x5E] =	sst s30;
	s31 =	spop (v2sf);
	(v2sf) =	vpush v5, $0xB  }
0x150: {  	[smem:$0x63] =	sst s31;
	s6 =	spop (v2sf);
	(v2sf) =	vpush v4, $0xB  }
0x151: {  	[smem:$0x64] =	sst s6;
	s9 =	spop (v2sf);
	(v2sf) =	vpush v3, $0xB  }
0x152: {  	[smem:$0x69] =	sst s9;
	s12 =	spop (v2sf);
	(v2sf) =	vpush v2, $0xB  }
0x153: {  	[smem:$0x65] =	sst s12;
	s13 =	spop (v2sf);
	(v2sf) =	vpush v1, $0xB  }
0x154: {  	[smem:$0x6A] =	sst s13;
	s14 =	spop (v2sf);
	(v2sf) =	vpush v63, $0xB  }
0x155: {  	[smem:$0x66] =	sst s14;
	s15 =	spop (v2sf);
	(v2sf) =	vpush v9, $0xC  }
0x156: {  	[smem:$0x6B] =	sst s15;
	s16 =	spop (v2sf);
	(v2sf) =	vpush v8, $0xC  }
0x157: {  	[smem:$0x67] =	sst s16;
	s17 =	spop (v2sf);
	(v2sf) =	vpush v7, $0xC  }
0x158: {  	[smem:$0x6C] =	sst s17;
	s18 =	spop (v2sf);
	(v2sf) =	vpush v6, $0xC  }
0x159: {  	[smem:$0x68] =	sst s18;
	s25 =	spop (v2sf);
	(v2sf) =	vpush v5, $0xC  }
0x15a: {  	[smem:$0x6D] =	sst s25;
	s30 =	spop (v2sf);
	(v2sf) =	vpush v4, $0xC  }
0x15b: {  	[smem:$0x6E] =	sst s30;
	s31 =	spop (v2sf);
	(v2sf) =	vpush v3, $0xC  }
0x15c: {  	[smem:$0x73] =	sst s31;
	s6 =	spop (v2sf);
	(v2sf) =	vpush v2, $0xC  }
0x15d: {  	[smem:$0x6F] =	sst s6;
	s9 =	spop (v2sf);
	(v2sf) =	vpush v1, $0xC  }
0x15e: {  	[smem:$0x74] =	sst s9;
	s12 =	spop (v2sf);
	(v2sf) =	vpush v63, $0xC  }
0x15f: {  	[smem:$0x70] =	sst s12;
	s13 =	spop (v2sf);
	(v2sf) =	vpush v9, $0xD  }
0x160: {  	[smem:$0x75] =	sst s13;
	s14 =	spop (v2sf);
	(v2sf) =	vpush v8, $0xD  }
0x161: {  	[smem:$0x71] =	sst s14;
	s15 =	spop (v2sf);
	(v2sf) =	vpush v7, $0xD  }
0x162: {  	[smem:$0x76] =	sst s15;
	s16 =	spop (v2sf);
	(v2sf) =	vpush v6, $0xD  }
0x163: {  	[smem:$0x72] =	sst s16;
	s17 =	spop (v2sf);
	(v2sf) =	vpush v5, $0xD  }
0x164: {  	[smem:$0x77] =	sst s17;
	s18 =	spop (v2sf);
	(v2sf) =	vpush v4, $0xD  }
0x165: {  	[smem:$0x78] =	sst s18;
	s25 =	spop (v2sf);
	(v2sf) =	vpush v3, $0xD  }
0x166: {  	[smem:$0x7D] =	sst s25;
	s30 =	spop (v2sf);
	(v2sf) =	vpush v2, $0xD  }
0x167: {  	[smem:$0x79] =	sst s30;
	s31 =	spop (v2sf);
	(v2sf) =	vpush v1, $0xD  }
0x168: {  	[smem:$0x7E] =	sst s31;
	s6 =	spop (v2sf);
	(v2sf) =	vpush v63, $0xD  }
0x169: {  	[smem:$0x7A] =	sst s6;
	s9 =	spop (v2sf);
	(v2sf) =	vpush v9, $0xE  }
0x16a: {  	[smem:$0x7F] =	sst s9;
	s12 =	spop (v2sf);
	(v2sf) =	vpush v8, $0xE  }
0x16b: {  	[smem:$0x7B] =	sst s12;
	s13 =	spop (v2sf);
	(v2sf) =	vpush v7, $0xE  }
0x16c: {  	[smem:$0x80] =	sst s13;
	s14 =	spop (v2sf);
	(v2sf) =	vpush v6, $0xE  }
0x16d: {  	[smem:$0x7C] =	sst s14;
	s15 =	spop (v2sf);
	(v2sf) =	vpush v5, $0xE  }
0x16e: {  	[smem:$0x81] =	sst s15;
	s16 =	spop (v2sf);
	(v2sf) =	vpush v4, $0xE  }
0x16f: {  	[smem:$0x82] =	sst s16;
	s17 =	spop (v2sf);
	(v2sf) =	vpush v3, $0xE  }
0x170: {  	[smem:$0x87] =	sst s17;
	s18 =	spop (v2sf);
	(v2sf) =	vpush v2, $0xE  }
0x171: {  	[smem:$0x83] =	sst s18;
	s25 =	spop (v2sf);
	(v2sf) =	vpush v1, $0xE  }
0x172: {  	[smem:$0x88] =	sst s25;
	s30 =	spop (v2sf);
	(v2sf) =	vpush v63, $0xE  }
0x173: {  	[smem:$0x84] =	sst s30;
	s31 =	spop (v2sf);
	(v2sf) =	vpush v9, $0xF  }
0x174: {  	[smem:$0x89] =	sst s31;
	s6 =	spop (v2sf);
	(v2sf) =	vpush v8, $0xF  }
0x175: {  	[smem:$0x85] =	sst s6;
	s9 =	spop (v2sf);
	(v2sf) =	vpush v7, $0xF  }
0x176: {  	[smem:$0x8A] =	sst s9;
	s12 =	spop (v2sf);
	(v2sf) =	vpush v6, $0xF  }
0x177: {  	[smem:$0x86] =	sst s12;
	s13 =	spop (v2sf);
	(v2sf) =	vpush v5, $0xF  }
0x178: {  	[smem:$0x8B] =	sst s13;
	s14 =	spop (v2sf);
	(v2sf) =	vpush v4, $0xF  }
0x179: {  	[smem:$0x8C] =	sst s14;
	s15 =	spop (v2sf);
	(v2sf) =	vpush v3, $0xF  }
0x17a: {  	[smem:$0x91] =	sst s15;
	s16 =	spop (v2sf);
	(v2sf) =	vpush v2, $0xF  }
0x17b: {  	[smem:$0x8D] =	sst s16;
	s17 =	spop (v2sf);
	(v2sf) =	vpush v1, $0xF  }
0x17c: {  	[smem:$0x92] =	sst s17;
	s18 =	spop (v2sf);
	(v2sf) =	vpush v63, $0xF  }
0x17d: {  	[smem:$0x8E] =	sst s18;
	s25 =	spop (v2sf)  }
0x17e: {  	[smem:$0x93] =	sst s25;
	s30 =	spop (v2sf)  }
0x17f: {  	[smem:$0x8F] =	sst s30;
	s31 =	spop (v2sf)  }
0x180: {  	[smem:$0x94] =	sst s31;
	s6 =	spop (v2sf)  }
0x181: {  	[smem:$0x90] =	sst s6;
	s9 =	spop (v2sf)  }
0x182: {  	[smem:$0x95] =	sst s9;
	s12 =	spop (v2sf)  }
0x183: {  	[smem:$0x96] =	sst s12;
	s13 =	spop (v2sf)  }
0x184: {  	[smem:$0x9B] =	sst s13;
	s14 =	spop (v2sf)  }
0x185: {  	[smem:$0x97] =	sst s14;
	s15 =	spop (v2sf)  }
0x186: {  	[smem:$0x9C] =	sst s15;
	s16 =	spop (v2sf)  }
0x187: {  	[smem:$0x98] =	sst s16;
	s17 =	spop (v2sf)  }
0x188: {  	[smem:$0x9D] =	sst s17;
	s18 =	spop (v2sf)  }
0x189: {  	[smem:$0x99] =	sst s18;
	s25 =	spop (v2sf)  }
0x18a: {  	[smem:$0x9E] =	sst s25;
	s30 =	spop (v2sf)  }
0x18b: {  	[smem:$0x9A] =	sst s30;
	s31 =	spop (v2sf)  }
0x18c: {  	s29 =	simm.s32 $0x0;
	[smem:$0x9F] =	sst s31  }
.LBB2_3:
0x18d: {  	s30 =	sshll.u32 s29, $0x6  }
0x18e: {  	v0 =	vld [tilespmem:s30+$0x3B20]  }
0x18f: {  	v1 =	vld [tilespmem:s30+$0x3F20];
	_ =	sdelay $0x1  }
0x190: {  	v2 =	vld [tilespmem:s30+$0x4320];
	_ =	sdelay $0x1  }
0x191: {  	v3 =	vld [tilespmem:s30+$0x4720]  }
0x192: {  	v4 =	vmul.f32 v0, v0;
	v0 =	vadd.f32 v1, v0;
	v1 =	vmul.f32 v1, v1  }
0x193: {  	v5 =	vld [tilespmem:s30+$0x4B20]  }
0x194: {  	v1 =	vadd.f32 v1, v4;
	v0 =	vadd.f32 v2, v0;
	v2 =	vmul.f32 v2, v2;
	_ =	sdelay $0x1  }
0x195: {  	v30 =	vmul.f32 v3, v3;
	v1 =	vadd.f32 v2, v1;
	v0 =	vadd.f32 v3, v0;
	_ =	sdelay $0x1  }
0x196: {  	v31 =	vmul.f32 v5, v5;
	v1 =	vadd.f32 v30, v1;
	v0 =	vadd.f32 v5, v0  }
0x197: {  	v32 =	vld [tilespmem:s30+$0x4F20]  }
0x198: {  	v1 =	vadd.f32 v31, v1;
	v0 =	vmul.f32 v0, v0;
	_ =	sdelay $0x1  }
0x199: {  	v0 =	vsub.f32 v0, v1;
	_ =	sdelay $0x1  }
0x19a: {  	s1 =	sshll.u32 s29, $0x8;
	v0 =	vadd.f32 v0, v32  }
0x19b: {  	s1 =	sand.u32 $0x3FFFFF00, s1  }
0x19c: {  	[tilespmem:s1+$0x8720] =	vst v0  }
0x19d: {  	v0 =	vld [tilespmem:s30+$0x6720]  }
0x19e: {  	v33 =	vld [tilespmem:s30+$0x7F20]  }
0x19f: {  	s17 =	smul.u32 $0xA, s29;
	v34 =	vld [tilespmem:s30+$0x5320]  }
0x1a0: {  	v35 =	vld [tilespmem:s30+$0x6B20]  }
0x1a1: {  	s25 =	sld [smem:s17+$0x0];
	v36 =	vld [tilespmem:s30+$0x5720]  }
0x1a2: {  	s12 =	sld [smem:s17+$0x5];
	v37 =	vld [tilespmem:s30+$0x6F20]  }
0x1a3: {  	s31 =	sld [smem:s17+$0x1];
	v6 =	vld [tilespmem:s30+$0x5B20]  }
0x1a4: {  	s6 =	sld [smem:s17+$0x6];
	v7 =	vld [tilespmem:s30+$0x7320];
	v2 =	vmul.f32 s25, v34  }
0x1a5: {  	s9 =	sld [smem:s17+$0x2];
	v8 =	vld [tilespmem:s30+$0x5F20];
	v3 =	vmul.f32 s12, v35  }
0x1a6: {  	s13 =	sld [smem:s17+$0x7];
	v39 =	vld [tilespmem:s30+$0x7720];
	v38 =	vmul.f32 s31, v36;
	v0 =	vadd.f32 v2, v0  }
0x1a7: {  	s14 =	sld [smem:s17+$0x3];
	s15 =	sand.u32 $0xFC, s17;
	v41 =	vld [tilespmem:s30+$0x6320];
	v40 =	vmul.f32 s6, v37;
	v1 =	vadd.f32 v3, v33  }
0x1a8: {  	s15 =	sld [smem:s15+$0x8];
	v43 =	vld [tilespmem:s30+$0x7B20];
	v42 =	vmul.f32 s9, v6;
	v0 =	vadd.f32 v38, v0  }
0x1a9: {  	s16 =	sld [smem:s17+$0x4];
	v44 =	vmul.f32 s13, v7;
	v1 =	vadd.f32 v40, v1  }
0x1aa: {  	s17 =	sld [smem:s17+$0x9];
	v45 =	vmul.f32 s14, v8;
	v0 =	vadd.f32 v42, v0  }
0x1ab: {  	v46 =	vmul.f32 s15, v39;
	v1 =	vadd.f32 v44, v1  }
0x1ac: {  	v47 =	vmul.f32 s16, v41;
	v0 =	vadd.f32 v45, v0  }
0x1ad: {  	v48 =	vmul.f32 s17, v43;
	v1 =	vadd.f32 v46, v1  }
0x1ae: {  	v0 =	vadd.f32 v47, v0  }
0x1af: {  	v1 =	vadd.f32 v48, v1  }
0x1b0: {  	[tilespmem:s1+$0x8760] =	vst v0  }
0x1b1: {  	[tilespmem:s1+$0x87A0] =	vst v1  }
0x1b2: {  	v0 =	vld [tilespmem:s30+$0x8320];
	_ =	sdelay $0x4  }
0x1b3: {  	[tilespmem:s1+$0x87E0] =	vst v0  }
0x1b4: {  	v0 =	vld [tilespmem:s30+$0x3B30]  }
0x1b5: {  	v1 =	vld [tilespmem:s30+$0x3F30];
	_ =	sdelay $0x1  }
0x1b6: {  	v49 =	vld [tilespmem:s30+$0x4330];
	_ =	sdelay $0x1  }
0x1b7: {  	v50 =	vld [tilespmem:s30+$0x4730]  }
0x1b8: {  	v51 =	vmul.f32 v0, v0;
	v0 =	vadd.f32 v1, v0;
	v1 =	vmul.f32 v1, v1  }
0x1b9: {  	v52 =	vld [tilespmem:s30+$0x4B30]  }
0x1ba: {  	v2 =	vmul.f32 v49, v49;
	v1 =	vadd.f32 v1, v51;
	v0 =	vadd.f32 v49, v0;
	_ =	sdelay $0x1  }
0x1bb: {  	v53 =	vmul.f32 v50, v50;
	v1 =	vadd.f32 v2, v1;
	v0 =	vadd.f32 v50, v0;
	_ =	sdelay $0x1  }
0x1bc: {  	v54 =	vmul.f32 v52, v52;
	v1 =	vadd.f32 v53, v1;
	v0 =	vadd.f32 v52, v0  }
0x1bd: {  	v55 =	vld [tilespmem:s30+$0x4F30]  }
0x1be: {  	v1 =	vadd.f32 v54, v1;
	v0 =	vmul.f32 v0, v0;
	_ =	sdelay $0x1  }
0x1bf: {  	v0 =	vsub.f32 v0, v1;
	_ =	sdelay $0x1  }
0x1c0: {  	v0 =	vadd.f32 v0, v55;
	_ =	sdelay $0x1  }
0x1c1: {  	[tilespmem:s1+$0x8730] =	vst v0  }
0x1c2: {  	v0 =	vld [tilespmem:s30+$0x6730]  }
0x1c3: {  	v56 =	vld [tilespmem:s30+$0x7F30]  }
0x1c4: {  	v57 =	vld [tilespmem:s30+$0x5330]  }
0x1c5: {  	v58 =	vld [tilespmem:s30+$0x6B30]  }
0x1c6: {  	v59 =	vld [tilespmem:s30+$0x5730]  }
0x1c7: {  	v60 =	vld [tilespmem:s30+$0x6F30]  }
0x1c8: {  	v61 =	vld [tilespmem:s30+$0x5B30]  }
0x1c9: {  	v62 =	vld [tilespmem:s30+$0x7330];
	v2 =	vmul.f32 s25, v57  }
0x1ca: {  	v63 =	vld [tilespmem:s30+$0x5F30];
	v3 =	vmul.f32 s12, v58  }
0x1cb: {  	v10 =	vld [tilespmem:s30+$0x7730];
	v9 =	vmul.f32 s31, v59;
	v0 =	vadd.f32 v2, v0  }
0x1cc: {  	v12 =	vld [tilespmem:s30+$0x6330];
	v11 =	vmul.f32 s6, v60;
	v1 =	vadd.f32 v3, v56  }
0x1cd: {  	v14 =	vld [tilespmem:s30+$0x7B30];
	v13 =	vmul.f32 s9, v61;
	v0 =	vadd.f32 v9, v0  }
0x1ce: {  	v15 =	vmul.f32 s13, v62;
	v1 =	vadd.f32 v11, v1  }
0x1cf: {  	v16 =	vmul.f32 s14, v63;
	v0 =	vadd.f32 v13, v0  }
0x1d0: {  	v17 =	vmul.f32 s15, v10;
	v1 =	vadd.f32 v15, v1  }
0x1d1: {  	v18 =	vmul.f32 s16, v12;
	v0 =	vadd.f32 v16, v0  }
0x1d2: {  	v19 =	vmul.f32 s17, v14;
	v1 =	vadd.f32 v17, v1  }
0x1d3: {  	v0 =	vadd.f32 v18, v0  }
0x1d4: {  	v1 =	vadd.f32 v19, v1  }
0x1d5: {  	[tilespmem:s1+$0x8770] =	vst v0  }
0x1d6: {  	[tilespmem:s1+$0x87B0] =	vst v1  }
0x1d7: {  	v0 =	vld [tilespmem:s30+$0x8330];
	_ =	sdelay $0x4  }
0x1d8: {  	[tilespmem:s1+$0x87F0] =	vst v0  }
0x1d9: {  	v0 =	vld [tilespmem:s30+$0x3B40]  }
0x1da: {  	v1 =	vld [tilespmem:s30+$0x3F40];
	_ =	sdelay $0x1  }
0x1db: {  	v20 =	vld [tilespmem:s30+$0x4340];
	_ =	sdelay $0x1  }
0x1dc: {  	v21 =	vld [tilespmem:s30+$0x4740]  }
0x1dd: {  	v22 =	vmul.f32 v0, v0;
	v0 =	vadd.f32 v1, v0;
	v1 =	vmul.f32 v1, v1  }
0x1de: {  	v23 =	vld [tilespmem:s30+$0x4B40]  }
0x1df: {  	v2 =	vmul.f32 v20, v20;
	v1 =	vadd.f32 v1, v22;
	v0 =	vadd.f32 v20, v0;
	_ =	sdelay $0x1  }
0x1e0: {  	v24 =	vmul.f32 v21, v21;
	v1 =	vadd.f32 v2, v1;
	v0 =	vadd.f32 v21, v0;
	_ =	sdelay $0x1  }
0x1e1: {  	v25 =	vmul.f32 v23, v23;
	v1 =	vadd.f32 v24, v1;
	v0 =	vadd.f32 v23, v0  }
0x1e2: {  	v26 =	vld [tilespmem:s30+$0x4F40]  }
0x1e3: {  	v1 =	vadd.f32 v25, v1;
	v0 =	vmul.f32 v0, v0;
	_ =	sdelay $0x1  }
0x1e4: {  	v0 =	vsub.f32 v0, v1;
	_ =	sdelay $0x1  }
0x1e5: {  	v0 =	vadd.f32 v0, v26;
	_ =	sdelay $0x1  }
0x1e6: {  	[tilespmem:s1+$0x8740] =	vst v0  }
0x1e7: {  	v0 =	vld [tilespmem:s30+$0x6740]  }
0x1e8: {  	v27 =	vld [tilespmem:s30+$0x7F40]  }
0x1e9: {  	v28 =	vld [tilespmem:s30+$0x5340]  }
0x1ea: {  	v29 =	vld [tilespmem:s30+$0x6B40]  }
0x1eb: {  	v30 =	vld [tilespmem:s30+$0x5740]  }
0x1ec: {  	v31 =	vld [tilespmem:s30+$0x6F40]  }
0x1ed: {  	v32 =	vld [tilespmem:s30+$0x5B40]  }
0x1ee: {  	v33 =	vld [tilespmem:s30+$0x7340];
	v2 =	vmul.f32 s25, v28  }
0x1ef: {  	v34 =	vld [tilespmem:s30+$0x5F40];
	v3 =	vmul.f32 s12, v29  }
0x1f0: {  	v36 =	vld [tilespmem:s30+$0x7740];
	v35 =	vmul.f32 s31, v30;
	v0 =	vadd.f32 v2, v0  }
0x1f1: {  	v38 =	vld [tilespmem:s30+$0x6340];
	v37 =	vmul.f32 s6, v31;
	v1 =	vadd.f32 v3, v27  }
0x1f2: {  	v40 =	vld [tilespmem:s30+$0x7B40];
	v39 =	vmul.f32 s9, v32;
	v0 =	vadd.f32 v35, v0  }
0x1f3: {  	v41 =	vmul.f32 s13, v33;
	v1 =	vadd.f32 v37, v1  }
0x1f4: {  	v42 =	vmul.f32 s14, v34;
	v0 =	vadd.f32 v39, v0  }
0x1f5: {  	v43 =	vmul.f32 s15, v36;
	v1 =	vadd.f32 v41, v1  }
0x1f6: {  	v44 =	vmul.f32 s16, v38;
	v0 =	vadd.f32 v42, v0  }
0x1f7: {  	v45 =	vmul.f32 s17, v40;
	v1 =	vadd.f32 v43, v1  }
0x1f8: {  	v0 =	vadd.f32 v44, v0  }
0x1f9: {  	v1 =	vadd.f32 v45, v1  }
0x1fa: {  	[tilespmem:s1+$0x8780] =	vst v0  }
0x1fb: {  	[tilespmem:s1+$0x87C0] =	vst v1  }
0x1fc: {  	v0 =	vld [tilespmem:s30+$0x8340];
	_ =	sdelay $0x4  }
0x1fd: {  	[tilespmem:s1+$0x8800] =	vst v0  }
0x1fe: {  	v0 =	vld [tilespmem:s30+$0x3B50]  }
0x1ff: {  	v1 =	vld [tilespmem:s30+$0x3F50];
	_ =	sdelay $0x1  }
0x200: {  	v46 =	vld [tilespmem:s30+$0x4350];
	_ =	sdelay $0x1  }
0x201: {  	v47 =	vld [tilespmem:s30+$0x4750]  }
0x202: {  	v48 =	vmul.f32 v0, v0;
	v0 =	vadd.f32 v1, v0;
	v1 =	vmul.f32 v1, v1  }
0x203: {  	v49 =	vld [tilespmem:s30+$0x4B50]  }
0x204: {  	v2 =	vmul.f32 v46, v46;
	v1 =	vadd.f32 v1, v48;
	v0 =	vadd.f32 v46, v0;
	_ =	sdelay $0x1  }
0x205: {  	v50 =	vmul.f32 v47, v47;
	v1 =	vadd.f32 v2, v1;
	v0 =	vadd.f32 v47, v0;
	_ =	sdelay $0x1  }
0x206: {  	v51 =	vmul.f32 v49, v49;
	v1 =	vadd.f32 v50, v1;
	v0 =	vadd.f32 v49, v0  }
0x207: {  	v52 =	vld [tilespmem:s30+$0x4F50]  }
0x208: {  	v1 =	vadd.f32 v51, v1;
	v0 =	vmul.f32 v0, v0;
	_ =	sdelay $0x1  }
0x209: {  	v0 =	vsub.f32 v0, v1;
	_ =	sdelay $0x1  }
0x20a: {  	v0 =	vadd.f32 v0, v52;
	_ =	sdelay $0x1  }
0x20b: {  	[tilespmem:s1+$0x8750] =	vst v0  }
0x20c: {  	v0 =	vld [tilespmem:s30+$0x6750]  }
0x20d: {  	v53 =	vld [tilespmem:s30+$0x7F50]  }
0x20e: {  	v54 =	vld [tilespmem:s30+$0x5350]  }
0x20f: {  	v55 =	vld [tilespmem:s30+$0x6B50]  }
0x210: {  	v56 =	vld [tilespmem:s30+$0x5750]  }
0x211: {  	v57 =	vld [tilespmem:s30+$0x6F50]  }
0x212: {  	v58 =	vld [tilespmem:s30+$0x5B50]  }
0x213: {  	v59 =	vld [tilespmem:s30+$0x7350];
	v2 =	vmul.f32 s25, v54  }
0x214: {  	v60 =	vld [tilespmem:s30+$0x5F50];
	v3 =	vmul.f32 s12, v55  }
0x215: {  	v62 =	vld [tilespmem:s30+$0x7750];
	v61 =	vmul.f32 s31, v56;
	v0 =	vadd.f32 v2, v0  }
0x216: {  	v9 =	vld [tilespmem:s30+$0x6350];
	v63 =	vmul.f32 s6, v57;
	v1 =	vadd.f32 v3, v53  }
0x217: {  	v11 =	vld [tilespmem:s30+$0x7B50];
	v10 =	vmul.f32 s9, v58;
	v0 =	vadd.f32 v61, v0  }
0x218: {  	v12 =	vmul.f32 s13, v59;
	v1 =	vadd.f32 v63, v1  }
0x219: {  	v13 =	vmul.f32 s14, v60;
	v0 =	vadd.f32 v10, v0  }
0x21a: {  	v14 =	vmul.f32 s15, v62;
	v1 =	vadd.f32 v12, v1  }
0x21b: {  	v15 =	vmul.f32 s16, v9;
	v0 =	vadd.f32 v13, v0  }
0x21c: {  	v16 =	vmul.f32 s17, v11;
	v1 =	vadd.f32 v14, v1  }
0x21d: {  	v0 =	vadd.f32 v15, v0  }
0x21e: {  	v1 =	vadd.f32 v16, v1  }
0x21f: {  	[tilespmem:s1+$0x8790] =	vst v0  }
0x220: {  	[tilespmem:s1+$0x87D0] =	vst v1  }
0x221: {  	v0 =	vld [tilespmem:s30+$0x8350];
	_ =	sdelay $0x3  }
0x222: {  	s15 =	sor.u32 $0x1, s29  }
0x223: {  	s31 =	sshll.u32 s15, $0x6;
	[tilespmem:s1+$0x8810] =	vst v0  }
0x224: {  	v0 =	vld [tilespmem:s31+$0x3B20]  }
0x225: {  	v1 =	vld [tilespmem:s30+$0x3F60];
	_ =	sdelay $0x1  }
0x226: {  	v17 =	vld [tilespmem:s30+$0x4360];
	_ =	sdelay $0x1  }
0x227: {  	v18 =	vld [tilespmem:s30+$0x4760]  }
0x228: {  	v19 =	vmul.f32 v0, v0;
	v0 =	vadd.f32 v1, v0;
	v1 =	vmul.f32 v1, v1  }
0x229: {  	v20 =	vld [tilespmem:s30+$0x4B60]  }
0x22a: {  	v2 =	vmul.f32 v17, v17;
	v1 =	vadd.f32 v1, v19;
	v0 =	vadd.f32 v17, v0;
	_ =	sdelay $0x1  }
0x22b: {  	v21 =	vmul.f32 v18, v18;
	v1 =	vadd.f32 v2, v1;
	v0 =	vadd.f32 v18, v0;
	_ =	sdelay $0x1  }
0x22c: {  	v22 =	vmul.f32 v20, v20;
	v1 =	vadd.f32 v21, v1;
	v0 =	vadd.f32 v20, v0  }
0x22d: {  	v23 =	vld [tilespmem:s30+$0x4F60]  }
0x22e: {  	v1 =	vadd.f32 v22, v1;
	v0 =	vmul.f32 v0, v0;
	_ =	sdelay $0x1  }
0x22f: {  	v0 =	vsub.f32 v0, v1;
	_ =	sdelay $0x1  }
0x230: {  	s16 =	sshll.u32 s15, $0x8;
	v0 =	vadd.f32 v0, v23  }
0x231: {  	s1 =	sand.u32 $0x3FFFFF00, s16  }
0x232: {  	[tilespmem:s1+$0x8720] =	vst v0  }
0x233: {  	v0 =	vld [tilespmem:s30+$0x6760]  }
0x234: {  	v24 =	vld [tilespmem:s30+$0x7F60]  }
0x235: {  	s18 =	smul.u32 $0xA, s15;
	v25 =	vld [tilespmem:s31+$0x5320]  }
0x236: {  	v26 =	vld [tilespmem:s31+$0x6B20]  }
0x237: {  	s12 =	sld [smem:s18+$0x0];
	v27 =	vld [tilespmem:s30+$0x5760]  }
0x238: {  	s13 =	sld [smem:s18+$0x5];
	v28 =	vld [tilespmem:s30+$0x6F60]  }
0x239: {  	s6 =	sld [smem:s18+$0x1];
	v29 =	vld [tilespmem:s30+$0x5B60]  }
0x23a: {  	s9 =	sld [smem:s18+$0x6];
	v30 =	vld [tilespmem:s30+$0x7360];
	v2 =	vmul.f32 s12, v25  }
0x23b: {  	s25 =	sld [smem:s18+$0x2];
	v31 =	vld [tilespmem:s30+$0x5F60];
	v3 =	vmul.f32 s13, v26  }
0x23c: {  	s14 =	sld [smem:s18+$0x7];
	v33 =	vld [tilespmem:s30+$0x7760];
	v32 =	vmul.f32 s6, v27;
	v0 =	vadd.f32 v2, v0  }
0x23d: {  	s15 =	sld [smem:s18+$0x3];
	s17 =	sand.u32 $0xFE, s18;
	v35 =	vld [tilespmem:s30+$0x6360];
	v34 =	vmul.f32 s9, v28;
	v1 =	vadd.f32 v3, v24  }
0x23e: {  	s16 =	sld [smem:s17+$0x8];
	v37 =	vld [tilespmem:s30+$0x7B60];
	v36 =	vmul.f32 s25, v29;
	v0 =	vadd.f32 v32, v0  }
0x23f: {  	s17 =	sld [smem:s18+$0x4];
	v38 =	vmul.f32 s14, v30;
	v1 =	vadd.f32 v34, v1  }
0x240: {  	s18 =	sld [smem:s18+$0x9];
	v39 =	vmul.f32 s15, v31;
	v0 =	vadd.f32 v36, v0  }
0x241: {  	v40 =	vmul.f32 s16, v33;
	v1 =	vadd.f32 v38, v1  }
0x242: {  	v41 =	vmul.f32 s17, v35;
	v0 =	vadd.f32 v39, v0  }
0x243: {  	v42 =	vmul.f32 s18, v37;
	v1 =	vadd.f32 v40, v1  }
0x244: {  	v0 =	vadd.f32 v41, v0  }
0x245: {  	v1 =	vadd.f32 v42, v1  }
0x246: {  	[tilespmem:s1+$0x8760] =	vst v0  }
0x247: {  	[tilespmem:s1+$0x87A0] =	vst v1  }
0x248: {  	v0 =	vld [tilespmem:s31+$0x8320];
	_ =	sdelay $0x4  }
0x249: {  	[tilespmem:s1+$0x87E0] =	vst v0  }
0x24a: {  	v0 =	vld [tilespmem:s31+$0x3B30]  }
0x24b: {  	v1 =	vld [tilespmem:s30+$0x3F70];
	_ =	sdelay $0x1  }
0x24c: {  	v43 =	vld [tilespmem:s30+$0x4370];
	_ =	sdelay $0x1  }
0x24d: {  	v44 =	vld [tilespmem:s30+$0x4770]  }
0x24e: {  	v45 =	vmul.f32 v0, v0;
	v0 =	vadd.f32 v1, v0;
	v1 =	vmul.f32 v1, v1  }
0x24f: {  	v46 =	vld [tilespmem:s30+$0x4B70]  }
0x250: {  	v2 =	vmul.f32 v43, v43;
	v1 =	vadd.f32 v1, v45;
	v0 =	vadd.f32 v43, v0;
	_ =	sdelay $0x1  }
0x251: {  	v47 =	vmul.f32 v44, v44;
	v1 =	vadd.f32 v2, v1;
	v0 =	vadd.f32 v44, v0;
	_ =	sdelay $0x1  }
0x252: {  	v48 =	vmul.f32 v46, v46;
	v1 =	vadd.f32 v47, v1;
	v0 =	vadd.f32 v46, v0  }
0x253: {  	v49 =	vld [tilespmem:s30+$0x4F70]  }
0x254: {  	v1 =	vadd.f32 v48, v1;
	v0 =	vmul.f32 v0, v0;
	_ =	sdelay $0x1  }
0x255: {  	v0 =	vsub.f32 v0, v1;
	_ =	sdelay $0x1  }
0x256: {  	v0 =	vadd.f32 v0, v49;
	_ =	sdelay $0x1  }
0x257: {  	[tilespmem:s1+$0x8730] =	vst v0  }
0x258: {  	v0 =	vld [tilespmem:s30+$0x6770]  }
0x259: {  	v50 =	vld [tilespmem:s30+$0x7F70]  }
0x25a: {  	v51 =	vld [tilespmem:s31+$0x5330]  }
0x25b: {  	v52 =	vld [tilespmem:s31+$0x6B30]  }
0x25c: {  	v53 =	vld [tilespmem:s30+$0x5770]  }
0x25d: {  	v54 =	vld [tilespmem:s30+$0x6F70]  }
0x25e: {  	v55 =	vld [tilespmem:s30+$0x5B70]  }
0x25f: {  	v56 =	vld [tilespmem:s30+$0x7370];
	v2 =	vmul.f32 s12, v51  }
0x260: {  	v57 =	vld [tilespmem:s30+$0x5F70];
	v3 =	vmul.f32 s13, v52  }
0x261: {  	v59 =	vld [tilespmem:s30+$0x7770];
	v58 =	vmul.f32 s6, v53;
	v0 =	vadd.f32 v2, v0  }
0x262: {  	v61 =	vld [tilespmem:s30+$0x6370];
	v60 =	vmul.f32 s9, v54;
	v1 =	vadd.f32 v3, v50  }
0x263: {  	v63 =	vld [tilespmem:s30+$0x7B70];
	v62 =	vmul.f32 s25, v55;
	v0 =	vadd.f32 v58, v0  }
0x264: {  	v7 =	vmul.f32 s14, v56;
	v1 =	vadd.f32 v60, v1  }
0x265: {  	v8 =	vmul.f32 s15, v57;
	v0 =	vadd.f32 v62, v0  }
0x266: {  	v9 =	vmul.f32 s16, v59;
	v1 =	vadd.f32 v7, v1  }
0x267: {  	v10 =	vmul.f32 s17, v61;
	v0 =	vadd.f32 v8, v0  }
0x268: {  	v11 =	vmul.f32 s18, v63;
	v1 =	vadd.f32 v9, v1  }
0x269: {  	v0 =	vadd.f32 v10, v0  }
0x26a: {  	v1 =	vadd.f32 v11, v1  }
0x26b: {  	[tilespmem:s1+$0x8770] =	vst v0  }
0x26c: {  	[tilespmem:s1+$0x87B0] =	vst v1  }
0x26d: {  	v0 =	vld [tilespmem:s31+$0x8330];
	_ =	sdelay $0x4  }
0x26e: {  	[tilespmem:s1+$0x87F0] =	vst v0  }
0x26f: {  	v0 =	vld [tilespmem:s31+$0x3B40]  }
0x270: {  	v1 =	vld [tilespmem:s30+$0x3F80];
	_ =	sdelay $0x1  }
0x271: {  	v12 =	vld [tilespmem:s30+$0x4380];
	_ =	sdelay $0x1  }
0x272: {  	v13 =	vld [tilespmem:s30+$0x4780]  }
0x273: {  	v14 =	vmul.f32 v0, v0;
	v0 =	vadd.f32 v1, v0;
	v1 =	vmul.f32 v1, v1  }
0x274: {  	v15 =	vld [tilespmem:s30+$0x4B80]  }
0x275: {  	v2 =	vmul.f32 v12, v12;
	v1 =	vadd.f32 v1, v14;
	v0 =	vadd.f32 v12, v0;
	_ =	sdelay $0x1  }
0x276: {  	v16 =	vmul.f32 v13, v13;
	v1 =	vadd.f32 v2, v1;
	v0 =	vadd.f32 v13, v0;
	_ =	sdelay $0x1  }
0x277: {  	v17 =	vmul.f32 v15, v15;
	v1 =	vadd.f32 v16, v1;
	v0 =	vadd.f32 v15, v0  }
0x278: {  	v18 =	vld [tilespmem:s30+$0x4F80]  }
0x279: {  	v1 =	vadd.f32 v17, v1;
	v0 =	vmul.f32 v0, v0;
	_ =	sdelay $0x1  }
0x27a: {  	v0 =	vsub.f32 v0, v1;
	_ =	sdelay $0x1  }
0x27b: {  	v0 =	vadd.f32 v0, v18;
	_ =	sdelay $0x1  }
0x27c: {  	[tilespmem:s1+$0x8740] =	vst v0  }
0x27d: {  	v0 =	vld [tilespmem:s30+$0x6780]  }
0x27e: {  	v19 =	vld [tilespmem:s30+$0x7F80]  }
0x27f: {  	v20 =	vld [tilespmem:s31+$0x5340]  }
0x280: {  	v21 =	vld [tilespmem:s31+$0x6B40]  }
0x281: {  	v22 =	vld [tilespmem:s30+$0x5780]  }
0x282: {  	v23 =	vld [tilespmem:s30+$0x6F80]  }
0x283: {  	v24 =	vld [tilespmem:s30+$0x5B80]  }
0x284: {  	v25 =	vld [tilespmem:s30+$0x7380];
	v2 =	vmul.f32 s12, v20  }
0x285: {  	v26 =	vld [tilespmem:s30+$0x5F80];
	v3 =	vmul.f32 s13, v21  }
0x286: {  	v28 =	vld [tilespmem:s30+$0x7780];
	v27 =	vmul.f32 s6, v22;
	v0 =	vadd.f32 v2, v0  }
0x287: {  	v30 =	vld [tilespmem:s30+$0x6380];
	v29 =	vmul.f32 s9, v23;
	v1 =	vadd.f32 v3, v19  }
0x288: {  	v32 =	vld [tilespmem:s30+$0x7B80];
	v31 =	vmul.f32 s25, v24;
	v0 =	vadd.f32 v27, v0  }
0x289: {  	v33 =	vmul.f32 s14, v25;
	v1 =	vadd.f32 v29, v1  }
0x28a: {  	v34 =	vmul.f32 s15, v26;
	v0 =	vadd.f32 v31, v0  }
0x28b: {  	v35 =	vmul.f32 s16, v28;
	v1 =	vadd.f32 v33, v1  }
0x28c: {  	v36 =	vmul.f32 s17, v30;
	v0 =	vadd.f32 v34, v0  }
0x28d: {  	v37 =	vmul.f32 s18, v32;
	v1 =	vadd.f32 v35, v1  }
0x28e: {  	v0 =	vadd.f32 v36, v0  }
0x28f: {  	v1 =	vadd.f32 v37, v1  }
0x290: {  	[tilespmem:s1+$0x8780] =	vst v0  }
0x291: {  	[tilespmem:s1+$0x87C0] =	vst v1  }
0x292: {  	v0 =	vld [tilespmem:s31+$0x8340];
	_ =	sdelay $0x4  }
0x293: {  	[tilespmem:s1+$0x8800] =	vst v0  }
0x294: {  	v0 =	vld [tilespmem:s31+$0x3B50]  }
0x295: {  	v1 =	vld [tilespmem:s30+$0x3F90];
	_ =	sdelay $0x1  }
0x296: {  	v38 =	vld [tilespmem:s30+$0x4390];
	_ =	sdelay $0x1  }
0x297: {  	v39 =	vld [tilespmem:s30+$0x4790]  }
0x298: {  	v40 =	vmul.f32 v0, v0;
	v0 =	vadd.f32 v1, v0;
	v1 =	vmul.f32 v1, v1  }
0x299: {  	v41 =	vld [tilespmem:s30+$0x4B90]  }
0x29a: {  	v2 =	vmul.f32 v38, v38;
	v1 =	vadd.f32 v1, v40;
	v0 =	vadd.f32 v38, v0;
	_ =	sdelay $0x1  }
0x29b: {  	v42 =	vmul.f32 v39, v39;
	v1 =	vadd.f32 v2, v1;
	v0 =	vadd.f32 v39, v0;
	_ =	sdelay $0x1  }
0x29c: {  	v43 =	vmul.f32 v41, v41;
	v1 =	vadd.f32 v42, v1;
	v0 =	vadd.f32 v41, v0  }
0x29d: {  	v44 =	vld [tilespmem:s30+$0x4F90]  }
0x29e: {  	v1 =	vadd.f32 v43, v1;
	v0 =	vmul.f32 v0, v0;
	_ =	sdelay $0x1  }
0x29f: {  	v0 =	vsub.f32 v0, v1;
	_ =	sdelay $0x1  }
0x2a0: {  	v0 =	vadd.f32 v0, v44;
	_ =	sdelay $0x1  }
0x2a1: {  	[tilespmem:s1+$0x8750] =	vst v0  }
0x2a2: {  	v0 =	vld [tilespmem:s30+$0x6790]  }
0x2a3: {  	v45 =	vld [tilespmem:s30+$0x7F90]  }
0x2a4: {  	v46 =	vld [tilespmem:s31+$0x5350]  }
0x2a5: {  	v47 =	vld [tilespmem:s31+$0x6B50]  }
0x2a6: {  	v48 =	vld [tilespmem:s30+$0x5790]  }
0x2a7: {  	v49 =	vld [tilespmem:s30+$0x6F90]  }
0x2a8: {  	v50 =	vld [tilespmem:s30+$0x5B90]  }
0x2a9: {  	v51 =	vld [tilespmem:s30+$0x7390];
	v2 =	vmul.f32 s12, v46  }
0x2aa: {  	v52 =	vld [tilespmem:s30+$0x5F90];
	v3 =	vmul.f32 s13, v47  }
0x2ab: {  	v54 =	vld [tilespmem:s30+$0x7790];
	v53 =	vmul.f32 s6, v48;
	v0 =	vadd.f32 v2, v0  }
0x2ac: {  	v56 =	vld [tilespmem:s30+$0x6390];
	v55 =	vmul.f32 s9, v49;
	v1 =	vadd.f32 v3, v45  }
0x2ad: {  	v58 =	vld [tilespmem:s30+$0x7B90];
	v57 =	vmul.f32 s25, v50;
	v0 =	vadd.f32 v53, v0  }
0x2ae: {  	v59 =	vmul.f32 s14, v51;
	v1 =	vadd.f32 v55, v1  }
0x2af: {  	v60 =	vmul.f32 s15, v52;
	v0 =	vadd.f32 v57, v0  }
0x2b0: {  	v61 =	vmul.f32 s16, v54;
	v1 =	vadd.f32 v59, v1  }
0x2b1: {  	v62 =	vmul.f32 s17, v56;
	v0 =	vadd.f32 v60, v0  }
0x2b2: {  	v63 =	vmul.f32 s18, v58;
	v1 =	vadd.f32 v61, v1  }
0x2b3: {  	v0 =	vadd.f32 v62, v0  }
0x2b4: {  	v1 =	vadd.f32 v63, v1  }
0x2b5: {  	[tilespmem:s1+$0x8790] =	vst v0  }
0x2b6: {  	[tilespmem:s1+$0x87D0] =	vst v1  }
0x2b7: {  	p0 =	slt.u32 s29, $0xE;
	v0 =	vld [tilespmem:s31+$0x8350]  }
.Ltmp0:
0x2b8: {  	_ = 	snop;
	(pc) =	sbr.rel @p0 .LBB2_3-.Ltmp0, $3  }
0x2b9: {  	_ =	sdelay $0x1  }
0x2ba: {  	s31 =	sadd.s32 $0x2, s29  }
0x2bb: {  	s29 =	smov.u32 s31;
	[tilespmem:s1+$0x8810] =	vst v0  }
0x2bc: {  	s1 =	sadd.s32 s3, s28;
	s26 =	sadd.s32 $0x1, s26  }
0x2bd: {  	s1 =	sshll.u32 s1, $0x5;
	p0 =	sne.s32 s26, $0x20  }
.Ltmp1:
0x2be: {  	s1 =	sadd.s32 s8, s1;
	(pc) =	sbr.rel @p0 .LBB2_2-.Ltmp1, $4  }
0x2bf: {  	[hbm4b:s1+s2] =	stream.linear.scatter [tilespmem:s24], [sflag:$0x5], $0x1000, $0x38;
	[tilespmem:$0x9720] =	vst v63  }
0x2c0: {  	_ =	swait.ge [sflag:s10], $0x1000  }
0x2c1: {  	[sflag:s10] =	ssyncset.done $0x0  }
0x2c2: {  	[sflag:s10] =	ssyncadd.s32 $0xFFFFF000  }
0x2c3: {  	s6 =	sld [smem:$0x7F9]  }
0x2c4: {  	s1 =	sld [smem:$0x7FD];
	_ =	sdelay $0x1  }
0x2c5: {  	s6 =	sadd.s32 $0x1, s6  }
0x2c6: {  	p0 =	sne.s32 s6, s1  }
.Ltmp2:
0x2c7: {  	_ = 	snop;
	(pc) =	sbr.rel @p0 .LBB2_1-.Ltmp2, $1  }
0x2c8: {  	_ =	sdelay $0x3  }
0x2c9: {  	_ =	sfence.sel $0x180000  }
0x2ca: {  	[bflag:$0x0] =	sbarrier.arrive $0xFFFF  }
0x2cb: {  	_ =	strace $0x9000004A  }
0x2cc: {  	s0 =	stileid.u32;
	[bflag:$0x2] =	sbarrier.arrive $0xFFFF  }
0x2cd: {  	p0 =	sne.s32 s0, $0x0;
	s0 =	rddreg [dreg:$0x5]  }
0x2ce: {  	s0 =	sadd.s32 @!p0 $0x100000, s0  }
0x2cf: {  	[sflag:s0] =	ssyncadd.tile.s32 @!p0 $0x1;
	_ =	shalt  }
.Lfunc_end2:
_tile_overlayer_lowered:
.L_overlay_start_2:
0x2d0: {  	(tag) =	ssettag $0x2  }
0x2d1: {  	s0 =	rddreg [dreg:$0x0];
	s2 =	stileid.u32  }
0x2d2: {  	s1 =	rddreg [dreg:$0x1];
	p0 =	sne.s32 s2, $0x0  }
0x2d3: {  	s3 =	rddreg [dreg:$0x2];
	[bflag:$0x3] =	sbarrier.arrive $0xFFFF;
	s2 =	simm.s32 @!p0 $0x1C05  }
0x2d4: {  	[timem:s3], [sflag:s2] =	dma.local @!p0 [hbm:s0], s1  }
0x2d5: {  	s0 =	simm.s32 @!p0 $0x5  }
0x2d6: {  	_ =	swait.ge @!p0 [sflag:s0], s1  }
0x2d7: {  	s1 =	ssub.s32 @!p0 $0x0, s1;
	[sflag:s0] =	ssyncset.done @!p0 $0x0  }
0x2d8: {  	[sflag:s0] =	ssyncadd.s32 @!p0 s1  }
0x2d9: {  	[bflag:$0x3] =	sbarrier.arrive $0xFFFF  }
0x2da: {  	_ =	shalt  }

// kernel: sparse-core-data-format-call.cloned.1.call-start
scs
called_computation_lowered:
.L_overlay_start_0:
0x0: {  	s2 =	sld [smem:$0x3FD9]  }
0x1: {  	s3 =	sld [smem:$0x3FFE];
	_ =	sdelay $0x1  }
0x2: {  	s1 =	srdreg.scid  }
0x3: {  	s0 =	sand.u32 $0x1, s1  }
0x4: {  	s18 =	sshll.u32 s0, $0xA;
	s2 =	sadd.s32 s3, s2  }
0x5: {  	s2 =	sadd.s32 s2, s18  }
0x6: {  	[smem:$0x3FA3] =	sst s2  }
0x7: {  	_ = 	snop  }
0x8: {  	s2 =	sld [smem:$0x3FAB];
	(tm) =	ssettm $0x1  }
0x9: {  	s19 =	sld [smem:$0x3FFB];
	_ =	sdelay $0x3  }
0xa: {  	_ =	strace s19  }
0xb: {  	s3 =	sld [smem:$0x3FFC];
	_ =	sdelay $0x3  }
0xc: {  	_ =	strace s3  }
0xd: {  	s3 =	sld [smem:$0x3FFD];
	_ =	sdelay $0x3  }
0xe: {  	_ =	strace s3  }
0xf: {  	_ =	strace $0x8FFFFFFF  }
0x10: {  	s20 =	sld [smem:$0x3FDB];
	_ =	sdelay $0x1  }
0x11: {  	s4 =	simm.s32 $_scs_section_size  }
0x12: {  	s5 =	simm.s32 $_size__tile_overlayer_lowered;
	s6 =	simm.s32 $_tile_overlayer_lowered  }
0x13: {  	s23 =	simm.s32 $0x1BFF;
	s22 =	sshll.u32 s6, $0x1;
	s3 =	sadd.s32 s4, s20  }
0x14: {  	s7 =	simm.s32 $0x0;
	s21 =	sshll.u32 s5, $0x1;
	s5 =	sadd.s32 s22, s3  }
0x15: {  	[timem:s7], [sflag:s23] =	dma.local [hbm:s5], s21  }
0x16: {  	_ =	swait.ge [sflag:s23], s21  }
0x17: {  	s4 =	ssub.s32 $0x0, s21;
	[sflag:s23] =	ssyncset.done $0x0  }
0x18: {  	[sflag:s23] =	ssyncadd.s32 s4;
	_ =	sdelay $0x1  }
0x19: {  	s24 =	simm.s32 $0x1B8B  }
0x1a: {  	_ =	swait.ge [sflag:s24], $0x1  }
0x1b: {  	[sflag:s24] =	ssyncset.done $0x0  }
0x1c: {  	s26 =	simm.s32 $0x1B8E;
	s25 =	sld [smem:$0x3FFE];
	[sflag:s24] =	ssyncadd.s32 $0xFFFFFFFF  }
0x1d: {  	s27 =	simm.s32 $execute0_lowered;
	[smem:$0x3FD2] =	sst s26  }
0x1e: {  	s5 =	sshll.u32 s27, $0x1;
	_ =	strace $0x80000046;
	[dreg:$0x1] =	wrdreg $0xFFFFFFFF  }
0x1f: {  	s28 =	simm.s32 $_size_execute0_lowered;
	s3 =	sadd.s32 s3, s5;
	[dreg:$0x0] =	wrdreg $0x0  }
0x20: {  	s5 =	sshll.u32 s28, $0x1;
	[dreg:$0x2] =	wrdreg s3  }
0x21: {  	[dreg:$0x3] =	wrdreg s5  }
0x22: {  	[dreg:$0x4] =	wrdreg $0xC0  }
0x23: {  	_ =	task [dreg:s7], $0x5FFFF  }
0x24: {  	[dreg:$0x1] =	wrdreg $0xFFFFFFFF  }
0x25: {  	[dreg:$0x0] =	wrdreg $0x60  }
0x26: {  	[dreg:$0x2] =	wrdreg s2  }
0x27: {  	[dreg:$0x3] =	wrdreg s25  }
0x28: {  	[dreg:$0x4] =	wrdreg $0x9  }
0x29: {  	_ =	task.clear_ibuf [dreg:s7], $0x5FFFF;
	_ =	strace $0x90000046  }
0x2a: {  	s29 =	simm.s32 $0x9;
	_ =	strace $0x80000048  }
0x2b: {  	_ =	swait.ge [sflag:s29], $0x1  }
0x2c: {  	[sflag:s29] =	ssyncadd.s32 $0xFFFFFFFF  }
0x2d: {  	_ =	strace $0x90000048  }
0x2e: {  	_ =	sfence  }
0x2f: {  	s30 =	sld [smem:$0x0];
	_ =	sdelay $0x2  }
0x30: {  	s31 =	sshll.u32 s1, $0xD;
	s1 =	sshrl.u32 s1, $0x2  }
0x31: {  	s3 =	sand.u32 $0x4000, s31;
	s1 =	sadd.s32 s1, s30  }
0x32: {  	s0 =	sor.u32 s3, s0;
	s1 =	sshll.u32 s1, $0x11  }
0x33: {  	s0 =	sor.u32 s1, s0  }
0x34: {  	s0 =	sadd.s32 $0x8F2B, s0  }
0x35: {  	[sflag:s0] =	ssyncadd.remote.s32 $0x1  }
0x36: {  	_ =	sfence.sel $0xFFFF  }
0x37: {  	[dreg:$0x0] =	wrdreg $0xFFFFFFFF;
	(pc) =	sbr.abs _section_cstart, $3  }
0x38: {  	[dreg:$0x1] =	wrdreg $0xFFFFFFFF  }
0x39: {  	_ =	task.clear_ibuf [dreg:s7], $0x2FFFF;
	_ =	strace $0x9FFFFFFF  }
0x3a: {  	(tm) =	ssettm $0x7FFFFFFF  }
0x3b: {  	_ =	shalt  }
tec
execute0_lowered:
.L_overlay_start_1:
0x0: {  	(tag) =	ssettag $0x1  }
0x1: {  	s0 =	srdreg.scid;
	s2 =	rddreg [dreg:$0x0]  }
0x2: {  	s5 =	rddreg [dreg:$0x1];
	s1 =	stileid.u32  }
0x3: {  	s4 =	simm.s32 $0x1;
	s6 =	simm.s32 $0x2;
	s15 =	simm.s32 $0x0  }
0x4: {  	p0 =	por $0x0, $0x0;
	s8 =	simm.s32 $0x80;
	s0 =	sshll.u32 s0, $0x4  }
0x5: {  	s14 =	simm.s32 $0x0;
	s9 =	simm.s32 $0x0;
	s3 =	sand.u32 $0x10, s0  }
.Ltmp0:
0x6: {  	s10 =	simm.s32 $0x0;
	s3 =	sor.u32 s1, s3;
	(pc) =	sbr.rel .LBB1_1-.Ltmp0, $4  }
0x7: {  	s0 =	rddreg [dreg:$0x2];
	_ =	strace $0x80000047;
	s3 =	sshll.u32 s3, $0x7  }
0x8: {  	s12 =	simm.s32 $0x0;
	[sflag:s4] =	ssyncpa.u1 $0x0;
	s7 =	ssub.s32 $0x30D00, s3  }
0x9: {  	s13 =	simm.s32 $0x0;
	[sflag:s6] =	ssyncpa.u1 $0x0;
	s6 =	sshrl.u32 s7, $0xC  }
0xa: {  	s5 =	sadd.s32 $0x4000, s5;
	s11 =	smov.u32 s3;
	s7 =	sadd.s32 $0x2, s6  }
.LBB1_5:
0xb: {  	p1 =	slt.u32 s13, $0x2  }
0xc: {  	s17 =	smov.u32 s15;
	p2 =	sgt.s32 @!p1 s15, $0x30CC0;
	s16 =	sshra.s32 @!p1 s15, $0x1F  }
0xd: {  	p3 =	sgt.s32 @!p1 s14, $0x40;
	s18 =	sshra.s32 @!p1 s14, $0x1F;
	p2 =	por !p2, p1  }
0xe: {  	s15 =	sand.u32 @!p1 s16, s15;
	p3 =	por !p3, p1;
	s16 =	smov.u32 s14  }
0xf: {  	s14 =	sand.u32 @!p1 s18, s14;
	s17 =	simm.s32 @p2 $0x30CC0;
	s16 =	simm.s32 @p3 $0x40  }
0x10: {  	s15 =	ssub.s32 @!p1 s17, s15;
	s14 =	ssub.s32 @!p1 s16, s14  }
0x11: {  	s18 =	smov.u32 s12;
	s16 =	sadd.s32 @!p1 $0xFFFCF340, s15;
	s17 =	sadd.s32 @!p1 $0xFFFFFFC0, s14  }
0x12: {  	s15 =	ssub.s32 @!p1 $0x30D40, s15;
	p2 =	sgt.s32 @!p1 s16, $0x7F;
	p3 =	sgt.s32 @!p1 s17, $0x3F  }
0x13: {  	s14 =	ssub.s32 @!p1 $0x80, s14;
	p2 =	por !p2, p1;
	p3 =	por !p3, p1  }
0x14: {  	s16 =	sadd.s32 $0x1000, s11;
	s15 =	simm.s32 @!p2 $0x0;
	s14 =	simm.s32 @!p3 $0x0  }
0x15: {  	p2 =	sgt.s32 s16, $0x30D3F;
	s14 =	smul.u32 @!p1 s14, s15;
	s15 =	sadd.s32 $0x40, s12  }
0x16: {  	s18 =	smov.u32 @p2 s15  }
0x17: {  	s16 =	smov.u32 @p2 s3;
	p2 =	sgt.s32 s18, $0x3F  }
0x18: {  	s18 =	simm.s32 @p2 $0x0;
	p2 =	sne.s32 s13, s7  }
.Ltmp1:
0x19: {  	p0 =	por !p0, !p0;
	s17 =	simm.s32 @!p1 $0x2;
	(pc) =	sbr.rel @!p2 .LBB1_6-.Ltmp1, $4  }
0x1a: {  	s15 =	smov.u32 s9;
	s9 =	smov.u32 s11;
	s14 =	sand.u32 @!p1 $0x3FFFFFFF, s14  }
0x1b: {  	s11 =	smov.u32 s16;
	_ =	swait.ge @!p1 [sflag:s17], s14;
	s19 =	ssub.s32 @!p1 $0x0, s14  }
0x1c: {  	s14 =	smov.u32 s10;
	s13 =	sadd.s32 $0x1, s13;
	[sflag:s17] =	ssyncset.done @!p1 $0x0  }
0x1d: {  	s10 =	smov.u32 s12;
	s12 =	smov.u32 s18;
	[sflag:s17] =	ssyncadd.s32 @!p1 s19  }
.LBB1_1:
0x1e: {  	p1 =	sgt.u32 s13, s6  }
0x1f: {  	s16 =	sshrl.u32 @!p1 s12, $0x3  }
0x20: {  	s17 =	sshll.u32 @!p1 s11, $0x3;
	s16 =	smul.u32 @!p1 $0x186C00, s16  }
0x21: {  	s18 =	sshll.u32 @!p1 s12, $0x7;
	s17 =	sand.u32 @!p1 $0xFFFFFC00, s17  }
0x22: {  	s16 =	sadd.s32 @!p1 s16, s17;
	s17 =	sand.u32 @!p1 $0x380, s18  }
0x23: {  	s16 =	sor.u32 @!p1 s17, s16  }
0x24: {  	s17 =	sshrl.u32 @!p1 s16, $0x7  }
0x25: {  	s17 =	smulhi.u32 @!p1 $0xA7B7EF, s17;
	_ =	sdelay $0x1  }
0x26: {  	s17 =	sshrl.u32 @!p1 s17, $0x2  }
0x27: {  	s18 =	sand.u32 @!p1 $0x7F, s11;
	s19 =	smul.u32 @!p1 $0x30D80, s17  }
0x28: {  	s16 =	sor.u32 @!p1 s18, s16;
	s18 =	sxor.u32 @!p1 $0xFFFFFFFF, s13  }
0x29: {  	s18 =	sshll.u32 @!p1 s18, $0xD;
	s17 =	sand.u32 @!p1 $0x3F, s17;
	s16 =	ssub.s32 @!p1 s16, s19  }
0x2a: {  	s17 =	smul.u32 @!p1 $0x61B0, s17;
	s19 =	sshrl.u32 @!p1 s16, $0x3;
	s16 =	sand.u32 @!p1 $0x7, s16  }
0x2b: {  	s18 =	sand.u32 @!p1 $0x2000, s18;
	s19 =	sadd.s32 @!p1 s2, s19;
	s16 =	sshll.u32 @!p1 s16, $0x12  }
0x2c: {  	s17 =	sadd.s32 @!p1 s17, s19;
	s16 =	sor.u32 @!p1 $0x400, s16;
	s19 =	simm.s32 @!p1 $0x186C00  }
0x2d: {  	[tilespmem:s18], [sflag:$0x1] =	stream.strided.gather @!p1 [hbm4b:s17+s16], $0x2000, s19, s16, $0x38;
	[tilespmem:$0x8100] =	vst v63  }
0x2e: {  	p1 =	seq.s32 s13, $0x0  }
0x2f: {  	p2 =	sge.u32 @!p1 s13, s7  }
0x30: {  	p1 =	por p1, p2  }
.Ltmp2:
0x31: {  	_ = 	snop;
	(pc) =	sbr.rel @p1 .LBB1_5-.Ltmp2, $1  }
0x32: {  	_ =	sdelay $0x3  }
0x33: {  	s16 =	simm.s32 $0x1  }
0x34: {  	_ =	swait.ge [sflag:s4], $0x2000;
	s16 =	simm.s32 @!p0 $0x0  }
0x35: {  	[sflag:s4] =	ssyncset.done $0x0;
	s17 =	sshll.u32 s16, $0xD  }
0x36: {  	[sflag:s4] =	ssyncadd.s32 $0xFFFFE000;
	s17 =	sor.u32 $0x40, s17  }
0x37: {  	s16 =	smul.u32 $0x8200, s16;
	v0 =	vld [tilespmem:s17+$0x30]  }
0x38: {  	v1 =	vld [tilespmem:s17+$0xFFFFFFD0]  }
0x39: {  	s16 =	sshrl.u32 s16, $0x2;
	v5 =	vld [tilespmem:s17+$0xFFFFFFE0]  }
0x3a: {  	v6 =	vld [tilespmem:s17+$0xFFFFFFF0];
	s19 =	sor.u32 $0x4000, s16  }
0x3b: {  	s31 =	sand.u32 $0x1, s13;
	v4 =	vld [tilespmem:s17+$0x0];
	s18 =	sadd.s32 $0x0, s19  }
0x3c: {  	v3 =	vld [tilespmem:s17+$0x10];
	s16 =	smul.u32 $0x8200, s31;
	[tilespmem:s18+$0x1C70 ss:$0x41] =	vst.msk $0xffff, v0  }
0x3d: {  	v2 =	vld [tilespmem:s17+$0x20];
	[tilespmem:s18+$0x410 ss:$0x41] =	vst.msk $0xffff, v1  }
0x3e: {  	s16 =	sshrl.u32 s16, $0x2;
	v1 =	vld [tilespmem:s17+$0xFFFFFFC0];
	[tilespmem:s18+$0x820 ss:$0x41] =	vst.msk $0xffff, v5;
	s17 =	sadd.s32 $0x80, s17  }
0x3f: {  	s20 =	simm.s32 $0x4;
	s21 =	simm.s32 $0x8;
	s16 =	sor.u32 $0x4000, s16;
	[tilespmem:s18+$0xC30 ss:$0x41] =	vst.msk $0xffff, v6;
	v0 =	vld [tilespmem:s17+$0x30]  }
.LBB1_3:
0x40: {  	p1 =	sne.s32 s21, $0xFC;
	v5 =	vld [tilespmem:s17+$0xFFFFFFD0];
	[tilespmem:s18+$0x1040 ss:$0x41] =	vst.msk $0xffff, v4  }
0x41: {  	v6 =	vld [tilespmem:s17+$0xFFFFFFE0];
	[tilespmem:s18+$0x1450 ss:$0x41] =	vst.msk $0xffff, v3  }
0x42: {  	s22 =	sshra.s32 s20, $0x2;
	s20 =	smov.u32 s21;
	v7 =	vld [tilespmem:s17+$0xFFFFFFF0];
	[tilespmem:s18+$0x1860 ss:$0x41] =	vst.msk $0xffff, v2  }
.Ltmp3:
0x43: {  	v4 =	vld [tilespmem:s17+$0x0];
	[tilespmem:s18+$0x0 ss:$0x41] =	vst.msk $0xffff, v1;
	s18 =	sadd.s32 s22, s19;
	(pc) =	sbr.rel @p1 .LBB1_3-.Ltmp3, $4  }
0x44: {  	v3 =	vld [tilespmem:s17+$0x10];
	[tilespmem:s18+$0x1C70 ss:$0x41] =	vst.msk $0xffff, v0  }
0x45: {  	[tilespmem:s18+$0x410 ss:$0x41] =	vst.msk $0xffff, v5;
	v2 =	vld [tilespmem:s17+$0x20]  }
0x46: {  	v1 =	vld [tilespmem:s17+$0xFFFFFFC0];
	[tilespmem:s18+$0x820 ss:$0x41] =	vst.msk $0xffff, v6;
	s17 =	sadd.s32 $0x80, s17  }
0x47: {  	s21 =	sadd.s32 $0x4, s21;
	v0 =	vld [tilespmem:s17+$0x30];
	[tilespmem:s18+$0xC30 ss:$0x41] =	vst.msk $0xffff, v7  }
0x48: {  	s21 =	sshll.u32 s9, $0x7;
	s22 =	sshll.u32 s10, $0x3;
	s20 =	sshra.s32 s20, $0x2  }
0x49: {  	p1 =	sgt.s32 s9, $0x30CC0;
	s30 =	sshra.s32 s9, $0x1F;
	s25 =	sshra.s32 s10, $0x1F  }
0x4a: {  	v5 =	vld [tilespmem:s17+$0xFFFFFFD0];
	s28 =	sshrl.u32 s10, $0x3;
	s23 =	sand.u32 $0xFFFFFC00, s21;
	s22 =	sand.u32 $0xFFFFFC00, s22  }
0x4b: {  	[tilespmem:s18+$0x1040 ss:$0x41] =	vst.msk $0xffff, v4;
	v58 =	vld [tilespmem:s17+$0xFFFFFFE0];
	s21 =	sand.u32 $0x380, s21;
	s19 =	sadd.s32 s20, s19;
	s22 =	sadd.s32 s22, s23  }
0x4c: {  	v59 =	vld [tilespmem:s17+$0xFFFFFFF0];
	[tilespmem:s18+$0x1450 ss:$0x41] =	vst.msk $0xffff, v3;
	s29 =	sor.u32 s21, s22;
	s21 =	smov.u32 s9;
	s22 =	sand.u32 s30, s9  }
0x4d: {  	v60 =	vld [tilespmem:s17+$0x0];
	[tilespmem:s18+$0x1860 ss:$0x41] =	vst.msk $0xffff, v2;
	s30 =	sand.u32 $0x7, s10;
	s20 =	sshrl.u32 s29, $0x7;
	s21 =	simm.s32 @!p1 $0x30CC0  }
0x4e: {  	v61 =	vld [tilespmem:s17+$0x10];
	[tilespmem:s18+$0x0 ss:$0x41] =	vst.msk $0xffff, v1;
	p1 =	sgt.s32 s10, $0x40;
	s24 =	ssub.s32 s21, s22;
	s21 =	smov.u32 s10  }
0x4f: {  	v62 =	vld [tilespmem:s17+$0x20];
	[tilespmem:s19+$0x1C70 ss:$0x41] =	vst.msk $0xffff, v0;
	s31 =	smulhi.u32 $0x14F8B59, s20;
	s22 =	sand.u32 s25, s10;
	s21 =	simm.s32 @!p1 $0x40  }
0x50: {  	v63 =	vld [tilespmem:s17+$0xFFFFFFC0];
	[tilespmem:s19+$0x410 ss:$0x41] =	vst.msk $0xffff, v5;
	s26 =	sadd.s32 $0xFFFCF340, s24;
	s17 =	ssub.s32 $0x30D40, s24;
	s21 =	ssub.s32 s21, s22  }
0x51: {  	[tilespmem:s19+$0x820 ss:$0x41] =	vst.msk $0xffff, v58;
	s23 =	sshrl.u32 s31, $0xA;
	p1 =	sgt.s32 s26, $0x7F;
	s27 =	sadd.s32 $0xFFFFFFC0, s21  }
0x52: {  	[tilespmem:s19+$0xC30 ss:$0x41] =	vst.msk $0xffff, v59;
	s23 =	smul.u32 $0x30D40, s23;
	s18 =	ssub.s32 $0x80, s21;
	p2 =	sgt.s32 s27, $0x3F  }
.Ltmp4:
0x53: {  	[tilespmem:s19+$0x1040 ss:$0x41] =	vst.msk $0xffff, v60;
	s17 =	simm.s32 @p1 $0x0;
	s18 =	simm.s32 @p2 $0x0;
	(pc) =	sbr.rel .LBB1_5-.Ltmp4, $4  }
0x54: {  	s29 =	sand.u32 $0xF, s28;
	[tilespmem:s19+$0x1450 ss:$0x41] =	vst.msk $0xffff, v61;
	s20 =	ssub.s32 s20, s23;
	s17 =	smul.u32 s18, s17  }
0x55: {  	[tilespmem:s19+$0x1860 ss:$0x41] =	vst.msk $0xffff, v62;
	s21 =	sshll.u32 s30, $0x12;
	s20 =	sshll.u32 s20, $0x4;
	s18 =	sadd.s32 s5, s29  }
0x56: {  	[tilespmem:s19+$0x0 ss:$0x41] =	vst.msk $0xffff, v63;
	s31 =	sor.u32 $0x40, s21;
	s18 =	sadd.s32 s20, s18;
	s17 =	sand.u32 $0x3FFFFFFF, s17  }
0x57: {  	[hbm4b:s18+s31] =	stream.strided.scatter [tilespmem:s16], [sflag:$0x2], s17, s8, s31, $0x18;
	[tilespmem:$0x8100] =	vst v63  }
.LBB1_6:
0x58: {  	_ =	sfence.sel $0x180000  }
0x59: {  	s2 =	simm.s32 $0x1;
	[bflag:$0x0] =	sbarrier.arrive $0xFFFF  }
0x5a: {  	s31 =	simm.s32 $0x2;
	[sflag:s2] =	ssyncpa.u1 $0x1  }
0x5b: {  	[sflag:s31] =	ssyncpa.u1 $0x1  }
0x5c: {  	p0 =	sne.s32 s1, $0x0;
	_ =	strace $0x90000047  }
0x5d: {  	s0 =	sadd.s32 @!p0 $0x100000, s0;
	[bflag:$0x2] =	sbarrier.arrive $0xFFFF  }
0x5e: {  	[sflag:s0] =	ssyncadd.tile.s32 @!p0 $0x1;
	_ =	shalt  }
.Lfunc_end1:
_tile_overlayer_lowered:
.L_overlay_start_2:
0x5f: {  	(tag) =	ssettag $0x2  }
0x60: {  	s0 =	rddreg [dreg:$0x0];
	s2 =	stileid.u32  }
0x61: {  	s1 =	rddreg [dreg:$0x1];
	p0 =	sne.s32 s2, $0x0  }
0x62: {  	s3 =	rddreg [dreg:$0x2];
	[bflag:$0x3] =	sbarrier.arrive $0xFFFF;
	s2 =	simm.s32 @!p0 $0x1C01  }
0x63: {  	[timem:s3], [sflag:s2] =	dma.local @!p0 [hbm:s0], s1  }
0x64: {  	s0 =	simm.s32 @!p0 $0x1  }
0x65: {  	_ =	swait.ge @!p0 [sflag:s0], s1  }
0x66: {  	s1 =	ssub.s32 @!p0 $0x0, s1;
	[sflag:s0] =	ssyncset.done @!p0 $0x0  }
0x67: {  	[sflag:s0] =	ssyncadd.s32 @!p0 s1  }
0x68: {  	[bflag:$0x3] =	sbarrier.arrive $0xFFFF  }
0x69: {  	_ =	shalt  }

</sc_bundles>
